<compile_context>
chip_gen: v7x
topology: tpu7x:2x2x1
jax: 0.10.2.dev20260603
libtpu: 0.0.44.dev20260713+nightly
codegen_flags: <defaults>
</compile_context>

<pallas_src>
import functools

import jax
import jax.numpy as jnp
from jax import lax
from jax.experimental import pallas as pl
from jax.experimental.pallas import tpu as pltpu
from jax.experimental.pallas import tpu_sc as plsc

N = 10000
E = 160000
H = 128
NRBF = 16

NC = 2
NS = 16
EPT = E // NS
NCHUNK = 8
C = 1280
RPT = C // NS
SCRAP = C
K = 16
GRP = 16
SEG = 2000
W = 512


def _silu(x):
    return x * (1.0 / (1.0 + jnp.exp(-x)))


def _ctx_body(inv_ref, lnw_ref, lnb_ref, w1t_ref, b1_ref, w2t_ref, b2_ref,
              s_ref, out_ref):
    x = s_ref[...]
    mu = jnp.mean(x, axis=1, keepdims=True)
    xc = x - mu
    var = jnp.mean(xc * xc, axis=1, keepdims=True)
    y = xc * lax.rsqrt(var + 1e-5) * lnw_ref[...] + lnb_ref[...]
    h1 = jnp.dot(y, w1t_ref[...], preferred_element_type=jnp.float32)
    h1 = h1 + b1_ref[...]
    h2 = jnp.dot(_silu(h1), w2t_ref[...], preferred_element_type=jnp.float32)
    out_ref[...] = (h2 + b2_ref[...]) * inv_ref[0, 0]


def _ctx_tc(s, inv, ln_w, ln_b, w1, b1, w2, b2):
    BA = 400
    grid = N // BA
    return pl.pallas_call(
        _ctx_body,
        grid=(grid,),
        in_specs=[
            pl.BlockSpec(memory_space=pltpu.SMEM),
            pl.BlockSpec((1, H), lambda i: (0, 0)),
            pl.BlockSpec((1, H), lambda i: (0, 0)),
            pl.BlockSpec((H, H), lambda i: (0, 0)),
            pl.BlockSpec((1, H), lambda i: (0, 0)),
            pl.BlockSpec((H, 3 * H), lambda i: (0, 0)),
            pl.BlockSpec((1, 3 * H), lambda i: (0, 0)),
            pl.BlockSpec((BA, H), lambda i: (i, 0)),
        ],
        out_specs=pl.BlockSpec((BA, 3 * H), lambda i: (i, 0)),
        out_shape=jax.ShapeDtypeStruct((N, 3 * H), jnp.float32),
    )(inv.reshape(1, 1), ln_w.reshape(1, H), ln_b.reshape(1, H),
      w1.T, b1.reshape(1, H), w2.T, b2.reshape(1, 3 * H), s)


def _w640_body(f1t_ref, fb1_ref, f2t_ref, fb2_ref, rbf_ref, fc_ref, dir_ref,
               out_ref):
    h1 = jnp.dot(rbf_ref[...], f1t_ref[...],
                 preferred_element_type=jnp.float32) + fb1_ref[...]
    g = jnp.dot(_silu(h1), f2t_ref[...],
                preferred_element_type=jnp.float32) + fb2_ref[...]
    fc = fc_ref[...]
    ga = g[:, :H] * fc
    gb = g[:, H:2 * H] * fc
    gc = g[:, 2 * H:] * fc
    be = ga.shape[0]
    d0 = jnp.broadcast_to(dir_ref[:, 0:1], (be, GRP))
    d1 = jnp.broadcast_to(dir_ref[:, 1:2], (be, GRP))
    d2 = jnp.broadcast_to(dir_ref[:, 2:3], (be, GRP))
    pad = jnp.zeros((be, W - 3 * H - 3 * GRP), jnp.float32)
    out_ref[...] = jnp.concatenate([ga, gb, gc, d0, d1, d2, pad], axis=1)


def _w640_tc(rbf, f_cut, dir_ij, f1, fb1, f2, fb2):
    BE = 1000
    grid = E // BE
    return pl.pallas_call(
        _w640_body,
        grid=(grid,),
        in_specs=[
            pl.BlockSpec((NRBF, H), lambda i: (0, 0)),
            pl.BlockSpec((1, H), lambda i: (0, 0)),
            pl.BlockSpec((H, 3 * H), lambda i: (0, 0)),
            pl.BlockSpec((1, 3 * H), lambda i: (0, 0)),
            pl.BlockSpec((BE, NRBF), lambda i: (i, 0)),
            pl.BlockSpec((BE, 1), lambda i: (i, 0)),
            pl.BlockSpec((BE, 3), lambda i: (i, 0)),
        ],
        out_specs=pl.BlockSpec((BE, W), lambda i: (i, 0)),
        out_shape=jax.ShapeDtypeStruct((E, W), jnp.float32),
    )(f1.T, fb1.reshape(1, H), f2.T, fb2.reshape(1, 3 * H),
      rbf, f_cut.reshape(E, 1), dir_ij)


def _sc_body(w640, cv, idxi, idxj, out,
             idxi_b, idxj_b, sel_b, scanbuf, jidx, eidx, sidx,
             wbuf, cvbuf, mb, acc, gs0, gs1, ss0, ss1):
    c = lax.axis_index("c")
    s = lax.axis_index("s")
    base_e = s * EPT
    z16 = jnp.zeros((GRP,), jnp.float32)
    iota16 = lax.iota(jnp.int32, GRP)

    def _chunk_body(pc, chunk_carry):
        chunk = c * (NCHUNK // NC) + pc
        lo = chunk * C
        r0 = s * RPT

        def _zero_row(i, carry):
            for h in range(H // GRP):
                mb[0, i, pl.ds(h * GRP, GRP)] = z16
            return carry

        lax.fori_loop(0, 4 * K, _zero_row, 0)

        def _copies(total, step):
            o, off = [], 0
            while off < total:
                n = min(step, total - off)
                o.append((off, n))
                off += n
            return o

        for off, n in _copies(4 * RPT, 4 * K):
            pltpu.sync_copy(mb.at[0].at[pl.ds(0, n)],
                            acc.at[pl.ds(4 * r0 + off, n)])

        @pl.when(s == 0)
        def _zero_scrap():
            pltpu.sync_copy(mb.at[0].at[pl.ds(0, 4)],
                            acc.at[pl.ds(4 * SCRAP, 4)])

        plsc.subcore_barrier()

        splat15 = jnp.full((GRP,), 15, jnp.int32)

        def _scat_wait(slot, ss):
            pltpu.make_async_copy(mb.at[slot],
                                  acc.at[pl.ds(0, 4 * K)], ss).wait()

        def _seg_body(seg, seg_carry):
            seg_base = base_e + seg * SEG
            pltpu.sync_copy(idxi.at[pl.ds(seg_base, SEG)], idxi_b)
            pltpu.sync_copy(idxj.at[pl.ds(seg_base, SEG)], idxj_b)

            def _scan(g, cnt_vec):
                ii = idxi_b[pl.ds(g * GRP, GRP)]
                m = (ii >= lo) & (ii < lo + C)
                ones = jnp.where(m, jnp.int32(1), jnp.int32(0))
                x = ones
                for delta in (1, 2, 4, 8):
                    scanbuf[pl.ds(0, GRP)] = x
                    sh = plsc.load_gather(scanbuf,
                                          [jnp.maximum(iota16 - delta, 0)])
                    x = x + jnp.where(iota16 >= delta, sh, 0)
                scanbuf[pl.ds(0, GRP)] = x
                tot = plsc.load_gather(scanbuf, [splat15])
                pos = cnt_vec + x - ones
                tgt = jnp.where(m, pos, jnp.int32(SEG + GRP))
                plsc.store_scatter(sel_b, [tgt], g * GRP + iota16)
                return cnt_vec + tot

            cnt_vec = lax.fori_loop(0, SEG // GRP, _scan,
                                    jnp.zeros((GRP,), jnp.int32))
            cnt = cnt_vec[0]
            nbatch = (cnt + (K - 1)) // K

            def _issue(b, slot, gs):
                for g in range(K // GRP):
                    pos = b * K + g * GRP
                    valid = pos + iota16 < cnt
                    loc = sel_b[pl.ds(pos, GRP)]
                    locs = jnp.where(valid, loc, 0)
                    jj16 = plsc.load_gather(idxj_b, [locs])
                    jidx[slot, pl.ds(g * GRP, GRP)] = jnp.where(valid, jj16, 0)
                    eidx[slot, pl.ds(g * GRP, GRP)] = jnp.where(
                        valid, locs + seg_base, 0)
                pltpu.async_copy(w640.at[eidx.at[slot]], wbuf.at[slot], gs)
                pltpu.async_copy(cv.at[jidx.at[slot]], cvbuf.at[slot], gs)

            def _consume(b, slot, gs, ss):
                for g in range(K // GRP):
                    pos = b * K + g * GRP
                    valid = pos + iota16 < cnt
                    loc = sel_b[pl.ds(pos, GRP)]
                    locs = jnp.where(valid, loc, 0)
                    ii16 = plsc.load_gather(idxi_b, [locs])
                    rloc = jnp.where(valid, ii16 - lo, SCRAP)
                    r4 = 4 * rloc
                    sidx[slot, pl.ds(0 * K + g * GRP, GRP)] = r4
                    sidx[slot, pl.ds(1 * K + g * GRP, GRP)] = r4 + 1
                    sidx[slot, pl.ds(2 * K + g * GRP, GRP)] = r4 + 2
                    sidx[slot, pl.ds(3 * K + g * GRP, GRP)] = r4 + 3
                pltpu.make_async_copy(w640.at[pl.ds(0, K)],
                                      wbuf.at[slot], gs).wait()
                pltpu.make_async_copy(cv.at[pl.ds(0, K)],
                                      cvbuf.at[slot], gs).wait()

                def _edge(k, ecarry):
                    for h in range(H // GRP):
                        c1 = cvbuf[slot, k, pl.ds(h * GRP, GRP)]
                        w1v = wbuf[slot, k, pl.ds(h * GRP, GRP)]
                        mb[slot, k, pl.ds(h * GRP, GRP)] = c1 * w1v
                    d = [wbuf[slot, k, pl.ds(3 * H + cc * GRP, GRP)]
                         for cc in range(3)]
                    for h in range(H // GRP):
                        c2 = cvbuf[slot, k, pl.ds(H + h * GRP, GRP)]
                        c3 = cvbuf[slot, k, pl.ds(2 * H + h * GRP, GRP)]
                        wb = wbuf[slot, k, pl.ds(H + h * GRP, GRP)]
                        wc = wbuf[slot, k, pl.ds(2 * H + h * GRP, GRP)]
                        t = c3 * wc
                        cb = c2 * wb
                        for cc in range(3):
                            vj = cvbuf[slot, k,
                                       pl.ds(3 * H + cc * H + h * GRP, GRP)]
                            mb[slot, (1 + cc) * K + k, pl.ds(h * GRP, GRP)] = (
                                cb * d[cc] + t * vj)
                    return ecarry

                lax.fori_loop(0, K, _edge, 0)
                pltpu.async_copy(mb.at[slot], acc.at[sidx.at[slot]],
                                 ss, add=True)

            @pl.when(nbatch > 0)
            def _prime():
                _issue(0, 0, gs0)

            def _pair(pidx, carry):
                p0, p1 = carry
                b0 = 2 * pidx
                b1 = b0 + 1

                @pl.when(b1 < nbatch)
                def _issue_b1():
                    _issue(b1, 1, gs1)

                @pl.when(p0 > 0)
                def _wait_s0():
                    _scat_wait(0, ss0)

                _consume(b0, 0, gs0, ss0)

                @pl.when(b1 + 1 < nbatch)
                def _issue_b2():
                    _issue(b1 + 1, 0, gs0)

                @pl.when(jnp.logical_and(b1 < nbatch, p1 > 0))
                def _wait_s1():
                    _scat_wait(1, ss1)

                @pl.when(b1 < nbatch)
                def _consume_b1():
                    _consume(b1, 1, gs1, ss1)

                return (jnp.int32(1),
                        jnp.where(b1 < nbatch, jnp.int32(1), p1))

            pend = lax.fori_loop(0, (nbatch + 1) // 2, _pair, seg_carry)
            return pend

        p0, p1 = lax.fori_loop(0, EPT // SEG, _seg_body,
                               (jnp.int32(0), jnp.int32(0)))

        @pl.when(p0 > 0)
        def _drain_s0():
            _scat_wait(0, ss0)

        @pl.when(p1 > 0)
        def _drain_s1():
            _scat_wait(1, ss1)

        plsc.subcore_barrier()

        full = jnp.logical_or(chunk < NCHUNK - 1, lo + r0 + RPT <= N)

        @pl.when(full)
        def _write_full():
            pltpu.sync_copy(acc.at[pl.ds(4 * r0, 4 * RPT)],
                            out.at[pl.ds(4 * (lo + r0), 4 * RPT)])

        part = N % RPT
        if part:
            straddle = jnp.logical_and(chunk == NCHUNK - 1,
                                       jnp.logical_and(lo + r0 < N,
                                                       lo + r0 + RPT > N))

            @pl.when(straddle)
            def _write_part():
                pltpu.sync_copy(acc.at[pl.ds(4 * r0, 4 * part)],
                                out.at[pl.ds(4 * (lo + r0), 4 * part)])

        plsc.subcore_barrier()
        return chunk_carry

    lax.fori_loop(0, NCHUNK // NC, _chunk_body, 0)


def _sc_scatter(w640, cv, idx_i, idx_j):
    mesh = plsc.VectorSubcoreMesh(core_axis_name="c", subcore_axis_name="s",
                                  num_cores=NC, num_subcores=NS)
    f = pl.kernel(
        _sc_body,
        compiler_params=pltpu.CompilerParams(needs_layout_passes=False),
        out_type=[
            jax.ShapeDtypeStruct((4 * N, H), jnp.float32),
        ],
        mesh=mesh,
        scratch_types=[
            pltpu.VMEM((SEG,), jnp.int32),
            pltpu.VMEM((SEG,), jnp.int32),
            pltpu.VMEM((SEG + 2 * GRP,), jnp.int32),
            pltpu.VMEM((GRP,), jnp.int32),
            pltpu.VMEM((2, K), jnp.int32),
            pltpu.VMEM((2, K), jnp.int32),
            pltpu.VMEM((2, 4 * K), jnp.int32),
            pltpu.VMEM((2, K, W), jnp.float32),
            pltpu.VMEM((2, K, 6 * H), jnp.float32),
            pltpu.VMEM((2, 4 * K, H), jnp.float32),
            pltpu.VMEM_SHARED((4 * (C + 1), H), jnp.float32),
            pltpu.SemaphoreType.DMA,
            pltpu.SemaphoreType.DMA,
            pltpu.SemaphoreType.DMA,
            pltpu.SemaphoreType.DMA,
        ],
    )
    return f(w640, cv, idx_i, idx_j)


def kernel(s, v, idx_i, idx_j, rbf, f_cut, dir_ij, inv_sqrt_neighbors,
           ln_w, ln_b, w1, b1, w2, b2, f1, fb1, f2, fb2):
    ctx = _ctx_tc(s, inv_sqrt_neighbors, ln_w, ln_b, w1, b1, w2, b2)
    w640 = _w640_tc(rbf, f_cut, dir_ij, f1, fb1, f2, fb2)
    cv = jnp.concatenate([ctx, v.reshape(N, 3 * H)], axis=1)
    (out,) = _sc_scatter(w640, cv, idx_i, idx_j)
    o4 = out.reshape(N, 4, H)
    return s + o4[:, 0], v + o4[:, 1:4]

# --- scband reference (transcript-rebuilt; emitter-appended) ---
"""Pipeline reference for scband-pai-nninteraction-88897233093048 (READ-ONLY COPY).

The authoritative reference and input builder live on the scoring server;
editing this copy changes nothing except your own understanding.
"""

import jax, jax.numpy as jnp
import numpy as np

N_ATOMS = 10000
N_EDGES = 160000
H = 128
N_RBF = 16


def _linear(x, w, b):
    return x @ w.T + b


def _layer_norm(x, w, b, eps=1e-5):
    mu = jnp.mean(x, axis=-1, keepdims=True)
    var = jnp.mean((x - mu) ** 2, axis=-1, keepdims=True)
    return (x - mu) / jnp.sqrt(var + eps) * w + b


def setup_inputs(seed: int = 0) -> dict:
    key = jax.random.key(seed)
    ks = jax.random.split(key, 12)
    s = jax.random.normal(ks[0], (N_ATOMS, H), dtype=jnp.float32)
    v = jax.random.normal(ks[1], (N_ATOMS, 3, H), dtype=jnp.float32)
    idx_i = jax.random.randint(ks[2], (N_EDGES,), 0, N_ATOMS, dtype=jnp.int32)
    idx_j = jax.random.randint(ks[3], (N_EDGES,), 0, N_ATOMS, dtype=jnp.int32)
    rbf = jax.random.uniform(ks[4], (N_EDGES, N_RBF), dtype=jnp.float32)
    f_cut = jax.random.uniform(ks[5], (N_EDGES,), dtype=jnp.float32)
    dir_ij = jax.random.normal(ks[6], (N_EDGES, 3), dtype=jnp.float32)
    inv_sqrt_neighbors = jnp.ones((), dtype=jnp.float32)
    ln_w = jnp.ones((H,), dtype=jnp.float32)
    ln_b = jnp.zeros((H,), dtype=jnp.float32)
    w1 = jax.random.normal(ks[7], (H, H), dtype=jnp.float32) * (1.0 / np.sqrt(H))
    b1 = jnp.zeros((H,), dtype=jnp.float32)
    w2 = jax.random.normal(ks[8], (3 * H, H), dtype=jnp.float32) * (1.0 / np.sqrt(H))
    b2 = jnp.zeros((3 * H,), dtype=jnp.float32)
    f1 = jax.random.normal(ks[9], (H, N_RBF), dtype=jnp.float32) * (1.0 / np.sqrt(N_RBF))
    fb1 = jnp.zeros((H,), dtype=jnp.float32)
    f2 = jax.random.normal(ks[10], (3 * H, H), dtype=jnp.float32) * (1.0 / np.sqrt(H))
    fb2 = jnp.zeros((3 * H,), dtype=jnp.float32)
    return {"s": s, "v": v, "idx_i": idx_i, "idx_j": idx_j, "rbf": rbf, "f_cut": f_cut, "dir_ij": dir_ij, "inv_sqrt_neighbors": inv_sqrt_neighbors, "ln_w": ln_w, "ln_b": ln_b, "w1": w1, "b1": b1, "w2": w2, "b2": b2, "f1": f1, "fb1": fb1, "f2": f2, "fb2": fb2}


def reference(s, v, idx_i, idx_j, rbf, f_cut, dir_ij, inv_sqrt_neighbors, ln_w, ln_b, w1, b1, w2, b2, f1, fb1, f2, fb2):
    s_normed = _layer_norm(s, ln_w, ln_b)
    context = _linear(jax.nn.silu(_linear(s_normed[idx_j], w1, b1)), w2, b2)
    Wf = _linear(jax.nn.silu(_linear(rbf, f1, fb1)), f2, fb2) * f_cut[:, None]
    msg = context * Wf * inv_sqrt_neighbors
    ds = msg[:, :H]
    dvs = msg[:, H:2 * H]
    dvv = msg[:, 2 * H:]
    s_update = jnp.zeros_like(s).at[idx_i].add(ds)
    v_msg = dvs[:, None, :] * dir_ij[:, :, None] + dvv[:, None, :] * v[idx_j]
    v_update = jnp.zeros_like(v).at[idx_i].add(v_msg)
    return (s + s_update, v + v_update)

if __name__ == "__main__":
    import jax
    _d = setup_inputs()
    print(jax.jit(kernel)(*tuple(_d.values())))

</pallas_src>

<mosaic_0001>
#map = affine_map<(d0, d1) -> (0, 0)>
#map1 = affine_map<(d0, d1) -> (0)>
module attributes {stable_mosaic.version = 14 : i64} {
  func.func @_sc_body(%arg0: i32, %arg1: i32, %arg2: memref<160000x512xf32, #tpu.memory_space<hbm>>, %arg3: memref<10000x768xf32, #tpu.memory_space<hbm>>, %arg4: memref<160000xi32, #tpu.memory_space<hbm>>, %arg5: memref<160000xi32, #tpu.memory_space<hbm>>, %arg6: memref<40000x128xf32, #tpu.memory_space<hbm>>, %arg7: memref<2000xi32, #tpu.memory_space<vmem>>, %arg8: memref<2000xi32, #tpu.memory_space<vmem>>, %arg9: memref<2032xi32, #tpu.memory_space<vmem>>, %arg10: memref<16xi32, #tpu.memory_space<vmem>>, %arg11: memref<2x16xi32, #tpu.memory_space<vmem>>, %arg12: memref<2x16xi32, #tpu.memory_space<vmem>>, %arg13: memref<2x64xi32, #tpu.memory_space<vmem>>, %arg14: memref<2x16x512xf32, #tpu.memory_space<vmem>>, %arg15: memref<2x16x768xf32, #tpu.memory_space<vmem>>, %arg16: memref<2x64x128xf32, #tpu.memory_space<vmem>>, %arg17: memref<5124x128xf32, #tpu.memory_space<vmem_shared>>, %arg18: memref<!tpu.dma_semaphore, #tpu.memory_space<semaphore_mem>>, %arg19: memref<!tpu.dma_semaphore, #tpu.memory_space<semaphore_mem>>, %arg20: memref<!tpu.dma_semaphore, #tpu.memory_space<semaphore_mem>>, %arg21: memref<!tpu.dma_semaphore, #tpu.memory_space<semaphore_mem>>) attributes {dimension_semantics = [#tpu.dimension_semantics<core_parallel>, #tpu.dimension_semantics<subcore_parallel>], iteration_bounds = array<i64: 2, 16>, scalar_prefetch = 0 : i64, scratch_operands = 15 : i64, tpu.core_type = #tpu.core_type<sc_vector_subcore>, window_params = [{transform_indices = #map}, {transform_indices = #map}, {transform_indices = #map1}, {transform_indices = #map1}, {transform_indices = #map}]} {
    %mul3A = arith.constant 10000 : i32
    %mul3A_0 = arith.muli %arg1, %mul3A : i32
    %broadcast_in_dim3A = arith.constant 0.000000e+00 : f32
    %broadcast_in_dim3A_1 = vector.broadcast %broadcast_in_dim3A : f32 to vector<16xf32>
    %iota3A = tpu.iota {dimensions = array<i32: 0>} : vector<16xi32>
    %scan3A = arith.constant 0 : i32
    %scan3A_2 = arith.constant 0 : i32
    %scan3A_3 = arith.constant 4 : i32
    %scan3A_4 = arith.addi %scan3A_2, %scan3A_3 : i32
    %scan3A_5 = arith.constant 1 : i32
    scf.for %scan3A_7 = %scan3A_2 to %scan3A_4 step %scan3A_5  : i32 {
      %mul3A_8 = arith.constant 4 : i32
      %mul3A_9 = arith.muli %arg0, %mul3A_8 : i32
      %add3A = arith.addi %mul3A_9, %scan3A_7 : i32
      %mul3A_10 = arith.constant 1280 : i32
      %mul3A_11 = arith.muli %add3A, %mul3A_10 : i32
      %mul3A_12 = arith.constant 80 : i32
      %mul3A_13 = arith.muli %arg1, %mul3A_12 : i32
      %scan3A_14 = arith.constant 0 : i32
      %scan3A_15 = arith.constant 0 : i32
      %scan3A_16 = arith.constant 64 : i32
      %scan3A_17 = arith.addi %scan3A_15, %scan3A_16 : i32
      %scan3A_18 = arith.constant 1 : i32
      scf.for %scan3A_75 = %scan3A_15 to %scan3A_17 step %scan3A_18  : i32 {
        %swap3A = arith.constant 0 : i32
        %swap3A_76 = arith.index_cast %swap3A : i32 to index
        %swap3A_77 = arith.index_cast %scan3A_75 : i32 to index
        %swap3A_78 = arith.constant 0 : index
        %swap3A_79 = tpu.vector_load %arg16[%swap3A_76, %swap3A_77, %swap3A_78] {strides = array<i32>} : memref<2x64x128xf32, #tpu.memory_space<vmem>>, vector<16xf32>,
        tpu.vector_store %arg16[%swap3A_76, %swap3A_77, %swap3A_78], %broadcast_in_dim3A_1 {strides = array<i32>} : memref<2x64x128xf32, #tpu.memory_space<vmem>>, vector<16xf32>,
        %swap3A_80 = arith.constant 0 : i32
        %swap3A_81 = arith.index_cast %swap3A_80 : i32 to index
        %swap3A_82 = arith.index_cast %scan3A_75 : i32 to index
        %swap3A_83 = arith.constant 16 : index
        %swap3A_84 = tpu.vector_load %arg16[%swap3A_81, %swap3A_82, %swap3A_83] {strides = array<i32>} : memref<2x64x128xf32, #tpu.memory_space<vmem>>, vector<16xf32>,
        tpu.vector_store %arg16[%swap3A_81, %swap3A_82, %swap3A_83], %broadcast_in_dim3A_1 {strides = array<i32>} : memref<2x64x128xf32, #tpu.memory_space<vmem>>, vector<16xf32>,
        %swap3A_85 = arith.constant 0 : i32
        %swap3A_86 = arith.index_cast %swap3A_85 : i32 to index
        %swap3A_87 = arith.index_cast %scan3A_75 : i32 to index
        %swap3A_88 = arith.constant 32 : index
        %swap3A_89 = tpu.vector_load %arg16[%swap3A_86, %swap3A_87, %swap3A_88] {strides = array<i32>} : memref<2x64x128xf32, #tpu.memory_space<vmem>>, vector<16xf32>,
        tpu.vector_store %arg16[%swap3A_86, %swap3A_87, %swap3A_88], %broadcast_in_dim3A_1 {strides = array<i32>} : memref<2x64x128xf32, #tpu.memory_space<vmem>>, vector<16xf32>,
        %swap3A_90 = arith.constant 0 : i32
        %swap3A_91 = arith.index_cast %swap3A_90 : i32 to index
        %swap3A_92 = arith.index_cast %scan3A_75 : i32 to index
        %swap3A_93 = arith.constant 48 : index
        %swap3A_94 = tpu.vector_load %arg16[%swap3A_91, %swap3A_92, %swap3A_93] {strides = array<i32>} : memref<2x64x128xf32, #tpu.memory_space<vmem>>, vector<16xf32>,
        tpu.vector_store %arg16[%swap3A_91, %swap3A_92, %swap3A_93], %broadcast_in_dim3A_1 {strides = array<i32>} : memref<2x64x128xf32, #tpu.memory_space<vmem>>, vector<16xf32>,
        %swap3A_95 = arith.constant 0 : i32
        %swap3A_96 = arith.index_cast %swap3A_95 : i32 to index
        %swap3A_97 = arith.index_cast %scan3A_75 : i32 to index
        %swap3A_98 = arith.constant 64 : index
        %swap3A_99 = tpu.vector_load %arg16[%swap3A_96, %swap3A_97, %swap3A_98] {strides = array<i32>} : memref<2x64x128xf32, #tpu.memory_space<vmem>>, vector<16xf32>,
        tpu.vector_store %arg16[%swap3A_96, %swap3A_97, %swap3A_98], %broadcast_in_dim3A_1 {strides = array<i32>} : memref<2x64x128xf32, #tpu.memory_space<vmem>>, vector<16xf32>,
        %swap3A_100 = arith.constant 0 : i32
        %swap3A_101 = arith.index_cast %swap3A_100 : i32 to index
        %swap3A_102 = arith.index_cast %scan3A_75 : i32 to index
        %swap3A_103 = arith.constant 80 : index
        %swap3A_104 = tpu.vector_load %arg16[%swap3A_101, %swap3A_102, %swap3A_103] {strides = array<i32>} : memref<2x64x128xf32, #tpu.memory_space<vmem>>, vector<16xf32>,
        tpu.vector_store %arg16[%swap3A_101, %swap3A_102, %swap3A_103], %broadcast_in_dim3A_1 {strides = array<i32>} : memref<2x64x128xf32, #tpu.memory_space<vmem>>, vector<16xf32>,
        %swap3A_105 = arith.constant 0 : i32
        %swap3A_106 = arith.index_cast %swap3A_105 : i32 to index
        %swap3A_107 = arith.index_cast %scan3A_75 : i32 to index
        %swap3A_108 = arith.constant 96 : index
        %swap3A_109 = tpu.vector_load %arg16[%swap3A_106, %swap3A_107, %swap3A_108] {strides = array<i32>} : memref<2x64x128xf32, #tpu.memory_space<vmem>>, vector<16xf32>,
        tpu.vector_store %arg16[%swap3A_106, %swap3A_107, %swap3A_108], %broadcast_in_dim3A_1 {strides = array<i32>} : memref<2x64x128xf32, #tpu.memory_space<vmem>>, vector<16xf32>,
        %swap3A_110 = arith.constant 0 : i32
        %swap3A_111 = arith.index_cast %swap3A_110 : i32 to index
        %swap3A_112 = arith.index_cast %scan3A_75 : i32 to index
        %swap3A_113 = arith.constant 112 : index
        %swap3A_114 = tpu.vector_load %arg16[%swap3A_111, %swap3A_112, %swap3A_113] {strides = array<i32>} : memref<2x64x128xf32, #tpu.memory_space<vmem>>, vector<16xf32>,
        tpu.vector_store %arg16[%swap3A_111, %swap3A_112, %swap3A_113], %broadcast_in_dim3A_1 {strides = array<i32>} : memref<2x64x128xf32, #tpu.memory_space<vmem>>, vector<16xf32>,
      }
      %scan3A_19 = arith.constant 64 : i32
      %mul3A_20 = arith.constant 4 : i32
      %mul3A_21 = arith.muli %mul3A_20, %mul3A_13 : i32
      %add3A_22 = arith.constant 0 : i32
      %add3A_23 = arith.addi %mul3A_21, %add3A_22 : i32
      %run_scoped3A = arith.constant 0 : i32
      "tpu.region"() ({
        %run_scoped3A_75 = tpu.sem_alloc : memref<!tpu.dma_semaphore, #tpu.memory_space<semaphore_mem>>
        %dma_start3A = arith.constant 0 : i32
        %dma_start3A_76 = arith.constant 0 : i32
        %dma_start3A_77 = tpu.memref_slice %arg16[%run_scoped3A, %dma_start3A, %dma_start3A_76] : memref<2x64x128xf32, #tpu.memory_space<vmem>> -> memref<1x64x128xf32, #tpu.memory_space<vmem>>
        %dma_start3A_78 = tpu.memref_squeeze %dma_start3A_77 : memref<1x64x128xf32, #tpu.memory_space<vmem>> -> memref<64x128xf32, #tpu.memory_space<vmem>>
        %dma_start3A_79 = arith.constant 0 : i32
        %dma_start3A_80 = arith.constant 0 : i32
        %dma_start3A_81 = tpu.memref_slice %dma_start3A_78[%dma_start3A_79, %dma_start3A_80] : memref<64x128xf32, #tpu.memory_space<vmem>> -> memref<64x128xf32, #tpu.memory_space<vmem>>
        %dma_start3A_82 = arith.constant 0 : i32
        %dma_start3A_83 = tpu.memref_slice %arg17[%add3A_23, %dma_start3A_82] : memref<5124x128xf32, #tpu.memory_space<vmem_shared>> -> memref<64x128xf32, #tpu.memory_space<vmem_shared>>
        %dma_start3A_84 = arith.constant 0 : i32
        %dma_start3A_85 = tpu.memref_slice %arg17[%add3A_23, %dma_start3A_84] : memref<5124x128xf32, #tpu.memory_space<vmem_shared>> -> memref<64x128xf32, #tpu.memory_space<vmem_shared>>
        %dma_start3A_86 = arith.constant 0 : i32
        %dma_start3A_87 = arith.constant 0 : i32
        %dma_start3A_88 = tpu.memref_slice %arg16[%run_scoped3A, %dma_start3A_86, %dma_start3A_87] : memref<2x64x128xf32, #tpu.memory_space<vmem>> -> memref<1x64x128xf32, #tpu.memory_space<vmem>>
        %dma_start3A_89 = tpu.memref_squeeze %dma_start3A_88 : memref<1x64x128xf32, #tpu.memory_space<vmem>> -> memref<64x128xf32, #tpu.memory_space<vmem>>
        %dma_start3A_90 = arith.constant 0 : i32
        %dma_start3A_91 = arith.constant 0 : i32
        %dma_start3A_92 = tpu.memref_slice %dma_start3A_89[%dma_start3A_90, %dma_start3A_91] : memref<64x128xf32, #tpu.memory_space<vmem>> -> memref<64x128xf32, #tpu.memory_space<vmem>>
        tpu.enqueue_dma source(%dma_start3A_92 : memref<64x128xf32, #tpu.memory_space<vmem>>) target(%dma_start3A_85 : memref<64x128xf32, #tpu.memory_space<vmem_shared>>) target_semaphore(%run_scoped3A_75 : memref<!tpu.dma_semaphore, #tpu.memory_space<semaphore_mem>>)
        %dma_wait3A = arith.constant 0 : i32
        %dma_wait3A_93 = arith.constant 0 : i32
        %dma_wait3A_94 = tpu.memref_slice %arg16[%run_scoped3A, %dma_wait3A, %dma_wait3A_93] : memref<2x64x128xf32, #tpu.memory_space<vmem>> -> memref<1x64x128xf32, #tpu.memory_space<vmem>>
        %dma_wait3A_95 = tpu.memref_squeeze %dma_wait3A_94 : memref<1x64x128xf32, #tpu.memory_space<vmem>> -> memref<64x128xf32, #tpu.memory_space<vmem>>
        %dma_wait3A_96 = arith.constant 0 : i32
        %dma_wait3A_97 = arith.constant 0 : i32
        %dma_wait3A_98 = tpu.memref_slice %dma_wait3A_95[%dma_wait3A_96, %dma_wait3A_97] : memref<64x128xf32, #tpu.memory_space<vmem>> -> memref<64x128xf32, #tpu.memory_space<vmem>>
        %dma_wait3A_99 = arith.constant 0 : i32
        %dma_wait3A_100 = tpu.memref_slice %arg17[%add3A_23, %dma_wait3A_99] : memref<5124x128xf32, #tpu.memory_space<vmem_shared>> -> memref<64x128xf32, #tpu.memory_space<vmem_shared>>
        %dma_wait3A_101 = arith.constant 0 : i32
        %dma_wait3A_102 = tpu.memref_slice %arg17[%add3A_23, %dma_wait3A_101] : memref<5124x128xf32, #tpu.memory_space<vmem_shared>> -> memref<64x128xf32, #tpu.memory_space<vmem_shared>>
        %dma_wait3A_103 = arith.constant 0 : i32
        %dma_wait3A_104 = arith.constant 0 : i32
        %dma_wait3A_105 = tpu.memref_slice %arg16[%run_scoped3A, %dma_wait3A_103, %dma_wait3A_104] : memref<2x64x128xf32, #tpu.memory_space<vmem>> -> memref<1x64x128xf32, #tpu.memory_space<vmem>>
        %dma_wait3A_106 = tpu.memref_squeeze %dma_wait3A_105 : memref<1x64x128xf32, #tpu.memory_space<vmem>> -> memref<64x128xf32, #tpu.memory_space<vmem>>
        %dma_wait3A_107 = arith.constant 0 : i32
        %dma_wait3A_108 = arith.constant 0 : i32
        %dma_wait3A_109 = tpu.memref_slice %dma_wait3A_106[%dma_wait3A_107, %dma_wait3A_108] : memref<64x128xf32, #tpu.memory_space<vmem>> -> memref<64x128xf32, #tpu.memory_space<vmem>>
        tpu.wait_dma2 semaphore(%run_scoped3A_75 : memref<!tpu.dma_semaphore, #tpu.memory_space<semaphore_mem>>) src(%dma_wait3A_109 : memref<64x128xf32, #tpu.memory_space<vmem>>) dst(%dma_wait3A_102 : memref<64x128xf32, #tpu.memory_space<vmem_shared>>)
        tpu.yield
      }) : () -> ()
      %mul3A_24 = arith.constant 4 : i32
      %mul3A_25 = arith.muli %mul3A_24, %mul3A_13 : i32
      %add3A_26 = arith.constant 64 : i32
      %add3A_27 = arith.addi %mul3A_25, %add3A_26 : i32
      %run_scoped3A_28 = arith.constant 0 : i32
      "tpu.region"() ({
        %run_scoped3A_75 = tpu.sem_alloc : memref<!tpu.dma_semaphore, #tpu.memory_space<semaphore_mem>>
        %dma_start3A = arith.constant 0 : i32
        %dma_start3A_76 = arith.constant 0 : i32
        %dma_start3A_77 = tpu.memref_slice %arg16[%run_scoped3A_28, %dma_start3A, %dma_start3A_76] : memref<2x64x128xf32, #tpu.memory_space<vmem>> -> memref<1x64x128xf32, #tpu.memory_space<vmem>>
        %dma_start3A_78 = tpu.memref_squeeze %dma_start3A_77 : memref<1x64x128xf32, #tpu.memory_space<vmem>> -> memref<64x128xf32, #tpu.memory_space<vmem>>
        %dma_start3A_79 = arith.constant 0 : i32
        %dma_start3A_80 = arith.constant 0 : i32
        %dma_start3A_81 = tpu.memref_slice %dma_start3A_78[%dma_start3A_79, %dma_start3A_80] : memref<64x128xf32, #tpu.memory_space<vmem>> -> memref<64x128xf32, #tpu.memory_space<vmem>>
        %dma_start3A_82 = arith.constant 0 : i32
        %dma_start3A_83 = tpu.memref_slice %arg17[%add3A_27, %dma_start3A_82] : memref<5124x128xf32, #tpu.memory_space<vmem_shared>> -> memref<64x128xf32, #tpu.memory_space<vmem_shared>>
        %dma_start3A_84 = arith.constant 0 : i32
        %dma_start3A_85 = tpu.memref_slice %arg17[%add3A_27, %dma_start3A_84] : memref<5124x128xf32, #tpu.memory_space<vmem_shared>> -> memref<64x128xf32, #tpu.memory_space<vmem_shared>>
        %dma_start3A_86 = arith.constant 0 : i32
        %dma_start3A_87 = arith.constant 0 : i32
        %dma_start3A_88 = tpu.memref_slice %arg16[%run_scoped3A_28, %dma_start3A_86, %dma_start3A_87] : memref<2x64x128xf32, #tpu.memory_space<vmem>> -> memref<1x64x128xf32, #tpu.memory_space<vmem>>
        %dma_start3A_89 = tpu.memref_squeeze %dma_start3A_88 : memref<1x64x128xf32, #tpu.memory_space<vmem>> -> memref<64x128xf32, #tpu.memory_space<vmem>>
        %dma_start3A_90 = arith.constant 0 : i32
        %dma_start3A_91 = arith.constant 0 : i32
        %dma_start3A_92 = tpu.memref_slice %dma_start3A_89[%dma_start3A_90, %dma_start3A_91] : memref<64x128xf32, #tpu.memory_space<vmem>> -> memref<64x128xf32, #tpu.memory_space<vmem>>
        tpu.enqueue_dma source(%dma_start3A_92 : memref<64x128xf32, #tpu.memory_space<vmem>>) target(%dma_start3A_85 : memref<64x128xf32, #tpu.memory_space<vmem_shared>>) target_semaphore(%run_scoped3A_75 : memref<!tpu.dma_semaphore, #tpu.memory_space<semaphore_mem>>)
        %dma_wait3A = arith.constant 0 : i32
        %dma_wait3A_93 = arith.constant 0 : i32
        %dma_wait3A_94 = tpu.memref_slice %arg16[%run_scoped3A_28, %dma_wait3A, %dma_wait3A_93] : memref<2x64x128xf32, #tpu.memory_space<vmem>> -> memref<1x64x128xf32, #tpu.memory_space<vmem>>
        %dma_wait3A_95 = tpu.memref_squeeze %dma_wait3A_94 : memref<1x64x128xf32, #tpu.memory_space<vmem>> -> memref<64x128xf32, #tpu.memory_space<vmem>>
        %dma_wait3A_96 = arith.constant 0 : i32
        %dma_wait3A_97 = arith.constant 0 : i32
        %dma_wait3A_98 = tpu.memref_slice %dma_wait3A_95[%dma_wait3A_96, %dma_wait3A_97] : memref<64x128xf32, #tpu.memory_space<vmem>> -> memref<64x128xf32, #tpu.memory_space<vmem>>
        %dma_wait3A_99 = arith.constant 0 : i32
        %dma_wait3A_100 = tpu.memref_slice %arg17[%add3A_27, %dma_wait3A_99] : memref<5124x128xf32, #tpu.memory_space<vmem_shared>> -> memref<64x128xf32, #tpu.memory_space<vmem_shared>>
        %dma_wait3A_101 = arith.constant 0 : i32
        %dma_wait3A_102 = tpu.memref_slice %arg17[%add3A_27, %dma_wait3A_101] : memref<5124x128xf32, #tpu.memory_space<vmem_shared>> -> memref<64x128xf32, #tpu.memory_space<vmem_shared>>
        %dma_wait3A_103 = arith.constant 0 : i32
        %dma_wait3A_104 = arith.constant 0 : i32
        %dma_wait3A_105 = tpu.memref_slice %arg16[%run_scoped3A_28, %dma_wait3A_103, %dma_wait3A_104] : memref<2x64x128xf32, #tpu.memory_space<vmem>> -> memref<1x64x128xf32, #tpu.memory_space<vmem>>
        %dma_wait3A_106 = tpu.memref_squeeze %dma_wait3A_105 : memref<1x64x128xf32, #tpu.memory_space<vmem>> -> memref<64x128xf32, #tpu.memory_space<vmem>>
        %dma_wait3A_107 = arith.constant 0 : i32
        %dma_wait3A_108 = arith.constant 0 : i32
        %dma_wait3A_109 = tpu.memref_slice %dma_wait3A_106[%dma_wait3A_107, %dma_wait3A_108] : memref<64x128xf32, #tpu.memory_space<vmem>> -> memref<64x128xf32, #tpu.memory_space<vmem>>
        tpu.wait_dma2 semaphore(%run_scoped3A_75 : memref<!tpu.dma_semaphore, #tpu.memory_space<semaphore_mem>>) src(%dma_wait3A_109 : memref<64x128xf32, #tpu.memory_space<vmem>>) dst(%dma_wait3A_102 : memref<64x128xf32, #tpu.memory_space<vmem_shared>>)
        tpu.yield
      }) : () -> ()
      %mul3A_29 = arith.constant 4 : i32
      %mul3A_30 = arith.muli %mul3A_29, %mul3A_13 : i32
      %add3A_31 = arith.constant 128 : i32
      %add3A_32 = arith.addi %mul3A_30, %add3A_31 : i32
      %run_scoped3A_33 = arith.constant 0 : i32
      "tpu.region"() ({
        %run_scoped3A_75 = tpu.sem_alloc : memref<!tpu.dma_semaphore, #tpu.memory_space<semaphore_mem>>
        %dma_start3A = arith.constant 0 : i32
        %dma_start3A_76 = arith.constant 0 : i32
        %dma_start3A_77 = tpu.memref_slice %arg16[%run_scoped3A_33, %dma_start3A, %dma_start3A_76] : memref<2x64x128xf32, #tpu.memory_space<vmem>> -> memref<1x64x128xf32, #tpu.memory_space<vmem>>
        %dma_start3A_78 = tpu.memref_squeeze %dma_start3A_77 : memref<1x64x128xf32, #tpu.memory_space<vmem>> -> memref<64x128xf32, #tpu.memory_space<vmem>>
        %dma_start3A_79 = arith.constant 0 : i32
        %dma_start3A_80 = arith.constant 0 : i32
        %dma_start3A_81 = tpu.memref_slice %dma_start3A_78[%dma_start3A_79, %dma_start3A_80] : memref<64x128xf32, #tpu.memory_space<vmem>> -> memref<64x128xf32, #tpu.memory_space<vmem>>
        %dma_start3A_82 = arith.constant 0 : i32
        %dma_start3A_83 = tpu.memref_slice %arg17[%add3A_32, %dma_start3A_82] : memref<5124x128xf32, #tpu.memory_space<vmem_shared>> -> memref<64x128xf32, #tpu.memory_space<vmem_shared>>
        %dma_start3A_84 = arith.constant 0 : i32
        %dma_start3A_85 = tpu.memref_slice %arg17[%add3A_32, %dma_start3A_84] : memref<5124x128xf32, #tpu.memory_space<vmem_shared>> -> memref<64x128xf32, #tpu.memory_space<vmem_shared>>
        %dma_start3A_86 = arith.constant 0 : i32
        %dma_start3A_87 = arith.constant 0 : i32
        %dma_start3A_88 = tpu.memref_slice %arg16[%run_scoped3A_33, %dma_start3A_86, %dma_start3A_87] : memref<2x64x128xf32, #tpu.memory_space<vmem>> -> memref<1x64x128xf32, #tpu.memory_space<vmem>>
        %dma_start3A_89 = tpu.memref_squeeze %dma_start3A_88 : memref<1x64x128xf32, #tpu.memory_space<vmem>> -> memref<64x128xf32, #tpu.memory_space<vmem>>
        %dma_start3A_90 = arith.constant 0 : i32
        %dma_start3A_91 = arith.constant 0 : i32
        %dma_start3A_92 = tpu.memref_slice %dma_start3A_89[%dma_start3A_90, %dma_start3A_91] : memref<64x128xf32, #tpu.memory_space<vmem>> -> memref<64x128xf32, #tpu.memory_space<vmem>>
        tpu.enqueue_dma source(%dma_start3A_92 : memref<64x128xf32, #tpu.memory_space<vmem>>) target(%dma_start3A_85 : memref<64x128xf32, #tpu.memory_space<vmem_shared>>) target_semaphore(%run_scoped3A_75 : memref<!tpu.dma_semaphore, #tpu.memory_space<semaphore_mem>>)
        %dma_wait3A = arith.constant 0 : i32
        %dma_wait3A_93 = arith.constant 0 : i32
        %dma_wait3A_94 = tpu.memref_slice %arg16[%run_scoped3A_33, %dma_wait3A, %dma_wait3A_93] : memref<2x64x128xf32, #tpu.memory_space<vmem>> -> memref<1x64x128xf32, #tpu.memory_space<vmem>>
        %dma_wait3A_95 = tpu.memref_squeeze %dma_wait3A_94 : memref<1x64x128xf32, #tpu.memory_space<vmem>> -> memref<64x128xf32, #tpu.memory_space<vmem>>
        %dma_wait3A_96 = arith.constant 0 : i32
        %dma_wait3A_97 = arith.constant 0 : i32
        %dma_wait3A_98 = tpu.memref_slice %dma_wait3A_95[%dma_wait3A_96, %dma_wait3A_97] : memref<64x128xf32, #tpu.memory_space<vmem>> -> memref<64x128xf32, #tpu.memory_space<vmem>>
        %dma_wait3A_99 = arith.constant 0 : i32
        %dma_wait3A_100 = tpu.memref_slice %arg17[%add3A_32, %dma_wait3A_99] : memref<5124x128xf32, #tpu.memory_space<vmem_shared>> -> memref<64x128xf32, #tpu.memory_space<vmem_shared>>
        %dma_wait3A_101 = arith.constant 0 : i32
        %dma_wait3A_102 = tpu.memref_slice %arg17[%add3A_32, %dma_wait3A_101] : memref<5124x128xf32, #tpu.memory_space<vmem_shared>> -> memref<64x128xf32, #tpu.memory_space<vmem_shared>>
        %dma_wait3A_103 = arith.constant 0 : i32
        %dma_wait3A_104 = arith.constant 0 : i32
        %dma_wait3A_105 = tpu.memref_slice %arg16[%run_scoped3A_33, %dma_wait3A_103, %dma_wait3A_104] : memref<2x64x128xf32, #tpu.memory_space<vmem>> -> memref<1x64x128xf32, #tpu.memory_space<vmem>>
        %dma_wait3A_106 = tpu.memref_squeeze %dma_wait3A_105 : memref<1x64x128xf32, #tpu.memory_space<vmem>> -> memref<64x128xf32, #tpu.memory_space<vmem>>
        %dma_wait3A_107 = arith.constant 0 : i32
        %dma_wait3A_108 = arith.constant 0 : i32
        %dma_wait3A_109 = tpu.memref_slice %dma_wait3A_106[%dma_wait3A_107, %dma_wait3A_108] : memref<64x128xf32, #tpu.memory_space<vmem>> -> memref<64x128xf32, #tpu.memory_space<vmem>>
        tpu.wait_dma2 semaphore(%run_scoped3A_75 : memref<!tpu.dma_semaphore, #tpu.memory_space<semaphore_mem>>) src(%dma_wait3A_109 : memref<64x128xf32, #tpu.memory_space<vmem>>) dst(%dma_wait3A_102 : memref<64x128xf32, #tpu.memory_space<vmem_shared>>)
        tpu.yield
      }) : () -> ()
      %mul3A_34 = arith.constant 4 : i32
      %mul3A_35 = arith.muli %mul3A_34, %mul3A_13 : i32
      %add3A_36 = arith.constant 192 : i32
      %add3A_37 = arith.addi %mul3A_35, %add3A_36 : i32
      %run_scoped3A_38 = arith.constant 0 : i32
      "tpu.region"() ({
        %run_scoped3A_75 = tpu.sem_alloc : memref<!tpu.dma_semaphore, #tpu.memory_space<semaphore_mem>>
        %dma_start3A = arith.constant 0 : i32
        %dma_start3A_76 = arith.constant 0 : i32
        %dma_start3A_77 = tpu.memref_slice %arg16[%run_scoped3A_38, %dma_start3A, %dma_start3A_76] : memref<2x64x128xf32, #tpu.memory_space<vmem>> -> memref<1x64x128xf32, #tpu.memory_space<vmem>>
        %dma_start3A_78 = tpu.memref_squeeze %dma_start3A_77 : memref<1x64x128xf32, #tpu.memory_space<vmem>> -> memref<64x128xf32, #tpu.memory_space<vmem>>
        %dma_start3A_79 = arith.constant 0 : i32
        %dma_start3A_80 = arith.constant 0 : i32
        %dma_start3A_81 = tpu.memref_slice %dma_start3A_78[%dma_start3A_79, %dma_start3A_80] : memref<64x128xf32, #tpu.memory_space<vmem>> -> memref<64x128xf32, #tpu.memory_space<vmem>>
        %dma_start3A_82 = arith.constant 0 : i32
        %dma_start3A_83 = tpu.memref_slice %arg17[%add3A_37, %dma_start3A_82] : memref<5124x128xf32, #tpu.memory_space<vmem_shared>> -> memref<64x128xf32, #tpu.memory_space<vmem_shared>>
        %dma_start3A_84 = arith.constant 0 : i32
        %dma_start3A_85 = tpu.memref_slice %arg17[%add3A_37, %dma_start3A_84] : memref<5124x128xf32, #tpu.memory_space<vmem_shared>> -> memref<64x128xf32, #tpu.memory_space<vmem_shared>>
        %dma_start3A_86 = arith.constant 0 : i32
        %dma_start3A_87 = arith.constant 0 : i32
        %dma_start3A_88 = tpu.memref_slice %arg16[%run_scoped3A_38, %dma_start3A_86, %dma_start3A_87] : memref<2x64x128xf32, #tpu.memory_space<vmem>> -> memref<1x64x128xf32, #tpu.memory_space<vmem>>
        %dma_start3A_89 = tpu.memref_squeeze %dma_start3A_88 : memref<1x64x128xf32, #tpu.memory_space<vmem>> -> memref<64x128xf32, #tpu.memory_space<vmem>>
        %dma_start3A_90 = arith.constant 0 : i32
        %dma_start3A_91 = arith.constant 0 : i32
        %dma_start3A_92 = tpu.memref_slice %dma_start3A_89[%dma_start3A_90, %dma_start3A_91] : memref<64x128xf32, #tpu.memory_space<vmem>> -> memref<64x128xf32, #tpu.memory_space<vmem>>
        tpu.enqueue_dma source(%dma_start3A_92 : memref<64x128xf32, #tpu.memory_space<vmem>>) target(%dma_start3A_85 : memref<64x128xf32, #tpu.memory_space<vmem_shared>>) target_semaphore(%run_scoped3A_75 : memref<!tpu.dma_semaphore, #tpu.memory_space<semaphore_mem>>)
        %dma_wait3A = arith.constant 0 : i32
        %dma_wait3A_93 = arith.constant 0 : i32
        %dma_wait3A_94 = tpu.memref_slice %arg16[%run_scoped3A_38, %dma_wait3A, %dma_wait3A_93] : memref<2x64x128xf32, #tpu.memory_space<vmem>> -> memref<1x64x128xf32, #tpu.memory_space<vmem>>
        %dma_wait3A_95 = tpu.memref_squeeze %dma_wait3A_94 : memref<1x64x128xf32, #tpu.memory_space<vmem>> -> memref<64x128xf32, #tpu.memory_space<vmem>>
        %dma_wait3A_96 = arith.constant 0 : i32
        %dma_wait3A_97 = arith.constant 0 : i32
        %dma_wait3A_98 = tpu.memref_slice %dma_wait3A_95[%dma_wait3A_96, %dma_wait3A_97] : memref<64x128xf32, #tpu.memory_space<vmem>> -> memref<64x128xf32, #tpu.memory_space<vmem>>
        %dma_wait3A_99 = arith.constant 0 : i32
        %dma_wait3A_100 = tpu.memref_slice %arg17[%add3A_37, %dma_wait3A_99] : memref<5124x128xf32, #tpu.memory_space<vmem_shared>> -> memref<64x128xf32, #tpu.memory_space<vmem_shared>>
        %dma_wait3A_101 = arith.constant 0 : i32
        %dma_wait3A_102 = tpu.memref_slice %arg17[%add3A_37, %dma_wait3A_101] : memref<5124x128xf32, #tpu.memory_space<vmem_shared>> -> memref<64x128xf32, #tpu.memory_space<vmem_shared>>
        %dma_wait3A_103 = arith.constant 0 : i32
        %dma_wait3A_104 = arith.constant 0 : i32
        %dma_wait3A_105 = tpu.memref_slice %arg16[%run_scoped3A_38, %dma_wait3A_103, %dma_wait3A_104] : memref<2x64x128xf32, #tpu.memory_space<vmem>> -> memref<1x64x128xf32, #tpu.memory_space<vmem>>
        %dma_wait3A_106 = tpu.memref_squeeze %dma_wait3A_105 : memref<1x64x128xf32, #tpu.memory_space<vmem>> -> memref<64x128xf32, #tpu.memory_space<vmem>>
        %dma_wait3A_107 = arith.constant 0 : i32
        %dma_wait3A_108 = arith.constant 0 : i32
        %dma_wait3A_109 = tpu.memref_slice %dma_wait3A_106[%dma_wait3A_107, %dma_wait3A_108] : memref<64x128xf32, #tpu.memory_space<vmem>> -> memref<64x128xf32, #tpu.memory_space<vmem>>
        tpu.wait_dma2 semaphore(%run_scoped3A_75 : memref<!tpu.dma_semaphore, #tpu.memory_space<semaphore_mem>>) src(%dma_wait3A_109 : memref<64x128xf32, #tpu.memory_space<vmem>>) dst(%dma_wait3A_102 : memref<64x128xf32, #tpu.memory_space<vmem_shared>>)
        tpu.yield
      }) : () -> ()
      %mul3A_39 = arith.constant 4 : i32
      %mul3A_40 = arith.muli %mul3A_39, %mul3A_13 : i32
      %add3A_41 = arith.constant 256 : i32
      %add3A_42 = arith.addi %mul3A_40, %add3A_41 : i32
      %run_scoped3A_43 = arith.constant 0 : i32
      "tpu.region"() ({
        %run_scoped3A_75 = tpu.sem_alloc : memref<!tpu.dma_semaphore, #tpu.memory_space<semaphore_mem>>
        %dma_start3A = arith.constant 0 : i32
        %dma_start3A_76 = arith.constant 0 : i32
        %dma_start3A_77 = tpu.memref_slice %arg16[%run_scoped3A_43, %dma_start3A, %dma_start3A_76] : memref<2x64x128xf32, #tpu.memory_space<vmem>> -> memref<1x64x128xf32, #tpu.memory_space<vmem>>
        %dma_start3A_78 = tpu.memref_squeeze %dma_start3A_77 : memref<1x64x128xf32, #tpu.memory_space<vmem>> -> memref<64x128xf32, #tpu.memory_space<vmem>>
        %dma_start3A_79 = arith.constant 0 : i32
        %dma_start3A_80 = arith.constant 0 : i32
        %dma_start3A_81 = tpu.memref_slice %dma_start3A_78[%dma_start3A_79, %dma_start3A_80] : memref<64x128xf32, #tpu.memory_space<vmem>> -> memref<64x128xf32, #tpu.memory_space<vmem>>
        %dma_start3A_82 = arith.constant 0 : i32
        %dma_start3A_83 = tpu.memref_slice %arg17[%add3A_42, %dma_start3A_82] : memref<5124x128xf32, #tpu.memory_space<vmem_shared>> -> memref<64x128xf32, #tpu.memory_space<vmem_shared>>
        %dma_start3A_84 = arith.constant 0 : i32
        %dma_start3A_85 = tpu.memref_slice %arg17[%add3A_42, %dma_start3A_84] : memref<5124x128xf32, #tpu.memory_space<vmem_shared>> -> memref<64x128xf32, #tpu.memory_space<vmem_shared>>
        %dma_start3A_86 = arith.constant 0 : i32
        %dma_start3A_87 = arith.constant 0 : i32
        %dma_start3A_88 = tpu.memref_slice %arg16[%run_scoped3A_43, %dma_start3A_86, %dma_start3A_87] : memref<2x64x128xf32, #tpu.memory_space<vmem>> -> memref<1x64x128xf32, #tpu.memory_space<vmem>>
        %dma_start3A_89 = tpu.memref_squeeze %dma_start3A_88 : memref<1x64x128xf32, #tpu.memory_space<vmem>> -> memref<64x128xf32, #tpu.memory_space<vmem>>
        %dma_start3A_90 = arith.constant 0 : i32
        %dma_start3A_91 = arith.constant 0 : i32
        %dma_start3A_92 = tpu.memref_slice %dma_start3A_89[%dma_start3A_90, %dma_start3A_91] : memref<64x128xf32, #tpu.memory_space<vmem>> -> memref<64x128xf32, #tpu.memory_space<vmem>>
        tpu.enqueue_dma source(%dma_start3A_92 : memref<64x128xf32, #tpu.memory_space<vmem>>) target(%dma_start3A_85 : memref<64x128xf32, #tpu.memory_space<vmem_shared>>) target_semaphore(%run_scoped3A_75 : memref<!tpu.dma_semaphore, #tpu.memory_space<semaphore_mem>>)
        %dma_wait3A = arith.constant 0 : i32
        %dma_wait3A_93 = arith.constant 0 : i32
        %dma_wait3A_94 = tpu.memref_slice %arg16[%run_scoped3A_43, %dma_wait3A, %dma_wait3A_93] : memref<2x64x128xf32, #tpu.memory_space<vmem>> -> memref<1x64x128xf32, #tpu.memory_space<vmem>>
        %dma_wait3A_95 = tpu.memref_squeeze %dma_wait3A_94 : memref<1x64x128xf32, #tpu.memory_space<vmem>> -> memref<64x128xf32, #tpu.memory_space<vmem>>
        %dma_wait3A_96 = arith.constant 0 : i32
        %dma_wait3A_97 = arith.constant 0 : i32
        %dma_wait3A_98 = tpu.memref_slice %dma_wait3A_95[%dma_wait3A_96, %dma_wait3A_97] : memref<64x128xf32, #tpu.memory_space<vmem>> -> memref<64x128xf32, #tpu.memory_space<vmem>>
        %dma_wait3A_99 = arith.constant 0 : i32
        %dma_wait3A_100 = tpu.memref_slice %arg17[%add3A_42, %dma_wait3A_99] : memref<5124x128xf32, #tpu.memory_space<vmem_shared>> -> memref<64x128xf32, #tpu.memory_space<vmem_shared>>
        %dma_wait3A_101 = arith.constant 0 : i32
        %dma_wait3A_102 = tpu.memref_slice %arg17[%add3A_42, %dma_wait3A_101] : memref<5124x128xf32, #tpu.memory_space<vmem_shared>> -> memref<64x128xf32, #tpu.memory_space<vmem_shared>>
        %dma_wait3A_103 = arith.constant 0 : i32
        %dma_wait3A_104 = arith.constant 0 : i32
        %dma_wait3A_105 = tpu.memref_slice %arg16[%run_scoped3A_43, %dma_wait3A_103, %dma_wait3A_104] : memref<2x64x128xf32, #tpu.memory_space<vmem>> -> memref<1x64x128xf32, #tpu.memory_space<vmem>>
        %dma_wait3A_106 = tpu.memref_squeeze %dma_wait3A_105 : memref<1x64x128xf32, #tpu.memory_space<vmem>> -> memref<64x128xf32, #tpu.memory_space<vmem>>
        %dma_wait3A_107 = arith.constant 0 : i32
        %dma_wait3A_108 = arith.constant 0 : i32
        %dma_wait3A_109 = tpu.memref_slice %dma_wait3A_106[%dma_wait3A_107, %dma_wait3A_108] : memref<64x128xf32, #tpu.memory_space<vmem>> -> memref<64x128xf32, #tpu.memory_space<vmem>>
        tpu.wait_dma2 semaphore(%run_scoped3A_75 : memref<!tpu.dma_semaphore, #tpu.memory_space<semaphore_mem>>) src(%dma_wait3A_109 : memref<64x128xf32, #tpu.memory_space<vmem>>) dst(%dma_wait3A_102 : memref<64x128xf32, #tpu.memory_space<vmem_shared>>)
        tpu.yield
      }) : () -> ()
      %eq3A = arith.constant 0 : i32
      %eq3A_44 = arith.cmpi eq, %arg1, %eq3A : i32
      %convert_element_type3A = arith.extui %eq3A_44 : i1 to i32
      %cond3A = arith.constant 0 : i32
      %cond3A_45 = arith.cmpi ne, %convert_element_type3A, %cond3A : i32
      scf.if %cond3A_45 {
        %run_scoped3A_75 = arith.constant 0 : i32
        "tpu.region"() ({
          %run_scoped3A_76 = tpu.sem_alloc : memref<!tpu.dma_semaphore, #tpu.memory_space<semaphore_mem>>
          %dma_start3A = arith.constant 0 : i32
          %dma_start3A_77 = arith.constant 0 : i32
          %dma_start3A_78 = tpu.memref_slice %arg16[%run_scoped3A_75, %dma_start3A, %dma_start3A_77] : memref<2x64x128xf32, #tpu.memory_space<vmem>> -> memref<1x64x128xf32, #tpu.memory_space<vmem>>
          %dma_start3A_79 = tpu.memref_squeeze %dma_start3A_78 : memref<1x64x128xf32, #tpu.memory_space<vmem>> -> memref<64x128xf32, #tpu.memory_space<vmem>>
          %dma_start3A_80 = arith.constant 0 : i32
          %dma_start3A_81 = arith.constant 0 : i32
          %dma_start3A_82 = tpu.memref_slice %dma_start3A_79[%dma_start3A_80, %dma_start3A_81] : memref<64x128xf32, #tpu.memory_space<vmem>> -> memref<4x128xf32, #tpu.memory_space<vmem>>
          %dma_start3A_83 = arith.constant 5120 : i32
          %dma_start3A_84 = arith.constant 0 : i32
          %dma_start3A_85 = tpu.memref_slice %arg17[%dma_start3A_83, %dma_start3A_84] : memref<5124x128xf32, #tpu.memory_space<vmem_shared>> -> memref<4x128xf32, #tpu.memory_space<vmem_shared>>
          %dma_start3A_86 = arith.constant 5120 : i32
          %dma_start3A_87 = arith.constant 0 : i32
          %dma_start3A_88 = tpu.memref_slice %arg17[%dma_start3A_86, %dma_start3A_87] : memref<5124x128xf32, #tpu.memory_space<vmem_shared>> -> memref<4x128xf32, #tpu.memory_space<vmem_shared>>
          %dma_start3A_89 = arith.constant 0 : i32
          %dma_start3A_90 = arith.constant 0 : i32
          %dma_start3A_91 = tpu.memref_slice %arg16[%run_scoped3A_75, %dma_start3A_89, %dma_start3A_90] : memref<2x64x128xf32, #tpu.memory_space<vmem>> -> memref<1x64x128xf32, #tpu.memory_space<vmem>>
          %dma_start3A_92 = tpu.memref_squeeze %dma_start3A_91 : memref<1x64x128xf32, #tpu.memory_space<vmem>> -> memref<64x128xf32, #tpu.memory_space<vmem>>
          %dma_start3A_93 = arith.constant 0 : i32
          %dma_start3A_94 = arith.constant 0 : i32
          %dma_start3A_95 = tpu.memref_slice %dma_start3A_92[%dma_start3A_93, %dma_start3A_94] : memref<64x128xf32, #tpu.memory_space<vmem>> -> memref<4x128xf32, #tpu.memory_space<vmem>>
          tpu.enqueue_dma source(%dma_start3A_95 : memref<4x128xf32, #tpu.memory_space<vmem>>) target(%dma_start3A_88 : memref<4x128xf32, #tpu.memory_space<vmem_shared>>) target_semaphore(%run_scoped3A_76 : memref<!tpu.dma_semaphore, #tpu.memory_space<semaphore_mem>>)
          %dma_wait3A = arith.constant 0 : i32
          %dma_wait3A_96 = arith.constant 0 : i32
          %dma_wait3A_97 = tpu.memref_slice %arg16[%run_scoped3A_75, %dma_wait3A, %dma_wait3A_96] : memref<2x64x128xf32, #tpu.memory_space<vmem>> -> memref<1x64x128xf32, #tpu.memory_space<vmem>>
          %dma_wait3A_98 = tpu.memref_squeeze %dma_wait3A_97 : memref<1x64x128xf32, #tpu.memory_space<vmem>> -> memref<64x128xf32, #tpu.memory_space<vmem>>
          %dma_wait3A_99 = arith.constant 0 : i32
          %dma_wait3A_100 = arith.constant 0 : i32
          %dma_wait3A_101 = tpu.memref_slice %dma_wait3A_98[%dma_wait3A_99, %dma_wait3A_100] : memref<64x128xf32, #tpu.memory_space<vmem>> -> memref<4x128xf32, #tpu.memory_space<vmem>>
          %dma_wait3A_102 = arith.constant 5120 : i32
          %dma_wait3A_103 = arith.constant 0 : i32
          %dma_wait3A_104 = tpu.memref_slice %arg17[%dma_wait3A_102, %dma_wait3A_103] : memref<5124x128xf32, #tpu.memory_space<vmem_shared>> -> memref<4x128xf32, #tpu.memory_space<vmem_shared>>
          %dma_wait3A_105 = arith.constant 5120 : i32
          %dma_wait3A_106 = arith.constant 0 : i32
          %dma_wait3A_107 = tpu.memref_slice %arg17[%dma_wait3A_105, %dma_wait3A_106] : memref<5124x128xf32, #tpu.memory_space<vmem_shared>> -> memref<4x128xf32, #tpu.memory_space<vmem_shared>>
          %dma_wait3A_108 = arith.constant 0 : i32
          %dma_wait3A_109 = arith.constant 0 : i32
          %dma_wait3A_110 = tpu.memref_slice %arg16[%run_scoped3A_75, %dma_wait3A_108, %dma_wait3A_109] : memref<2x64x128xf32, #tpu.memory_space<vmem>> -> memref<1x64x128xf32, #tpu.memory_space<vmem>>
          %dma_wait3A_111 = tpu.memref_squeeze %dma_wait3A_110 : memref<1x64x128xf32, #tpu.memory_space<vmem>> -> memref<64x128xf32, #tpu.memory_space<vmem>>
          %dma_wait3A_112 = arith.constant 0 : i32
          %dma_wait3A_113 = arith.constant 0 : i32
          %dma_wait3A_114 = tpu.memref_slice %dma_wait3A_111[%dma_wait3A_112, %dma_wait3A_113] : memref<64x128xf32, #tpu.memory_space<vmem>> -> memref<4x128xf32, #tpu.memory_space<vmem>>
          tpu.wait_dma2 semaphore(%run_scoped3A_76 : memref<!tpu.dma_semaphore, #tpu.memory_space<semaphore_mem>>) src(%dma_wait3A_114 : memref<4x128xf32, #tpu.memory_space<vmem>>) dst(%dma_wait3A_107 : memref<4x128xf32, #tpu.memory_space<vmem_shared>>)
          tpu.yield
        }) : () -> ()
      } else {
      }
      %barrier3A = arith.constant 0 : index
      tpu.barrier barrier_id(%barrier3A)
      %broadcast_in_dim3A_46 = arith.constant 15 : i32
      %broadcast_in_dim3A_47 = vector.broadcast %broadcast_in_dim3A_46 : i32 to vector<16xi32>
      %scan3A_48 = arith.constant 0 : i32
      %scan3A_49 = arith.constant 0 : i32
      %scan3A_50 = arith.constant 0 : i32
      %scan3A_51 = arith.constant 5 : i32
      %scan3A_52 = arith.addi %scan3A_50, %scan3A_51 : i32
      %scan3A_53 = arith.constant 1 : i32
      %scan3A_54:2 = scf.for %scan3A_75 = %scan3A_50 to %scan3A_52 step %scan3A_53 iter_args(%scan3A_76 = %scan3A_48, %scan3A_77 = %scan3A_49) -> (i32, i32)  : i32 {
        %mul3A_78 = arith.constant 2000 : i32
        %mul3A_79 = arith.muli %scan3A_75, %mul3A_78 : i32
        %add3A_80 = arith.addi %mul3A_0, %mul3A_79 : i32
        "tpu.region"() ({
          %run_scoped3A_148 = tpu.sem_alloc : memref<!tpu.dma_semaphore, #tpu.memory_space<semaphore_mem>>
          %dma_start3A = tpu.memref_slice %arg4[%add3A_80] : memref<160000xi32, #tpu.memory_space<hbm>> -> memref<2000xi32, #tpu.memory_space<hbm>>
          %dma_start3A_149 = tpu.memref_slice %arg4[%add3A_80] : memref<160000xi32, #tpu.memory_space<hbm>> -> memref<2000xi32, #tpu.memory_space<hbm>>
          tpu.enqueue_dma source(%dma_start3A_149 : memref<2000xi32, #tpu.memory_space<hbm>>) target(%arg7 : memref<2000xi32, #tpu.memory_space<vmem>>) target_semaphore(%run_scoped3A_148 : memref<!tpu.dma_semaphore, #tpu.memory_space<semaphore_mem>>)
          %dma_wait3A = tpu.memref_slice %arg4[%add3A_80] : memref<160000xi32, #tpu.memory_space<hbm>> -> memref<2000xi32, #tpu.memory_space<hbm>>
          %dma_wait3A_150 = tpu.memref_slice %arg4[%add3A_80] : memref<160000xi32, #tpu.memory_space<hbm>> -> memref<2000xi32, #tpu.memory_space<hbm>>
          tpu.wait_dma2 semaphore(%run_scoped3A_148 : memref<!tpu.dma_semaphore, #tpu.memory_space<semaphore_mem>>) src(%dma_wait3A_150 : memref<2000xi32, #tpu.memory_space<hbm>>) dst(%arg7 : memref<2000xi32, #tpu.memory_space<vmem>>)
          tpu.yield
        }) : () -> ()
        "tpu.region"() ({
          %run_scoped3A_148 = tpu.sem_alloc : memref<!tpu.dma_semaphore, #tpu.memory_space<semaphore_mem>>
          %dma_start3A = tpu.memref_slice %arg5[%add3A_80] : memref<160000xi32, #tpu.memory_space<hbm>> -> memref<2000xi32, #tpu.memory_space<hbm>>
          %dma_start3A_149 = tpu.memref_slice %arg5[%add3A_80] : memref<160000xi32, #tpu.memory_space<hbm>> -> memref<2000xi32, #tpu.memory_space<hbm>>
          tpu.enqueue_dma source(%dma_start3A_149 : memref<2000xi32, #tpu.memory_space<hbm>>) target(%arg8 : memref<2000xi32, #tpu.memory_space<vmem>>) target_semaphore(%run_scoped3A_148 : memref<!tpu.dma_semaphore, #tpu.memory_space<semaphore_mem>>)
          %dma_wait3A = tpu.memref_slice %arg5[%add3A_80] : memref<160000xi32, #tpu.memory_space<hbm>> -> memref<2000xi32, #tpu.memory_space<hbm>>
          %dma_wait3A_150 = tpu.memref_slice %arg5[%add3A_80] : memref<160000xi32, #tpu.memory_space<hbm>> -> memref<2000xi32, #tpu.memory_space<hbm>>
          tpu.wait_dma2 semaphore(%run_scoped3A_148 : memref<!tpu.dma_semaphore, #tpu.memory_space<semaphore_mem>>) src(%dma_wait3A_150 : memref<2000xi32, #tpu.memory_space<hbm>>) dst(%arg8 : memref<2000xi32, #tpu.memory_space<vmem>>)
          tpu.yield
        }) : () -> ()
        %broadcast_in_dim3A_81 = arith.constant 0 : i32
        %broadcast_in_dim3A_82 = vector.broadcast %broadcast_in_dim3A_81 : i32 to vector<16xi32>
        %scan3A_83 = arith.constant 0 : i32
        %scan3A_84 = arith.constant 125 : i32
        %scan3A_85 = arith.addi %scan3A_83, %scan3A_84 : i32
        %scan3A_86 = arith.constant 1 : i32
        %scan3A_87 = scf.for %scan3A_148 = %scan3A_83 to %scan3A_85 step %scan3A_86 iter_args(%scan3A_149 = %broadcast_in_dim3A_82) -> (vector<16xi32>)  : i32 {
          %mul3A_150 = arith.constant 16 : i32
          %mul3A_151 = arith.muli %scan3A_148, %mul3A_150 : i32
          %get3A = arith.index_cast %mul3A_151 : i32 to index
          %get3A_152 = tpu.vector_load %arg7[%get3A] {strides = array<i32>} : memref<2000xi32, #tpu.memory_space<vmem>>, vector<16xi32>,
          %ge3A = vector.broadcast %mul3A_11 : i32 to vector<16xi32>
          %ge3A_153 = arith.cmpi sge, %get3A_152, %ge3A : vector<16xi32>
          %add3A_154 = arith.constant 1280 : i32
          %add3A_155 = arith.addi %mul3A_11, %add3A_154 : i32
          %lt3A_156 = vector.broadcast %add3A_155 : i32 to vector<16xi32>
          %lt3A_157 = arith.cmpi slt, %get3A_152, %lt3A_156 : vector<16xi32>
          %and3A_158 = arith.andi %ge3A_153, %lt3A_157 : vector<16xi1>
          %jit3A_159 = arith.constant 1 : i32
          %jit3A_160 = arith.constant 0 : i32
          %broadcast_in_dim3A_161 = vector.broadcast %jit3A_159 : i32 to vector<16xi32>
          %broadcast_in_dim3A_162 = vector.broadcast %jit3A_160 : i32 to vector<16xi32>
          %select_n3A_163 = arith.select %and3A_158, %broadcast_in_dim3A_161, %broadcast_in_dim3A_162 : vector<16xi1>, vector<16xi32>
          %swap3A = arith.constant 0 : index
          %swap3A_164 = tpu.vector_load %arg10[%swap3A] {strides = array<i32>} : memref<16xi32, #tpu.memory_space<vmem>>, vector<16xi32>,
          tpu.vector_store %arg10[%swap3A], %select_n3A_163 {strides = array<i32>} : memref<16xi32, #tpu.memory_space<vmem>>, vector<16xi32>,
          %sub3A_165 = arith.constant 1 : i32
          %sub3A_166 = vector.broadcast %sub3A_165 : i32 to vector<16xi32>
          %sub3A_167 = arith.subi %iota3A, %sub3A_166 : vector<16xi32>
          %max3A = arith.constant 0 : i32
          %max3A_168 = vector.broadcast %max3A : i32 to vector<16xi32>
          %max3A_169 = arith.maxsi %sub3A_167, %max3A_168 : vector<16xi32>
          %gather3A = tpu.vector_load_idx %arg10[%max3A_169] : memref<16xi32, #tpu.memory_space<vmem>>[vector<16xi32>], vector<16xi32>,
          %ge3A_170 = arith.constant 1 : i32
          %ge3A_171 = vector.broadcast %ge3A_170 : i32 to vector<16xi32>
          %ge3A_172 = arith.cmpi sge, %iota3A, %ge3A_171 : vector<16xi32>
          %jit3A_173 = arith.constant 0 : i32
          %broadcast_in_dim3A_174 = vector.broadcast %jit3A_173 : i32 to vector<16xi32>
          %select_n3A_175 = arith.select %ge3A_172, %gather3A, %broadcast_in_dim3A_174 : vector<16xi1>, vector<16xi32>
          %add3A_176 = arith.addi %select_n3A_163, %select_n3A_175 : vector<16xi32>
          %swap3A_177 = arith.constant 0 : index
          %swap3A_178 = tpu.vector_load %arg10[%swap3A_177] {strides = array<i32>} : memref<16xi32, #tpu.memory_space<vmem>>, vector<16xi32>,
          tpu.vector_store %arg10[%swap3A_177], %add3A_176 {strides = array<i32>} : memref<16xi32, #tpu.memory_space<vmem>>, vector<16xi32>,
          %sub3A_179 = arith.constant 2 : i32
          %sub3A_180 = vector.broadcast %sub3A_179 : i32 to vector<16xi32>
          %sub3A_181 = arith.subi %iota3A, %sub3A_180 : vector<16xi32>
          %max3A_182 = arith.constant 0 : i32
          %max3A_183 = vector.broadcast %max3A_182 : i32 to vector<16xi32>
          %max3A_184 = arith.maxsi %sub3A_181, %max3A_183 : vector<16xi32>
          %gather3A_185 = tpu.vector_load_idx %arg10[%max3A_184] : memref<16xi32, #tpu.memory_space<vmem>>[vector<16xi32>], vector<16xi32>,
          %ge3A_186 = arith.constant 2 : i32
          %ge3A_187 = vector.broadcast %ge3A_186 : i32 to vector<16xi32>
          %ge3A_188 = arith.cmpi sge, %iota3A, %ge3A_187 : vector<16xi32>
          %jit3A_189 = arith.constant 0 : i32
          %broadcast_in_dim3A_190 = vector.broadcast %jit3A_189 : i32 to vector<16xi32>
          %select_n3A_191 = arith.select %ge3A_188, %gather3A_185, %broadcast_in_dim3A_190 : vector<16xi1>, vector<16xi32>
          %add3A_192 = arith.addi %add3A_176, %select_n3A_191 : vector<16xi32>
          %swap3A_193 = arith.constant 0 : index
          %swap3A_194 = tpu.vector_load %arg10[%swap3A_193] {strides = array<i32>} : memref<16xi32, #tpu.memory_space<vmem>>, vector<16xi32>,
          tpu.vector_store %arg10[%swap3A_193], %add3A_192 {strides = array<i32>} : memref<16xi32, #tpu.memory_space<vmem>>, vector<16xi32>,
          %sub3A_195 = arith.constant 4 : i32
          %sub3A_196 = vector.broadcast %sub3A_195 : i32 to vector<16xi32>
          %sub3A_197 = arith.subi %iota3A, %sub3A_196 : vector<16xi32>
          %max3A_198 = arith.constant 0 : i32
          %max3A_199 = vector.broadcast %max3A_198 : i32 to vector<16xi32>
          %max3A_200 = arith.maxsi %sub3A_197, %max3A_199 : vector<16xi32>
          %gather3A_201 = tpu.vector_load_idx %arg10[%max3A_200] : memref<16xi32, #tpu.memory_space<vmem>>[vector<16xi32>], vector<16xi32>,
          %ge3A_202 = arith.constant 4 : i32
          %ge3A_203 = vector.broadcast %ge3A_202 : i32 to vector<16xi32>
          %ge3A_204 = arith.cmpi sge, %iota3A, %ge3A_203 : vector<16xi32>
          %jit3A_205 = arith.constant 0 : i32
          %broadcast_in_dim3A_206 = vector.broadcast %jit3A_205 : i32 to vector<16xi32>
          %select_n3A_207 = arith.select %ge3A_204, %gather3A_201, %broadcast_in_dim3A_206 : vector<16xi1>, vector<16xi32>
          %add3A_208 = arith.addi %add3A_192, %select_n3A_207 : vector<16xi32>
          %swap3A_209 = arith.constant 0 : index
          %swap3A_210 = tpu.vector_load %arg10[%swap3A_209] {strides = array<i32>} : memref<16xi32, #tpu.memory_space<vmem>>, vector<16xi32>,
          tpu.vector_store %arg10[%swap3A_209], %add3A_208 {strides = array<i32>} : memref<16xi32, #tpu.memory_space<vmem>>, vector<16xi32>,
          %sub3A_211 = arith.constant 8 : i32
          %sub3A_212 = vector.broadcast %sub3A_211 : i32 to vector<16xi32>
          %sub3A_213 = arith.subi %iota3A, %sub3A_212 : vector<16xi32>
          %max3A_214 = arith.constant 0 : i32
          %max3A_215 = vector.broadcast %max3A_214 : i32 to vector<16xi32>
          %max3A_216 = arith.maxsi %sub3A_213, %max3A_215 : vector<16xi32>
          %gather3A_217 = tpu.vector_load_idx %arg10[%max3A_216] : memref<16xi32, #tpu.memory_space<vmem>>[vector<16xi32>], vector<16xi32>,
          %ge3A_218 = arith.constant 8 : i32
          %ge3A_219 = vector.broadcast %ge3A_218 : i32 to vector<16xi32>
          %ge3A_220 = arith.cmpi sge, %iota3A, %ge3A_219 : vector<16xi32>
          %jit3A_221 = arith.constant 0 : i32
          %broadcast_in_dim3A_222 = vector.broadcast %jit3A_221 : i32 to vector<16xi32>
          %select_n3A_223 = arith.select %ge3A_220, %gather3A_217, %broadcast_in_dim3A_222 : vector<16xi1>, vector<16xi32>
          %add3A_224 = arith.addi %add3A_208, %select_n3A_223 : vector<16xi32>
          %swap3A_225 = arith.constant 0 : index
          %swap3A_226 = tpu.vector_load %arg10[%swap3A_225] {strides = array<i32>} : memref<16xi32, #tpu.memory_space<vmem>>, vector<16xi32>,
          tpu.vector_store %arg10[%swap3A_225], %add3A_224 {strides = array<i32>} : memref<16xi32, #tpu.memory_space<vmem>>, vector<16xi32>,
          %gather3A_227 = tpu.vector_load_idx %arg10[%broadcast_in_dim3A_47] : memref<16xi32, #tpu.memory_space<vmem>>[vector<16xi32>], vector<16xi32>,
          %add3A_228 = arith.addi %scan3A_149, %add3A_224 : vector<16xi32>
          %sub3A_229 = arith.subi %add3A_228, %select_n3A_163 : vector<16xi32>
          %jit3A_230 = arith.constant 2016 : i32
          %broadcast_in_dim3A_231 = vector.broadcast %jit3A_230 : i32 to vector<16xi32>
          %select_n3A_232 = arith.select %and3A_158, %sub3A_229, %broadcast_in_dim3A_231 : vector<16xi1>, vector<16xi32>
          %mul3A_233 = arith.constant 16 : i32
          %mul3A_234 = arith.muli %scan3A_148, %mul3A_233 : i32
          %add3A_235 = vector.broadcast %mul3A_234 : i32 to vector<16xi32>
          %add3A_236 = arith.addi %add3A_235, %iota3A : vector<16xi32>
          tpu.vector_store_idx %arg9[%select_n3A_232], %add3A_236 : memref<2032xi32, #tpu.memory_space<vmem>>[vector<16xi32>], vector<16xi32>,
          %add3A_237 = arith.addi %scan3A_149, %gather3A_227 : vector<16xi32>
          scf.yield %add3A_237 : vector<16xi32>
        }
        %scan3A_88 = arith.constant 125 : i32
        %slice3A = vector.extract_strided_slice %scan3A_87 {offsets = [0], sizes = [1], strides = [1]} : vector<16xi32> to vector<1xi32>
        %squeeze3A = vector.extract %slice3A[0] : i32 from vector<1xi32>
        %add3A_89 = arith.constant 15 : i32
        %add3A_90 = arith.addi %squeeze3A, %add3A_89 : i32
        %jit3A = arith.constant 16 : i32
        %div3A = arith.divsi %add3A_90, %jit3A : i32
        %sign3A = arith.constant 0 : i32
        %sign3A_91 = arith.cmpi sgt, %add3A_90, %sign3A : i32
        %sign3A_92 = arith.extui %sign3A_91 : i1 to i32
        %sign3A_93 = arith.constant 0 : i32
        %sign3A_94 = arith.cmpi slt, %add3A_90, %sign3A_93 : i32
        %sign3A_95 = arith.extui %sign3A_94 : i1 to i32
        %sign3A_96 = arith.subi %sign3A_92, %sign3A_95 : i32
        %sign3A_97 = arith.constant 0 : i32
        %sign3A_98 = arith.cmpi sgt, %jit3A, %sign3A_97 : i32
        %sign3A_99 = arith.extui %sign3A_98 : i1 to i32
        %sign3A_100 = arith.constant 0 : i32
        %sign3A_101 = arith.cmpi slt, %jit3A, %sign3A_100 : i32
        %sign3A_102 = arith.extui %sign3A_101 : i1 to i32
        %sign3A_103 = arith.subi %sign3A_99, %sign3A_102 : i32
        %ne3A = arith.cmpi ne, %sign3A_96, %sign3A_103 : i32
        %rem3A = arith.remsi %add3A_90, %jit3A : i32
        %ne3A_104 = arith.constant 0 : i32
        %ne3A_105 = arith.cmpi ne, %rem3A, %ne3A_104 : i32
        %and3A = arith.andi %ne3A, %ne3A_105 : i1
        %sub3A = arith.constant 1 : i32
        %sub3A_106 = arith.subi %div3A, %sub3A : i32
        %select_n3A = arith.select %and3A, %sub3A_106, %div3A : i32
        %gt3A_107 = arith.constant 0 : i32
        %gt3A_108 = arith.cmpi sgt, %select_n3A, %gt3A_107 : i32
        %convert_element_type3A_109 = arith.extui %gt3A_108 : i1 to i32
        %cond3A_110 = arith.constant 0 : i32
        %cond3A_111 = arith.cmpi ne, %convert_element_type3A_109, %cond3A_110 : i32
        scf.if %cond3A_111 {
          %add3A_148 = arith.constant 0 : i32
          %add3A_149 = vector.broadcast %add3A_148 : i32 to vector<16xi32>
          %add3A_150 = arith.addi %add3A_149, %iota3A : vector<16xi32>
          %lt3A_151 = vector.broadcast %squeeze3A : i32 to vector<16xi32>
          %lt3A_152 = arith.cmpi slt, %add3A_150, %lt3A_151 : vector<16xi32>
          %get3A = arith.constant 0 : index
          %get3A_153 = tpu.vector_load %arg9[%get3A] {strides = array<i32>} : memref<2032xi32, #tpu.memory_space<vmem>>, vector<16xi32>,
          %jit3A_154 = arith.constant 0 : i32
          %broadcast_in_dim3A_155 = vector.broadcast %jit3A_154 : i32 to vector<16xi32>
          %select_n3A_156 = arith.select %lt3A_152, %get3A_153, %broadcast_in_dim3A_155 : vector<16xi1>, vector<16xi32>
          %gather3A = tpu.vector_load_idx %arg8[%select_n3A_156] : memref<2000xi32, #tpu.memory_space<vmem>>[vector<16xi32>], vector<16xi32>,
          %jit3A_157 = arith.constant 0 : i32
          %broadcast_in_dim3A_158 = vector.broadcast %jit3A_157 : i32 to vector<16xi32>
          %select_n3A_159 = arith.select %lt3A_152, %gather3A, %broadcast_in_dim3A_158 : vector<16xi1>, vector<16xi32>
          %swap3A = arith.constant 0 : i32
          %swap3A_160 = arith.index_cast %swap3A : i32 to index
          %swap3A_161 = arith.constant 0 : index
          %swap3A_162 = tpu.vector_load %arg11[%swap3A_160, %swap3A_161] {strides = array<i32>} : memref<2x16xi32, #tpu.memory_space<vmem>>, vector<16xi32>,
          tpu.vector_store %arg11[%swap3A_160, %swap3A_161], %select_n3A_159 {strides = array<i32>} : memref<2x16xi32, #tpu.memory_space<vmem>>, vector<16xi32>,
          %add3A_163 = vector.broadcast %add3A_80 : i32 to vector<16xi32>
          %add3A_164 = arith.addi %select_n3A_156, %add3A_163 : vector<16xi32>
          %jit3A_165 = arith.constant 0 : i32
          %broadcast_in_dim3A_166 = vector.broadcast %jit3A_165 : i32 to vector<16xi32>
          %select_n3A_167 = arith.select %lt3A_152, %add3A_164, %broadcast_in_dim3A_166 : vector<16xi1>, vector<16xi32>
          %swap3A_168 = arith.constant 0 : i32
          %swap3A_169 = arith.index_cast %swap3A_168 : i32 to index
          %swap3A_170 = arith.constant 0 : index
          %swap3A_171 = tpu.vector_load %arg12[%swap3A_169, %swap3A_170] {strides = array<i32>} : memref<2x16xi32, #tpu.memory_space<vmem>>, vector<16xi32>,
          tpu.vector_store %arg12[%swap3A_169, %swap3A_170], %select_n3A_167 {strides = array<i32>} : memref<2x16xi32, #tpu.memory_space<vmem>>, vector<16xi32>,
          %dma_start3A = arith.constant 0 : i32
          %dma_start3A_172 = arith.constant 0 : i32
          %dma_start3A_173 = arith.constant 0 : i32
          %dma_start3A_174 = arith.constant 0 : i32
          %dma_start3A_175 = tpu.memref_slice %arg14[%dma_start3A_172, %dma_start3A_173, %dma_start3A_174] : memref<2x16x512xf32, #tpu.memory_space<vmem>> -> memref<1x16x512xf32, #tpu.memory_space<vmem>>
          %dma_start3A_176 = tpu.memref_squeeze %dma_start3A_175 : memref<1x16x512xf32, #tpu.memory_space<vmem>> -> memref<16x512xf32, #tpu.memory_space<vmem>>
          %dma_start3A_177 = arith.constant 0 : i32
          %dma_start3A_178 = tpu.memref_slice %arg12[%dma_start3A, %dma_start3A_177] : memref<2x16xi32, #tpu.memory_space<vmem>> -> memref<1x16xi32, #tpu.memory_space<vmem>>
          %dma_start3A_179 = tpu.memref_squeeze %dma_start3A_178 : memref<1x16xi32, #tpu.memory_space<vmem>> -> memref<16xi32, #tpu.memory_space<vmem>>
          %dma_start3A_180 = arith.constant 0 : i32
          %dma_start3A_181 = arith.constant 0 : i32
          %dma_start3A_182 = tpu.memref_slice %arg2[%dma_start3A_180, %dma_start3A_181] : memref<160000x512xf32, #tpu.memory_space<hbm>> -> memref<160000x512xf32, #tpu.memory_space<hbm>>
          tpu.enqueue_indirect_dma source(%dma_start3A_182 : memref<160000x512xf32, #tpu.memory_space<hbm>>) target(%dma_start3A_176 : memref<16x512xf32, #tpu.memory_space<vmem>>) offsets(%dma_start3A_179 : memref<16xi32, #tpu.memory_space<vmem>>) semaphore(%arg18 : memref<!tpu.dma_semaphore, #tpu.memory_space<semaphore_mem>>)
          %dma_start3A_183 = arith.constant 0 : i32
          %dma_start3A_184 = arith.constant 0 : i32
          %dma_start3A_185 = arith.constant 0 : i32
          %dma_start3A_186 = arith.constant 0 : i32
          %dma_start3A_187 = tpu.memref_slice %arg15[%dma_start3A_184, %dma_start3A_185, %dma_start3A_186] : memref<2x16x768xf32, #tpu.memory_space<vmem>> -> memref<1x16x768xf32, #tpu.memory_space<vmem>>
          %dma_start3A_188 = tpu.memref_squeeze %dma_start3A_187 : memref<1x16x768xf32, #tpu.memory_space<vmem>> -> memref<16x768xf32, #tpu.memory_space<vmem>>
          %dma_start3A_189 = arith.constant 0 : i32
          %dma_start3A_190 = tpu.memref_slice %arg11[%dma_start3A_183, %dma_start3A_189] : memref<2x16xi32, #tpu.memory_space<vmem>> -> memref<1x16xi32, #tpu.memory_space<vmem>>
          %dma_start3A_191 = tpu.memref_squeeze %dma_start3A_190 : memref<1x16xi32, #tpu.memory_space<vmem>> -> memref<16xi32, #tpu.memory_space<vmem>>
          %dma_start3A_192 = arith.constant 0 : i32
          %dma_start3A_193 = arith.constant 0 : i32
          %dma_start3A_194 = tpu.memref_slice %arg3[%dma_start3A_192, %dma_start3A_193] : memref<10000x768xf32, #tpu.memory_space<hbm>> -> memref<10000x768xf32, #tpu.memory_space<hbm>>
          tpu.enqueue_indirect_dma source(%dma_start3A_194 : memref<10000x768xf32, #tpu.memory_space<hbm>>) target(%dma_start3A_188 : memref<16x768xf32, #tpu.memory_space<vmem>>) offsets(%dma_start3A_191 : memref<16xi32, #tpu.memory_space<vmem>>) semaphore(%arg18 : memref<!tpu.dma_semaphore, #tpu.memory_space<semaphore_mem>>)
        } else {
        }
        %add3A_112 = arith.constant 1 : i32
        %add3A_113 = arith.addi %select_n3A, %add3A_112 : i32
        %jit3A_114 = arith.constant 2 : i32
        %div3A_115 = arith.divsi %add3A_113, %jit3A_114 : i32
        %sign3A_116 = arith.constant 0 : i32
        %sign3A_117 = arith.cmpi sgt, %add3A_113, %sign3A_116 : i32
        %sign3A_118 = arith.extui %sign3A_117 : i1 to i32
        %sign3A_119 = arith.constant 0 : i32
        %sign3A_120 = arith.cmpi slt, %add3A_113, %sign3A_119 : i32
        %sign3A_121 = arith.extui %sign3A_120 : i1 to i32
        %sign3A_122 = arith.subi %sign3A_118, %sign3A_121 : i32
        %sign3A_123 = arith.constant 0 : i32
        %sign3A_124 = arith.cmpi sgt, %jit3A_114, %sign3A_123 : i32
        %sign3A_125 = arith.extui %sign3A_124 : i1 to i32
        %sign3A_126 = arith.constant 0 : i32
        %sign3A_127 = arith.cmpi slt, %jit3A_114, %sign3A_126 : i32
        %sign3A_128 = arith.extui %sign3A_127 : i1 to i32
        %sign3A_129 = arith.subi %sign3A_125, %sign3A_128 : i32
        %ne3A_130 = arith.cmpi ne, %sign3A_122, %sign3A_129 : i32
        %rem3A_131 = arith.remsi %add3A_113, %jit3A_114 : i32
        %ne3A_132 = arith.constant 0 : i32
        %ne3A_133 = arith.cmpi ne, %rem3A_131, %ne3A_132 : i32
        %and3A_134 = arith.andi %ne3A_130, %ne3A_133 : i1
        %sub3A_135 = arith.constant 1 : i32
        %sub3A_136 = arith.subi %div3A_115, %sub3A_135 : i32
        %select_n3A_137 = arith.select %and3A_134, %sub3A_136, %div3A_115 : i32
        %while3A = arith.constant 0 : i32
        %while3A_138 = arith.subi %select_n3A_137, %while3A : i32
        %while3A_139 = arith.addi %while3A, %while3A_138 : i32
        %while3A_140 = arith.constant 1 : i32
        %while3A_141 = arith.divsi %while3A_138, %while3A_140 : i32
        %while3A_142 = arith.muli %while3A_141, %while3A_140 : i32
        %while3A_143 = arith.addi %while3A, %while3A_142 : i32
        %while3A_144 = arith.constant 1 : i32
        %while3A_145:2 = scf.for %while3A_148 = %while3A to %while3A_143 step %while3A_144 iter_args(%while3A_149 = %scan3A_76, %while3A_150 = %scan3A_77) -> (i32, i32)  : i32 {
          %mul3A_151 = arith.constant 2 : i32
          %mul3A_152 = arith.muli %mul3A_151, %while3A_148 : i32
          %add3A_153 = arith.constant 1 : i32
          %add3A_154 = arith.addi %mul3A_152, %add3A_153 : i32
          %lt3A_155 = arith.cmpi slt, %add3A_154, %select_n3A : i32
          %convert_element_type3A_156 = arith.extui %lt3A_155 : i1 to i32
          %cond3A_157 = arith.constant 0 : i32
          %cond3A_158 = arith.cmpi ne, %convert_element_type3A_156, %cond3A_157 : i32
          scf.if %cond3A_158 {
            %mul3A_275 = arith.constant 16 : i32
            %mul3A_276 = arith.muli %add3A_154, %mul3A_275 : i32
            %add3A_277 = arith.constant 0 : i32
            %add3A_278 = arith.addi %mul3A_276, %add3A_277 : i32
            %add3A_279 = vector.broadcast %add3A_278 : i32 to vector<16xi32>
            %add3A_280 = arith.addi %add3A_279, %iota3A : vector<16xi32>
            %lt3A_281 = vector.broadcast %squeeze3A : i32 to vector<16xi32>
            %lt3A_282 = arith.cmpi slt, %add3A_280, %lt3A_281 : vector<16xi32>
            %get3A_283 = arith.index_cast %add3A_278 : i32 to index
            %get3A_284 = tpu.vector_load %arg9[%get3A_283] {strides = array<i32>} : memref<2032xi32, #tpu.memory_space<vmem>>, vector<16xi32>,
            %jit3A_285 = arith.constant 0 : i32
            %broadcast_in_dim3A_286 = vector.broadcast %jit3A_285 : i32 to vector<16xi32>
            %select_n3A_287 = arith.select %lt3A_282, %get3A_284, %broadcast_in_dim3A_286 : vector<16xi1>, vector<16xi32>
            %gather3A_288 = tpu.vector_load_idx %arg8[%select_n3A_287] : memref<2000xi32, #tpu.memory_space<vmem>>[vector<16xi32>], vector<16xi32>,
            %jit3A_289 = arith.constant 0 : i32
            %broadcast_in_dim3A_290 = vector.broadcast %jit3A_289 : i32 to vector<16xi32>
            %select_n3A_291 = arith.select %lt3A_282, %gather3A_288, %broadcast_in_dim3A_290 : vector<16xi1>, vector<16xi32>
            %swap3A_292 = arith.constant 1 : i32
            %swap3A_293 = arith.index_cast %swap3A_292 : i32 to index
            %swap3A_294 = arith.constant 0 : index
            %swap3A_295 = tpu.vector_load %arg11[%swap3A_293, %swap3A_294] {strides = array<i32>} : memref<2x16xi32, #tpu.memory_space<vmem>>, vector<16xi32>,
            tpu.vector_store %arg11[%swap3A_293, %swap3A_294], %select_n3A_291 {strides = array<i32>} : memref<2x16xi32, #tpu.memory_space<vmem>>, vector<16xi32>,
            %add3A_296 = vector.broadcast %add3A_80 : i32 to vector<16xi32>
            %add3A_297 = arith.addi %select_n3A_287, %add3A_296 : vector<16xi32>
            %jit3A_298 = arith.constant 0 : i32
            %broadcast_in_dim3A_299 = vector.broadcast %jit3A_298 : i32 to vector<16xi32>
            %select_n3A_300 = arith.select %lt3A_282, %add3A_297, %broadcast_in_dim3A_299 : vector<16xi1>, vector<16xi32>
            %swap3A_301 = arith.constant 1 : i32
            %swap3A_302 = arith.index_cast %swap3A_301 : i32 to index
            %swap3A_303 = arith.constant 0 : index
            %swap3A_304 = tpu.vector_load %arg12[%swap3A_302, %swap3A_303] {strides = array<i32>} : memref<2x16xi32, #tpu.memory_space<vmem>>, vector<16xi32>,
            tpu.vector_store %arg12[%swap3A_302, %swap3A_303], %select_n3A_300 {strides = array<i32>} : memref<2x16xi32, #tpu.memory_space<vmem>>, vector<16xi32>,
            %dma_start3A_305 = arith.constant 1 : i32
            %dma_start3A_306 = arith.constant 1 : i32
            %dma_start3A_307 = arith.constant 0 : i32
            %dma_start3A_308 = arith.constant 0 : i32
            %dma_start3A_309 = tpu.memref_slice %arg14[%dma_start3A_306, %dma_start3A_307, %dma_start3A_308] : memref<2x16x512xf32, #tpu.memory_space<vmem>> -> memref<1x16x512xf32, #tpu.memory_space<vmem>>
            %dma_start3A_310 = tpu.memref_squeeze %dma_start3A_309 : memref<1x16x512xf32, #tpu.memory_space<vmem>> -> memref<16x512xf32, #tpu.memory_space<vmem>>
            %dma_start3A_311 = arith.constant 0 : i32
            %dma_start3A_312 = tpu.memref_slice %arg12[%dma_start3A_305, %dma_start3A_311] : memref<2x16xi32, #tpu.memory_space<vmem>> -> memref<1x16xi32, #tpu.memory_space<vmem>>
            %dma_start3A_313 = tpu.memref_squeeze %dma_start3A_312 : memref<1x16xi32, #tpu.memory_space<vmem>> -> memref<16xi32, #tpu.memory_space<vmem>>
            %dma_start3A_314 = arith.constant 0 : i32
            %dma_start3A_315 = arith.constant 0 : i32
            %dma_start3A_316 = tpu.memref_slice %arg2[%dma_start3A_314, %dma_start3A_315] : memref<160000x512xf32, #tpu.memory_space<hbm>> -> memref<160000x512xf32, #tpu.memory_space<hbm>>
            tpu.enqueue_indirect_dma source(%dma_start3A_316 : memref<160000x512xf32, #tpu.memory_space<hbm>>) target(%dma_start3A_310 : memref<16x512xf32, #tpu.memory_space<vmem>>) offsets(%dma_start3A_313 : memref<16xi32, #tpu.memory_space<vmem>>) semaphore(%arg19 : memref<!tpu.dma_semaphore, #tpu.memory_space<semaphore_mem>>)
            %dma_start3A_317 = arith.constant 1 : i32
            %dma_start3A_318 = arith.constant 1 : i32
            %dma_start3A_319 = arith.constant 0 : i32
            %dma_start3A_320 = arith.constant 0 : i32
            %dma_start3A_321 = tpu.memref_slice %arg15[%dma_start3A_318, %dma_start3A_319, %dma_start3A_320] : memref<2x16x768xf32, #tpu.memory_space<vmem>> -> memref<1x16x768xf32, #tpu.memory_space<vmem>>
            %dma_start3A_322 = tpu.memref_squeeze %dma_start3A_321 : memref<1x16x768xf32, #tpu.memory_space<vmem>> -> memref<16x768xf32, #tpu.memory_space<vmem>>
            %dma_start3A_323 = arith.constant 0 : i32
            %dma_start3A_324 = tpu.memref_slice %arg11[%dma_start3A_317, %dma_start3A_323] : memref<2x16xi32, #tpu.memory_space<vmem>> -> memref<1x16xi32, #tpu.memory_space<vmem>>
            %dma_start3A_325 = tpu.memref_squeeze %dma_start3A_324 : memref<1x16xi32, #tpu.memory_space<vmem>> -> memref<16xi32, #tpu.memory_space<vmem>>
            %dma_start3A_326 = arith.constant 0 : i32
            %dma_start3A_327 = arith.constant 0 : i32
            %dma_start3A_328 = tpu.memref_slice %arg3[%dma_start3A_326, %dma_start3A_327] : memref<10000x768xf32, #tpu.memory_space<hbm>> -> memref<10000x768xf32, #tpu.memory_space<hbm>>
            tpu.enqueue_indirect_dma source(%dma_start3A_328 : memref<10000x768xf32, #tpu.memory_space<hbm>>) target(%dma_start3A_322 : memref<16x768xf32, #tpu.memory_space<vmem>>) offsets(%dma_start3A_325 : memref<16xi32, #tpu.memory_space<vmem>>) semaphore(%arg19 : memref<!tpu.dma_semaphore, #tpu.memory_space<semaphore_mem>>)
          } else {
          }
          %gt3A_159 = arith.constant 0 : i32
          %gt3A_160 = arith.cmpi sgt, %while3A_149, %gt3A_159 : i32
          %convert_element_type3A_161 = arith.extui %gt3A_160 : i1 to i32
          %cond3A_162 = arith.constant 0 : i32
          %cond3A_163 = arith.cmpi ne, %convert_element_type3A_161, %cond3A_162 : i32
          scf.if %cond3A_163 {
            %dma_wait3A_275 = arith.constant 0 : i32
            %dma_wait3A_276 = arith.constant 0 : i32
            %dma_wait3A_277 = arith.constant 0 : i32
            %dma_wait3A_278 = tpu.memref_slice %arg16[%dma_wait3A_275, %dma_wait3A_276, %dma_wait3A_277] : memref<2x64x128xf32, #tpu.memory_space<vmem>> -> memref<1x64x128xf32, #tpu.memory_space<vmem>>
            %dma_wait3A_279 = tpu.memref_squeeze %dma_wait3A_278 : memref<1x64x128xf32, #tpu.memory_space<vmem>> -> memref<64x128xf32, #tpu.memory_space<vmem>>
            %dma_wait3A_280 = arith.constant 0 : i32
            %dma_wait3A_281 = arith.constant 0 : i32
            %dma_wait3A_282 = tpu.memref_slice %arg17[%dma_wait3A_280, %dma_wait3A_281] : memref<5124x128xf32, #tpu.memory_space<vmem_shared>> -> memref<64x128xf32, #tpu.memory_space<vmem_shared>>
            %dma_wait3A_283 = arith.constant 0 : i32
            %dma_wait3A_284 = arith.constant 0 : i32
            %dma_wait3A_285 = tpu.memref_slice %arg17[%dma_wait3A_283, %dma_wait3A_284] : memref<5124x128xf32, #tpu.memory_space<vmem_shared>> -> memref<64x128xf32, #tpu.memory_space<vmem_shared>>
            %dma_wait3A_286 = arith.constant 0 : i32
            %dma_wait3A_287 = arith.constant 0 : i32
            %dma_wait3A_288 = tpu.memref_slice %arg16[%dma_wait3A_275, %dma_wait3A_286, %dma_wait3A_287] : memref<2x64x128xf32, #tpu.memory_space<vmem>> -> memref<1x64x128xf32, #tpu.memory_space<vmem>>
            %dma_wait3A_289 = tpu.memref_squeeze %dma_wait3A_288 : memref<1x64x128xf32, #tpu.memory_space<vmem>> -> memref<64x128xf32, #tpu.memory_space<vmem>>
            tpu.wait_dma2 semaphore(%arg20 : memref<!tpu.dma_semaphore, #tpu.memory_space<semaphore_mem>>) src(%dma_wait3A_289 : memref<64x128xf32, #tpu.memory_space<vmem>>) dst(%dma_wait3A_285 : memref<64x128xf32, #tpu.memory_space<vmem_shared>>)
          } else {
          }
          %mul3A_164 = arith.constant 16 : i32
          %mul3A_165 = arith.muli %mul3A_152, %mul3A_164 : i32
          %add3A_166 = arith.constant 0 : i32
          %add3A_167 = arith.addi %mul3A_165, %add3A_166 : i32
          %add3A_168 = vector.broadcast %add3A_167 : i32 to vector<16xi32>
          %add3A_169 = arith.addi %add3A_168, %iota3A : vector<16xi32>
          %lt3A_170 = vector.broadcast %squeeze3A : i32 to vector<16xi32>
          %lt3A_171 = arith.cmpi slt, %add3A_169, %lt3A_170 : vector<16xi32>
          %get3A = arith.index_cast %add3A_167 : i32 to index
          %get3A_172 = tpu.vector_load %arg9[%get3A] {strides = array<i32>} : memref<2032xi32, #tpu.memory_space<vmem>>, vector<16xi32>,
          %jit3A_173 = arith.constant 0 : i32
          %broadcast_in_dim3A_174 = vector.broadcast %jit3A_173 : i32 to vector<16xi32>
          %select_n3A_175 = arith.select %lt3A_171, %get3A_172, %broadcast_in_dim3A_174 : vector<16xi1>, vector<16xi32>
          %gather3A = tpu.vector_load_idx %arg7[%select_n3A_175] : memref<2000xi32, #tpu.memory_space<vmem>>[vector<16xi32>], vector<16xi32>,
          %sub3A_176 = vector.broadcast %mul3A_11 : i32 to vector<16xi32>
          %sub3A_177 = arith.subi %gather3A, %sub3A_176 : vector<16xi32>
          %jit3A_178 = arith.constant 1280 : i32
          %broadcast_in_dim3A_179 = vector.broadcast %jit3A_178 : i32 to vector<16xi32>
          %select_n3A_180 = arith.select %lt3A_171, %sub3A_177, %broadcast_in_dim3A_179 : vector<16xi1>, vector<16xi32>
          %mul3A_181 = arith.constant 4 : i32
          %mul3A_182 = vector.broadcast %mul3A_181 : i32 to vector<16xi32>
          %mul3A_183 = arith.muli %mul3A_182, %select_n3A_180 : vector<16xi32>
          %swap3A = arith.constant 0 : i32
          %swap3A_184 = arith.index_cast %swap3A : i32 to index
          %swap3A_185 = arith.constant 0 : index
          %swap3A_186 = tpu.vector_load %arg13[%swap3A_184, %swap3A_185] {strides = array<i32>} : memref<2x64xi32, #tpu.memory_space<vmem>>, vector<16xi32>,
          tpu.vector_store %arg13[%swap3A_184, %swap3A_185], %mul3A_183 {strides = array<i32>} : memref<2x64xi32, #tpu.memory_space<vmem>>, vector<16xi32>,
          %add3A_187 = arith.constant 1 : i32
          %add3A_188 = vector.broadcast %add3A_187 : i32 to vector<16xi32>
          %add3A_189 = arith.addi %mul3A_183, %add3A_188 : vector<16xi32>
          %swap3A_190 = arith.constant 0 : i32
          %swap3A_191 = arith.index_cast %swap3A_190 : i32 to index
          %swap3A_192 = arith.constant 16 : index
          %swap3A_193 = tpu.vector_load %arg13[%swap3A_191, %swap3A_192] {strides = array<i32>} : memref<2x64xi32, #tpu.memory_space<vmem>>, vector<16xi32>,
          tpu.vector_store %arg13[%swap3A_191, %swap3A_192], %add3A_189 {strides = array<i32>} : memref<2x64xi32, #tpu.memory_space<vmem>>, vector<16xi32>,
          %add3A_194 = arith.constant 2 : i32
          %add3A_195 = vector.broadcast %add3A_194 : i32 to vector<16xi32>
          %add3A_196 = arith.addi %mul3A_183, %add3A_195 : vector<16xi32>
          %swap3A_197 = arith.constant 0 : i32
          %swap3A_198 = arith.index_cast %swap3A_197 : i32 to index
          %swap3A_199 = arith.constant 32 : index
          %swap3A_200 = tpu.vector_load %arg13[%swap3A_198, %swap3A_199] {strides = array<i32>} : memref<2x64xi32, #tpu.memory_space<vmem>>, vector<16xi32>,
          tpu.vector_store %arg13[%swap3A_198, %swap3A_199], %add3A_196 {strides = array<i32>} : memref<2x64xi32, #tpu.memory_space<vmem>>, vector<16xi32>,
          %add3A_201 = arith.constant 3 : i32
          %add3A_202 = vector.broadcast %add3A_201 : i32 to vector<16xi32>
          %add3A_203 = arith.addi %mul3A_183, %add3A_202 : vector<16xi32>
          %swap3A_204 = arith.constant 0 : i32
          %swap3A_205 = arith.index_cast %swap3A_204 : i32 to index
          %swap3A_206 = arith.constant 48 : index
          %swap3A_207 = tpu.vector_load %arg13[%swap3A_205, %swap3A_206] {strides = array<i32>} : memref<2x64xi32, #tpu.memory_space<vmem>>, vector<16xi32>,
          tpu.vector_store %arg13[%swap3A_205, %swap3A_206], %add3A_203 {strides = array<i32>} : memref<2x64xi32, #tpu.memory_space<vmem>>, vector<16xi32>,
          %dma_wait3A = arith.constant 0 : i32
          %dma_wait3A_208 = arith.constant 0 : i32
          %dma_wait3A_209 = arith.constant 0 : i32
          %dma_wait3A_210 = tpu.memref_slice %arg14[%dma_wait3A, %dma_wait3A_208, %dma_wait3A_209] : memref<2x16x512xf32, #tpu.memory_space<vmem>> -> memref<1x16x512xf32, #tpu.memory_space<vmem>>
          %dma_wait3A_211 = tpu.memref_squeeze %dma_wait3A_210 : memref<1x16x512xf32, #tpu.memory_space<vmem>> -> memref<16x512xf32, #tpu.memory_space<vmem>>
          %dma_wait3A_212 = arith.constant 0 : i32
          %dma_wait3A_213 = arith.constant 0 : i32
          %dma_wait3A_214 = tpu.memref_slice %arg2[%dma_wait3A_212, %dma_wait3A_213] : memref<160000x512xf32, #tpu.memory_space<hbm>> -> memref<16x512xf32, #tpu.memory_space<hbm>>
          %dma_wait3A_215 = arith.constant 0 : i32
          %dma_wait3A_216 = arith.constant 0 : i32
          %dma_wait3A_217 = tpu.memref_slice %arg14[%dma_wait3A, %dma_wait3A_215, %dma_wait3A_216] : memref<2x16x512xf32, #tpu.memory_space<vmem>> -> memref<1x16x512xf32, #tpu.memory_space<vmem>>
          %dma_wait3A_218 = tpu.memref_squeeze %dma_wait3A_217 : memref<1x16x512xf32, #tpu.memory_space<vmem>> -> memref<16x512xf32, #tpu.memory_space<vmem>>
          %dma_wait3A_219 = arith.constant 0 : i32
          %dma_wait3A_220 = arith.constant 0 : i32
          %dma_wait3A_221 = tpu.memref_slice %arg2[%dma_wait3A_219, %dma_wait3A_220] : memref<160000x512xf32, #tpu.memory_space<hbm>> -> memref<16x512xf32, #tpu.memory_space<hbm>>
          tpu.wait_dma2 semaphore(%arg18 : memref<!tpu.dma_semaphore, #tpu.memory_space<semaphore_mem>>) src(%dma_wait3A_221 : memref<16x512xf32, #tpu.memory_space<hbm>>) dst(%dma_wait3A_218 : memref<16x512xf32, #tpu.memory_space<vmem>>)
          %dma_wait3A_222 = arith.constant 0 : i32
          %dma_wait3A_223 = arith.constant 0 : i32
          %dma_wait3A_224 = arith.constant 0 : i32
          %dma_wait3A_225 = tpu.memref_slice %arg15[%dma_wait3A_222, %dma_wait3A_223, %dma_wait3A_224] : memref<2x16x768xf32, #tpu.memory_space<vmem>> -> memref<1x16x768xf32, #tpu.memory_space<vmem>>
          %dma_wait3A_226 = tpu.memref_squeeze %dma_wait3A_225 : memref<1x16x768xf32, #tpu.memory_space<vmem>> -> memref<16x768xf32, #tpu.memory_space<vmem>>
          %dma_wait3A_227 = arith.constant 0 : i32
          %dma_wait3A_228 = arith.constant 0 : i32
          %dma_wait3A_229 = tpu.memref_slice %arg3[%dma_wait3A_227, %dma_wait3A_228] : memref<10000x768xf32, #tpu.memory_space<hbm>> -> memref<16x768xf32, #tpu.memory_space<hbm>>
          %dma_wait3A_230 = arith.constant 0 : i32
          %dma_wait3A_231 = arith.constant 0 : i32
          %dma_wait3A_232 = tpu.memref_slice %arg15[%dma_wait3A_222, %dma_wait3A_230, %dma_wait3A_231] : memref<2x16x768xf32, #tpu.memory_space<vmem>> -> memref<1x16x768xf32, #tpu.memory_space<vmem>>
          %dma_wait3A_233 = tpu.memref_squeeze %dma_wait3A_232 : memref<1x16x768xf32, #tpu.memory_space<vmem>> -> memref<16x768xf32, #tpu.memory_space<vmem>>
          %dma_wait3A_234 = arith.constant 0 : i32
          %dma_wait3A_235 = arith.constant 0 : i32
          %dma_wait3A_236 = tpu.memref_slice %arg3[%dma_wait3A_234, %dma_wait3A_235] : memref<10000x768xf32, #tpu.memory_space<hbm>> -> memref<16x768xf32, #tpu.memory_space<hbm>>
          tpu.wait_dma2 semaphore(%arg18 : memref<!tpu.dma_semaphore, #tpu.memory_space<semaphore_mem>>) src(%dma_wait3A_236 : memref<16x768xf32, #tpu.memory_space<hbm>>) dst(%dma_wait3A_233 : memref<16x768xf32, #tpu.memory_space<vmem>>)
          %scan3A_237 = arith.constant 0 : i32
          %scan3A_238 = arith.constant 0 : i32
          %scan3A_239 = arith.constant 16 : i32
          %scan3A_240 = arith.addi %scan3A_238, %scan3A_239 : i32
          %scan3A_241 = arith.constant 1 : i32
          scf.for %scan3A_275 = %scan3A_238 to %scan3A_240 step %scan3A_241  : i32 {
            %get3A_276 = arith.constant 0 : i32
            %get3A_277 = arith.index_cast %get3A_276 : i32 to index
            %get3A_278 = arith.index_cast %scan3A_275 : i32 to index
            %get3A_279 = arith.constant 0 : index
            %get3A_280 = tpu.vector_load %arg15[%get3A_277, %get3A_278, %get3A_279] {strides = array<i32>} : memref<2x16x768xf32, #tpu.memory_space<vmem>>, vector<16xf32>,
            %get3A_281 = arith.constant 0 : i32
            %get3A_282 = arith.index_cast %get3A_281 : i32 to index
            %get3A_283 = arith.index_cast %scan3A_275 : i32 to index
            %get3A_284 = arith.constant 0 : index
            %get3A_285 = tpu.vector_load %arg14[%get3A_282, %get3A_283, %get3A_284] {strides = array<i32>} : memref<2x16x512xf32, #tpu.memory_space<vmem>>, vector<16xf32>,
            %mul3A_286 = arith.mulf %get3A_280, %get3A_285 : vector<16xf32>
            %swap3A_287 = arith.constant 0 : i32
            %swap3A_288 = arith.index_cast %swap3A_287 : i32 to index
            %swap3A_289 = arith.index_cast %scan3A_275 : i32 to index
            %swap3A_290 = arith.constant 0 : index
            %swap3A_291 = tpu.vector_load %arg16[%swap3A_288, %swap3A_289, %swap3A_290] {strides = array<i32>} : memref<2x64x128xf32, #tpu.memory_space<vmem>>, vector<16xf32>,
            tpu.vector_store %arg16[%swap3A_288, %swap3A_289, %swap3A_290], %mul3A_286 {strides = array<i32>} : memref<2x64x128xf32, #tpu.memory_space<vmem>>, vector<16xf32>,
            %get3A_292 = arith.constant 0 : i32
            %get3A_293 = arith.index_cast %get3A_292 : i32 to index
            %get3A_294 = arith.index_cast %scan3A_275 : i32 to index
            %get3A_295 = arith.constant 16 : index
            %get3A_296 = tpu.vector_load %arg15[%get3A_293, %get3A_294, %get3A_295] {strides = array<i32>} : memref<2x16x768xf32, #tpu.memory_space<vmem>>, vector<16xf32>,
            %get3A_297 = arith.constant 0 : i32
            %get3A_298 = arith.index_cast %get3A_297 : i32 to index
            %get3A_299 = arith.index_cast %scan3A_275 : i32 to index
            %get3A_300 = arith.constant 16 : index
            %get3A_301 = tpu.vector_load %arg14[%get3A_298, %get3A_299, %get3A_300] {strides = array<i32>} : memref<2x16x512xf32, #tpu.memory_space<vmem>>, vector<16xf32>,
            %mul3A_302 = arith.mulf %get3A_296, %get3A_301 : vector<16xf32>
            %swap3A_303 = arith.constant 0 : i32
            %swap3A_304 = arith.index_cast %swap3A_303 : i32 to index
            %swap3A_305 = arith.index_cast %scan3A_275 : i32 to index
            %swap3A_306 = arith.constant 16 : index
            %swap3A_307 = tpu.vector_load %arg16[%swap3A_304, %swap3A_305, %swap3A_306] {strides = array<i32>} : memref<2x64x128xf32, #tpu.memory_space<vmem>>, vector<16xf32>,
            tpu.vector_store %arg16[%swap3A_304, %swap3A_305, %swap3A_306], %mul3A_302 {strides = array<i32>} : memref<2x64x128xf32, #tpu.memory_space<vmem>>, vector<16xf32>,
            %get3A_308 = arith.constant 0 : i32
            %get3A_309 = arith.index_cast %get3A_308 : i32 to index
            %get3A_310 = arith.index_cast %scan3A_275 : i32 to index
            %get3A_311 = arith.constant 32 : index
            %get3A_312 = tpu.vector_load %arg15[%get3A_309, %get3A_310, %get3A_311] {strides = array<i32>} : memref<2x16x768xf32, #tpu.memory_space<vmem>>, vector<16xf32>,
            %get3A_313 = arith.constant 0 : i32
            %get3A_314 = arith.index_cast %get3A_313 : i32 to index
            %get3A_315 = arith.index_cast %scan3A_275 : i32 to index
            %get3A_316 = arith.constant 32 : index
            %get3A_317 = tpu.vector_load %arg14[%get3A_314, %get3A_315, %get3A_316] {strides = array<i32>} : memref<2x16x512xf32, #tpu.memory_space<vmem>>, vector<16xf32>,
            %mul3A_318 = arith.mulf %get3A_312, %get3A_317 : vector<16xf32>
            %swap3A_319 = arith.constant 0 : i32
            %swap3A_320 = arith.index_cast %swap3A_319 : i32 to index
            %swap3A_321 = arith.index_cast %scan3A_275 : i32 to index
            %swap3A_322 = arith.constant 32 : index
            %swap3A_323 = tpu.vector_load %arg16[%swap3A_320, %swap3A_321, %swap3A_322] {strides = array<i32>} : memref<2x64x128xf32, #tpu.memory_space<vmem>>, vector<16xf32>,
            tpu.vector_store %arg16[%swap3A_320, %swap3A_321, %swap3A_322], %mul3A_318 {strides = array<i32>} : memref<2x64x128xf32, #tpu.memory_space<vmem>>, vector<16xf32>,
            %get3A_324 = arith.constant 0 : i32
            %get3A_325 = arith.index_cast %get3A_324 : i32 to index
            %get3A_326 = arith.index_cast %scan3A_275 : i32 to index
            %get3A_327 = arith.constant 48 : index
            %get3A_328 = tpu.vector_load %arg15[%get3A_325, %get3A_326, %get3A_327] {strides = array<i32>} : memref<2x16x768xf32, #tpu.memory_space<vmem>>, vector<16xf32>,
            %get3A_329 = arith.constant 0 : i32
            %get3A_330 = arith.index_cast %get3A_329 : i32 to index
            %get3A_331 = arith.index_cast %scan3A_275 : i32 to index
            %get3A_332 = arith.constant 48 : index
            %get3A_333 = tpu.vector_load %arg14[%get3A_330, %get3A_331, %get3A_332] {strides = array<i32>} : memref<2x16x512xf32, #tpu.memory_space<vmem>>, vector<16xf32>,
            %mul3A_334 = arith.mulf %get3A_328, %get3A_333 : vector<16xf32>
            %swap3A_335 = arith.constant 0 : i32
            %swap3A_336 = arith.index_cast %swap3A_335 : i32 to index
            %swap3A_337 = arith.index_cast %scan3A_275 : i32 to index
            %swap3A_338 = arith.constant 48 : index
            %swap3A_339 = tpu.vector_load %arg16[%swap3A_336, %swap3A_337, %swap3A_338] {strides = array<i32>} : memref<2x64x128xf32, #tpu.memory_space<vmem>>, vector<16xf32>,
            tpu.vector_store %arg16[%swap3A_336, %swap3A_337, %swap3A_338], %mul3A_334 {strides = array<i32>} : memref<2x64x128xf32, #tpu.memory_space<vmem>>, vector<16xf32>,
            %get3A_340 = arith.constant 0 : i32
            %get3A_341 = arith.index_cast %get3A_340 : i32 to index
            %get3A_342 = arith.index_cast %scan3A_275 : i32 to index
            %get3A_343 = arith.constant 64 : index
            %get3A_344 = tpu.vector_load %arg15[%get3A_341, %get3A_342, %get3A_343] {strides = array<i32>} : memref<2x16x768xf32, #tpu.memory_space<vmem>>, vector<16xf32>,
            %get3A_345 = arith.constant 0 : i32
            %get3A_346 = arith.index_cast %get3A_345 : i32 to index
            %get3A_347 = arith.index_cast %scan3A_275 : i32 to index
            %get3A_348 = arith.constant 64 : index
            %get3A_349 = tpu.vector_load %arg14[%get3A_346, %get3A_347, %get3A_348] {strides = array<i32>} : memref<2x16x512xf32, #tpu.memory_space<vmem>>, vector<16xf32>,
            %mul3A_350 = arith.mulf %get3A_344, %get3A_349 : vector<16xf32>
            %swap3A_351 = arith.constant 0 : i32
            %swap3A_352 = arith.index_cast %swap3A_351 : i32 to index
            %swap3A_353 = arith.index_cast %scan3A_275 : i32 to index
            %swap3A_354 = arith.constant 64 : index
            %swap3A_355 = tpu.vector_load %arg16[%swap3A_352, %swap3A_353, %swap3A_354] {strides = array<i32>} : memref<2x64x128xf32, #tpu.memory_space<vmem>>, vector<16xf32>,
            tpu.vector_store %arg16[%swap3A_352, %swap3A_353, %swap3A_354], %mul3A_350 {strides = array<i32>} : memref<2x64x128xf32, #tpu.memory_space<vmem>>, vector<16xf32>,
            %get3A_356 = arith.constant 0 : i32
            %get3A_357 = arith.index_cast %get3A_356 : i32 to index
            %get3A_358 = arith.index_cast %scan3A_275 : i32 to index
            %get3A_359 = arith.constant 80 : index
            %get3A_360 = tpu.vector_load %arg15[%get3A_357, %get3A_358, %get3A_359] {strides = array<i32>} : memref<2x16x768xf32, #tpu.memory_space<vmem>>, vector<16xf32>,
            %get3A_361 = arith.constant 0 : i32
            %get3A_362 = arith.index_cast %get3A_361 : i32 to index
            %get3A_363 = arith.index_cast %scan3A_275 : i32 to index
            %get3A_364 = arith.constant 80 : index
            %get3A_365 = tpu.vector_load %arg14[%get3A_362, %get3A_363, %get3A_364] {strides = array<i32>} : memref<2x16x512xf32, #tpu.memory_space<vmem>>, vector<16xf32>,
            %mul3A_366 = arith.mulf %get3A_360, %get3A_365 : vector<16xf32>
            %swap3A_367 = arith.constant 0 : i32
            %swap3A_368 = arith.index_cast %swap3A_367 : i32 to index
            %swap3A_369 = arith.index_cast %scan3A_275 : i32 to index
            %swap3A_370 = arith.constant 80 : index
            %swap3A_371 = tpu.vector_load %arg16[%swap3A_368, %swap3A_369, %swap3A_370] {strides = array<i32>} : memref<2x64x128xf32, #tpu.memory_space<vmem>>, vector<16xf32>,
            tpu.vector_store %arg16[%swap3A_368, %swap3A_369, %swap3A_370], %mul3A_366 {strides = array<i32>} : memref<2x64x128xf32, #tpu.memory_space<vmem>>, vector<16xf32>,
            %get3A_372 = arith.constant 0 : i32
            %get3A_373 = arith.index_cast %get3A_372 : i32 to index
            %get3A_374 = arith.index_cast %scan3A_275 : i32 to index
            %get3A_375 = arith.constant 96 : index
            %get3A_376 = tpu.vector_load %arg15[%get3A_373, %get3A_374, %get3A_375] {strides = array<i32>} : memref<2x16x768xf32, #tpu.memory_space<vmem>>, vector<16xf32>,
            %get3A_377 = arith.constant 0 : i32
            %get3A_378 = arith.index_cast %get3A_377 : i32 to index
            %get3A_379 = arith.index_cast %scan3A_275 : i32 to index
            %get3A_380 = arith.constant 96 : index
            %get3A_381 = tpu.vector_load %arg14[%get3A_378, %get3A_379, %get3A_380] {strides = array<i32>} : memref<2x16x512xf32, #tpu.memory_space<vmem>>, vector<16xf32>,
            %mul3A_382 = arith.mulf %get3A_376, %get3A_381 : vector<16xf32>
            %swap3A_383 = arith.constant 0 : i32
            %swap3A_384 = arith.index_cast %swap3A_383 : i32 to index
            %swap3A_385 = arith.index_cast %scan3A_275 : i32 to index
            %swap3A_386 = arith.constant 96 : index
            %swap3A_387 = tpu.vector_load %arg16[%swap3A_384, %swap3A_385, %swap3A_386] {strides = array<i32>} : memref<2x64x128xf32, #tpu.memory_space<vmem>>, vector<16xf32>,
            tpu.vector_store %arg16[%swap3A_384, %swap3A_385, %swap3A_386], %mul3A_382 {strides = array<i32>} : memref<2x64x128xf32, #tpu.memory_space<vmem>>, vector<16xf32>,
            %get3A_388 = arith.constant 0 : i32
            %get3A_389 = arith.index_cast %get3A_388 : i32 to index
            %get3A_390 = arith.index_cast %scan3A_275 : i32 to index
            %get3A_391 = arith.constant 112 : index
            %get3A_392 = tpu.vector_load %arg15[%get3A_389, %get3A_390, %get3A_391] {strides = array<i32>} : memref<2x16x768xf32, #tpu.memory_space<vmem>>, vector<16xf32>,
            %get3A_393 = arith.constant 0 : i32
            %get3A_394 = arith.index_cast %get3A_393 : i32 to index
            %get3A_395 = arith.index_cast %scan3A_275 : i32 to index
            %get3A_396 = arith.constant 112 : index
            %get3A_397 = tpu.vector_load %arg14[%get3A_394, %get3A_395, %get3A_396] {strides = array<i32>} : memref<2x16x512xf32, #tpu.memory_space<vmem>>, vector<16xf32>,
            %mul3A_398 = arith.mulf %get3A_392, %get3A_397 : vector<16xf32>
            %swap3A_399 = arith.constant 0 : i32
            %swap3A_400 = arith.index_cast %swap3A_399 : i32 to index
            %swap3A_401 = arith.index_cast %scan3A_275 : i32 to index
            %swap3A_402 = arith.constant 112 : index
            %swap3A_403 = tpu.vector_load %arg16[%swap3A_400, %swap3A_401, %swap3A_402] {strides = array<i32>} : memref<2x64x128xf32, #tpu.memory_space<vmem>>, vector<16xf32>,
            tpu.vector_store %arg16[%swap3A_400, %swap3A_401, %swap3A_402], %mul3A_398 {strides = array<i32>} : memref<2x64x128xf32, #tpu.memory_space<vmem>>, vector<16xf32>,
            %get3A_404 = arith.constant 0 : i32
            %get3A_405 = arith.index_cast %get3A_404 : i32 to index
            %get3A_406 = arith.index_cast %scan3A_275 : i32 to index
            %get3A_407 = arith.constant 384 : index
            %get3A_408 = tpu.vector_load %arg14[%get3A_405, %get3A_406, %get3A_407] {strides = array<i32>} : memref<2x16x512xf32, #tpu.memory_space<vmem>>, vector<16xf32>,
            %get3A_409 = arith.constant 0 : i32
            %get3A_410 = arith.index_cast %get3A_409 : i32 to index
            %get3A_411 = arith.index_cast %scan3A_275 : i32 to index
            %get3A_412 = arith.constant 400 : index
            %get3A_413 = tpu.vector_load %arg14[%get3A_410, %get3A_411, %get3A_412] {strides = array<i32>} : memref<2x16x512xf32, #tpu.memory_space<vmem>>, vector<16xf32>,
            %get3A_414 = arith.constant 0 : i32
            %get3A_415 = arith.index_cast %get3A_414 : i32 to index
            %get3A_416 = arith.index_cast %scan3A_275 : i32 to index
            %get3A_417 = arith.constant 416 : index
            %get3A_418 = tpu.vector_load %arg14[%get3A_415, %get3A_416, %get3A_417] {strides = array<i32>} : memref<2x16x512xf32, #tpu.memory_space<vmem>>, vector<16xf32>,
            %get3A_419 = arith.constant 0 : i32
            %get3A_420 = arith.index_cast %get3A_419 : i32 to index
            %get3A_421 = arith.index_cast %scan3A_275 : i32 to index
            %get3A_422 = arith.constant 128 : index
            %get3A_423 = tpu.vector_load %arg15[%get3A_420, %get3A_421, %get3A_422] {strides = array<i32>} : memref<2x16x768xf32, #tpu.memory_space<vmem>>, vector<16xf32>,
            %get3A_424 = arith.constant 0 : i32
            %get3A_425 = arith.index_cast %get3A_424 : i32 to index
            %get3A_426 = arith.index_cast %scan3A_275 : i32 to index
            %get3A_427 = arith.constant 256 : index
            %get3A_428 = tpu.vector_load %arg15[%get3A_425, %get3A_426, %get3A_427] {strides = array<i32>} : memref<2x16x768xf32, #tpu.memory_space<vmem>>, vector<16xf32>,
            %get3A_429 = arith.constant 0 : i32
            %get3A_430 = arith.index_cast %get3A_429 : i32 to index
            %get3A_431 = arith.index_cast %scan3A_275 : i32 to index
            %get3A_432 = arith.constant 128 : index
            %get3A_433 = tpu.vector_load %arg14[%get3A_430, %get3A_431, %get3A_432] {strides = array<i32>} : memref<2x16x512xf32, #tpu.memory_space<vmem>>, vector<16xf32>,
            %get3A_434 = arith.constant 0 : i32
            %get3A_435 = arith.index_cast %get3A_434 : i32 to index
            %get3A_436 = arith.index_cast %scan3A_275 : i32 to index
            %get3A_437 = arith.constant 256 : index
            %get3A_438 = tpu.vector_load %arg14[%get3A_435, %get3A_436, %get3A_437] {strides = array<i32>} : memref<2x16x512xf32, #tpu.memory_space<vmem>>, vector<16xf32>,
            %mul3A_439 = arith.mulf %get3A_428, %get3A_438 : vector<16xf32>
            %mul3A_440 = arith.mulf %get3A_423, %get3A_433 : vector<16xf32>
            %get3A_441 = arith.constant 0 : i32
            %get3A_442 = arith.index_cast %get3A_441 : i32 to index
            %get3A_443 = arith.index_cast %scan3A_275 : i32 to index
            %get3A_444 = arith.constant 384 : index
            %get3A_445 = tpu.vector_load %arg15[%get3A_442, %get3A_443, %get3A_444] {strides = array<i32>} : memref<2x16x768xf32, #tpu.memory_space<vmem>>, vector<16xf32>,
            %mul3A_446 = arith.mulf %mul3A_440, %get3A_408 : vector<16xf32>
            %mul3A_447 = arith.mulf %mul3A_439, %get3A_445 : vector<16xf32>
            %add3A_448 = arith.addf %mul3A_446, %mul3A_447 : vector<16xf32>
            %add3A_449 = arith.constant 16 : i32
            %add3A_450 = arith.addi %add3A_449, %scan3A_275 : i32
            %swap3A_451 = arith.constant 0 : i32
            %swap3A_452 = arith.index_cast %swap3A_451 : i32 to index
            %swap3A_453 = arith.index_cast %add3A_450 : i32 to index
            %swap3A_454 = arith.constant 0 : index
            %swap3A_455 = tpu.vector_load %arg16[%swap3A_452, %swap3A_453, %swap3A_454] {strides = array<i32>} : memref<2x64x128xf32, #tpu.memory_space<vmem>>, vector<16xf32>,
            tpu.vector_store %arg16[%swap3A_452, %swap3A_453, %swap3A_454], %add3A_448 {strides = array<i32>} : memref<2x64x128xf32, #tpu.memory_space<vmem>>, vector<16xf32>,
            %get3A_456 = arith.constant 0 : i32
            %get3A_457 = arith.index_cast %get3A_456 : i32 to index
            %get3A_458 = arith.index_cast %scan3A_275 : i32 to index
            %get3A_459 = arith.constant 512 : index
            %get3A_460 = tpu.vector_load %arg15[%get3A_457, %get3A_458, %get3A_459] {strides = array<i32>} : memref<2x16x768xf32, #tpu.memory_space<vmem>>, vector<16xf32>,
            %mul3A_461 = arith.mulf %mul3A_440, %get3A_413 : vector<16xf32>
            %mul3A_462 = arith.mulf %mul3A_439, %get3A_460 : vector<16xf32>
            %add3A_463 = arith.addf %mul3A_461, %mul3A_462 : vector<16xf32>
            %add3A_464 = arith.constant 32 : i32
            %add3A_465 = arith.addi %add3A_464, %scan3A_275 : i32
            %swap3A_466 = arith.constant 0 : i32
            %swap3A_467 = arith.index_cast %swap3A_466 : i32 to index
            %swap3A_468 = arith.index_cast %add3A_465 : i32 to index
            %swap3A_469 = arith.constant 0 : index
            %swap3A_470 = tpu.vector_load %arg16[%swap3A_467, %swap3A_468, %swap3A_469] {strides = array<i32>} : memref<2x64x128xf32, #tpu.memory_space<vmem>>, vector<16xf32>,
            tpu.vector_store %arg16[%swap3A_467, %swap3A_468, %swap3A_469], %add3A_463 {strides = array<i32>} : memref<2x64x128xf32, #tpu.memory_space<vmem>>, vector<16xf32>,
            %get3A_471 = arith.constant 0 : i32
            %get3A_472 = arith.index_cast %get3A_471 : i32 to index
            %get3A_473 = arith.index_cast %scan3A_275 : i32 to index
            %get3A_474 = arith.constant 640 : index
            %get3A_475 = tpu.vector_load %arg15[%get3A_472, %get3A_473, %get3A_474] {strides = array<i32>} : memref<2x16x768xf32, #tpu.memory_space<vmem>>, vector<16xf32>,
            %mul3A_476 = arith.mulf %mul3A_440, %get3A_418 : vector<16xf32>
            %mul3A_477 = arith.mulf %mul3A_439, %get3A_475 : vector<16xf32>
            %add3A_478 = arith.addf %mul3A_476, %mul3A_477 : vector<16xf32>
            %add3A_479 = arith.constant 48 : i32
            %add3A_480 = arith.addi %add3A_479, %scan3A_275 : i32
            %swap3A_481 = arith.constant 0 : i32
            %swap3A_482 = arith.index_cast %swap3A_481 : i32 to index
            %swap3A_483 = arith.index_cast %add3A_480 : i32 to index
            %swap3A_484 = arith.constant 0 : index
            %swap3A_485 = tpu.vector_load %arg16[%swap3A_482, %swap3A_483, %swap3A_484] {strides = array<i32>} : memref<2x64x128xf32, #tpu.memory_space<vmem>>, vector<16xf32>,
            tpu.vector_store %arg16[%swap3A_482, %swap3A_483, %swap3A_484], %add3A_478 {strides = array<i32>} : memref<2x64x128xf32, #tpu.memory_space<vmem>>, vector<16xf32>,
            %get3A_486 = arith.constant 0 : i32
            %get3A_487 = arith.index_cast %get3A_486 : i32 to index
            %get3A_488 = arith.index_cast %scan3A_275 : i32 to index
            %get3A_489 = arith.constant 144 : index
            %get3A_490 = tpu.vector_load %arg15[%get3A_487, %get3A_488, %get3A_489] {strides = array<i32>} : memref<2x16x768xf32, #tpu.memory_space<vmem>>, vector<16xf32>,
            %get3A_491 = arith.constant 0 : i32
            %get3A_492 = arith.index_cast %get3A_491 : i32 to index
            %get3A_493 = arith.index_cast %scan3A_275 : i32 to index
            %get3A_494 = arith.constant 272 : index
            %get3A_495 = tpu.vector_load %arg15[%get3A_492, %get3A_493, %get3A_494] {strides = array<i32>} : memref<2x16x768xf32, #tpu.memory_space<vmem>>, vector<16xf32>,
            %get3A_496 = arith.constant 0 : i32
            %get3A_497 = arith.index_cast %get3A_496 : i32 to index
            %get3A_498 = arith.index_cast %scan3A_275 : i32 to index
            %get3A_499 = arith.constant 144 : index
            %get3A_500 = tpu.vector_load %arg14[%get3A_497, %get3A_498, %get3A_499] {strides = array<i32>} : memref<2x16x512xf32, #tpu.memory_space<vmem>>, vector<16xf32>,
            %get3A_501 = arith.constant 0 : i32
            %get3A_502 = arith.index_cast %get3A_501 : i32 to index
            %get3A_503 = arith.index_cast %scan3A_275 : i32 to index
            %get3A_504 = arith.constant 272 : index
            %get3A_505 = tpu.vector_load %arg14[%get3A_502, %get3A_503, %get3A_504] {strides = array<i32>} : memref<2x16x512xf32, #tpu.memory_space<vmem>>, vector<16xf32>,
            %mul3A_506 = arith.mulf %get3A_495, %get3A_505 : vector<16xf32>
            %mul3A_507 = arith.mulf %get3A_490, %get3A_500 : vector<16xf32>
            %get3A_508 = arith.constant 0 : i32
            %get3A_509 = arith.index_cast %get3A_508 : i32 to index
            %get3A_510 = arith.index_cast %scan3A_275 : i32 to index
            %get3A_511 = arith.constant 400 : index
            %get3A_512 = tpu.vector_load %arg15[%get3A_509, %get3A_510, %get3A_511] {strides = array<i32>} : memref<2x16x768xf32, #tpu.memory_space<vmem>>, vector<16xf32>,
            %mul3A_513 = arith.mulf %mul3A_507, %get3A_408 : vector<16xf32>
            %mul3A_514 = arith.mulf %mul3A_506, %get3A_512 : vector<16xf32>
            %add3A_515 = arith.addf %mul3A_513, %mul3A_514 : vector<16xf32>
            %add3A_516 = arith.constant 16 : i32
            %add3A_517 = arith.addi %add3A_516, %scan3A_275 : i32
            %swap3A_518 = arith.constant 0 : i32
            %swap3A_519 = arith.index_cast %swap3A_518 : i32 to index
            %swap3A_520 = arith.index_cast %add3A_517 : i32 to index
            %swap3A_521 = arith.constant 16 : index
            %swap3A_522 = tpu.vector_load %arg16[%swap3A_519, %swap3A_520, %swap3A_521] {strides = array<i32>} : memref<2x64x128xf32, #tpu.memory_space<vmem>>, vector<16xf32>,
            tpu.vector_store %arg16[%swap3A_519, %swap3A_520, %swap3A_521], %add3A_515 {strides = array<i32>} : memref<2x64x128xf32, #tpu.memory_space<vmem>>, vector<16xf32>,
            %get3A_523 = arith.constant 0 : i32
            %get3A_524 = arith.index_cast %get3A_523 : i32 to index
            %get3A_525 = arith.index_cast %scan3A_275 : i32 to index
            %get3A_526 = arith.constant 528 : index
            %get3A_527 = tpu.vector_load %arg15[%get3A_524, %get3A_525, %get3A_526] {strides = array<i32>} : memref<2x16x768xf32, #tpu.memory_space<vmem>>, vector<16xf32>,
            %mul3A_528 = arith.mulf %mul3A_507, %get3A_413 : vector<16xf32>
            %mul3A_529 = arith.mulf %mul3A_506, %get3A_527 : vector<16xf32>
            %add3A_530 = arith.addf %mul3A_528, %mul3A_529 : vector<16xf32>
            %add3A_531 = arith.constant 32 : i32
            %add3A_532 = arith.addi %add3A_531, %scan3A_275 : i32
            %swap3A_533 = arith.constant 0 : i32
            %swap3A_534 = arith.index_cast %swap3A_533 : i32 to index
            %swap3A_535 = arith.index_cast %add3A_532 : i32 to index
            %swap3A_536 = arith.constant 16 : index
            %swap3A_537 = tpu.vector_load %arg16[%swap3A_534, %swap3A_535, %swap3A_536] {strides = array<i32>} : memref<2x64x128xf32, #tpu.memory_space<vmem>>, vector<16xf32>,
            tpu.vector_store %arg16[%swap3A_534, %swap3A_535, %swap3A_536], %add3A_530 {strides = array<i32>} : memref<2x64x128xf32, #tpu.memory_space<vmem>>, vector<16xf32>,
            %get3A_538 = arith.constant 0 : i32
            %get3A_539 = arith.index_cast %get3A_538 : i32 to index
            %get3A_540 = arith.index_cast %scan3A_275 : i32 to index
            %get3A_541 = arith.constant 656 : index
            %get3A_542 = tpu.vector_load %arg15[%get3A_539, %get3A_540, %get3A_541] {strides = array<i32>} : memref<2x16x768xf32, #tpu.memory_space<vmem>>, vector<16xf32>,
            %mul3A_543 = arith.mulf %mul3A_507, %get3A_418 : vector<16xf32>
            %mul3A_544 = arith.mulf %mul3A_506, %get3A_542 : vector<16xf32>
            %add3A_545 = arith.addf %mul3A_543, %mul3A_544 : vector<16xf32>
            %add3A_546 = arith.constant 48 : i32
            %add3A_547 = arith.addi %add3A_546, %scan3A_275 : i32
            %swap3A_548 = arith.constant 0 : i32
            %swap3A_549 = arith.index_cast %swap3A_548 : i32 to index
            %swap3A_550 = arith.index_cast %add3A_547 : i32 to index
            %swap3A_551 = arith.constant 16 : index
            %swap3A_552 = tpu.vector_load %arg16[%swap3A_549, %swap3A_550, %swap3A_551] {strides = array<i32>} : memref<2x64x128xf32, #tpu.memory_space<vmem>>, vector<16xf32>,
            tpu.vector_store %arg16[%swap3A_549, %swap3A_550, %swap3A_551], %add3A_545 {strides = array<i32>} : memref<2x64x128xf32, #tpu.memory_space<vmem>>, vector<16xf32>,
            %get3A_553 = arith.constant 0 : i32
            %get3A_554 = arith.index_cast %get3A_553 : i32 to index
            %get3A_555 = arith.index_cast %scan3A_275 : i32 to index
            %get3A_556 = arith.constant 160 : index
            %get3A_557 = tpu.vector_load %arg15[%get3A_554, %get3A_555, %get3A_556] {strides = array<i32>} : memref<2x16x768xf32, #tpu.memory_space<vmem>>, vector<16xf32>,
            %get3A_558 = arith.constant 0 : i32
            %get3A_559 = arith.index_cast %get3A_558 : i32 to index
            %get3A_560 = arith.index_cast %scan3A_275 : i32 to index
            %get3A_561 = arith.constant 288 : index
            %get3A_562 = tpu.vector_load %arg15[%get3A_559, %get3A_560, %get3A_561] {strides = array<i32>} : memref<2x16x768xf32, #tpu.memory_space<vmem>>, vector<16xf32>,
            %get3A_563 = arith.constant 0 : i32
            %get3A_564 = arith.index_cast %get3A_563 : i32 to index
            %get3A_565 = arith.index_cast %scan3A_275 : i32 to index
            %get3A_566 = arith.constant 160 : index
            %get3A_567 = tpu.vector_load %arg14[%get3A_564, %get3A_565, %get3A_566] {strides = array<i32>} : memref<2x16x512xf32, #tpu.memory_space<vmem>>, vector<16xf32>,
            %get3A_568 = arith.constant 0 : i32
            %get3A_569 = arith.index_cast %get3A_568 : i32 to index
            %get3A_570 = arith.index_cast %scan3A_275 : i32 to index
            %get3A_571 = arith.constant 288 : index
            %get3A_572 = tpu.vector_load %arg14[%get3A_569, %get3A_570, %get3A_571] {strides = array<i32>} : memref<2x16x512xf32, #tpu.memory_space<vmem>>, vector<16xf32>,
            %mul3A_573 = arith.mulf %get3A_562, %get3A_572 : vector<16xf32>
            %mul3A_574 = arith.mulf %get3A_557, %get3A_567 : vector<16xf32>
            %get3A_575 = arith.constant 0 : i32
            %get3A_576 = arith.index_cast %get3A_575 : i32 to index
            %get3A_577 = arith.index_cast %scan3A_275 : i32 to index
            %get3A_578 = arith.constant 416 : index
            %get3A_579 = tpu.vector_load %arg15[%get3A_576, %get3A_577, %get3A_578] {strides = array<i32>} : memref<2x16x768xf32, #tpu.memory_space<vmem>>, vector<16xf32>,
            %mul3A_580 = arith.mulf %mul3A_574, %get3A_408 : vector<16xf32>
            %mul3A_581 = arith.mulf %mul3A_573, %get3A_579 : vector<16xf32>
            %add3A_582 = arith.addf %mul3A_580, %mul3A_581 : vector<16xf32>
            %add3A_583 = arith.constant 16 : i32
            %add3A_584 = arith.addi %add3A_583, %scan3A_275 : i32
            %swap3A_585 = arith.constant 0 : i32
            %swap3A_586 = arith.index_cast %swap3A_585 : i32 to index
            %swap3A_587 = arith.index_cast %add3A_584 : i32 to index
            %swap3A_588 = arith.constant 32 : index
            %swap3A_589 = tpu.vector_load %arg16[%swap3A_586, %swap3A_587, %swap3A_588] {strides = array<i32>} : memref<2x64x128xf32, #tpu.memory_space<vmem>>, vector<16xf32>,
            tpu.vector_store %arg16[%swap3A_586, %swap3A_587, %swap3A_588], %add3A_582 {strides = array<i32>} : memref<2x64x128xf32, #tpu.memory_space<vmem>>, vector<16xf32>,
            %get3A_590 = arith.constant 0 : i32
            %get3A_591 = arith.index_cast %get3A_590 : i32 to index
            %get3A_592 = arith.index_cast %scan3A_275 : i32 to index
            %get3A_593 = arith.constant 544 : index
            %get3A_594 = tpu.vector_load %arg15[%get3A_591, %get3A_592, %get3A_593] {strides = array<i32>} : memref<2x16x768xf32, #tpu.memory_space<vmem>>, vector<16xf32>,
            %mul3A_595 = arith.mulf %mul3A_574, %get3A_413 : vector<16xf32>
            %mul3A_596 = arith.mulf %mul3A_573, %get3A_594 : vector<16xf32>
            %add3A_597 = arith.addf %mul3A_595, %mul3A_596 : vector<16xf32>
            %add3A_598 = arith.constant 32 : i32
            %add3A_599 = arith.addi %add3A_598, %scan3A_275 : i32
            %swap3A_600 = arith.constant 0 : i32
            %swap3A_601 = arith.index_cast %swap3A_600 : i32 to index
            %swap3A_602 = arith.index_cast %add3A_599 : i32 to index
            %swap3A_603 = arith.constant 32 : index
            %swap3A_604 = tpu.vector_load %arg16[%swap3A_601, %swap3A_602, %swap3A_603] {strides = array<i32>} : memref<2x64x128xf32, #tpu.memory_space<vmem>>, vector<16xf32>,
            tpu.vector_store %arg16[%swap3A_601, %swap3A_602, %swap3A_603], %add3A_597 {strides = array<i32>} : memref<2x64x128xf32, #tpu.memory_space<vmem>>, vector<16xf32>,
            %get3A_605 = arith.constant 0 : i32
            %get3A_606 = arith.index_cast %get3A_605 : i32 to index
            %get3A_607 = arith.index_cast %scan3A_275 : i32 to index
            %get3A_608 = arith.constant 672 : index
            %get3A_609 = tpu.vector_load %arg15[%get3A_606, %get3A_607, %get3A_608] {strides = array<i32>} : memref<2x16x768xf32, #tpu.memory_space<vmem>>, vector<16xf32>,
            %mul3A_610 = arith.mulf %mul3A_574, %get3A_418 : vector<16xf32>
            %mul3A_611 = arith.mulf %mul3A_573, %get3A_609 : vector<16xf32>
            %add3A_612 = arith.addf %mul3A_610, %mul3A_611 : vector<16xf32>
            %add3A_613 = arith.constant 48 : i32
            %add3A_614 = arith.addi %add3A_613, %scan3A_275 : i32
            %swap3A_615 = arith.constant 0 : i32
            %swap3A_616 = arith.index_cast %swap3A_615 : i32 to index
            %swap3A_617 = arith.index_cast %add3A_614 : i32 to index
            %swap3A_618 = arith.constant 32 : index
            %swap3A_619 = tpu.vector_load %arg16[%swap3A_616, %swap3A_617, %swap3A_618] {strides = array<i32>} : memref<2x64x128xf32, #tpu.memory_space<vmem>>, vector<16xf32>,
            tpu.vector_store %arg16[%swap3A_616, %swap3A_617, %swap3A_618], %add3A_612 {strides = array<i32>} : memref<2x64x128xf32, #tpu.memory_space<vmem>>, vector<16xf32>,
            %get3A_620 = arith.constant 0 : i32
            %get3A_621 = arith.index_cast %get3A_620 : i32 to index
            %get3A_622 = arith.index_cast %scan3A_275 : i32 to index
            %get3A_623 = arith.constant 176 : index
            %get3A_624 = tpu.vector_load %arg15[%get3A_621, %get3A_622, %get3A_623] {strides = array<i32>} : memref<2x16x768xf32, #tpu.memory_space<vmem>>, vector<16xf32>,
            %get3A_625 = arith.constant 0 : i32
            %get3A_626 = arith.index_cast %get3A_625 : i32 to index
            %get3A_627 = arith.index_cast %scan3A_275 : i32 to index
            %get3A_628 = arith.constant 304 : index
            %get3A_629 = tpu.vector_load %arg15[%get3A_626, %get3A_627, %get3A_628] {strides = array<i32>} : memref<2x16x768xf32, #tpu.memory_space<vmem>>, vector<16xf32>,
            %get3A_630 = arith.constant 0 : i32
            %get3A_631 = arith.index_cast %get3A_630 : i32 to index
            %get3A_632 = arith.index_cast %scan3A_275 : i32 to index
            %get3A_633 = arith.constant 176 : index
            %get3A_634 = tpu.vector_load %arg14[%get3A_631, %get3A_632, %get3A_633] {strides = array<i32>} : memref<2x16x512xf32, #tpu.memory_space<vmem>>, vector<16xf32>,
            %get3A_635 = arith.constant 0 : i32
            %get3A_636 = arith.index_cast %get3A_635 : i32 to index
            %get3A_637 = arith.index_cast %scan3A_275 : i32 to index
            %get3A_638 = arith.constant 304 : index
            %get3A_639 = tpu.vector_load %arg14[%get3A_636, %get3A_637, %get3A_638] {strides = array<i32>} : memref<2x16x512xf32, #tpu.memory_space<vmem>>, vector<16xf32>,
            %mul3A_640 = arith.mulf %get3A_629, %get3A_639 : vector<16xf32>
            %mul3A_641 = arith.mulf %get3A_624, %get3A_634 : vector<16xf32>
            %get3A_642 = arith.constant 0 : i32
            %get3A_643 = arith.index_cast %get3A_642 : i32 to index
            %get3A_644 = arith.index_cast %scan3A_275 : i32 to index
            %get3A_645 = arith.constant 432 : index
            %get3A_646 = tpu.vector_load %arg15[%get3A_643, %get3A_644, %get3A_645] {strides = array<i32>} : memref<2x16x768xf32, #tpu.memory_space<vmem>>, vector<16xf32>,
            %mul3A_647 = arith.mulf %mul3A_641, %get3A_408 : vector<16xf32>
            %mul3A_648 = arith.mulf %mul3A_640, %get3A_646 : vector<16xf32>
            %add3A_649 = arith.addf %mul3A_647, %mul3A_648 : vector<16xf32>
            %add3A_650 = arith.constant 16 : i32
            %add3A_651 = arith.addi %add3A_650, %scan3A_275 : i32
            %swap3A_652 = arith.constant 0 : i32
            %swap3A_653 = arith.index_cast %swap3A_652 : i32 to index
            %swap3A_654 = arith.index_cast %add3A_651 : i32 to index
            %swap3A_655 = arith.constant 48 : index
            %swap3A_656 = tpu.vector_load %arg16[%swap3A_653, %swap3A_654, %swap3A_655] {strides = array<i32>} : memref<2x64x128xf32, #tpu.memory_space<vmem>>, vector<16xf32>,
            tpu.vector_store %arg16[%swap3A_653, %swap3A_654, %swap3A_655], %add3A_649 {strides = array<i32>} : memref<2x64x128xf32, #tpu.memory_space<vmem>>, vector<16xf32>,
            %get3A_657 = arith.constant 0 : i32
            %get3A_658 = arith.index_cast %get3A_657 : i32 to index
            %get3A_659 = arith.index_cast %scan3A_275 : i32 to index
            %get3A_660 = arith.constant 560 : index
            %get3A_661 = tpu.vector_load %arg15[%get3A_658, %get3A_659, %get3A_660] {strides = array<i32>} : memref<2x16x768xf32, #tpu.memory_space<vmem>>, vector<16xf32>,
            %mul3A_662 = arith.mulf %mul3A_641, %get3A_413 : vector<16xf32>
            %mul3A_663 = arith.mulf %mul3A_640, %get3A_661 : vector<16xf32>
            %add3A_664 = arith.addf %mul3A_662, %mul3A_663 : vector<16xf32>
            %add3A_665 = arith.constant 32 : i32
            %add3A_666 = arith.addi %add3A_665, %scan3A_275 : i32
            %swap3A_667 = arith.constant 0 : i32
            %swap3A_668 = arith.index_cast %swap3A_667 : i32 to index
            %swap3A_669 = arith.index_cast %add3A_666 : i32 to index
            %swap3A_670 = arith.constant 48 : index
            %swap3A_671 = tpu.vector_load %arg16[%swap3A_668, %swap3A_669, %swap3A_670] {strides = array<i32>} : memref<2x64x128xf32, #tpu.memory_space<vmem>>, vector<16xf32>,
            tpu.vector_store %arg16[%swap3A_668, %swap3A_669, %swap3A_670], %add3A_664 {strides = array<i32>} : memref<2x64x128xf32, #tpu.memory_space<vmem>>, vector<16xf32>,
            %get3A_672 = arith.constant 0 : i32
            %get3A_673 = arith.index_cast %get3A_672 : i32 to index
            %get3A_674 = arith.index_cast %scan3A_275 : i32 to index
            %get3A_675 = arith.constant 688 : index
            %get3A_676 = tpu.vector_load %arg15[%get3A_673, %get3A_674, %get3A_675] {strides = array<i32>} : memref<2x16x768xf32, #tpu.memory_space<vmem>>, vector<16xf32>,
            %mul3A_677 = arith.mulf %mul3A_641, %get3A_418 : vector<16xf32>
            %mul3A_678 = arith.mulf %mul3A_640, %get3A_676 : vector<16xf32>
            %add3A_679 = arith.addf %mul3A_677, %mul3A_678 : vector<16xf32>
            %add3A_680 = arith.constant 48 : i32
            %add3A_681 = arith.addi %add3A_680, %scan3A_275 : i32
            %swap3A_682 = arith.constant 0 : i32
            %swap3A_683 = arith.index_cast %swap3A_682 : i32 to index
            %swap3A_684 = arith.index_cast %add3A_681 : i32 to index
            %swap3A_685 = arith.constant 48 : index
            %swap3A_686 = tpu.vector_load %arg16[%swap3A_683, %swap3A_684, %swap3A_685] {strides = array<i32>} : memref<2x64x128xf32, #tpu.memory_space<vmem>>, vector<16xf32>,
            tpu.vector_store %arg16[%swap3A_683, %swap3A_684, %swap3A_685], %add3A_679 {strides = array<i32>} : memref<2x64x128xf32, #tpu.memory_space<vmem>>, vector<16xf32>,
            %get3A_687 = arith.constant 0 : i32
            %get3A_688 = arith.index_cast %get3A_687 : i32 to index
            %get3A_689 = arith.index_cast %scan3A_275 : i32 to index
            %get3A_690 = arith.constant 192 : index
            %get3A_691 = tpu.vector_load %arg15[%get3A_688, %get3A_689, %get3A_690] {strides = array<i32>} : memref<2x16x768xf32, #tpu.memory_space<vmem>>, vector<16xf32>,
            %get3A_692 = arith.constant 0 : i32
            %get3A_693 = arith.index_cast %get3A_692 : i32 to index
            %get3A_694 = arith.index_cast %scan3A_275 : i32 to index
            %get3A_695 = arith.constant 320 : index
            %get3A_696 = tpu.vector_load %arg15[%get3A_693, %get3A_694, %get3A_695] {strides = array<i32>} : memref<2x16x768xf32, #tpu.memory_space<vmem>>, vector<16xf32>,
            %get3A_697 = arith.constant 0 : i32
            %get3A_698 = arith.index_cast %get3A_697 : i32 to index
            %get3A_699 = arith.index_cast %scan3A_275 : i32 to index
            %get3A_700 = arith.constant 192 : index
            %get3A_701 = tpu.vector_load %arg14[%get3A_698, %get3A_699, %get3A_700] {strides = array<i32>} : memref<2x16x512xf32, #tpu.memory_space<vmem>>, vector<16xf32>,
            %get3A_702 = arith.constant 0 : i32
            %get3A_703 = arith.index_cast %get3A_702 : i32 to index
            %get3A_704 = arith.index_cast %scan3A_275 : i32 to index
            %get3A_705 = arith.constant 320 : index
            %get3A_706 = tpu.vector_load %arg14[%get3A_703, %get3A_704, %get3A_705] {strides = array<i32>} : memref<2x16x512xf32, #tpu.memory_space<vmem>>, vector<16xf32>,
            %mul3A_707 = arith.mulf %get3A_696, %get3A_706 : vector<16xf32>
            %mul3A_708 = arith.mulf %get3A_691, %get3A_701 : vector<16xf32>
            %get3A_709 = arith.constant 0 : i32
            %get3A_710 = arith.index_cast %get3A_709 : i32 to index
            %get3A_711 = arith.index_cast %scan3A_275 : i32 to index
            %get3A_712 = arith.constant 448 : index
            %get3A_713 = tpu.vector_load %arg15[%get3A_710, %get3A_711, %get3A_712] {strides = array<i32>} : memref<2x16x768xf32, #tpu.memory_space<vmem>>, vector<16xf32>,
            %mul3A_714 = arith.mulf %mul3A_708, %get3A_408 : vector<16xf32>
            %mul3A_715 = arith.mulf %mul3A_707, %get3A_713 : vector<16xf32>
            %add3A_716 = arith.addf %mul3A_714, %mul3A_715 : vector<16xf32>
            %add3A_717 = arith.constant 16 : i32
            %add3A_718 = arith.addi %add3A_717, %scan3A_275 : i32
            %swap3A_719 = arith.constant 0 : i32
            %swap3A_720 = arith.index_cast %swap3A_719 : i32 to index
            %swap3A_721 = arith.index_cast %add3A_718 : i32 to index
            %swap3A_722 = arith.constant 64 : index
            %swap3A_723 = tpu.vector_load %arg16[%swap3A_720, %swap3A_721, %swap3A_722] {strides = array<i32>} : memref<2x64x128xf32, #tpu.memory_space<vmem>>, vector<16xf32>,
            tpu.vector_store %arg16[%swap3A_720, %swap3A_721, %swap3A_722], %add3A_716 {strides = array<i32>} : memref<2x64x128xf32, #tpu.memory_space<vmem>>, vector<16xf32>,
            %get3A_724 = arith.constant 0 : i32
            %get3A_725 = arith.index_cast %get3A_724 : i32 to index
            %get3A_726 = arith.index_cast %scan3A_275 : i32 to index
            %get3A_727 = arith.constant 576 : index
            %get3A_728 = tpu.vector_load %arg15[%get3A_725, %get3A_726, %get3A_727] {strides = array<i32>} : memref<2x16x768xf32, #tpu.memory_space<vmem>>, vector<16xf32>,
            %mul3A_729 = arith.mulf %mul3A_708, %get3A_413 : vector<16xf32>
            %mul3A_730 = arith.mulf %mul3A_707, %get3A_728 : vector<16xf32>
            %add3A_731 = arith.addf %mul3A_729, %mul3A_730 : vector<16xf32>
            %add3A_732 = arith.constant 32 : i32
            %add3A_733 = arith.addi %add3A_732, %scan3A_275 : i32
            %swap3A_734 = arith.constant 0 : i32
            %swap3A_735 = arith.index_cast %swap3A_734 : i32 to index
            %swap3A_736 = arith.index_cast %add3A_733 : i32 to index
            %swap3A_737 = arith.constant 64 : index
            %swap3A_738 = tpu.vector_load %arg16[%swap3A_735, %swap3A_736, %swap3A_737] {strides = array<i32>} : memref<2x64x128xf32, #tpu.memory_space<vmem>>, vector<16xf32>,
            tpu.vector_store %arg16[%swap3A_735, %swap3A_736, %swap3A_737], %add3A_731 {strides = array<i32>} : memref<2x64x128xf32, #tpu.memory_space<vmem>>, vector<16xf32>,
            %get3A_739 = arith.constant 0 : i32
            %get3A_740 = arith.index_cast %get3A_739 : i32 to index
            %get3A_741 = arith.index_cast %scan3A_275 : i32 to index
            %get3A_742 = arith.constant 704 : index
            %get3A_743 = tpu.vector_load %arg15[%get3A_740, %get3A_741, %get3A_742] {strides = array<i32>} : memref<2x16x768xf32, #tpu.memory_space<vmem>>, vector<16xf32>,
            %mul3A_744 = arith.mulf %mul3A_708, %get3A_418 : vector<16xf32>
            %mul3A_745 = arith.mulf %mul3A_707, %get3A_743 : vector<16xf32>
            %add3A_746 = arith.addf %mul3A_744, %mul3A_745 : vector<16xf32>
            %add3A_747 = arith.constant 48 : i32
            %add3A_748 = arith.addi %add3A_747, %scan3A_275 : i32
            %swap3A_749 = arith.constant 0 : i32
            %swap3A_750 = arith.index_cast %swap3A_749 : i32 to index
            %swap3A_751 = arith.index_cast %add3A_748 : i32 to index
            %swap3A_752 = arith.constant 64 : index
            %swap3A_753 = tpu.vector_load %arg16[%swap3A_750, %swap3A_751, %swap3A_752] {strides = array<i32>} : memref<2x64x128xf32, #tpu.memory_space<vmem>>, vector<16xf32>,
            tpu.vector_store %arg16[%swap3A_750, %swap3A_751, %swap3A_752], %add3A_746 {strides = array<i32>} : memref<2x64x128xf32, #tpu.memory_space<vmem>>, vector<16xf32>,
            %get3A_754 = arith.constant 0 : i32
            %get3A_755 = arith.index_cast %get3A_754 : i32 to index
            %get3A_756 = arith.index_cast %scan3A_275 : i32 to index
            %get3A_757 = arith.constant 208 : index
            %get3A_758 = tpu.vector_load %arg15[%get3A_755, %get3A_756, %get3A_757] {strides = array<i32>} : memref<2x16x768xf32, #tpu.memory_space<vmem>>, vector<16xf32>,
            %get3A_759 = arith.constant 0 : i32
            %get3A_760 = arith.index_cast %get3A_759 : i32 to index
            %get3A_761 = arith.index_cast %scan3A_275 : i32 to index
            %get3A_762 = arith.constant 336 : index
            %get3A_763 = tpu.vector_load %arg15[%get3A_760, %get3A_761, %get3A_762] {strides = array<i32>} : memref<2x16x768xf32, #tpu.memory_space<vmem>>, vector<16xf32>,
            %get3A_764 = arith.constant 0 : i32
            %get3A_765 = arith.index_cast %get3A_764 : i32 to index
            %get3A_766 = arith.index_cast %scan3A_275 : i32 to index
            %get3A_767 = arith.constant 208 : index
            %get3A_768 = tpu.vector_load %arg14[%get3A_765, %get3A_766, %get3A_767] {strides = array<i32>} : memref<2x16x512xf32, #tpu.memory_space<vmem>>, vector<16xf32>,
            %get3A_769 = arith.constant 0 : i32
            %get3A_770 = arith.index_cast %get3A_769 : i32 to index
            %get3A_771 = arith.index_cast %scan3A_275 : i32 to index
            %get3A_772 = arith.constant 336 : index
            %get3A_773 = tpu.vector_load %arg14[%get3A_770, %get3A_771, %get3A_772] {strides = array<i32>} : memref<2x16x512xf32, #tpu.memory_space<vmem>>, vector<16xf32>,
            %mul3A_774 = arith.mulf %get3A_763, %get3A_773 : vector<16xf32>
            %mul3A_775 = arith.mulf %get3A_758, %get3A_768 : vector<16xf32>
            %get3A_776 = arith.constant 0 : i32
            %get3A_777 = arith.index_cast %get3A_776 : i32 to index
            %get3A_778 = arith.index_cast %scan3A_275 : i32 to index
            %get3A_779 = arith.constant 464 : index
            %get3A_780 = tpu.vector_load %arg15[%get3A_777, %get3A_778, %get3A_779] {strides = array<i32>} : memref<2x16x768xf32, #tpu.memory_space<vmem>>, vector<16xf32>,
            %mul3A_781 = arith.mulf %mul3A_775, %get3A_408 : vector<16xf32>
            %mul3A_782 = arith.mulf %mul3A_774, %get3A_780 : vector<16xf32>
            %add3A_783 = arith.addf %mul3A_781, %mul3A_782 : vector<16xf32>
            %add3A_784 = arith.constant 16 : i32
            %add3A_785 = arith.addi %add3A_784, %scan3A_275 : i32
            %swap3A_786 = arith.constant 0 : i32
            %swap3A_787 = arith.index_cast %swap3A_786 : i32 to index
            %swap3A_788 = arith.index_cast %add3A_785 : i32 to index
            %swap3A_789 = arith.constant 80 : index
            %swap3A_790 = tpu.vector_load %arg16[%swap3A_787, %swap3A_788, %swap3A_789] {strides = array<i32>} : memref<2x64x128xf32, #tpu.memory_space<vmem>>, vector<16xf32>,
            tpu.vector_store %arg16[%swap3A_787, %swap3A_788, %swap3A_789], %add3A_783 {strides = array<i32>} : memref<2x64x128xf32, #tpu.memory_space<vmem>>, vector<16xf32>,
            %get3A_791 = arith.constant 0 : i32
            %get3A_792 = arith.index_cast %get3A_791 : i32 to index
            %get3A_793 = arith.index_cast %scan3A_275 : i32 to index
            %get3A_794 = arith.constant 592 : index
            %get3A_795 = tpu.vector_load %arg15[%get3A_792, %get3A_793, %get3A_794] {strides = array<i32>} : memref<2x16x768xf32, #tpu.memory_space<vmem>>, vector<16xf32>,
            %mul3A_796 = arith.mulf %mul3A_775, %get3A_413 : vector<16xf32>
            %mul3A_797 = arith.mulf %mul3A_774, %get3A_795 : vector<16xf32>
            %add3A_798 = arith.addf %mul3A_796, %mul3A_797 : vector<16xf32>
            %add3A_799 = arith.constant 32 : i32
            %add3A_800 = arith.addi %add3A_799, %scan3A_275 : i32
            %swap3A_801 = arith.constant 0 : i32
            %swap3A_802 = arith.index_cast %swap3A_801 : i32 to index
            %swap3A_803 = arith.index_cast %add3A_800 : i32 to index
            %swap3A_804 = arith.constant 80 : index
            %swap3A_805 = tpu.vector_load %arg16[%swap3A_802, %swap3A_803, %swap3A_804] {strides = array<i32>} : memref<2x64x128xf32, #tpu.memory_space<vmem>>, vector<16xf32>,
            tpu.vector_store %arg16[%swap3A_802, %swap3A_803, %swap3A_804], %add3A_798 {strides = array<i32>} : memref<2x64x128xf32, #tpu.memory_space<vmem>>, vector<16xf32>,
            %get3A_806 = arith.constant 0 : i32
            %get3A_807 = arith.index_cast %get3A_806 : i32 to index
            %get3A_808 = arith.index_cast %scan3A_275 : i32 to index
            %get3A_809 = arith.constant 720 : index
            %get3A_810 = tpu.vector_load %arg15[%get3A_807, %get3A_808, %get3A_809] {strides = array<i32>} : memref<2x16x768xf32, #tpu.memory_space<vmem>>, vector<16xf32>,
            %mul3A_811 = arith.mulf %mul3A_775, %get3A_418 : vector<16xf32>
            %mul3A_812 = arith.mulf %mul3A_774, %get3A_810 : vector<16xf32>
            %add3A_813 = arith.addf %mul3A_811, %mul3A_812 : vector<16xf32>
            %add3A_814 = arith.constant 48 : i32
            %add3A_815 = arith.addi %add3A_814, %scan3A_275 : i32
            %swap3A_816 = arith.constant 0 : i32
            %swap3A_817 = arith.index_cast %swap3A_816 : i32 to index
            %swap3A_818 = arith.index_cast %add3A_815 : i32 to index
            %swap3A_819 = arith.constant 80 : index
            %swap3A_820 = tpu.vector_load %arg16[%swap3A_817, %swap3A_818, %swap3A_819] {strides = array<i32>} : memref<2x64x128xf32, #tpu.memory_space<vmem>>, vector<16xf32>,
            tpu.vector_store %arg16[%swap3A_817, %swap3A_818, %swap3A_819], %add3A_813 {strides = array<i32>} : memref<2x64x128xf32, #tpu.memory_space<vmem>>, vector<16xf32>,
            %get3A_821 = arith.constant 0 : i32
            %get3A_822 = arith.index_cast %get3A_821 : i32 to index
            %get3A_823 = arith.index_cast %scan3A_275 : i32 to index
            %get3A_824 = arith.constant 224 : index
            %get3A_825 = tpu.vector_load %arg15[%get3A_822, %get3A_823, %get3A_824] {strides = array<i32>} : memref<2x16x768xf32, #tpu.memory_space<vmem>>, vector<16xf32>,
            %get3A_826 = arith.constant 0 : i32
            %get3A_827 = arith.index_cast %get3A_826 : i32 to index
            %get3A_828 = arith.index_cast %scan3A_275 : i32 to index
            %get3A_829 = arith.constant 352 : index
            %get3A_830 = tpu.vector_load %arg15[%get3A_827, %get3A_828, %get3A_829] {strides = array<i32>} : memref<2x16x768xf32, #tpu.memory_space<vmem>>, vector<16xf32>,
            %get3A_831 = arith.constant 0 : i32
            %get3A_832 = arith.index_cast %get3A_831 : i32 to index
            %get3A_833 = arith.index_cast %scan3A_275 : i32 to index
            %get3A_834 = arith.constant 224 : index
            %get3A_835 = tpu.vector_load %arg14[%get3A_832, %get3A_833, %get3A_834] {strides = array<i32>} : memref<2x16x512xf32, #tpu.memory_space<vmem>>, vector<16xf32>,
            %get3A_836 = arith.constant 0 : i32
            %get3A_837 = arith.index_cast %get3A_836 : i32 to index
            %get3A_838 = arith.index_cast %scan3A_275 : i32 to index
            %get3A_839 = arith.constant 352 : index
            %get3A_840 = tpu.vector_load %arg14[%get3A_837, %get3A_838, %get3A_839] {strides = array<i32>} : memref<2x16x512xf32, #tpu.memory_space<vmem>>, vector<16xf32>,
            %mul3A_841 = arith.mulf %get3A_830, %get3A_840 : vector<16xf32>
            %mul3A_842 = arith.mulf %get3A_825, %get3A_835 : vector<16xf32>
            %get3A_843 = arith.constant 0 : i32
            %get3A_844 = arith.index_cast %get3A_843 : i32 to index
            %get3A_845 = arith.index_cast %scan3A_275 : i32 to index
            %get3A_846 = arith.constant 480 : index
            %get3A_847 = tpu.vector_load %arg15[%get3A_844, %get3A_845, %get3A_846] {strides = array<i32>} : memref<2x16x768xf32, #tpu.memory_space<vmem>>, vector<16xf32>,
            %mul3A_848 = arith.mulf %mul3A_842, %get3A_408 : vector<16xf32>
            %mul3A_849 = arith.mulf %mul3A_841, %get3A_847 : vector<16xf32>
            %add3A_850 = arith.addf %mul3A_848, %mul3A_849 : vector<16xf32>
            %add3A_851 = arith.constant 16 : i32
            %add3A_852 = arith.addi %add3A_851, %scan3A_275 : i32
            %swap3A_853 = arith.constant 0 : i32
            %swap3A_854 = arith.index_cast %swap3A_853 : i32 to index
            %swap3A_855 = arith.index_cast %add3A_852 : i32 to index
            %swap3A_856 = arith.constant 96 : index
            %swap3A_857 = tpu.vector_load %arg16[%swap3A_854, %swap3A_855, %swap3A_856] {strides = array<i32>} : memref<2x64x128xf32, #tpu.memory_space<vmem>>, vector<16xf32>,
            tpu.vector_store %arg16[%swap3A_854, %swap3A_855, %swap3A_856], %add3A_850 {strides = array<i32>} : memref<2x64x128xf32, #tpu.memory_space<vmem>>, vector<16xf32>,
            %get3A_858 = arith.constant 0 : i32
            %get3A_859 = arith.index_cast %get3A_858 : i32 to index
            %get3A_860 = arith.index_cast %scan3A_275 : i32 to index
            %get3A_861 = arith.constant 608 : index
            %get3A_862 = tpu.vector_load %arg15[%get3A_859, %get3A_860, %get3A_861] {strides = array<i32>} : memref<2x16x768xf32, #tpu.memory_space<vmem>>, vector<16xf32>,
            %mul3A_863 = arith.mulf %mul3A_842, %get3A_413 : vector<16xf32>
            %mul3A_864 = arith.mulf %mul3A_841, %get3A_862 : vector<16xf32>
            %add3A_865 = arith.addf %mul3A_863, %mul3A_864 : vector<16xf32>
            %add3A_866 = arith.constant 32 : i32
            %add3A_867 = arith.addi %add3A_866, %scan3A_275 : i32
            %swap3A_868 = arith.constant 0 : i32
            %swap3A_869 = arith.index_cast %swap3A_868 : i32 to index
            %swap3A_870 = arith.index_cast %add3A_867 : i32 to index
            %swap3A_871 = arith.constant 96 : index
            %swap3A_872 = tpu.vector_load %arg16[%swap3A_869, %swap3A_870, %swap3A_871] {strides = array<i32>} : memref<2x64x128xf32, #tpu.memory_space<vmem>>, vector<16xf32>,
            tpu.vector_store %arg16[%swap3A_869, %swap3A_870, %swap3A_871], %add3A_865 {strides = array<i32>} : memref<2x64x128xf32, #tpu.memory_space<vmem>>, vector<16xf32>,
            %get3A_873 = arith.constant 0 : i32
            %get3A_874 = arith.index_cast %get3A_873 : i32 to index
            %get3A_875 = arith.index_cast %scan3A_275 : i32 to index
            %get3A_876 = arith.constant 736 : index
            %get3A_877 = tpu.vector_load %arg15[%get3A_874, %get3A_875, %get3A_876] {strides = array<i32>} : memref<2x16x768xf32, #tpu.memory_space<vmem>>, vector<16xf32>,
            %mul3A_878 = arith.mulf %mul3A_842, %get3A_418 : vector<16xf32>
            %mul3A_879 = arith.mulf %mul3A_841, %get3A_877 : vector<16xf32>
            %add3A_880 = arith.addf %mul3A_878, %mul3A_879 : vector<16xf32>
            %add3A_881 = arith.constant 48 : i32
            %add3A_882 = arith.addi %add3A_881, %scan3A_275 : i32
            %swap3A_883 = arith.constant 0 : i32
            %swap3A_884 = arith.index_cast %swap3A_883 : i32 to index
            %swap3A_885 = arith.index_cast %add3A_882 : i32 to index
            %swap3A_886 = arith.constant 96 : index
            %swap3A_887 = tpu.vector_load %arg16[%swap3A_884, %swap3A_885, %swap3A_886] {strides = array<i32>} : memref<2x64x128xf32, #tpu.memory_space<vmem>>, vector<16xf32>,
            tpu.vector_store %arg16[%swap3A_884, %swap3A_885, %swap3A_886], %add3A_880 {strides = array<i32>} : memref<2x64x128xf32, #tpu.memory_space<vmem>>, vector<16xf32>,
            %get3A_888 = arith.constant 0 : i32
            %get3A_889 = arith.index_cast %get3A_888 : i32 to index
            %get3A_890 = arith.index_cast %scan3A_275 : i32 to index
            %get3A_891 = arith.constant 240 : index
            %get3A_892 = tpu.vector_load %arg15[%get3A_889, %get3A_890, %get3A_891] {strides = array<i32>} : memref<2x16x768xf32, #tpu.memory_space<vmem>>, vector<16xf32>,
            %get3A_893 = arith.constant 0 : i32
            %get3A_894 = arith.index_cast %get3A_893 : i32 to index
            %get3A_895 = arith.index_cast %scan3A_275 : i32 to index
            %get3A_896 = arith.constant 368 : index
            %get3A_897 = tpu.vector_load %arg15[%get3A_894, %get3A_895, %get3A_896] {strides = array<i32>} : memref<2x16x768xf32, #tpu.memory_space<vmem>>, vector<16xf32>,
            %get3A_898 = arith.constant 0 : i32
            %get3A_899 = arith.index_cast %get3A_898 : i32 to index
            %get3A_900 = arith.index_cast %scan3A_275 : i32 to index
            %get3A_901 = arith.constant 240 : index
            %get3A_902 = tpu.vector_load %arg14[%get3A_899, %get3A_900, %get3A_901] {strides = array<i32>} : memref<2x16x512xf32, #tpu.memory_space<vmem>>, vector<16xf32>,
            %get3A_903 = arith.constant 0 : i32
            %get3A_904 = arith.index_cast %get3A_903 : i32 to index
            %get3A_905 = arith.index_cast %scan3A_275 : i32 to index
            %get3A_906 = arith.constant 368 : index
            %get3A_907 = tpu.vector_load %arg14[%get3A_904, %get3A_905, %get3A_906] {strides = array<i32>} : memref<2x16x512xf32, #tpu.memory_space<vmem>>, vector<16xf32>,
            %mul3A_908 = arith.mulf %get3A_897, %get3A_907 : vector<16xf32>
            %mul3A_909 = arith.mulf %get3A_892, %get3A_902 : vector<16xf32>
            %get3A_910 = arith.constant 0 : i32
            %get3A_911 = arith.index_cast %get3A_910 : i32 to index
            %get3A_912 = arith.index_cast %scan3A_275 : i32 to index
            %get3A_913 = arith.constant 496 : index
            %get3A_914 = tpu.vector_load %arg15[%get3A_911, %get3A_912, %get3A_913] {strides = array<i32>} : memref<2x16x768xf32, #tpu.memory_space<vmem>>, vector<16xf32>,
            %mul3A_915 = arith.mulf %mul3A_909, %get3A_408 : vector<16xf32>
            %mul3A_916 = arith.mulf %mul3A_908, %get3A_914 : vector<16xf32>
            %add3A_917 = arith.addf %mul3A_915, %mul3A_916 : vector<16xf32>
            %add3A_918 = arith.constant 16 : i32
            %add3A_919 = arith.addi %add3A_918, %scan3A_275 : i32
            %swap3A_920 = arith.constant 0 : i32
            %swap3A_921 = arith.index_cast %swap3A_920 : i32 to index
            %swap3A_922 = arith.index_cast %add3A_919 : i32 to index
            %swap3A_923 = arith.constant 112 : index
            %swap3A_924 = tpu.vector_load %arg16[%swap3A_921, %swap3A_922, %swap3A_923] {strides = array<i32>} : memref<2x64x128xf32, #tpu.memory_space<vmem>>, vector<16xf32>,
            tpu.vector_store %arg16[%swap3A_921, %swap3A_922, %swap3A_923], %add3A_917 {strides = array<i32>} : memref<2x64x128xf32, #tpu.memory_space<vmem>>, vector<16xf32>,
            %get3A_925 = arith.constant 0 : i32
            %get3A_926 = arith.index_cast %get3A_925 : i32 to index
            %get3A_927 = arith.index_cast %scan3A_275 : i32 to index
            %get3A_928 = arith.constant 624 : index
            %get3A_929 = tpu.vector_load %arg15[%get3A_926, %get3A_927, %get3A_928] {strides = array<i32>} : memref<2x16x768xf32, #tpu.memory_space<vmem>>, vector<16xf32>,
            %mul3A_930 = arith.mulf %mul3A_909, %get3A_413 : vector<16xf32>
            %mul3A_931 = arith.mulf %mul3A_908, %get3A_929 : vector<16xf32>
            %add3A_932 = arith.addf %mul3A_930, %mul3A_931 : vector<16xf32>
            %add3A_933 = arith.constant 32 : i32
            %add3A_934 = arith.addi %add3A_933, %scan3A_275 : i32
            %swap3A_935 = arith.constant 0 : i32
            %swap3A_936 = arith.index_cast %swap3A_935 : i32 to index
            %swap3A_937 = arith.index_cast %add3A_934 : i32 to index
            %swap3A_938 = arith.constant 112 : index
            %swap3A_939 = tpu.vector_load %arg16[%swap3A_936, %swap3A_937, %swap3A_938] {strides = array<i32>} : memref<2x64x128xf32, #tpu.memory_space<vmem>>, vector<16xf32>,
            tpu.vector_store %arg16[%swap3A_936, %swap3A_937, %swap3A_938], %add3A_932 {strides = array<i32>} : memref<2x64x128xf32, #tpu.memory_space<vmem>>, vector<16xf32>,
            %get3A_940 = arith.constant 0 : i32
            %get3A_941 = arith.index_cast %get3A_940 : i32 to index
            %get3A_942 = arith.index_cast %scan3A_275 : i32 to index
            %get3A_943 = arith.constant 752 : index
            %get3A_944 = tpu.vector_load %arg15[%get3A_941, %get3A_942, %get3A_943] {strides = array<i32>} : memref<2x16x768xf32, #tpu.memory_space<vmem>>, vector<16xf32>,
            %mul3A_945 = arith.mulf %mul3A_909, %get3A_418 : vector<16xf32>
            %mul3A_946 = arith.mulf %mul3A_908, %get3A_944 : vector<16xf32>
            %add3A_947 = arith.addf %mul3A_945, %mul3A_946 : vector<16xf32>
            %add3A_948 = arith.constant 48 : i32
            %add3A_949 = arith.addi %add3A_948, %scan3A_275 : i32
            %swap3A_950 = arith.constant 0 : i32
            %swap3A_951 = arith.index_cast %swap3A_950 : i32 to index
            %swap3A_952 = arith.index_cast %add3A_949 : i32 to index
            %swap3A_953 = arith.constant 112 : index
            %swap3A_954 = tpu.vector_load %arg16[%swap3A_951, %swap3A_952, %swap3A_953] {strides = array<i32>} : memref<2x64x128xf32, #tpu.memory_space<vmem>>, vector<16xf32>,
            tpu.vector_store %arg16[%swap3A_951, %swap3A_952, %swap3A_953], %add3A_947 {strides = array<i32>} : memref<2x64x128xf32, #tpu.memory_space<vmem>>, vector<16xf32>,
          }
          %scan3A_242 = arith.constant 16 : i32
          %dma_start3A = arith.constant 0 : i32
          %dma_start3A_243 = arith.constant 0 : i32
          %dma_start3A_244 = arith.constant 0 : i32
          %dma_start3A_245 = arith.constant 0 : i32
          %dma_start3A_246 = tpu.memref_slice %arg16[%dma_start3A, %dma_start3A_244, %dma_start3A_245] : memref<2x64x128xf32, #tpu.memory_space<vmem>> -> memref<1x64x128xf32, #tpu.memory_space<vmem>>
          %dma_start3A_247 = tpu.memref_squeeze %dma_start3A_246 : memref<1x64x128xf32, #tpu.memory_space<vmem>> -> memref<64x128xf32, #tpu.memory_space<vmem>>
          %dma_start3A_248 = arith.constant 0 : i32
          %dma_start3A_249 = tpu.memref_slice %arg13[%dma_start3A_243, %dma_start3A_248] : memref<2x64xi32, #tpu.memory_space<vmem>> -> memref<1x64xi32, #tpu.memory_space<vmem>>
          %dma_start3A_250 = tpu.memref_squeeze %dma_start3A_249 : memref<1x64xi32, #tpu.memory_space<vmem>> -> memref<64xi32, #tpu.memory_space<vmem>>
          %dma_start3A_251 = arith.constant 0 : i32
          %dma_start3A_252 = arith.constant 0 : i32
          %dma_start3A_253 = tpu.memref_slice %arg17[%dma_start3A_251, %dma_start3A_252] : memref<5124x128xf32, #tpu.memory_space<vmem_shared>> -> memref<5124x128xf32, #tpu.memory_space<vmem_shared>>
          tpu.enqueue_indirect_dma source(%dma_start3A_247 : memref<64x128xf32, #tpu.memory_space<vmem>>) target(%dma_start3A_253 : memref<5124x128xf32, #tpu.memory_space<vmem_shared>>) offsets(%dma_start3A_250 : memref<64xi32, #tpu.memory_space<vmem>>) semaphore(%arg20 : memref<!tpu.dma_semaphore, #tpu.memory_space<semaphore_mem>>) {add = true}
          %add3A_254 = arith.constant 1 : i32
          %add3A_255 = arith.addi %add3A_154, %add3A_254 : i32
          %lt3A_256 = arith.cmpi slt, %add3A_255, %select_n3A : i32
          %convert_element_type3A_257 = arith.extui %lt3A_256 : i1 to i32
          %cond3A_258 = arith.constant 0 : i32
          %cond3A_259 = arith.cmpi ne, %convert_element_type3A_257, %cond3A_258 : i32
          scf.if %cond3A_259 {
            %add3A_275 = arith.constant 1 : i32
            %add3A_276 = arith.addi %add3A_154, %add3A_275 : i32
            %mul3A_277 = arith.constant 16 : i32
            %mul3A_278 = arith.muli %add3A_276, %mul3A_277 : i32
            %add3A_279 = arith.constant 0 : i32
            %add3A_280 = arith.addi %mul3A_278, %add3A_279 : i32
            %add3A_281 = vector.broadcast %add3A_280 : i32 to vector<16xi32>
            %add3A_282 = arith.addi %add3A_281, %iota3A : vector<16xi32>
            %lt3A_283 = vector.broadcast %squeeze3A : i32 to vector<16xi32>
            %lt3A_284 = arith.cmpi slt, %add3A_282, %lt3A_283 : vector<16xi32>
            %get3A_285 = arith.index_cast %add3A_280 : i32 to index
            %get3A_286 = tpu.vector_load %arg9[%get3A_285] {strides = array<i32>} : memref<2032xi32, #tpu.memory_space<vmem>>, vector<16xi32>,
            %jit3A_287 = arith.constant 0 : i32
            %broadcast_in_dim3A_288 = vector.broadcast %jit3A_287 : i32 to vector<16xi32>
            %select_n3A_289 = arith.select %lt3A_284, %get3A_286, %broadcast_in_dim3A_288 : vector<16xi1>, vector<16xi32>
            %gather3A_290 = tpu.vector_load_idx %arg8[%select_n3A_289] : memref<2000xi32, #tpu.memory_space<vmem>>[vector<16xi32>], vector<16xi32>,
            %jit3A_291 = arith.constant 0 : i32
            %broadcast_in_dim3A_292 = vector.broadcast %jit3A_291 : i32 to vector<16xi32>
            %select_n3A_293 = arith.select %lt3A_284, %gather3A_290, %broadcast_in_dim3A_292 : vector<16xi1>, vector<16xi32>
            %swap3A_294 = arith.constant 0 : i32
            %swap3A_295 = arith.index_cast %swap3A_294 : i32 to index
            %swap3A_296 = arith.constant 0 : index
            %swap3A_297 = tpu.vector_load %arg11[%swap3A_295, %swap3A_296] {strides = array<i32>} : memref<2x16xi32, #tpu.memory_space<vmem>>, vector<16xi32>,
            tpu.vector_store %arg11[%swap3A_295, %swap3A_296], %select_n3A_293 {strides = array<i32>} : memref<2x16xi32, #tpu.memory_space<vmem>>, vector<16xi32>,
            %add3A_298 = vector.broadcast %add3A_80 : i32 to vector<16xi32>
            %add3A_299 = arith.addi %select_n3A_289, %add3A_298 : vector<16xi32>
            %jit3A_300 = arith.constant 0 : i32
            %broadcast_in_dim3A_301 = vector.broadcast %jit3A_300 : i32 to vector<16xi32>
            %select_n3A_302 = arith.select %lt3A_284, %add3A_299, %broadcast_in_dim3A_301 : vector<16xi1>, vector<16xi32>
            %swap3A_303 = arith.constant 0 : i32
            %swap3A_304 = arith.index_cast %swap3A_303 : i32 to index
            %swap3A_305 = arith.constant 0 : index
            %swap3A_306 = tpu.vector_load %arg12[%swap3A_304, %swap3A_305] {strides = array<i32>} : memref<2x16xi32, #tpu.memory_space<vmem>>, vector<16xi32>,
            tpu.vector_store %arg12[%swap3A_304, %swap3A_305], %select_n3A_302 {strides = array<i32>} : memref<2x16xi32, #tpu.memory_space<vmem>>, vector<16xi32>,
            %dma_start3A_307 = arith.constant 0 : i32
            %dma_start3A_308 = arith.constant 0 : i32
            %dma_start3A_309 = arith.constant 0 : i32
            %dma_start3A_310 = arith.constant 0 : i32
            %dma_start3A_311 = tpu.memref_slice %arg14[%dma_start3A_308, %dma_start3A_309, %dma_start3A_310] : memref<2x16x512xf32, #tpu.memory_space<vmem>> -> memref<1x16x512xf32, #tpu.memory_space<vmem>>
            %dma_start3A_312 = tpu.memref_squeeze %dma_start3A_311 : memref<1x16x512xf32, #tpu.memory_space<vmem>> -> memref<16x512xf32, #tpu.memory_space<vmem>>
            %dma_start3A_313 = arith.constant 0 : i32
            %dma_start3A_314 = tpu.memref_slice %arg12[%dma_start3A_307, %dma_start3A_313] : memref<2x16xi32, #tpu.memory_space<vmem>> -> memref<1x16xi32, #tpu.memory_space<vmem>>
            %dma_start3A_315 = tpu.memref_squeeze %dma_start3A_314 : memref<1x16xi32, #tpu.memory_space<vmem>> -> memref<16xi32, #tpu.memory_space<vmem>>
            %dma_start3A_316 = arith.constant 0 : i32
            %dma_start3A_317 = arith.constant 0 : i32
            %dma_start3A_318 = tpu.memref_slice %arg2[%dma_start3A_316, %dma_start3A_317] : memref<160000x512xf32, #tpu.memory_space<hbm>> -> memref<160000x512xf32, #tpu.memory_space<hbm>>
            tpu.enqueue_indirect_dma source(%dma_start3A_318 : memref<160000x512xf32, #tpu.memory_space<hbm>>) target(%dma_start3A_312 : memref<16x512xf32, #tpu.memory_space<vmem>>) offsets(%dma_start3A_315 : memref<16xi32, #tpu.memory_space<vmem>>) semaphore(%arg18 : memref<!tpu.dma_semaphore, #tpu.memory_space<semaphore_mem>>)
            %dma_start3A_319 = arith.constant 0 : i32
            %dma_start3A_320 = arith.constant 0 : i32
            %dma_start3A_321 = arith.constant 0 : i32
            %dma_start3A_322 = arith.constant 0 : i32
            %dma_start3A_323 = tpu.memref_slice %arg15[%dma_start3A_320, %dma_start3A_321, %dma_start3A_322] : memref<2x16x768xf32, #tpu.memory_space<vmem>> -> memref<1x16x768xf32, #tpu.memory_space<vmem>>
            %dma_start3A_324 = tpu.memref_squeeze %dma_start3A_323 : memref<1x16x768xf32, #tpu.memory_space<vmem>> -> memref<16x768xf32, #tpu.memory_space<vmem>>
            %dma_start3A_325 = arith.constant 0 : i32
            %dma_start3A_326 = tpu.memref_slice %arg11[%dma_start3A_319, %dma_start3A_325] : memref<2x16xi32, #tpu.memory_space<vmem>> -> memref<1x16xi32, #tpu.memory_space<vmem>>
            %dma_start3A_327 = tpu.memref_squeeze %dma_start3A_326 : memref<1x16xi32, #tpu.memory_space<vmem>> -> memref<16xi32, #tpu.memory_space<vmem>>
            %dma_start3A_328 = arith.constant 0 : i32
            %dma_start3A_329 = arith.constant 0 : i32
            %dma_start3A_330 = tpu.memref_slice %arg3[%dma_start3A_328, %dma_start3A_329] : memref<10000x768xf32, #tpu.memory_space<hbm>> -> memref<10000x768xf32, #tpu.memory_space<hbm>>
            tpu.enqueue_indirect_dma source(%dma_start3A_330 : memref<10000x768xf32, #tpu.memory_space<hbm>>) target(%dma_start3A_324 : memref<16x768xf32, #tpu.memory_space<vmem>>) offsets(%dma_start3A_327 : memref<16xi32, #tpu.memory_space<vmem>>) semaphore(%arg18 : memref<!tpu.dma_semaphore, #tpu.memory_space<semaphore_mem>>)
          } else {
          }
          %lt3A_260 = arith.cmpi slt, %add3A_154, %select_n3A : i32
          %gt3A_261 = arith.constant 0 : i32
          %gt3A_262 = arith.cmpi sgt, %while3A_150, %gt3A_261 : i32
          %and3A_263 = arith.andi %lt3A_260, %gt3A_262 : i1
          %convert_element_type3A_264 = arith.extui %and3A_263 : i1 to i32
          %cond3A_265 = arith.constant 0 : i32
          %cond3A_266 = arith.cmpi ne, %convert_element_type3A_264, %cond3A_265 : i32
          scf.if %cond3A_266 {
            %dma_wait3A_275 = arith.constant 1 : i32
            %dma_wait3A_276 = arith.constant 0 : i32
            %dma_wait3A_277 = arith.constant 0 : i32
            %dma_wait3A_278 = tpu.memref_slice %arg16[%dma_wait3A_275, %dma_wait3A_276, %dma_wait3A_277] : memref<2x64x128xf32, #tpu.memory_space<vmem>> -> memref<1x64x128xf32, #tpu.memory_space<vmem>>
            %dma_wait3A_279 = tpu.memref_squeeze %dma_wait3A_278 : memref<1x64x128xf32, #tpu.memory_space<vmem>> -> memref<64x128xf32, #tpu.memory_space<vmem>>
            %dma_wait3A_280 = arith.constant 0 : i32
            %dma_wait3A_281 = arith.constant 0 : i32
            %dma_wait3A_282 = tpu.memref_slice %arg17[%dma_wait3A_280, %dma_wait3A_281] : memref<5124x128xf32, #tpu.memory_space<vmem_shared>> -> memref<64x128xf32, #tpu.memory_space<vmem_shared>>
            %dma_wait3A_283 = arith.constant 0 : i32
            %dma_wait3A_284 = arith.constant 0 : i32
            %dma_wait3A_285 = tpu.memref_slice %arg17[%dma_wait3A_283, %dma_wait3A_284] : memref<5124x128xf32, #tpu.memory_space<vmem_shared>> -> memref<64x128xf32, #tpu.memory_space<vmem_shared>>
            %dma_wait3A_286 = arith.constant 0 : i32
            %dma_wait3A_287 = arith.constant 0 : i32
            %dma_wait3A_288 = tpu.memref_slice %arg16[%dma_wait3A_275, %dma_wait3A_286, %dma_wait3A_287] : memref<2x64x128xf32, #tpu.memory_space<vmem>> -> memref<1x64x128xf32, #tpu.memory_space<vmem>>
            %dma_wait3A_289 = tpu.memref_squeeze %dma_wait3A_288 : memref<1x64x128xf32, #tpu.memory_space<vmem>> -> memref<64x128xf32, #tpu.memory_space<vmem>>
            tpu.wait_dma2 semaphore(%arg21 : memref<!tpu.dma_semaphore, #tpu.memory_space<semaphore_mem>>) src(%dma_wait3A_289 : memref<64x128xf32, #tpu.memory_space<vmem>>) dst(%dma_wait3A_285 : memref<64x128xf32, #tpu.memory_space<vmem_shared>>)
          } else {
          }
          %lt3A_267 = arith.cmpi slt, %add3A_154, %select_n3A : i32
          %convert_element_type3A_268 = arith.extui %lt3A_267 : i1 to i32
          %cond3A_269 = arith.constant 0 : i32
          %cond3A_270 = arith.cmpi ne, %convert_element_type3A_268, %cond3A_269 : i32
          scf.if %cond3A_270 {
            %mul3A_275 = arith.constant 16 : i32
            %mul3A_276 = arith.muli %add3A_154, %mul3A_275 : i32
            %add3A_277 = arith.constant 0 : i32
            %add3A_278 = arith.addi %mul3A_276, %add3A_277 : i32
            %add3A_279 = vector.broadcast %add3A_278 : i32 to vector<16xi32>
            %add3A_280 = arith.addi %add3A_279, %iota3A : vector<16xi32>
            %lt3A_281 = vector.broadcast %squeeze3A : i32 to vector<16xi32>
            %lt3A_282 = arith.cmpi slt, %add3A_280, %lt3A_281 : vector<16xi32>
            %get3A_283 = arith.index_cast %add3A_278 : i32 to index
            %get3A_284 = tpu.vector_load %arg9[%get3A_283] {strides = array<i32>} : memref<2032xi32, #tpu.memory_space<vmem>>, vector<16xi32>,
            %jit3A_285 = arith.constant 0 : i32
            %broadcast_in_dim3A_286 = vector.broadcast %jit3A_285 : i32 to vector<16xi32>
            %select_n3A_287 = arith.select %lt3A_282, %get3A_284, %broadcast_in_dim3A_286 : vector<16xi1>, vector<16xi32>
            %gather3A_288 = tpu.vector_load_idx %arg7[%select_n3A_287] : memref<2000xi32, #tpu.memory_space<vmem>>[vector<16xi32>], vector<16xi32>,
            %sub3A_289 = vector.broadcast %mul3A_11 : i32 to vector<16xi32>
            %sub3A_290 = arith.subi %gather3A_288, %sub3A_289 : vector<16xi32>
            %jit3A_291 = arith.constant 1280 : i32
            %broadcast_in_dim3A_292 = vector.broadcast %jit3A_291 : i32 to vector<16xi32>
            %select_n3A_293 = arith.select %lt3A_282, %sub3A_290, %broadcast_in_dim3A_292 : vector<16xi1>, vector<16xi32>
            %mul3A_294 = arith.constant 4 : i32
            %mul3A_295 = vector.broadcast %mul3A_294 : i32 to vector<16xi32>
            %mul3A_296 = arith.muli %mul3A_295, %select_n3A_293 : vector<16xi32>
            %swap3A_297 = arith.constant 1 : i32
            %swap3A_298 = arith.index_cast %swap3A_297 : i32 to index
            %swap3A_299 = arith.constant 0 : index
            %swap3A_300 = tpu.vector_load %arg13[%swap3A_298, %swap3A_299] {strides = array<i32>} : memref<2x64xi32, #tpu.memory_space<vmem>>, vector<16xi32>,
            tpu.vector_store %arg13[%swap3A_298, %swap3A_299], %mul3A_296 {strides = array<i32>} : memref<2x64xi32, #tpu.memory_space<vmem>>, vector<16xi32>,
            %add3A_301 = arith.constant 1 : i32
            %add3A_302 = vector.broadcast %add3A_301 : i32 to vector<16xi32>
            %add3A_303 = arith.addi %mul3A_296, %add3A_302 : vector<16xi32>
            %swap3A_304 = arith.constant 1 : i32
            %swap3A_305 = arith.index_cast %swap3A_304 : i32 to index
            %swap3A_306 = arith.constant 16 : index
            %swap3A_307 = tpu.vector_load %arg13[%swap3A_305, %swap3A_306] {strides = array<i32>} : memref<2x64xi32, #tpu.memory_space<vmem>>, vector<16xi32>,
            tpu.vector_store %arg13[%swap3A_305, %swap3A_306], %add3A_303 {strides = array<i32>} : memref<2x64xi32, #tpu.memory_space<vmem>>, vector<16xi32>,
            %add3A_308 = arith.constant 2 : i32
            %add3A_309 = vector.broadcast %add3A_308 : i32 to vector<16xi32>
            %add3A_310 = arith.addi %mul3A_296, %add3A_309 : vector<16xi32>
            %swap3A_311 = arith.constant 1 : i32
            %swap3A_312 = arith.index_cast %swap3A_311 : i32 to index
            %swap3A_313 = arith.constant 32 : index
            %swap3A_314 = tpu.vector_load %arg13[%swap3A_312, %swap3A_313] {strides = array<i32>} : memref<2x64xi32, #tpu.memory_space<vmem>>, vector<16xi32>,
            tpu.vector_store %arg13[%swap3A_312, %swap3A_313], %add3A_310 {strides = array<i32>} : memref<2x64xi32, #tpu.memory_space<vmem>>, vector<16xi32>,
            %add3A_315 = arith.constant 3 : i32
            %add3A_316 = vector.broadcast %add3A_315 : i32 to vector<16xi32>
            %add3A_317 = arith.addi %mul3A_296, %add3A_316 : vector<16xi32>
            %swap3A_318 = arith.constant 1 : i32
            %swap3A_319 = arith.index_cast %swap3A_318 : i32 to index
            %swap3A_320 = arith.constant 48 : index
            %swap3A_321 = tpu.vector_load %arg13[%swap3A_319, %swap3A_320] {strides = array<i32>} : memref<2x64xi32, #tpu.memory_space<vmem>>, vector<16xi32>,
            tpu.vector_store %arg13[%swap3A_319, %swap3A_320], %add3A_317 {strides = array<i32>} : memref<2x64xi32, #tpu.memory_space<vmem>>, vector<16xi32>,
            %dma_wait3A_322 = arith.constant 1 : i32
            %dma_wait3A_323 = arith.constant 0 : i32
            %dma_wait3A_324 = arith.constant 0 : i32
            %dma_wait3A_325 = tpu.memref_slice %arg14[%dma_wait3A_322, %dma_wait3A_323, %dma_wait3A_324] : memref<2x16x512xf32, #tpu.memory_space<vmem>> -> memref<1x16x512xf32, #tpu.memory_space<vmem>>
            %dma_wait3A_326 = tpu.memref_squeeze %dma_wait3A_325 : memref<1x16x512xf32, #tpu.memory_space<vmem>> -> memref<16x512xf32, #tpu.memory_space<vmem>>
            %dma_wait3A_327 = arith.constant 0 : i32
            %dma_wait3A_328 = arith.constant 0 : i32
            %dma_wait3A_329 = tpu.memref_slice %arg2[%dma_wait3A_327, %dma_wait3A_328] : memref<160000x512xf32, #tpu.memory_space<hbm>> -> memref<16x512xf32, #tpu.memory_space<hbm>>
            %dma_wait3A_330 = arith.constant 0 : i32
            %dma_wait3A_331 = arith.constant 0 : i32
            %dma_wait3A_332 = tpu.memref_slice %arg14[%dma_wait3A_322, %dma_wait3A_330, %dma_wait3A_331] : memref<2x16x512xf32, #tpu.memory_space<vmem>> -> memref<1x16x512xf32, #tpu.memory_space<vmem>>
            %dma_wait3A_333 = tpu.memref_squeeze %dma_wait3A_332 : memref<1x16x512xf32, #tpu.memory_space<vmem>> -> memref<16x512xf32, #tpu.memory_space<vmem>>
            %dma_wait3A_334 = arith.constant 0 : i32
            %dma_wait3A_335 = arith.constant 0 : i32
            %dma_wait3A_336 = tpu.memref_slice %arg2[%dma_wait3A_334, %dma_wait3A_335] : memref<160000x512xf32, #tpu.memory_space<hbm>> -> memref<16x512xf32, #tpu.memory_space<hbm>>
            tpu.wait_dma2 semaphore(%arg19 : memref<!tpu.dma_semaphore, #tpu.memory_space<semaphore_mem>>) src(%dma_wait3A_336 : memref<16x512xf32, #tpu.memory_space<hbm>>) dst(%dma_wait3A_333 : memref<16x512xf32, #tpu.memory_space<vmem>>)
            %dma_wait3A_337 = arith.constant 1 : i32
            %dma_wait3A_338 = arith.constant 0 : i32
            %dma_wait3A_339 = arith.constant 0 : i32
            %dma_wait3A_340 = tpu.memref_slice %arg15[%dma_wait3A_337, %dma_wait3A_338, %dma_wait3A_339] : memref<2x16x768xf32, #tpu.memory_space<vmem>> -> memref<1x16x768xf32, #tpu.memory_space<vmem>>
            %dma_wait3A_341 = tpu.memref_squeeze %dma_wait3A_340 : memref<1x16x768xf32, #tpu.memory_space<vmem>> -> memref<16x768xf32, #tpu.memory_space<vmem>>
            %dma_wait3A_342 = arith.constant 0 : i32
            %dma_wait3A_343 = arith.constant 0 : i32
            %dma_wait3A_344 = tpu.memref_slice %arg3[%dma_wait3A_342, %dma_wait3A_343] : memref<10000x768xf32, #tpu.memory_space<hbm>> -> memref<16x768xf32, #tpu.memory_space<hbm>>
            %dma_wait3A_345 = arith.constant 0 : i32
            %dma_wait3A_346 = arith.constant 0 : i32
            %dma_wait3A_347 = tpu.memref_slice %arg15[%dma_wait3A_337, %dma_wait3A_345, %dma_wait3A_346] : memref<2x16x768xf32, #tpu.memory_space<vmem>> -> memref<1x16x768xf32, #tpu.memory_space<vmem>>
            %dma_wait3A_348 = tpu.memref_squeeze %dma_wait3A_347 : memref<1x16x768xf32, #tpu.memory_space<vmem>> -> memref<16x768xf32, #tpu.memory_space<vmem>>
            %dma_wait3A_349 = arith.constant 0 : i32
            %dma_wait3A_350 = arith.constant 0 : i32
            %dma_wait3A_351 = tpu.memref_slice %arg3[%dma_wait3A_349, %dma_wait3A_350] : memref<10000x768xf32, #tpu.memory_space<hbm>> -> memref<16x768xf32, #tpu.memory_space<hbm>>
            tpu.wait_dma2 semaphore(%arg19 : memref<!tpu.dma_semaphore, #tpu.memory_space<semaphore_mem>>) src(%dma_wait3A_351 : memref<16x768xf32, #tpu.memory_space<hbm>>) dst(%dma_wait3A_348 : memref<16x768xf32, #tpu.memory_space<vmem>>)
            %scan3A_352 = arith.constant 0 : i32
            %scan3A_353 = arith.constant 0 : i32
            %scan3A_354 = arith.constant 16 : i32
            %scan3A_355 = arith.addi %scan3A_353, %scan3A_354 : i32
            %scan3A_356 = arith.constant 1 : i32
            scf.for %scan3A_370 = %scan3A_353 to %scan3A_355 step %scan3A_356  : i32 {
              %get3A_371 = arith.constant 1 : i32
              %get3A_372 = arith.index_cast %get3A_371 : i32 to index
              %get3A_373 = arith.index_cast %scan3A_370 : i32 to index
              %get3A_374 = arith.constant 0 : index
              %get3A_375 = tpu.vector_load %arg15[%get3A_372, %get3A_373, %get3A_374] {strides = array<i32>} : memref<2x16x768xf32, #tpu.memory_space<vmem>>, vector<16xf32>,
              %get3A_376 = arith.constant 1 : i32
              %get3A_377 = arith.index_cast %get3A_376 : i32 to index
              %get3A_378 = arith.index_cast %scan3A_370 : i32 to index
              %get3A_379 = arith.constant 0 : index
              %get3A_380 = tpu.vector_load %arg14[%get3A_377, %get3A_378, %get3A_379] {strides = array<i32>} : memref<2x16x512xf32, #tpu.memory_space<vmem>>, vector<16xf32>,
              %mul3A_381 = arith.mulf %get3A_375, %get3A_380 : vector<16xf32>
              %swap3A_382 = arith.constant 1 : i32
              %swap3A_383 = arith.index_cast %swap3A_382 : i32 to index
              %swap3A_384 = arith.index_cast %scan3A_370 : i32 to index
              %swap3A_385 = arith.constant 0 : index
              %swap3A_386 = tpu.vector_load %arg16[%swap3A_383, %swap3A_384, %swap3A_385] {strides = array<i32>} : memref<2x64x128xf32, #tpu.memory_space<vmem>>, vector<16xf32>,
              tpu.vector_store %arg16[%swap3A_383, %swap3A_384, %swap3A_385], %mul3A_381 {strides = array<i32>} : memref<2x64x128xf32, #tpu.memory_space<vmem>>, vector<16xf32>,
              %get3A_387 = arith.constant 1 : i32
              %get3A_388 = arith.index_cast %get3A_387 : i32 to index
              %get3A_389 = arith.index_cast %scan3A_370 : i32 to index
              %get3A_390 = arith.constant 16 : index
              %get3A_391 = tpu.vector_load %arg15[%get3A_388, %get3A_389, %get3A_390] {strides = array<i32>} : memref<2x16x768xf32, #tpu.memory_space<vmem>>, vector<16xf32>,
              %get3A_392 = arith.constant 1 : i32
              %get3A_393 = arith.index_cast %get3A_392 : i32 to index
              %get3A_394 = arith.index_cast %scan3A_370 : i32 to index
              %get3A_395 = arith.constant 16 : index
              %get3A_396 = tpu.vector_load %arg14[%get3A_393, %get3A_394, %get3A_395] {strides = array<i32>} : memref<2x16x512xf32, #tpu.memory_space<vmem>>, vector<16xf32>,
              %mul3A_397 = arith.mulf %get3A_391, %get3A_396 : vector<16xf32>
              %swap3A_398 = arith.constant 1 : i32
              %swap3A_399 = arith.index_cast %swap3A_398 : i32 to index
              %swap3A_400 = arith.index_cast %scan3A_370 : i32 to index
              %swap3A_401 = arith.constant 16 : index
              %swap3A_402 = tpu.vector_load %arg16[%swap3A_399, %swap3A_400, %swap3A_401] {strides = array<i32>} : memref<2x64x128xf32, #tpu.memory_space<vmem>>, vector<16xf32>,
              tpu.vector_store %arg16[%swap3A_399, %swap3A_400, %swap3A_401], %mul3A_397 {strides = array<i32>} : memref<2x64x128xf32, #tpu.memory_space<vmem>>, vector<16xf32>,
              %get3A_403 = arith.constant 1 : i32
              %get3A_404 = arith.index_cast %get3A_403 : i32 to index
              %get3A_405 = arith.index_cast %scan3A_370 : i32 to index
              %get3A_406 = arith.constant 32 : index
              %get3A_407 = tpu.vector_load %arg15[%get3A_404, %get3A_405, %get3A_406] {strides = array<i32>} : memref<2x16x768xf32, #tpu.memory_space<vmem>>, vector<16xf32>,
              %get3A_408 = arith.constant 1 : i32
              %get3A_409 = arith.index_cast %get3A_408 : i32 to index
              %get3A_410 = arith.index_cast %scan3A_370 : i32 to index
              %get3A_411 = arith.constant 32 : index
              %get3A_412 = tpu.vector_load %arg14[%get3A_409, %get3A_410, %get3A_411] {strides = array<i32>} : memref<2x16x512xf32, #tpu.memory_space<vmem>>, vector<16xf32>,
              %mul3A_413 = arith.mulf %get3A_407, %get3A_412 : vector<16xf32>
              %swap3A_414 = arith.constant 1 : i32
              %swap3A_415 = arith.index_cast %swap3A_414 : i32 to index
              %swap3A_416 = arith.index_cast %scan3A_370 : i32 to index
              %swap3A_417 = arith.constant 32 : index
              %swap3A_418 = tpu.vector_load %arg16[%swap3A_415, %swap3A_416, %swap3A_417] {strides = array<i32>} : memref<2x64x128xf32, #tpu.memory_space<vmem>>, vector<16xf32>,
              tpu.vector_store %arg16[%swap3A_415, %swap3A_416, %swap3A_417], %mul3A_413 {strides = array<i32>} : memref<2x64x128xf32, #tpu.memory_space<vmem>>, vector<16xf32>,
              %get3A_419 = arith.constant 1 : i32
              %get3A_420 = arith.index_cast %get3A_419 : i32 to index
              %get3A_421 = arith.index_cast %scan3A_370 : i32 to index
              %get3A_422 = arith.constant 48 : index
              %get3A_423 = tpu.vector_load %arg15[%get3A_420, %get3A_421, %get3A_422] {strides = array<i32>} : memref<2x16x768xf32, #tpu.memory_space<vmem>>, vector<16xf32>,
              %get3A_424 = arith.constant 1 : i32
              %get3A_425 = arith.index_cast %get3A_424 : i32 to index
              %get3A_426 = arith.index_cast %scan3A_370 : i32 to index
              %get3A_427 = arith.constant 48 : index
              %get3A_428 = tpu.vector_load %arg14[%get3A_425, %get3A_426, %get3A_427] {strides = array<i32>} : memref<2x16x512xf32, #tpu.memory_space<vmem>>, vector<16xf32>,
              %mul3A_429 = arith.mulf %get3A_423, %get3A_428 : vector<16xf32>
              %swap3A_430 = arith.constant 1 : i32
              %swap3A_431 = arith.index_cast %swap3A_430 : i32 to index
              %swap3A_432 = arith.index_cast %scan3A_370 : i32 to index
              %swap3A_433 = arith.constant 48 : index
              %swap3A_434 = tpu.vector_load %arg16[%swap3A_431, %swap3A_432, %swap3A_433] {strides = array<i32>} : memref<2x64x128xf32, #tpu.memory_space<vmem>>, vector<16xf32>,
              tpu.vector_store %arg16[%swap3A_431, %swap3A_432, %swap3A_433], %mul3A_429 {strides = array<i32>} : memref<2x64x128xf32, #tpu.memory_space<vmem>>, vector<16xf32>,
              %get3A_435 = arith.constant 1 : i32
              %get3A_436 = arith.index_cast %get3A_435 : i32 to index
              %get3A_437 = arith.index_cast %scan3A_370 : i32 to index
              %get3A_438 = arith.constant 64 : index
              %get3A_439 = tpu.vector_load %arg15[%get3A_436, %get3A_437, %get3A_438] {strides = array<i32>} : memref<2x16x768xf32, #tpu.memory_space<vmem>>, vector<16xf32>,
              %get3A_440 = arith.constant 1 : i32
              %get3A_441 = arith.index_cast %get3A_440 : i32 to index
              %get3A_442 = arith.index_cast %scan3A_370 : i32 to index
              %get3A_443 = arith.constant 64 : index
              %get3A_444 = tpu.vector_load %arg14[%get3A_441, %get3A_442, %get3A_443] {strides = array<i32>} : memref<2x16x512xf32, #tpu.memory_space<vmem>>, vector<16xf32>,
              %mul3A_445 = arith.mulf %get3A_439, %get3A_444 : vector<16xf32>
              %swap3A_446 = arith.constant 1 : i32
              %swap3A_447 = arith.index_cast %swap3A_446 : i32 to index
              %swap3A_448 = arith.index_cast %scan3A_370 : i32 to index
              %swap3A_449 = arith.constant 64 : index
              %swap3A_450 = tpu.vector_load %arg16[%swap3A_447, %swap3A_448, %swap3A_449] {strides = array<i32>} : memref<2x64x128xf32, #tpu.memory_space<vmem>>, vector<16xf32>,
              tpu.vector_store %arg16[%swap3A_447, %swap3A_448, %swap3A_449], %mul3A_445 {strides = array<i32>} : memref<2x64x128xf32, #tpu.memory_space<vmem>>, vector<16xf32>,
              %get3A_451 = arith.constant 1 : i32
              %get3A_452 = arith.index_cast %get3A_451 : i32 to index
              %get3A_453 = arith.index_cast %scan3A_370 : i32 to index
              %get3A_454 = arith.constant 80 : index
              %get3A_455 = tpu.vector_load %arg15[%get3A_452, %get3A_453, %get3A_454] {strides = array<i32>} : memref<2x16x768xf32, #tpu.memory_space<vmem>>, vector<16xf32>,
              %get3A_456 = arith.constant 1 : i32
              %get3A_457 = arith.index_cast %get3A_456 : i32 to index
              %get3A_458 = arith.index_cast %scan3A_370 : i32 to index
              %get3A_459 = arith.constant 80 : index
              %get3A_460 = tpu.vector_load %arg14[%get3A_457, %get3A_458, %get3A_459] {strides = array<i32>} : memref<2x16x512xf32, #tpu.memory_space<vmem>>, vector<16xf32>,
              %mul3A_461 = arith.mulf %get3A_455, %get3A_460 : vector<16xf32>
              %swap3A_462 = arith.constant 1 : i32
              %swap3A_463 = arith.index_cast %swap3A_462 : i32 to index
              %swap3A_464 = arith.index_cast %scan3A_370 : i32 to index
              %swap3A_465 = arith.constant 80 : index
              %swap3A_466 = tpu.vector_load %arg16[%swap3A_463, %swap3A_464, %swap3A_465] {strides = array<i32>} : memref<2x64x128xf32, #tpu.memory_space<vmem>>, vector<16xf32>,
              tpu.vector_store %arg16[%swap3A_463, %swap3A_464, %swap3A_465], %mul3A_461 {strides = array<i32>} : memref<2x64x128xf32, #tpu.memory_space<vmem>>, vector<16xf32>,
              %get3A_467 = arith.constant 1 : i32
              %get3A_468 = arith.index_cast %get3A_467 : i32 to index
              %get3A_469 = arith.index_cast %scan3A_370 : i32 to index
              %get3A_470 = arith.constant 96 : index
              %get3A_471 = tpu.vector_load %arg15[%get3A_468, %get3A_469, %get3A_470] {strides = array<i32>} : memref<2x16x768xf32, #tpu.memory_space<vmem>>, vector<16xf32>,
              %get3A_472 = arith.constant 1 : i32
              %get3A_473 = arith.index_cast %get3A_472 : i32 to index
              %get3A_474 = arith.index_cast %scan3A_370 : i32 to index
              %get3A_475 = arith.constant 96 : index
              %get3A_476 = tpu.vector_load %arg14[%get3A_473, %get3A_474, %get3A_475] {strides = array<i32>} : memref<2x16x512xf32, #tpu.memory_space<vmem>>, vector<16xf32>,
              %mul3A_477 = arith.mulf %get3A_471, %get3A_476 : vector<16xf32>
              %swap3A_478 = arith.constant 1 : i32
              %swap3A_479 = arith.index_cast %swap3A_478 : i32 to index
              %swap3A_480 = arith.index_cast %scan3A_370 : i32 to index
              %swap3A_481 = arith.constant 96 : index
              %swap3A_482 = tpu.vector_load %arg16[%swap3A_479, %swap3A_480, %swap3A_481] {strides = array<i32>} : memref<2x64x128xf32, #tpu.memory_space<vmem>>, vector<16xf32>,
              tpu.vector_store %arg16[%swap3A_479, %swap3A_480, %swap3A_481], %mul3A_477 {strides = array<i32>} : memref<2x64x128xf32, #tpu.memory_space<vmem>>, vector<16xf32>,
              %get3A_483 = arith.constant 1 : i32
              %get3A_484 = arith.index_cast %get3A_483 : i32 to index
              %get3A_485 = arith.index_cast %scan3A_370 : i32 to index
              %get3A_486 = arith.constant 112 : index
              %get3A_487 = tpu.vector_load %arg15[%get3A_484, %get3A_485, %get3A_486] {strides = array<i32>} : memref<2x16x768xf32, #tpu.memory_space<vmem>>, vector<16xf32>,
              %get3A_488 = arith.constant 1 : i32
              %get3A_489 = arith.index_cast %get3A_488 : i32 to index
              %get3A_490 = arith.index_cast %scan3A_370 : i32 to index
              %get3A_491 = arith.constant 112 : index
              %get3A_492 = tpu.vector_load %arg14[%get3A_489, %get3A_490, %get3A_491] {strides = array<i32>} : memref<2x16x512xf32, #tpu.memory_space<vmem>>, vector<16xf32>,
              %mul3A_493 = arith.mulf %get3A_487, %get3A_492 : vector<16xf32>
              %swap3A_494 = arith.constant 1 : i32
              %swap3A_495 = arith.index_cast %swap3A_494 : i32 to index
              %swap3A_496 = arith.index_cast %scan3A_370 : i32 to index
              %swap3A_497 = arith.constant 112 : index
              %swap3A_498 = tpu.vector_load %arg16[%swap3A_495, %swap3A_496, %swap3A_497] {strides = array<i32>} : memref<2x64x128xf32, #tpu.memory_space<vmem>>, vector<16xf32>,
              tpu.vector_store %arg16[%swap3A_495, %swap3A_496, %swap3A_497], %mul3A_493 {strides = array<i32>} : memref<2x64x128xf32, #tpu.memory_space<vmem>>, vector<16xf32>,
              %get3A_499 = arith.constant 1 : i32
              %get3A_500 = arith.index_cast %get3A_499 : i32 to index
              %get3A_501 = arith.index_cast %scan3A_370 : i32 to index
              %get3A_502 = arith.constant 384 : index
              %get3A_503 = tpu.vector_load %arg14[%get3A_500, %get3A_501, %get3A_502] {strides = array<i32>} : memref<2x16x512xf32, #tpu.memory_space<vmem>>, vector<16xf32>,
              %get3A_504 = arith.constant 1 : i32
              %get3A_505 = arith.index_cast %get3A_504 : i32 to index
              %get3A_506 = arith.index_cast %scan3A_370 : i32 to index
              %get3A_507 = arith.constant 400 : index
              %get3A_508 = tpu.vector_load %arg14[%get3A_505, %get3A_506, %get3A_507] {strides = array<i32>} : memref<2x16x512xf32, #tpu.memory_space<vmem>>, vector<16xf32>,
              %get3A_509 = arith.constant 1 : i32
              %get3A_510 = arith.index_cast %get3A_509 : i32 to index
              %get3A_511 = arith.index_cast %scan3A_370 : i32 to index
              %get3A_512 = arith.constant 416 : index
              %get3A_513 = tpu.vector_load %arg14[%get3A_510, %get3A_511, %get3A_512] {strides = array<i32>} : memref<2x16x512xf32, #tpu.memory_space<vmem>>, vector<16xf32>,
              %get3A_514 = arith.constant 1 : i32
              %get3A_515 = arith.index_cast %get3A_514 : i32 to index
              %get3A_516 = arith.index_cast %scan3A_370 : i32 to index
              %get3A_517 = arith.constant 128 : index
              %get3A_518 = tpu.vector_load %arg15[%get3A_515, %get3A_516, %get3A_517] {strides = array<i32>} : memref<2x16x768xf32, #tpu.memory_space<vmem>>, vector<16xf32>,
              %get3A_519 = arith.constant 1 : i32
              %get3A_520 = arith.index_cast %get3A_519 : i32 to index
              %get3A_521 = arith.index_cast %scan3A_370 : i32 to index
              %get3A_522 = arith.constant 256 : index
              %get3A_523 = tpu.vector_load %arg15[%get3A_520, %get3A_521, %get3A_522] {strides = array<i32>} : memref<2x16x768xf32, #tpu.memory_space<vmem>>, vector<16xf32>,
              %get3A_524 = arith.constant 1 : i32
              %get3A_525 = arith.index_cast %get3A_524 : i32 to index
              %get3A_526 = arith.index_cast %scan3A_370 : i32 to index
              %get3A_527 = arith.constant 128 : index
              %get3A_528 = tpu.vector_load %arg14[%get3A_525, %get3A_526, %get3A_527] {strides = array<i32>} : memref<2x16x512xf32, #tpu.memory_space<vmem>>, vector<16xf32>,
              %get3A_529 = arith.constant 1 : i32
              %get3A_530 = arith.index_cast %get3A_529 : i32 to index
              %get3A_531 = arith.index_cast %scan3A_370 : i32 to index
              %get3A_532 = arith.constant 256 : index
              %get3A_533 = tpu.vector_load %arg14[%get3A_530, %get3A_531, %get3A_532] {strides = array<i32>} : memref<2x16x512xf32, #tpu.memory_space<vmem>>, vector<16xf32>,
              %mul3A_534 = arith.mulf %get3A_523, %get3A_533 : vector<16xf32>
              %mul3A_535 = arith.mulf %get3A_518, %get3A_528 : vector<16xf32>
              %get3A_536 = arith.constant 1 : i32
              %get3A_537 = arith.index_cast %get3A_536 : i32 to index
              %get3A_538 = arith.index_cast %scan3A_370 : i32 to index
              %get3A_539 = arith.constant 384 : index
              %get3A_540 = tpu.vector_load %arg15[%get3A_537, %get3A_538, %get3A_539] {strides = array<i32>} : memref<2x16x768xf32, #tpu.memory_space<vmem>>, vector<16xf32>,
              %mul3A_541 = arith.mulf %mul3A_535, %get3A_503 : vector<16xf32>
              %mul3A_542 = arith.mulf %mul3A_534, %get3A_540 : vector<16xf32>
              %add3A_543 = arith.addf %mul3A_541, %mul3A_542 : vector<16xf32>
              %add3A_544 = arith.constant 16 : i32
              %add3A_545 = arith.addi %add3A_544, %scan3A_370 : i32
              %swap3A_546 = arith.constant 1 : i32
              %swap3A_547 = arith.index_cast %swap3A_546 : i32 to index
              %swap3A_548 = arith.index_cast %add3A_545 : i32 to index
              %swap3A_549 = arith.constant 0 : index
              %swap3A_550 = tpu.vector_load %arg16[%swap3A_547, %swap3A_548, %swap3A_549] {strides = array<i32>} : memref<2x64x128xf32, #tpu.memory_space<vmem>>, vector<16xf32>,
              tpu.vector_store %arg16[%swap3A_547, %swap3A_548, %swap3A_549], %add3A_543 {strides = array<i32>} : memref<2x64x128xf32, #tpu.memory_space<vmem>>, vector<16xf32>,
              %get3A_551 = arith.constant 1 : i32
              %get3A_552 = arith.index_cast %get3A_551 : i32 to index
              %get3A_553 = arith.index_cast %scan3A_370 : i32 to index
              %get3A_554 = arith.constant 512 : index
              %get3A_555 = tpu.vector_load %arg15[%get3A_552, %get3A_553, %get3A_554] {strides = array<i32>} : memref<2x16x768xf32, #tpu.memory_space<vmem>>, vector<16xf32>,
              %mul3A_556 = arith.mulf %mul3A_535, %get3A_508 : vector<16xf32>
              %mul3A_557 = arith.mulf %mul3A_534, %get3A_555 : vector<16xf32>
              %add3A_558 = arith.addf %mul3A_556, %mul3A_557 : vector<16xf32>
              %add3A_559 = arith.constant 32 : i32
              %add3A_560 = arith.addi %add3A_559, %scan3A_370 : i32
              %swap3A_561 = arith.constant 1 : i32
              %swap3A_562 = arith.index_cast %swap3A_561 : i32 to index
              %swap3A_563 = arith.index_cast %add3A_560 : i32 to index
              %swap3A_564 = arith.constant 0 : index
              %swap3A_565 = tpu.vector_load %arg16[%swap3A_562, %swap3A_563, %swap3A_564] {strides = array<i32>} : memref<2x64x128xf32, #tpu.memory_space<vmem>>, vector<16xf32>,
              tpu.vector_store %arg16[%swap3A_562, %swap3A_563, %swap3A_564], %add3A_558 {strides = array<i32>} : memref<2x64x128xf32, #tpu.memory_space<vmem>>, vector<16xf32>,
              %get3A_566 = arith.constant 1 : i32
              %get3A_567 = arith.index_cast %get3A_566 : i32 to index
              %get3A_568 = arith.index_cast %scan3A_370 : i32 to index
              %get3A_569 = arith.constant 640 : index
              %get3A_570 = tpu.vector_load %arg15[%get3A_567, %get3A_568, %get3A_569] {strides = array<i32>} : memref<2x16x768xf32, #tpu.memory_space<vmem>>, vector<16xf32>,
              %mul3A_571 = arith.mulf %mul3A_535, %get3A_513 : vector<16xf32>
              %mul3A_572 = arith.mulf %mul3A_534, %get3A_570 : vector<16xf32>
              %add3A_573 = arith.addf %mul3A_571, %mul3A_572 : vector<16xf32>
              %add3A_574 = arith.constant 48 : i32
              %add3A_575 = arith.addi %add3A_574, %scan3A_370 : i32
              %swap3A_576 = arith.constant 1 : i32
              %swap3A_577 = arith.index_cast %swap3A_576 : i32 to index
              %swap3A_578 = arith.index_cast %add3A_575 : i32 to index
              %swap3A_579 = arith.constant 0 : index
              %swap3A_580 = tpu.vector_load %arg16[%swap3A_577, %swap3A_578, %swap3A_579] {strides = array<i32>} : memref<2x64x128xf32, #tpu.memory_space<vmem>>, vector<16xf32>,
              tpu.vector_store %arg16[%swap3A_577, %swap3A_578, %swap3A_579], %add3A_573 {strides = array<i32>} : memref<2x64x128xf32, #tpu.memory_space<vmem>>, vector<16xf32>,
              %get3A_581 = arith.constant 1 : i32
              %get3A_582 = arith.index_cast %get3A_581 : i32 to index
              %get3A_583 = arith.index_cast %scan3A_370 : i32 to index
              %get3A_584 = arith.constant 144 : index
              %get3A_585 = tpu.vector_load %arg15[%get3A_582, %get3A_583, %get3A_584] {strides = array<i32>} : memref<2x16x768xf32, #tpu.memory_space<vmem>>, vector<16xf32>,
              %get3A_586 = arith.constant 1 : i32
              %get3A_587 = arith.index_cast %get3A_586 : i32 to index
              %get3A_588 = arith.index_cast %scan3A_370 : i32 to index
              %get3A_589 = arith.constant 272 : index
              %get3A_590 = tpu.vector_load %arg15[%get3A_587, %get3A_588, %get3A_589] {strides = array<i32>} : memref<2x16x768xf32, #tpu.memory_space<vmem>>, vector<16xf32>,
              %get3A_591 = arith.constant 1 : i32
              %get3A_592 = arith.index_cast %get3A_591 : i32 to index
              %get3A_593 = arith.index_cast %scan3A_370 : i32 to index
              %get3A_594 = arith.constant 144 : index
              %get3A_595 = tpu.vector_load %arg14[%get3A_592, %get3A_593, %get3A_594] {strides = array<i32>} : memref<2x16x512xf32, #tpu.memory_space<vmem>>, vector<16xf32>,
              %get3A_596 = arith.constant 1 : i32
              %get3A_597 = arith.index_cast %get3A_596 : i32 to index
              %get3A_598 = arith.index_cast %scan3A_370 : i32 to index
              %get3A_599 = arith.constant 272 : index
              %get3A_600 = tpu.vector_load %arg14[%get3A_597, %get3A_598, %get3A_599] {strides = array<i32>} : memref<2x16x512xf32, #tpu.memory_space<vmem>>, vector<16xf32>,
              %mul3A_601 = arith.mulf %get3A_590, %get3A_600 : vector<16xf32>
              %mul3A_602 = arith.mulf %get3A_585, %get3A_595 : vector<16xf32>
              %get3A_603 = arith.constant 1 : i32
              %get3A_604 = arith.index_cast %get3A_603 : i32 to index
              %get3A_605 = arith.index_cast %scan3A_370 : i32 to index
              %get3A_606 = arith.constant 400 : index
              %get3A_607 = tpu.vector_load %arg15[%get3A_604, %get3A_605, %get3A_606] {strides = array<i32>} : memref<2x16x768xf32, #tpu.memory_space<vmem>>, vector<16xf32>,
              %mul3A_608 = arith.mulf %mul3A_602, %get3A_503 : vector<16xf32>
              %mul3A_609 = arith.mulf %mul3A_601, %get3A_607 : vector<16xf32>
              %add3A_610 = arith.addf %mul3A_608, %mul3A_609 : vector<16xf32>
              %add3A_611 = arith.constant 16 : i32
              %add3A_612 = arith.addi %add3A_611, %scan3A_370 : i32
              %swap3A_613 = arith.constant 1 : i32
              %swap3A_614 = arith.index_cast %swap3A_613 : i32 to index
              %swap3A_615 = arith.index_cast %add3A_612 : i32 to index
              %swap3A_616 = arith.constant 16 : index
              %swap3A_617 = tpu.vector_load %arg16[%swap3A_614, %swap3A_615, %swap3A_616] {strides = array<i32>} : memref<2x64x128xf32, #tpu.memory_space<vmem>>, vector<16xf32>,
              tpu.vector_store %arg16[%swap3A_614, %swap3A_615, %swap3A_616], %add3A_610 {strides = array<i32>} : memref<2x64x128xf32, #tpu.memory_space<vmem>>, vector<16xf32>,
              %get3A_618 = arith.constant 1 : i32
              %get3A_619 = arith.index_cast %get3A_618 : i32 to index
              %get3A_620 = arith.index_cast %scan3A_370 : i32 to index
              %get3A_621 = arith.constant 528 : index
              %get3A_622 = tpu.vector_load %arg15[%get3A_619, %get3A_620, %get3A_621] {strides = array<i32>} : memref<2x16x768xf32, #tpu.memory_space<vmem>>, vector<16xf32>,
              %mul3A_623 = arith.mulf %mul3A_602, %get3A_508 : vector<16xf32>
              %mul3A_624 = arith.mulf %mul3A_601, %get3A_622 : vector<16xf32>
              %add3A_625 = arith.addf %mul3A_623, %mul3A_624 : vector<16xf32>
              %add3A_626 = arith.constant 32 : i32
              %add3A_627 = arith.addi %add3A_626, %scan3A_370 : i32
              %swap3A_628 = arith.constant 1 : i32
              %swap3A_629 = arith.index_cast %swap3A_628 : i32 to index
              %swap3A_630 = arith.index_cast %add3A_627 : i32 to index
              %swap3A_631 = arith.constant 16 : index
              %swap3A_632 = tpu.vector_load %arg16[%swap3A_629, %swap3A_630, %swap3A_631] {strides = array<i32>} : memref<2x64x128xf32, #tpu.memory_space<vmem>>, vector<16xf32>,
              tpu.vector_store %arg16[%swap3A_629, %swap3A_630, %swap3A_631], %add3A_625 {strides = array<i32>} : memref<2x64x128xf32, #tpu.memory_space<vmem>>, vector<16xf32>,
              %get3A_633 = arith.constant 1 : i32
              %get3A_634 = arith.index_cast %get3A_633 : i32 to index
              %get3A_635 = arith.index_cast %scan3A_370 : i32 to index
              %get3A_636 = arith.constant 656 : index
              %get3A_637 = tpu.vector_load %arg15[%get3A_634, %get3A_635, %get3A_636] {strides = array<i32>} : memref<2x16x768xf32, #tpu.memory_space<vmem>>, vector<16xf32>,
              %mul3A_638 = arith.mulf %mul3A_602, %get3A_513 : vector<16xf32>
              %mul3A_639 = arith.mulf %mul3A_601, %get3A_637 : vector<16xf32>
              %add3A_640 = arith.addf %mul3A_638, %mul3A_639 : vector<16xf32>
              %add3A_641 = arith.constant 48 : i32
              %add3A_642 = arith.addi %add3A_641, %scan3A_370 : i32
              %swap3A_643 = arith.constant 1 : i32
              %swap3A_644 = arith.index_cast %swap3A_643 : i32 to index
              %swap3A_645 = arith.index_cast %add3A_642 : i32 to index
              %swap3A_646 = arith.constant 16 : index
              %swap3A_647 = tpu.vector_load %arg16[%swap3A_644, %swap3A_645, %swap3A_646] {strides = array<i32>} : memref<2x64x128xf32, #tpu.memory_space<vmem>>, vector<16xf32>,
              tpu.vector_store %arg16[%swap3A_644, %swap3A_645, %swap3A_646], %add3A_640 {strides = array<i32>} : memref<2x64x128xf32, #tpu.memory_space<vmem>>, vector<16xf32>,
              %get3A_648 = arith.constant 1 : i32
              %get3A_649 = arith.index_cast %get3A_648 : i32 to index
              %get3A_650 = arith.index_cast %scan3A_370 : i32 to index
              %get3A_651 = arith.constant 160 : index
              %get3A_652 = tpu.vector_load %arg15[%get3A_649, %get3A_650, %get3A_651] {strides = array<i32>} : memref<2x16x768xf32, #tpu.memory_space<vmem>>, vector<16xf32>,
              %get3A_653 = arith.constant 1 : i32
              %get3A_654 = arith.index_cast %get3A_653 : i32 to index
              %get3A_655 = arith.index_cast %scan3A_370 : i32 to index
              %get3A_656 = arith.constant 288 : index
              %get3A_657 = tpu.vector_load %arg15[%get3A_654, %get3A_655, %get3A_656] {strides = array<i32>} : memref<2x16x768xf32, #tpu.memory_space<vmem>>, vector<16xf32>,
              %get3A_658 = arith.constant 1 : i32
              %get3A_659 = arith.index_cast %get3A_658 : i32 to index
              %get3A_660 = arith.index_cast %scan3A_370 : i32 to index
              %get3A_661 = arith.constant 160 : index
              %get3A_662 = tpu.vector_load %arg14[%get3A_659, %get3A_660, %get3A_661] {strides = array<i32>} : memref<2x16x512xf32, #tpu.memory_space<vmem>>, vector<16xf32>,
              %get3A_663 = arith.constant 1 : i32
              %get3A_664 = arith.index_cast %get3A_663 : i32 to index
              %get3A_665 = arith.index_cast %scan3A_370 : i32 to index
              %get3A_666 = arith.constant 288 : index
              %get3A_667 = tpu.vector_load %arg14[%get3A_664, %get3A_665, %get3A_666] {strides = array<i32>} : memref<2x16x512xf32, #tpu.memory_space<vmem>>, vector<16xf32>,
              %mul3A_668 = arith.mulf %get3A_657, %get3A_667 : vector<16xf32>
              %mul3A_669 = arith.mulf %get3A_652, %get3A_662 : vector<16xf32>
              %get3A_670 = arith.constant 1 : i32
              %get3A_671 = arith.index_cast %get3A_670 : i32 to index
              %get3A_672 = arith.index_cast %scan3A_370 : i32 to index
              %get3A_673 = arith.constant 416 : index
              %get3A_674 = tpu.vector_load %arg15[%get3A_671, %get3A_672, %get3A_673] {strides = array<i32>} : memref<2x16x768xf32, #tpu.memory_space<vmem>>, vector<16xf32>,
              %mul3A_675 = arith.mulf %mul3A_669, %get3A_503 : vector<16xf32>
              %mul3A_676 = arith.mulf %mul3A_668, %get3A_674 : vector<16xf32>
              %add3A_677 = arith.addf %mul3A_675, %mul3A_676 : vector<16xf32>
              %add3A_678 = arith.constant 16 : i32
              %add3A_679 = arith.addi %add3A_678, %scan3A_370 : i32
              %swap3A_680 = arith.constant 1 : i32
              %swap3A_681 = arith.index_cast %swap3A_680 : i32 to index
              %swap3A_682 = arith.index_cast %add3A_679 : i32 to index
              %swap3A_683 = arith.constant 32 : index
              %swap3A_684 = tpu.vector_load %arg16[%swap3A_681, %swap3A_682, %swap3A_683] {strides = array<i32>} : memref<2x64x128xf32, #tpu.memory_space<vmem>>, vector<16xf32>,
              tpu.vector_store %arg16[%swap3A_681, %swap3A_682, %swap3A_683], %add3A_677 {strides = array<i32>} : memref<2x64x128xf32, #tpu.memory_space<vmem>>, vector<16xf32>,
              %get3A_685 = arith.constant 1 : i32
              %get3A_686 = arith.index_cast %get3A_685 : i32 to index
              %get3A_687 = arith.index_cast %scan3A_370 : i32 to index
              %get3A_688 = arith.constant 544 : index
              %get3A_689 = tpu.vector_load %arg15[%get3A_686, %get3A_687, %get3A_688] {strides = array<i32>} : memref<2x16x768xf32, #tpu.memory_space<vmem>>, vector<16xf32>,
              %mul3A_690 = arith.mulf %mul3A_669, %get3A_508 : vector<16xf32>
              %mul3A_691 = arith.mulf %mul3A_668, %get3A_689 : vector<16xf32>
              %add3A_692 = arith.addf %mul3A_690, %mul3A_691 : vector<16xf32>
              %add3A_693 = arith.constant 32 : i32
              %add3A_694 = arith.addi %add3A_693, %scan3A_370 : i32
              %swap3A_695 = arith.constant 1 : i32
              %swap3A_696 = arith.index_cast %swap3A_695 : i32 to index
              %swap3A_697 = arith.index_cast %add3A_694 : i32 to index
              %swap3A_698 = arith.constant 32 : index
              %swap3A_699 = tpu.vector_load %arg16[%swap3A_696, %swap3A_697, %swap3A_698] {strides = array<i32>} : memref<2x64x128xf32, #tpu.memory_space<vmem>>, vector<16xf32>,
              tpu.vector_store %arg16[%swap3A_696, %swap3A_697, %swap3A_698], %add3A_692 {strides = array<i32>} : memref<2x64x128xf32, #tpu.memory_space<vmem>>, vector<16xf32>,
              %get3A_700 = arith.constant 1 : i32
              %get3A_701 = arith.index_cast %get3A_700 : i32 to index
              %get3A_702 = arith.index_cast %scan3A_370 : i32 to index
              %get3A_703 = arith.constant 672 : index
              %get3A_704 = tpu.vector_load %arg15[%get3A_701, %get3A_702, %get3A_703] {strides = array<i32>} : memref<2x16x768xf32, #tpu.memory_space<vmem>>, vector<16xf32>,
              %mul3A_705 = arith.mulf %mul3A_669, %get3A_513 : vector<16xf32>
              %mul3A_706 = arith.mulf %mul3A_668, %get3A_704 : vector<16xf32>
              %add3A_707 = arith.addf %mul3A_705, %mul3A_706 : vector<16xf32>
              %add3A_708 = arith.constant 48 : i32
              %add3A_709 = arith.addi %add3A_708, %scan3A_370 : i32
              %swap3A_710 = arith.constant 1 : i32
              %swap3A_711 = arith.index_cast %swap3A_710 : i32 to index
              %swap3A_712 = arith.index_cast %add3A_709 : i32 to index
              %swap3A_713 = arith.constant 32 : index
              %swap3A_714 = tpu.vector_load %arg16[%swap3A_711, %swap3A_712, %swap3A_713] {strides = array<i32>} : memref<2x64x128xf32, #tpu.memory_space<vmem>>, vector<16xf32>,
              tpu.vector_store %arg16[%swap3A_711, %swap3A_712, %swap3A_713], %add3A_707 {strides = array<i32>} : memref<2x64x128xf32, #tpu.memory_space<vmem>>, vector<16xf32>,
              %get3A_715 = arith.constant 1 : i32
              %get3A_716 = arith.index_cast %get3A_715 : i32 to index
              %get3A_717 = arith.index_cast %scan3A_370 : i32 to index
              %get3A_718 = arith.constant 176 : index
              %get3A_719 = tpu.vector_load %arg15[%get3A_716, %get3A_717, %get3A_718] {strides = array<i32>} : memref<2x16x768xf32, #tpu.memory_space<vmem>>, vector<16xf32>,
              %get3A_720 = arith.constant 1 : i32
              %get3A_721 = arith.index_cast %get3A_720 : i32 to index
              %get3A_722 = arith.index_cast %scan3A_370 : i32 to index
              %get3A_723 = arith.constant 304 : index
              %get3A_724 = tpu.vector_load %arg15[%get3A_721, %get3A_722, %get3A_723] {strides = array<i32>} : memref<2x16x768xf32, #tpu.memory_space<vmem>>, vector<16xf32>,
              %get3A_725 = arith.constant 1 : i32
              %get3A_726 = arith.index_cast %get3A_725 : i32 to index
              %get3A_727 = arith.index_cast %scan3A_370 : i32 to index
              %get3A_728 = arith.constant 176 : index
              %get3A_729 = tpu.vector_load %arg14[%get3A_726, %get3A_727, %get3A_728] {strides = array<i32>} : memref<2x16x512xf32, #tpu.memory_space<vmem>>, vector<16xf32>,
              %get3A_730 = arith.constant 1 : i32
              %get3A_731 = arith.index_cast %get3A_730 : i32 to index
              %get3A_732 = arith.index_cast %scan3A_370 : i32 to index
              %get3A_733 = arith.constant 304 : index
              %get3A_734 = tpu.vector_load %arg14[%get3A_731, %get3A_732, %get3A_733] {strides = array<i32>} : memref<2x16x512xf32, #tpu.memory_space<vmem>>, vector<16xf32>,
              %mul3A_735 = arith.mulf %get3A_724, %get3A_734 : vector<16xf32>
              %mul3A_736 = arith.mulf %get3A_719, %get3A_729 : vector<16xf32>
              %get3A_737 = arith.constant 1 : i32
              %get3A_738 = arith.index_cast %get3A_737 : i32 to index
              %get3A_739 = arith.index_cast %scan3A_370 : i32 to index
              %get3A_740 = arith.constant 432 : index
              %get3A_741 = tpu.vector_load %arg15[%get3A_738, %get3A_739, %get3A_740] {strides = array<i32>} : memref<2x16x768xf32, #tpu.memory_space<vmem>>, vector<16xf32>,
              %mul3A_742 = arith.mulf %mul3A_736, %get3A_503 : vector<16xf32>
              %mul3A_743 = arith.mulf %mul3A_735, %get3A_741 : vector<16xf32>
              %add3A_744 = arith.addf %mul3A_742, %mul3A_743 : vector<16xf32>
              %add3A_745 = arith.constant 16 : i32
              %add3A_746 = arith.addi %add3A_745, %scan3A_370 : i32
              %swap3A_747 = arith.constant 1 : i32
              %swap3A_748 = arith.index_cast %swap3A_747 : i32 to index
              %swap3A_749 = arith.index_cast %add3A_746 : i32 to index
              %swap3A_750 = arith.constant 48 : index
              %swap3A_751 = tpu.vector_load %arg16[%swap3A_748, %swap3A_749, %swap3A_750] {strides = array<i32>} : memref<2x64x128xf32, #tpu.memory_space<vmem>>, vector<16xf32>,
              tpu.vector_store %arg16[%swap3A_748, %swap3A_749, %swap3A_750], %add3A_744 {strides = array<i32>} : memref<2x64x128xf32, #tpu.memory_space<vmem>>, vector<16xf32>,
              %get3A_752 = arith.constant 1 : i32
              %get3A_753 = arith.index_cast %get3A_752 : i32 to index
              %get3A_754 = arith.index_cast %scan3A_370 : i32 to index
              %get3A_755 = arith.constant 560 : index
              %get3A_756 = tpu.vector_load %arg15[%get3A_753, %get3A_754, %get3A_755] {strides = array<i32>} : memref<2x16x768xf32, #tpu.memory_space<vmem>>, vector<16xf32>,
              %mul3A_757 = arith.mulf %mul3A_736, %get3A_508 : vector<16xf32>
              %mul3A_758 = arith.mulf %mul3A_735, %get3A_756 : vector<16xf32>
              %add3A_759 = arith.addf %mul3A_757, %mul3A_758 : vector<16xf32>
              %add3A_760 = arith.constant 32 : i32
              %add3A_761 = arith.addi %add3A_760, %scan3A_370 : i32
              %swap3A_762 = arith.constant 1 : i32
              %swap3A_763 = arith.index_cast %swap3A_762 : i32 to index
              %swap3A_764 = arith.index_cast %add3A_761 : i32 to index
              %swap3A_765 = arith.constant 48 : index
              %swap3A_766 = tpu.vector_load %arg16[%swap3A_763, %swap3A_764, %swap3A_765] {strides = array<i32>} : memref<2x64x128xf32, #tpu.memory_space<vmem>>, vector<16xf32>,
              tpu.vector_store %arg16[%swap3A_763, %swap3A_764, %swap3A_765], %add3A_759 {strides = array<i32>} : memref<2x64x128xf32, #tpu.memory_space<vmem>>, vector<16xf32>,
              %get3A_767 = arith.constant 1 : i32
              %get3A_768 = arith.index_cast %get3A_767 : i32 to index
              %get3A_769 = arith.index_cast %scan3A_370 : i32 to index
              %get3A_770 = arith.constant 688 : index
              %get3A_771 = tpu.vector_load %arg15[%get3A_768, %get3A_769, %get3A_770] {strides = array<i32>} : memref<2x16x768xf32, #tpu.memory_space<vmem>>, vector<16xf32>,
              %mul3A_772 = arith.mulf %mul3A_736, %get3A_513 : vector<16xf32>
              %mul3A_773 = arith.mulf %mul3A_735, %get3A_771 : vector<16xf32>
              %add3A_774 = arith.addf %mul3A_772, %mul3A_773 : vector<16xf32>
              %add3A_775 = arith.constant 48 : i32
              %add3A_776 = arith.addi %add3A_775, %scan3A_370 : i32
              %swap3A_777 = arith.constant 1 : i32
              %swap3A_778 = arith.index_cast %swap3A_777 : i32 to index
              %swap3A_779 = arith.index_cast %add3A_776 : i32 to index
              %swap3A_780 = arith.constant 48 : index
              %swap3A_781 = tpu.vector_load %arg16[%swap3A_778, %swap3A_779, %swap3A_780] {strides = array<i32>} : memref<2x64x128xf32, #tpu.memory_space<vmem>>, vector<16xf32>,
              tpu.vector_store %arg16[%swap3A_778, %swap3A_779, %swap3A_780], %add3A_774 {strides = array<i32>} : memref<2x64x128xf32, #tpu.memory_space<vmem>>, vector<16xf32>,
              %get3A_782 = arith.constant 1 : i32
              %get3A_783 = arith.index_cast %get3A_782 : i32 to index
              %get3A_784 = arith.index_cast %scan3A_370 : i32 to index
              %get3A_785 = arith.constant 192 : index
              %get3A_786 = tpu.vector_load %arg15[%get3A_783, %get3A_784, %get3A_785] {strides = array<i32>} : memref<2x16x768xf32, #tpu.memory_space<vmem>>, vector<16xf32>,
              %get3A_787 = arith.constant 1 : i32
              %get3A_788 = arith.index_cast %get3A_787 : i32 to index
              %get3A_789 = arith.index_cast %scan3A_370 : i32 to index
              %get3A_790 = arith.constant 320 : index
              %get3A_791 = tpu.vector_load %arg15[%get3A_788, %get3A_789, %get3A_790] {strides = array<i32>} : memref<2x16x768xf32, #tpu.memory_space<vmem>>, vector<16xf32>,
              %get3A_792 = arith.constant 1 : i32
              %get3A_793 = arith.index_cast %get3A_792 : i32 to index
              %get3A_794 = arith.index_cast %scan3A_370 : i32 to index
              %get3A_795 = arith.constant 192 : index
              %get3A_796 = tpu.vector_load %arg14[%get3A_793, %get3A_794, %get3A_795] {strides = array<i32>} : memref<2x16x512xf32, #tpu.memory_space<vmem>>, vector<16xf32>,
              %get3A_797 = arith.constant 1 : i32
              %get3A_798 = arith.index_cast %get3A_797 : i32 to index
              %get3A_799 = arith.index_cast %scan3A_370 : i32 to index
              %get3A_800 = arith.constant 320 : index
              %get3A_801 = tpu.vector_load %arg14[%get3A_798, %get3A_799, %get3A_800] {strides = array<i32>} : memref<2x16x512xf32, #tpu.memory_space<vmem>>, vector<16xf32>,
              %mul3A_802 = arith.mulf %get3A_791, %get3A_801 : vector<16xf32>
              %mul3A_803 = arith.mulf %get3A_786, %get3A_796 : vector<16xf32>
              %get3A_804 = arith.constant 1 : i32
              %get3A_805 = arith.index_cast %get3A_804 : i32 to index
              %get3A_806 = arith.index_cast %scan3A_370 : i32 to index
              %get3A_807 = arith.constant 448 : index
              %get3A_808 = tpu.vector_load %arg15[%get3A_805, %get3A_806, %get3A_807] {strides = array<i32>} : memref<2x16x768xf32, #tpu.memory_space<vmem>>, vector<16xf32>,
              %mul3A_809 = arith.mulf %mul3A_803, %get3A_503 : vector<16xf32>
              %mul3A_810 = arith.mulf %mul3A_802, %get3A_808 : vector<16xf32>
              %add3A_811 = arith.addf %mul3A_809, %mul3A_810 : vector<16xf32>
              %add3A_812 = arith.constant 16 : i32
              %add3A_813 = arith.addi %add3A_812, %scan3A_370 : i32
              %swap3A_814 = arith.constant 1 : i32
              %swap3A_815 = arith.index_cast %swap3A_814 : i32 to index
              %swap3A_816 = arith.index_cast %add3A_813 : i32 to index
              %swap3A_817 = arith.constant 64 : index
              %swap3A_818 = tpu.vector_load %arg16[%swap3A_815, %swap3A_816, %swap3A_817] {strides = array<i32>} : memref<2x64x128xf32, #tpu.memory_space<vmem>>, vector<16xf32>,
              tpu.vector_store %arg16[%swap3A_815, %swap3A_816, %swap3A_817], %add3A_811 {strides = array<i32>} : memref<2x64x128xf32, #tpu.memory_space<vmem>>, vector<16xf32>,
              %get3A_819 = arith.constant 1 : i32
              %get3A_820 = arith.index_cast %get3A_819 : i32 to index
              %get3A_821 = arith.index_cast %scan3A_370 : i32 to index
              %get3A_822 = arith.constant 576 : index
              %get3A_823 = tpu.vector_load %arg15[%get3A_820, %get3A_821, %get3A_822] {strides = array<i32>} : memref<2x16x768xf32, #tpu.memory_space<vmem>>, vector<16xf32>,
              %mul3A_824 = arith.mulf %mul3A_803, %get3A_508 : vector<16xf32>
              %mul3A_825 = arith.mulf %mul3A_802, %get3A_823 : vector<16xf32>
              %add3A_826 = arith.addf %mul3A_824, %mul3A_825 : vector<16xf32>
              %add3A_827 = arith.constant 32 : i32
              %add3A_828 = arith.addi %add3A_827, %scan3A_370 : i32
              %swap3A_829 = arith.constant 1 : i32
              %swap3A_830 = arith.index_cast %swap3A_829 : i32 to index
              %swap3A_831 = arith.index_cast %add3A_828 : i32 to index
              %swap3A_832 = arith.constant 64 : index
              %swap3A_833 = tpu.vector_load %arg16[%swap3A_830, %swap3A_831, %swap3A_832] {strides = array<i32>} : memref<2x64x128xf32, #tpu.memory_space<vmem>>, vector<16xf32>,
              tpu.vector_store %arg16[%swap3A_830, %swap3A_831, %swap3A_832], %add3A_826 {strides = array<i32>} : memref<2x64x128xf32, #tpu.memory_space<vmem>>, vector<16xf32>,
              %get3A_834 = arith.constant 1 : i32
              %get3A_835 = arith.index_cast %get3A_834 : i32 to index
              %get3A_836 = arith.index_cast %scan3A_370 : i32 to index
              %get3A_837 = arith.constant 704 : index
              %get3A_838 = tpu.vector_load %arg15[%get3A_835, %get3A_836, %get3A_837] {strides = array<i32>} : memref<2x16x768xf32, #tpu.memory_space<vmem>>, vector<16xf32>,
              %mul3A_839 = arith.mulf %mul3A_803, %get3A_513 : vector<16xf32>
              %mul3A_840 = arith.mulf %mul3A_802, %get3A_838 : vector<16xf32>
              %add3A_841 = arith.addf %mul3A_839, %mul3A_840 : vector<16xf32>
              %add3A_842 = arith.constant 48 : i32
              %add3A_843 = arith.addi %add3A_842, %scan3A_370 : i32
              %swap3A_844 = arith.constant 1 : i32
              %swap3A_845 = arith.index_cast %swap3A_844 : i32 to index
              %swap3A_846 = arith.index_cast %add3A_843 : i32 to index
              %swap3A_847 = arith.constant 64 : index
              %swap3A_848 = tpu.vector_load %arg16[%swap3A_845, %swap3A_846, %swap3A_847] {strides = array<i32>} : memref<2x64x128xf32, #tpu.memory_space<vmem>>, vector<16xf32>,
              tpu.vector_store %arg16[%swap3A_845, %swap3A_846, %swap3A_847], %add3A_841 {strides = array<i32>} : memref<2x64x128xf32, #tpu.memory_space<vmem>>, vector<16xf32>,
              %get3A_849 = arith.constant 1 : i32
              %get3A_850 = arith.index_cast %get3A_849 : i32 to index
              %get3A_851 = arith.index_cast %scan3A_370 : i32 to index
              %get3A_852 = arith.constant 208 : index
              %get3A_853 = tpu.vector_load %arg15[%get3A_850, %get3A_851, %get3A_852] {strides = array<i32>} : memref<2x16x768xf32, #tpu.memory_space<vmem>>, vector<16xf32>,
              %get3A_854 = arith.constant 1 : i32
              %get3A_855 = arith.index_cast %get3A_854 : i32 to index
              %get3A_856 = arith.index_cast %scan3A_370 : i32 to index
              %get3A_857 = arith.constant 336 : index
              %get3A_858 = tpu.vector_load %arg15[%get3A_855, %get3A_856, %get3A_857] {strides = array<i32>} : memref<2x16x768xf32, #tpu.memory_space<vmem>>, vector<16xf32>,
              %get3A_859 = arith.constant 1 : i32
              %get3A_860 = arith.index_cast %get3A_859 : i32 to index
              %get3A_861 = arith.index_cast %scan3A_370 : i32 to index
              %get3A_862 = arith.constant 208 : index
              %get3A_863 = tpu.vector_load %arg14[%get3A_860, %get3A_861, %get3A_862] {strides = array<i32>} : memref<2x16x512xf32, #tpu.memory_space<vmem>>, vector<16xf32>,
              %get3A_864 = arith.constant 1 : i32
              %get3A_865 = arith.index_cast %get3A_864 : i32 to index
              %get3A_866 = arith.index_cast %scan3A_370 : i32 to index
              %get3A_867 = arith.constant 336 : index
              %get3A_868 = tpu.vector_load %arg14[%get3A_865, %get3A_866, %get3A_867] {strides = array<i32>} : memref<2x16x512xf32, #tpu.memory_space<vmem>>, vector<16xf32>,
              %mul3A_869 = arith.mulf %get3A_858, %get3A_868 : vector<16xf32>
              %mul3A_870 = arith.mulf %get3A_853, %get3A_863 : vector<16xf32>
              %get3A_871 = arith.constant 1 : i32
              %get3A_872 = arith.index_cast %get3A_871 : i32 to index
              %get3A_873 = arith.index_cast %scan3A_370 : i32 to index
              %get3A_874 = arith.constant 464 : index
              %get3A_875 = tpu.vector_load %arg15[%get3A_872, %get3A_873, %get3A_874] {strides = array<i32>} : memref<2x16x768xf32, #tpu.memory_space<vmem>>, vector<16xf32>,
              %mul3A_876 = arith.mulf %mul3A_870, %get3A_503 : vector<16xf32>
              %mul3A_877 = arith.mulf %mul3A_869, %get3A_875 : vector<16xf32>
              %add3A_878 = arith.addf %mul3A_876, %mul3A_877 : vector<16xf32>
              %add3A_879 = arith.constant 16 : i32
              %add3A_880 = arith.addi %add3A_879, %scan3A_370 : i32
              %swap3A_881 = arith.constant 1 : i32
              %swap3A_882 = arith.index_cast %swap3A_881 : i32 to index
              %swap3A_883 = arith.index_cast %add3A_880 : i32 to index
              %swap3A_884 = arith.constant 80 : index
              %swap3A_885 = tpu.vector_load %arg16[%swap3A_882, %swap3A_883, %swap3A_884] {strides = array<i32>} : memref<2x64x128xf32, #tpu.memory_space<vmem>>, vector<16xf32>,
              tpu.vector_store %arg16[%swap3A_882, %swap3A_883, %swap3A_884], %add3A_878 {strides = array<i32>} : memref<2x64x128xf32, #tpu.memory_space<vmem>>, vector<16xf32>,
              %get3A_886 = arith.constant 1 : i32
              %get3A_887 = arith.index_cast %get3A_886 : i32 to index
              %get3A_888 = arith.index_cast %scan3A_370 : i32 to index
              %get3A_889 = arith.constant 592 : index
              %get3A_890 = tpu.vector_load %arg15[%get3A_887, %get3A_888, %get3A_889] {strides = array<i32>} : memref<2x16x768xf32, #tpu.memory_space<vmem>>, vector<16xf32>,
              %mul3A_891 = arith.mulf %mul3A_870, %get3A_508 : vector<16xf32>
              %mul3A_892 = arith.mulf %mul3A_869, %get3A_890 : vector<16xf32>
              %add3A_893 = arith.addf %mul3A_891, %mul3A_892 : vector<16xf32>
              %add3A_894 = arith.constant 32 : i32
              %add3A_895 = arith.addi %add3A_894, %scan3A_370 : i32
              %swap3A_896 = arith.constant 1 : i32
              %swap3A_897 = arith.index_cast %swap3A_896 : i32 to index
              %swap3A_898 = arith.index_cast %add3A_895 : i32 to index
              %swap3A_899 = arith.constant 80 : index
              %swap3A_900 = tpu.vector_load %arg16[%swap3A_897, %swap3A_898, %swap3A_899] {strides = array<i32>} : memref<2x64x128xf32, #tpu.memory_space<vmem>>, vector<16xf32>,
              tpu.vector_store %arg16[%swap3A_897, %swap3A_898, %swap3A_899], %add3A_893 {strides = array<i32>} : memref<2x64x128xf32, #tpu.memory_space<vmem>>, vector<16xf32>,
              %get3A_901 = arith.constant 1 : i32
              %get3A_902 = arith.index_cast %get3A_901 : i32 to index
              %get3A_903 = arith.index_cast %scan3A_370 : i32 to index
              %get3A_904 = arith.constant 720 : index
              %get3A_905 = tpu.vector_load %arg15[%get3A_902, %get3A_903, %get3A_904] {strides = array<i32>} : memref<2x16x768xf32, #tpu.memory_space<vmem>>, vector<16xf32>,
              %mul3A_906 = arith.mulf %mul3A_870, %get3A_513 : vector<16xf32>
              %mul3A_907 = arith.mulf %mul3A_869, %get3A_905 : vector<16xf32>
              %add3A_908 = arith.addf %mul3A_906, %mul3A_907 : vector<16xf32>
              %add3A_909 = arith.constant 48 : i32
              %add3A_910 = arith.addi %add3A_909, %scan3A_370 : i32
              %swap3A_911 = arith.constant 1 : i32
              %swap3A_912 = arith.index_cast %swap3A_911 : i32 to index
              %swap3A_913 = arith.index_cast %add3A_910 : i32 to index
              %swap3A_914 = arith.constant 80 : index
              %swap3A_915 = tpu.vector_load %arg16[%swap3A_912, %swap3A_913, %swap3A_914] {strides = array<i32>} : memref<2x64x128xf32, #tpu.memory_space<vmem>>, vector<16xf32>,
              tpu.vector_store %arg16[%swap3A_912, %swap3A_913, %swap3A_914], %add3A_908 {strides = array<i32>} : memref<2x64x128xf32, #tpu.memory_space<vmem>>, vector<16xf32>,
              %get3A_916 = arith.constant 1 : i32
              %get3A_917 = arith.index_cast %get3A_916 : i32 to index
              %get3A_918 = arith.index_cast %scan3A_370 : i32 to index
              %get3A_919 = arith.constant 224 : index
              %get3A_920 = tpu.vector_load %arg15[%get3A_917, %get3A_918, %get3A_919] {strides = array<i32>} : memref<2x16x768xf32, #tpu.memory_space<vmem>>, vector<16xf32>,
              %get3A_921 = arith.constant 1 : i32
              %get3A_922 = arith.index_cast %get3A_921 : i32 to index
              %get3A_923 = arith.index_cast %scan3A_370 : i32 to index
              %get3A_924 = arith.constant 352 : index
              %get3A_925 = tpu.vector_load %arg15[%get3A_922, %get3A_923, %get3A_924] {strides = array<i32>} : memref<2x16x768xf32, #tpu.memory_space<vmem>>, vector<16xf32>,
              %get3A_926 = arith.constant 1 : i32
              %get3A_927 = arith.index_cast %get3A_926 : i32 to index
              %get3A_928 = arith.index_cast %scan3A_370 : i32 to index
              %get3A_929 = arith.constant 224 : index
              %get3A_930 = tpu.vector_load %arg14[%get3A_927, %get3A_928, %get3A_929] {strides = array<i32>} : memref<2x16x512xf32, #tpu.memory_space<vmem>>, vector<16xf32>,
              %get3A_931 = arith.constant 1 : i32
              %get3A_932 = arith.index_cast %get3A_931 : i32 to index
              %get3A_933 = arith.index_cast %scan3A_370 : i32 to index
              %get3A_934 = arith.constant 352 : index
              %get3A_935 = tpu.vector_load %arg14[%get3A_932, %get3A_933, %get3A_934] {strides = array<i32>} : memref<2x16x512xf32, #tpu.memory_space<vmem>>, vector<16xf32>,
              %mul3A_936 = arith.mulf %get3A_925, %get3A_935 : vector<16xf32>
              %mul3A_937 = arith.mulf %get3A_920, %get3A_930 : vector<16xf32>
              %get3A_938 = arith.constant 1 : i32
              %get3A_939 = arith.index_cast %get3A_938 : i32 to index
              %get3A_940 = arith.index_cast %scan3A_370 : i32 to index
              %get3A_941 = arith.constant 480 : index
              %get3A_942 = tpu.vector_load %arg15[%get3A_939, %get3A_940, %get3A_941] {strides = array<i32>} : memref<2x16x768xf32, #tpu.memory_space<vmem>>, vector<16xf32>,
              %mul3A_943 = arith.mulf %mul3A_937, %get3A_503 : vector<16xf32>
              %mul3A_944 = arith.mulf %mul3A_936, %get3A_942 : vector<16xf32>
              %add3A_945 = arith.addf %mul3A_943, %mul3A_944 : vector<16xf32>
              %add3A_946 = arith.constant 16 : i32
              %add3A_947 = arith.addi %add3A_946, %scan3A_370 : i32
              %swap3A_948 = arith.constant 1 : i32
              %swap3A_949 = arith.index_cast %swap3A_948 : i32 to index
              %swap3A_950 = arith.index_cast %add3A_947 : i32 to index
              %swap3A_951 = arith.constant 96 : index
              %swap3A_952 = tpu.vector_load %arg16[%swap3A_949, %swap3A_950, %swap3A_951] {strides = array<i32>} : memref<2x64x128xf32, #tpu.memory_space<vmem>>, vector<16xf32>,
              tpu.vector_store %arg16[%swap3A_949, %swap3A_950, %swap3A_951], %add3A_945 {strides = array<i32>} : memref<2x64x128xf32, #tpu.memory_space<vmem>>, vector<16xf32>,
              %get3A_953 = arith.constant 1 : i32
              %get3A_954 = arith.index_cast %get3A_953 : i32 to index
              %get3A_955 = arith.index_cast %scan3A_370 : i32 to index
              %get3A_956 = arith.constant 608 : index
              %get3A_957 = tpu.vector_load %arg15[%get3A_954, %get3A_955, %get3A_956] {strides = array<i32>} : memref<2x16x768xf32, #tpu.memory_space<vmem>>, vector<16xf32>,
              %mul3A_958 = arith.mulf %mul3A_937, %get3A_508 : vector<16xf32>
              %mul3A_959 = arith.mulf %mul3A_936, %get3A_957 : vector<16xf32>
              %add3A_960 = arith.addf %mul3A_958, %mul3A_959 : vector<16xf32>
              %add3A_961 = arith.constant 32 : i32
              %add3A_962 = arith.addi %add3A_961, %scan3A_370 : i32
              %swap3A_963 = arith.constant 1 : i32
              %swap3A_964 = arith.index_cast %swap3A_963 : i32 to index
              %swap3A_965 = arith.index_cast %add3A_962 : i32 to index
              %swap3A_966 = arith.constant 96 : index
              %swap3A_967 = tpu.vector_load %arg16[%swap3A_964, %swap3A_965, %swap3A_966] {strides = array<i32>} : memref<2x64x128xf32, #tpu.memory_space<vmem>>, vector<16xf32>,
              tpu.vector_store %arg16[%swap3A_964, %swap3A_965, %swap3A_966], %add3A_960 {strides = array<i32>} : memref<2x64x128xf32, #tpu.memory_space<vmem>>, vector<16xf32>,
              %get3A_968 = arith.constant 1 : i32
              %get3A_969 = arith.index_cast %get3A_968 : i32 to index
              %get3A_970 = arith.index_cast %scan3A_370 : i32 to index
              %get3A_971 = arith.constant 736 : index
              %get3A_972 = tpu.vector_load %arg15[%get3A_969, %get3A_970, %get3A_971] {strides = array<i32>} : memref<2x16x768xf32, #tpu.memory_space<vmem>>, vector<16xf32>,
              %mul3A_973 = arith.mulf %mul3A_937, %get3A_513 : vector<16xf32>
              %mul3A_974 = arith.mulf %mul3A_936, %get3A_972 : vector<16xf32>
              %add3A_975 = arith.addf %mul3A_973, %mul3A_974 : vector<16xf32>
              %add3A_976 = arith.constant 48 : i32
              %add3A_977 = arith.addi %add3A_976, %scan3A_370 : i32
              %swap3A_978 = arith.constant 1 : i32
              %swap3A_979 = arith.index_cast %swap3A_978 : i32 to index
              %swap3A_980 = arith.index_cast %add3A_977 : i32 to index
              %swap3A_981 = arith.constant 96 : index
              %swap3A_982 = tpu.vector_load %arg16[%swap3A_979, %swap3A_980, %swap3A_981] {strides = array<i32>} : memref<2x64x128xf32, #tpu.memory_space<vmem>>, vector<16xf32>,
              tpu.vector_store %arg16[%swap3A_979, %swap3A_980, %swap3A_981], %add3A_975 {strides = array<i32>} : memref<2x64x128xf32, #tpu.memory_space<vmem>>, vector<16xf32>,
              %get3A_983 = arith.constant 1 : i32
              %get3A_984 = arith.index_cast %get3A_983 : i32 to index
              %get3A_985 = arith.index_cast %scan3A_370 : i32 to index
              %get3A_986 = arith.constant 240 : index
              %get3A_987 = tpu.vector_load %arg15[%get3A_984, %get3A_985, %get3A_986] {strides = array<i32>} : memref<2x16x768xf32, #tpu.memory_space<vmem>>, vector<16xf32>,
              %get3A_988 = arith.constant 1 : i32
              %get3A_989 = arith.index_cast %get3A_988 : i32 to index
              %get3A_990 = arith.index_cast %scan3A_370 : i32 to index
              %get3A_991 = arith.constant 368 : index
              %get3A_992 = tpu.vector_load %arg15[%get3A_989, %get3A_990, %get3A_991] {strides = array<i32>} : memref<2x16x768xf32, #tpu.memory_space<vmem>>, vector<16xf32>,
              %get3A_993 = arith.constant 1 : i32
              %get3A_994 = arith.index_cast %get3A_993 : i32 to index
              %get3A_995 = arith.index_cast %scan3A_370 : i32 to index
              %get3A_996 = arith.constant 240 : index
              %get3A_997 = tpu.vector_load %arg14[%get3A_994, %get3A_995, %get3A_996] {strides = array<i32>} : memref<2x16x512xf32, #tpu.memory_space<vmem>>, vector<16xf32>,
              %get3A_998 = arith.constant 1 : i32
              %get3A_999 = arith.index_cast %get3A_998 : i32 to index
              %get3A_1000 = arith.index_cast %scan3A_370 : i32 to index
              %get3A_1001 = arith.constant 368 : index
              %get3A_1002 = tpu.vector_load %arg14[%get3A_999, %get3A_1000, %get3A_1001] {strides = array<i32>} : memref<2x16x512xf32, #tpu.memory_space<vmem>>, vector<16xf32>,
              %mul3A_1003 = arith.mulf %get3A_992, %get3A_1002 : vector<16xf32>
              %mul3A_1004 = arith.mulf %get3A_987, %get3A_997 : vector<16xf32>
              %get3A_1005 = arith.constant 1 : i32
              %get3A_1006 = arith.index_cast %get3A_1005 : i32 to index
              %get3A_1007 = arith.index_cast %scan3A_370 : i32 to index
              %get3A_1008 = arith.constant 496 : index
              %get3A_1009 = tpu.vector_load %arg15[%get3A_1006, %get3A_1007, %get3A_1008] {strides = array<i32>} : memref<2x16x768xf32, #tpu.memory_space<vmem>>, vector<16xf32>,
              %mul3A_1010 = arith.mulf %mul3A_1004, %get3A_503 : vector<16xf32>
              %mul3A_1011 = arith.mulf %mul3A_1003, %get3A_1009 : vector<16xf32>
              %add3A_1012 = arith.addf %mul3A_1010, %mul3A_1011 : vector<16xf32>
              %add3A_1013 = arith.constant 16 : i32
              %add3A_1014 = arith.addi %add3A_1013, %scan3A_370 : i32
              %swap3A_1015 = arith.constant 1 : i32
              %swap3A_1016 = arith.index_cast %swap3A_1015 : i32 to index
              %swap3A_1017 = arith.index_cast %add3A_1014 : i32 to index
              %swap3A_1018 = arith.constant 112 : index
              %swap3A_1019 = tpu.vector_load %arg16[%swap3A_1016, %swap3A_1017, %swap3A_1018] {strides = array<i32>} : memref<2x64x128xf32, #tpu.memory_space<vmem>>, vector<16xf32>,
              tpu.vector_store %arg16[%swap3A_1016, %swap3A_1017, %swap3A_1018], %add3A_1012 {strides = array<i32>} : memref<2x64x128xf32, #tpu.memory_space<vmem>>, vector<16xf32>,
              %get3A_1020 = arith.constant 1 : i32
              %get3A_1021 = arith.index_cast %get3A_1020 : i32 to index
              %get3A_1022 = arith.index_cast %scan3A_370 : i32 to index
              %get3A_1023 = arith.constant 624 : index
              %get3A_1024 = tpu.vector_load %arg15[%get3A_1021, %get3A_1022, %get3A_1023] {strides = array<i32>} : memref<2x16x768xf32, #tpu.memory_space<vmem>>, vector<16xf32>,
              %mul3A_1025 = arith.mulf %mul3A_1004, %get3A_508 : vector<16xf32>
              %mul3A_1026 = arith.mulf %mul3A_1003, %get3A_1024 : vector<16xf32>
              %add3A_1027 = arith.addf %mul3A_1025, %mul3A_1026 : vector<16xf32>
              %add3A_1028 = arith.constant 32 : i32
              %add3A_1029 = arith.addi %add3A_1028, %scan3A_370 : i32
              %swap3A_1030 = arith.constant 1 : i32
              %swap3A_1031 = arith.index_cast %swap3A_1030 : i32 to index
              %swap3A_1032 = arith.index_cast %add3A_1029 : i32 to index
              %swap3A_1033 = arith.constant 112 : index
              %swap3A_1034 = tpu.vector_load %arg16[%swap3A_1031, %swap3A_1032, %swap3A_1033] {strides = array<i32>} : memref<2x64x128xf32, #tpu.memory_space<vmem>>, vector<16xf32>,
              tpu.vector_store %arg16[%swap3A_1031, %swap3A_1032, %swap3A_1033], %add3A_1027 {strides = array<i32>} : memref<2x64x128xf32, #tpu.memory_space<vmem>>, vector<16xf32>,
              %get3A_1035 = arith.constant 1 : i32
              %get3A_1036 = arith.index_cast %get3A_1035 : i32 to index
              %get3A_1037 = arith.index_cast %scan3A_370 : i32 to index
              %get3A_1038 = arith.constant 752 : index
              %get3A_1039 = tpu.vector_load %arg15[%get3A_1036, %get3A_1037, %get3A_1038] {strides = array<i32>} : memref<2x16x768xf32, #tpu.memory_space<vmem>>, vector<16xf32>,
              %mul3A_1040 = arith.mulf %mul3A_1004, %get3A_513 : vector<16xf32>
              %mul3A_1041 = arith.mulf %mul3A_1003, %get3A_1039 : vector<16xf32>
              %add3A_1042 = arith.addf %mul3A_1040, %mul3A_1041 : vector<16xf32>
              %add3A_1043 = arith.constant 48 : i32
              %add3A_1044 = arith.addi %add3A_1043, %scan3A_370 : i32
              %swap3A_1045 = arith.constant 1 : i32
              %swap3A_1046 = arith.index_cast %swap3A_1045 : i32 to index
              %swap3A_1047 = arith.index_cast %add3A_1044 : i32 to index
              %swap3A_1048 = arith.constant 112 : index
              %swap3A_1049 = tpu.vector_load %arg16[%swap3A_1046, %swap3A_1047, %swap3A_1048] {strides = array<i32>} : memref<2x64x128xf32, #tpu.memory_space<vmem>>, vector<16xf32>,
              tpu.vector_store %arg16[%swap3A_1046, %swap3A_1047, %swap3A_1048], %add3A_1042 {strides = array<i32>} : memref<2x64x128xf32, #tpu.memory_space<vmem>>, vector<16xf32>,
            }
            %scan3A_357 = arith.constant 16 : i32
            %dma_start3A_358 = arith.constant 1 : i32
            %dma_start3A_359 = arith.constant 1 : i32
            %dma_start3A_360 = arith.constant 0 : i32
            %dma_start3A_361 = arith.constant 0 : i32
            %dma_start3A_362 = tpu.memref_slice %arg16[%dma_start3A_358, %dma_start3A_360, %dma_start3A_361] : memref<2x64x128xf32, #tpu.memory_space<vmem>> -> memref<1x64x128xf32, #tpu.memory_space<vmem>>
            %dma_start3A_363 = tpu.memref_squeeze %dma_start3A_362 : memref<1x64x128xf32, #tpu.memory_space<vmem>> -> memref<64x128xf32, #tpu.memory_space<vmem>>
            %dma_start3A_364 = arith.constant 0 : i32
            %dma_start3A_365 = tpu.memref_slice %arg13[%dma_start3A_359, %dma_start3A_364] : memref<2x64xi32, #tpu.memory_space<vmem>> -> memref<1x64xi32, #tpu.memory_space<vmem>>
            %dma_start3A_366 = tpu.memref_squeeze %dma_start3A_365 : memref<1x64xi32, #tpu.memory_space<vmem>> -> memref<64xi32, #tpu.memory_space<vmem>>
            %dma_start3A_367 = arith.constant 0 : i32
            %dma_start3A_368 = arith.constant 0 : i32
            %dma_start3A_369 = tpu.memref_slice %arg17[%dma_start3A_367, %dma_start3A_368] : memref<5124x128xf32, #tpu.memory_space<vmem_shared>> -> memref<5124x128xf32, #tpu.memory_space<vmem_shared>>
            tpu.enqueue_indirect_dma source(%dma_start3A_363 : memref<64x128xf32, #tpu.memory_space<vmem>>) target(%dma_start3A_369 : memref<5124x128xf32, #tpu.memory_space<vmem_shared>>) offsets(%dma_start3A_366 : memref<64xi32, #tpu.memory_space<vmem>>) semaphore(%arg21 : memref<!tpu.dma_semaphore, #tpu.memory_space<semaphore_mem>>) {add = true}
          } else {
          }
          %lt3A_271 = arith.cmpi slt, %add3A_154, %select_n3A : i32
          %jit3A_272 = arith.constant 1 : i32
          %select_n3A_273 = arith.select %lt3A_271, %jit3A_272, %while3A_150 : i32
          %while3A_274 = arith.constant 1 : i32
          scf.yield %while3A_274, %select_n3A_273 : i32, i32
        }
        %while3A_146 = arith.constant 1 : i32
        %while3A_147:2 = scf.for %while3A_148 = %while3A_143 to %while3A_139 step %while3A_146 iter_args(%while3A_149 = %while3A_145#0, %while3A_150 = %while3A_145#1) -> (i32, i32)  : i32 {
          %mul3A_151 = arith.constant 2 : i32
          %mul3A_152 = arith.muli %mul3A_151, %while3A_148 : i32
          %add3A_153 = arith.constant 1 : i32
          %add3A_154 = arith.addi %mul3A_152, %add3A_153 : i32
          %lt3A_155 = arith.cmpi slt, %add3A_154, %select_n3A : i32
          %convert_element_type3A_156 = arith.extui %lt3A_155 : i1 to i32
          %cond3A_157 = arith.constant 0 : i32
          %cond3A_158 = arith.cmpi ne, %convert_element_type3A_156, %cond3A_157 : i32
          scf.if %cond3A_158 {
            %mul3A_275 = arith.constant 16 : i32
            %mul3A_276 = arith.muli %add3A_154, %mul3A_275 : i32
            %add3A_277 = arith.constant 0 : i32
            %add3A_278 = arith.addi %mul3A_276, %add3A_277 : i32
            %add3A_279 = vector.broadcast %add3A_278 : i32 to vector<16xi32>
            %add3A_280 = arith.addi %add3A_279, %iota3A : vector<16xi32>
            %lt3A_281 = vector.broadcast %squeeze3A : i32 to vector<16xi32>
            %lt3A_282 = arith.cmpi slt, %add3A_280, %lt3A_281 : vector<16xi32>
            %get3A_283 = arith.index_cast %add3A_278 : i32 to index
            %get3A_284 = tpu.vector_load %arg9[%get3A_283] {strides = array<i32>} : memref<2032xi32, #tpu.memory_space<vmem>>, vector<16xi32>,
            %jit3A_285 = arith.constant 0 : i32
            %broadcast_in_dim3A_286 = vector.broadcast %jit3A_285 : i32 to vector<16xi32>
            %select_n3A_287 = arith.select %lt3A_282, %get3A_284, %broadcast_in_dim3A_286 : vector<16xi1>, vector<16xi32>
            %gather3A_288 = tpu.vector_load_idx %arg8[%select_n3A_287] : memref<2000xi32, #tpu.memory_space<vmem>>[vector<16xi32>], vector<16xi32>,
            %jit3A_289 = arith.constant 0 : i32
            %broadcast_in_dim3A_290 = vector.broadcast %jit3A_289 : i32 to vector<16xi32>
            %select_n3A_291 = arith.select %lt3A_282, %gather3A_288, %broadcast_in_dim3A_290 : vector<16xi1>, vector<16xi32>
            %swap3A_292 = arith.constant 1 : i32
            %swap3A_293 = arith.index_cast %swap3A_292 : i32 to index
            %swap3A_294 = arith.constant 0 : index
            %swap3A_295 = tpu.vector_load %arg11[%swap3A_293, %swap3A_294] {strides = array<i32>} : memref<2x16xi32, #tpu.memory_space<vmem>>, vector<16xi32>,
            tpu.vector_store %arg11[%swap3A_293, %swap3A_294], %select_n3A_291 {strides = array<i32>} : memref<2x16xi32, #tpu.memory_space<vmem>>, vector<16xi32>,
            %add3A_296 = vector.broadcast %add3A_80 : i32 to vector<16xi32>
            %add3A_297 = arith.addi %select_n3A_287, %add3A_296 : vector<16xi32>
            %jit3A_298 = arith.constant 0 : i32
            %broadcast_in_dim3A_299 = vector.broadcast %jit3A_298 : i32 to vector<16xi32>
            %select_n3A_300 = arith.select %lt3A_282, %add3A_297, %broadcast_in_dim3A_299 : vector<16xi1>, vector<16xi32>
            %swap3A_301 = arith.constant 1 : i32
            %swap3A_302 = arith.index_cast %swap3A_301 : i32 to index
            %swap3A_303 = arith.constant 0 : index
            %swap3A_304 = tpu.vector_load %arg12[%swap3A_302, %swap3A_303] {strides = array<i32>} : memref<2x16xi32, #tpu.memory_space<vmem>>, vector<16xi32>,
            tpu.vector_store %arg12[%swap3A_302, %swap3A_303], %select_n3A_300 {strides = array<i32>} : memref<2x16xi32, #tpu.memory_space<vmem>>, vector<16xi32>,
            %dma_start3A_305 = arith.constant 1 : i32
            %dma_start3A_306 = arith.constant 1 : i32
            %dma_start3A_307 = arith.constant 0 : i32
            %dma_start3A_308 = arith.constant 0 : i32
            %dma_start3A_309 = tpu.memref_slice %arg14[%dma_start3A_306, %dma_start3A_307, %dma_start3A_308] : memref<2x16x512xf32, #tpu.memory_space<vmem>> -> memref<1x16x512xf32, #tpu.memory_space<vmem>>
            %dma_start3A_310 = tpu.memref_squeeze %dma_start3A_309 : memref<1x16x512xf32, #tpu.memory_space<vmem>> -> memref<16x512xf32, #tpu.memory_space<vmem>>
            %dma_start3A_311 = arith.constant 0 : i32
            %dma_start3A_312 = tpu.memref_slice %arg12[%dma_start3A_305, %dma_start3A_311] : memref<2x16xi32, #tpu.memory_space<vmem>> -> memref<1x16xi32, #tpu.memory_space<vmem>>
            %dma_start3A_313 = tpu.memref_squeeze %dma_start3A_312 : memref<1x16xi32, #tpu.memory_space<vmem>> -> memref<16xi32, #tpu.memory_space<vmem>>
            %dma_start3A_314 = arith.constant 0 : i32
            %dma_start3A_315 = arith.constant 0 : i32
            %dma_start3A_316 = tpu.memref_slice %arg2[%dma_start3A_314, %dma_start3A_315] : memref<160000x512xf32, #tpu.memory_space<hbm>> -> memref<160000x512xf32, #tpu.memory_space<hbm>>
            tpu.enqueue_indirect_dma source(%dma_start3A_316 : memref<160000x512xf32, #tpu.memory_space<hbm>>) target(%dma_start3A_310 : memref<16x512xf32, #tpu.memory_space<vmem>>) offsets(%dma_start3A_313 : memref<16xi32, #tpu.memory_space<vmem>>) semaphore(%arg19 : memref<!tpu.dma_semaphore, #tpu.memory_space<semaphore_mem>>)
            %dma_start3A_317 = arith.constant 1 : i32
            %dma_start3A_318 = arith.constant 1 : i32
            %dma_start3A_319 = arith.constant 0 : i32
            %dma_start3A_320 = arith.constant 0 : i32
            %dma_start3A_321 = tpu.memref_slice %arg15[%dma_start3A_318, %dma_start3A_319, %dma_start3A_320] : memref<2x16x768xf32, #tpu.memory_space<vmem>> -> memref<1x16x768xf32, #tpu.memory_space<vmem>>
            %dma_start3A_322 = tpu.memref_squeeze %dma_start3A_321 : memref<1x16x768xf32, #tpu.memory_space<vmem>> -> memref<16x768xf32, #tpu.memory_space<vmem>>
            %dma_start3A_323 = arith.constant 0 : i32
            %dma_start3A_324 = tpu.memref_slice %arg11[%dma_start3A_317, %dma_start3A_323] : memref<2x16xi32, #tpu.memory_space<vmem>> -> memref<1x16xi32, #tpu.memory_space<vmem>>
            %dma_start3A_325 = tpu.memref_squeeze %dma_start3A_324 : memref<1x16xi32, #tpu.memory_space<vmem>> -> memref<16xi32, #tpu.memory_space<vmem>>
            %dma_start3A_326 = arith.constant 0 : i32
            %dma_start3A_327 = arith.constant 0 : i32
            %dma_start3A_328 = tpu.memref_slice %arg3[%dma_start3A_326, %dma_start3A_327] : memref<10000x768xf32, #tpu.memory_space<hbm>> -> memref<10000x768xf32, #tpu.memory_space<hbm>>
            tpu.enqueue_indirect_dma source(%dma_start3A_328 : memref<10000x768xf32, #tpu.memory_space<hbm>>) target(%dma_start3A_322 : memref<16x768xf32, #tpu.memory_space<vmem>>) offsets(%dma_start3A_325 : memref<16xi32, #tpu.memory_space<vmem>>) semaphore(%arg19 : memref<!tpu.dma_semaphore, #tpu.memory_space<semaphore_mem>>)
          } else {
          }
          %gt3A_159 = arith.constant 0 : i32
          %gt3A_160 = arith.cmpi sgt, %while3A_149, %gt3A_159 : i32
          %convert_element_type3A_161 = arith.extui %gt3A_160 : i1 to i32
          %cond3A_162 = arith.constant 0 : i32
          %cond3A_163 = arith.cmpi ne, %convert_element_type3A_161, %cond3A_162 : i32
          scf.if %cond3A_163 {
            %dma_wait3A_275 = arith.constant 0 : i32
            %dma_wait3A_276 = arith.constant 0 : i32
            %dma_wait3A_277 = arith.constant 0 : i32
            %dma_wait3A_278 = tpu.memref_slice %arg16[%dma_wait3A_275, %dma_wait3A_276, %dma_wait3A_277] : memref<2x64x128xf32, #tpu.memory_space<vmem>> -> memref<1x64x128xf32, #tpu.memory_space<vmem>>
            %dma_wait3A_279 = tpu.memref_squeeze %dma_wait3A_278 : memref<1x64x128xf32, #tpu.memory_space<vmem>> -> memref<64x128xf32, #tpu.memory_space<vmem>>
            %dma_wait3A_280 = arith.constant 0 : i32
            %dma_wait3A_281 = arith.constant 0 : i32
            %dma_wait3A_282 = tpu.memref_slice %arg17[%dma_wait3A_280, %dma_wait3A_281] : memref<5124x128xf32, #tpu.memory_space<vmem_shared>> -> memref<64x128xf32, #tpu.memory_space<vmem_shared>>
            %dma_wait3A_283 = arith.constant 0 : i32
            %dma_wait3A_284 = arith.constant 0 : i32
            %dma_wait3A_285 = tpu.memref_slice %arg17[%dma_wait3A_283, %dma_wait3A_284] : memref<5124x128xf32, #tpu.memory_space<vmem_shared>> -> memref<64x128xf32, #tpu.memory_space<vmem_shared>>
            %dma_wait3A_286 = arith.constant 0 : i32
            %dma_wait3A_287 = arith.constant 0 : i32
            %dma_wait3A_288 = tpu.memref_slice %arg16[%dma_wait3A_275, %dma_wait3A_286, %dma_wait3A_287] : memref<2x64x128xf32, #tpu.memory_space<vmem>> -> memref<1x64x128xf32, #tpu.memory_space<vmem>>
            %dma_wait3A_289 = tpu.memref_squeeze %dma_wait3A_288 : memref<1x64x128xf32, #tpu.memory_space<vmem>> -> memref<64x128xf32, #tpu.memory_space<vmem>>
            tpu.wait_dma2 semaphore(%arg20 : memref<!tpu.dma_semaphore, #tpu.memory_space<semaphore_mem>>) src(%dma_wait3A_289 : memref<64x128xf32, #tpu.memory_space<vmem>>) dst(%dma_wait3A_285 : memref<64x128xf32, #tpu.memory_space<vmem_shared>>)
          } else {
          }
          %mul3A_164 = arith.constant 16 : i32
          %mul3A_165 = arith.muli %mul3A_152, %mul3A_164 : i32
          %add3A_166 = arith.constant 0 : i32
          %add3A_167 = arith.addi %mul3A_165, %add3A_166 : i32
          %add3A_168 = vector.broadcast %add3A_167 : i32 to vector<16xi32>
          %add3A_169 = arith.addi %add3A_168, %iota3A : vector<16xi32>
          %lt3A_170 = vector.broadcast %squeeze3A : i32 to vector<16xi32>
          %lt3A_171 = arith.cmpi slt, %add3A_169, %lt3A_170 : vector<16xi32>
          %get3A = arith.index_cast %add3A_167 : i32 to index
          %get3A_172 = tpu.vector_load %arg9[%get3A] {strides = array<i32>} : memref<2032xi32, #tpu.memory_space<vmem>>, vector<16xi32>,
          %jit3A_173 = arith.constant 0 : i32
          %broadcast_in_dim3A_174 = vector.broadcast %jit3A_173 : i32 to vector<16xi32>
          %select_n3A_175 = arith.select %lt3A_171, %get3A_172, %broadcast_in_dim3A_174 : vector<16xi1>, vector<16xi32>
          %gather3A = tpu.vector_load_idx %arg7[%select_n3A_175] : memref<2000xi32, #tpu.memory_space<vmem>>[vector<16xi32>], vector<16xi32>,
          %sub3A_176 = vector.broadcast %mul3A_11 : i32 to vector<16xi32>
          %sub3A_177 = arith.subi %gather3A, %sub3A_176 : vector<16xi32>
          %jit3A_178 = arith.constant 1280 : i32
          %broadcast_in_dim3A_179 = vector.broadcast %jit3A_178 : i32 to vector<16xi32>
          %select_n3A_180 = arith.select %lt3A_171, %sub3A_177, %broadcast_in_dim3A_179 : vector<16xi1>, vector<16xi32>
          %mul3A_181 = arith.constant 4 : i32
          %mul3A_182 = vector.broadcast %mul3A_181 : i32 to vector<16xi32>
          %mul3A_183 = arith.muli %mul3A_182, %select_n3A_180 : vector<16xi32>
          %swap3A = arith.constant 0 : i32
          %swap3A_184 = arith.index_cast %swap3A : i32 to index
          %swap3A_185 = arith.constant 0 : index
          %swap3A_186 = tpu.vector_load %arg13[%swap3A_184, %swap3A_185] {strides = array<i32>} : memref<2x64xi32, #tpu.memory_space<vmem>>, vector<16xi32>,
          tpu.vector_store %arg13[%swap3A_184, %swap3A_185], %mul3A_183 {strides = array<i32>} : memref<2x64xi32, #tpu.memory_space<vmem>>, vector<16xi32>,
          %add3A_187 = arith.constant 1 : i32
          %add3A_188 = vector.broadcast %add3A_187 : i32 to vector<16xi32>
          %add3A_189 = arith.addi %mul3A_183, %add3A_188 : vector<16xi32>
          %swap3A_190 = arith.constant 0 : i32
          %swap3A_191 = arith.index_cast %swap3A_190 : i32 to index
          %swap3A_192 = arith.constant 16 : index
          %swap3A_193 = tpu.vector_load %arg13[%swap3A_191, %swap3A_192] {strides = array<i32>} : memref<2x64xi32, #tpu.memory_space<vmem>>, vector<16xi32>,
          tpu.vector_store %arg13[%swap3A_191, %swap3A_192], %add3A_189 {strides = array<i32>} : memref<2x64xi32, #tpu.memory_space<vmem>>, vector<16xi32>,
          %add3A_194 = arith.constant 2 : i32
          %add3A_195 = vector.broadcast %add3A_194 : i32 to vector<16xi32>
          %add3A_196 = arith.addi %mul3A_183, %add3A_195 : vector<16xi32>
          %swap3A_197 = arith.constant 0 : i32
          %swap3A_198 = arith.index_cast %swap3A_197 : i32 to index
          %swap3A_199 = arith.constant 32 : index
          %swap3A_200 = tpu.vector_load %arg13[%swap3A_198, %swap3A_199] {strides = array<i32>} : memref<2x64xi32, #tpu.memory_space<vmem>>, vector<16xi32>,
          tpu.vector_store %arg13[%swap3A_198, %swap3A_199], %add3A_196 {strides = array<i32>} : memref<2x64xi32, #tpu.memory_space<vmem>>, vector<16xi32>,
          %add3A_201 = arith.constant 3 : i32
          %add3A_202 = vector.broadcast %add3A_201 : i32 to vector<16xi32>
          %add3A_203 = arith.addi %mul3A_183, %add3A_202 : vector<16xi32>
          %swap3A_204 = arith.constant 0 : i32
          %swap3A_205 = arith.index_cast %swap3A_204 : i32 to index
          %swap3A_206 = arith.constant 48 : index
          %swap3A_207 = tpu.vector_load %arg13[%swap3A_205, %swap3A_206] {strides = array<i32>} : memref<2x64xi32, #tpu.memory_space<vmem>>, vector<16xi32>,
          tpu.vector_store %arg13[%swap3A_205, %swap3A_206], %add3A_203 {strides = array<i32>} : memref<2x64xi32, #tpu.memory_space<vmem>>, vector<16xi32>,
          %dma_wait3A = arith.constant 0 : i32
          %dma_wait3A_208 = arith.constant 0 : i32
          %dma_wait3A_209 = arith.constant 0 : i32
          %dma_wait3A_210 = tpu.memref_slice %arg14[%dma_wait3A, %dma_wait3A_208, %dma_wait3A_209] : memref<2x16x512xf32, #tpu.memory_space<vmem>> -> memref<1x16x512xf32, #tpu.memory_space<vmem>>
          %dma_wait3A_211 = tpu.memref_squeeze %dma_wait3A_210 : memref<1x16x512xf32, #tpu.memory_space<vmem>> -> memref<16x512xf32, #tpu.memory_space<vmem>>
          %dma_wait3A_212 = arith.constant 0 : i32
          %dma_wait3A_213 = arith.constant 0 : i32
          %dma_wait3A_214 = tpu.memref_slice %arg2[%dma_wait3A_212, %dma_wait3A_213] : memref<160000x512xf32, #tpu.memory_space<hbm>> -> memref<16x512xf32, #tpu.memory_space<hbm>>
          %dma_wait3A_215 = arith.constant 0 : i32
          %dma_wait3A_216 = arith.constant 0 : i32
          %dma_wait3A_217 = tpu.memref_slice %arg14[%dma_wait3A, %dma_wait3A_215, %dma_wait3A_216] : memref<2x16x512xf32, #tpu.memory_space<vmem>> -> memref<1x16x512xf32, #tpu.memory_space<vmem>>
          %dma_wait3A_218 = tpu.memref_squeeze %dma_wait3A_217 : memref<1x16x512xf32, #tpu.memory_space<vmem>> -> memref<16x512xf32, #tpu.memory_space<vmem>>
          %dma_wait3A_219 = arith.constant 0 : i32
          %dma_wait3A_220 = arith.constant 0 : i32
          %dma_wait3A_221 = tpu.memref_slice %arg2[%dma_wait3A_219, %dma_wait3A_220] : memref<160000x512xf32, #tpu.memory_space<hbm>> -> memref<16x512xf32, #tpu.memory_space<hbm>>
          tpu.wait_dma2 semaphore(%arg18 : memref<!tpu.dma_semaphore, #tpu.memory_space<semaphore_mem>>) src(%dma_wait3A_221 : memref<16x512xf32, #tpu.memory_space<hbm>>) dst(%dma_wait3A_218 : memref<16x512xf32, #tpu.memory_space<vmem>>)
          %dma_wait3A_222 = arith.constant 0 : i32
          %dma_wait3A_223 = arith.constant 0 : i32
          %dma_wait3A_224 = arith.constant 0 : i32
          %dma_wait3A_225 = tpu.memref_slice %arg15[%dma_wait3A_222, %dma_wait3A_223, %dma_wait3A_224] : memref<2x16x768xf32, #tpu.memory_space<vmem>> -> memref<1x16x768xf32, #tpu.memory_space<vmem>>
          %dma_wait3A_226 = tpu.memref_squeeze %dma_wait3A_225 : memref<1x16x768xf32, #tpu.memory_space<vmem>> -> memref<16x768xf32, #tpu.memory_space<vmem>>
          %dma_wait3A_227 = arith.constant 0 : i32
          %dma_wait3A_228 = arith.constant 0 : i32
          %dma_wait3A_229 = tpu.memref_slice %arg3[%dma_wait3A_227, %dma_wait3A_228] : memref<10000x768xf32, #tpu.memory_space<hbm>> -> memref<16x768xf32, #tpu.memory_space<hbm>>
          %dma_wait3A_230 = arith.constant 0 : i32
          %dma_wait3A_231 = arith.constant 0 : i32
          %dma_wait3A_232 = tpu.memref_slice %arg15[%dma_wait3A_222, %dma_wait3A_230, %dma_wait3A_231] : memref<2x16x768xf32, #tpu.memory_space<vmem>> -> memref<1x16x768xf32, #tpu.memory_space<vmem>>
          %dma_wait3A_233 = tpu.memref_squeeze %dma_wait3A_232 : memref<1x16x768xf32, #tpu.memory_space<vmem>> -> memref<16x768xf32, #tpu.memory_space<vmem>>
          %dma_wait3A_234 = arith.constant 0 : i32
          %dma_wait3A_235 = arith.constant 0 : i32
          %dma_wait3A_236 = tpu.memref_slice %arg3[%dma_wait3A_234, %dma_wait3A_235] : memref<10000x768xf32, #tpu.memory_space<hbm>> -> memref<16x768xf32, #tpu.memory_space<hbm>>
          tpu.wait_dma2 semaphore(%arg18 : memref<!tpu.dma_semaphore, #tpu.memory_space<semaphore_mem>>) src(%dma_wait3A_236 : memref<16x768xf32, #tpu.memory_space<hbm>>) dst(%dma_wait3A_233 : memref<16x768xf32, #tpu.memory_space<vmem>>)
          %scan3A_237 = arith.constant 0 : i32
          %scan3A_238 = arith.constant 0 : i32
          %scan3A_239 = arith.constant 16 : i32
          %scan3A_240 = arith.addi %scan3A_238, %scan3A_239 : i32
          %scan3A_241 = arith.constant 1 : i32
          scf.for %scan3A_275 = %scan3A_238 to %scan3A_240 step %scan3A_241  : i32 {
            %get3A_276 = arith.constant 0 : i32
            %get3A_277 = arith.index_cast %get3A_276 : i32 to index
            %get3A_278 = arith.index_cast %scan3A_275 : i32 to index
            %get3A_279 = arith.constant 0 : index
            %get3A_280 = tpu.vector_load %arg15[%get3A_277, %get3A_278, %get3A_279] {strides = array<i32>} : memref<2x16x768xf32, #tpu.memory_space<vmem>>, vector<16xf32>,
            %get3A_281 = arith.constant 0 : i32
            %get3A_282 = arith.index_cast %get3A_281 : i32 to index
            %get3A_283 = arith.index_cast %scan3A_275 : i32 to index
            %get3A_284 = arith.constant 0 : index
            %get3A_285 = tpu.vector_load %arg14[%get3A_282, %get3A_283, %get3A_284] {strides = array<i32>} : memref<2x16x512xf32, #tpu.memory_space<vmem>>, vector<16xf32>,
            %mul3A_286 = arith.mulf %get3A_280, %get3A_285 : vector<16xf32>
            %swap3A_287 = arith.constant 0 : i32
            %swap3A_288 = arith.index_cast %swap3A_287 : i32 to index
            %swap3A_289 = arith.index_cast %scan3A_275 : i32 to index
            %swap3A_290 = arith.constant 0 : index
            %swap3A_291 = tpu.vector_load %arg16[%swap3A_288, %swap3A_289, %swap3A_290] {strides = array<i32>} : memref<2x64x128xf32, #tpu.memory_space<vmem>>, vector<16xf32>,
            tpu.vector_store %arg16[%swap3A_288, %swap3A_289, %swap3A_290], %mul3A_286 {strides = array<i32>} : memref<2x64x128xf32, #tpu.memory_space<vmem>>, vector<16xf32>,
            %get3A_292 = arith.constant 0 : i32
            %get3A_293 = arith.index_cast %get3A_292 : i32 to index
            %get3A_294 = arith.index_cast %scan3A_275 : i32 to index
            %get3A_295 = arith.constant 16 : index
            %get3A_296 = tpu.vector_load %arg15[%get3A_293, %get3A_294, %get3A_295] {strides = array<i32>} : memref<2x16x768xf32, #tpu.memory_space<vmem>>, vector<16xf32>,
            %get3A_297 = arith.constant 0 : i32
            %get3A_298 = arith.index_cast %get3A_297 : i32 to index
            %get3A_299 = arith.index_cast %scan3A_275 : i32 to index
            %get3A_300 = arith.constant 16 : index
            %get3A_301 = tpu.vector_load %arg14[%get3A_298, %get3A_299, %get3A_300] {strides = array<i32>} : memref<2x16x512xf32, #tpu.memory_space<vmem>>, vector<16xf32>,
            %mul3A_302 = arith.mulf %get3A_296, %get3A_301 : vector<16xf32>
            %swap3A_303 = arith.constant 0 : i32
            %swap3A_304 = arith.index_cast %swap3A_303 : i32 to index
            %swap3A_305 = arith.index_cast %scan3A_275 : i32 to index
            %swap3A_306 = arith.constant 16 : index
            %swap3A_307 = tpu.vector_load %arg16[%swap3A_304, %swap3A_305, %swap3A_306] {strides = array<i32>} : memref<2x64x128xf32, #tpu.memory_space<vmem>>, vector<16xf32>,
            tpu.vector_store %arg16[%swap3A_304, %swap3A_305, %swap3A_306], %mul3A_302 {strides = array<i32>} : memref<2x64x128xf32, #tpu.memory_space<vmem>>, vector<16xf32>,
            %get3A_308 = arith.constant 0 : i32
            %get3A_309 = arith.index_cast %get3A_308 : i32 to index
            %get3A_310 = arith.index_cast %scan3A_275 : i32 to index
            %get3A_311 = arith.constant 32 : index
            %get3A_312 = tpu.vector_load %arg15[%get3A_309, %get3A_310, %get3A_311] {strides = array<i32>} : memref<2x16x768xf32, #tpu.memory_space<vmem>>, vector<16xf32>,
            %get3A_313 = arith.constant 0 : i32
            %get3A_314 = arith.index_cast %get3A_313 : i32 to index
            %get3A_315 = arith.index_cast %scan3A_275 : i32 to index
            %get3A_316 = arith.constant 32 : index
            %get3A_317 = tpu.vector_load %arg14[%get3A_314, %get3A_315, %get3A_316] {strides = array<i32>} : memref<2x16x512xf32, #tpu.memory_space<vmem>>, vector<16xf32>,
            %mul3A_318 = arith.mulf %get3A_312, %get3A_317 : vector<16xf32>
            %swap3A_319 = arith.constant 0 : i32
            %swap3A_320 = arith.index_cast %swap3A_319 : i32 to index
            %swap3A_321 = arith.index_cast %scan3A_275 : i32 to index
            %swap3A_322 = arith.constant 32 : index
            %swap3A_323 = tpu.vector_load %arg16[%swap3A_320, %swap3A_321, %swap3A_322] {strides = array<i32>} : memref<2x64x128xf32, #tpu.memory_space<vmem>>, vector<16xf32>,
            tpu.vector_store %arg16[%swap3A_320, %swap3A_321, %swap3A_322], %mul3A_318 {strides = array<i32>} : memref<2x64x128xf32, #tpu.memory_space<vmem>>, vector<16xf32>,
            %get3A_324 = arith.constant 0 : i32
            %get3A_325 = arith.index_cast %get3A_324 : i32 to index
            %get3A_326 = arith.index_cast %scan3A_275 : i32 to index
            %get3A_327 = arith.constant 48 : index
            %get3A_328 = tpu.vector_load %arg15[%get3A_325, %get3A_326, %get3A_327] {strides = array<i32>} : memref<2x16x768xf32, #tpu.memory_space<vmem>>, vector<16xf32>,
            %get3A_329 = arith.constant 0 : i32
            %get3A_330 = arith.index_cast %get3A_329 : i32 to index
            %get3A_331 = arith.index_cast %scan3A_275 : i32 to index
            %get3A_332 = arith.constant 48 : index
            %get3A_333 = tpu.vector_load %arg14[%get3A_330, %get3A_331, %get3A_332] {strides = array<i32>} : memref<2x16x512xf32, #tpu.memory_space<vmem>>, vector<16xf32>,
            %mul3A_334 = arith.mulf %get3A_328, %get3A_333 : vector<16xf32>
            %swap3A_335 = arith.constant 0 : i32
            %swap3A_336 = arith.index_cast %swap3A_335 : i32 to index
            %swap3A_337 = arith.index_cast %scan3A_275 : i32 to index
            %swap3A_338 = arith.constant 48 : index
            %swap3A_339 = tpu.vector_load %arg16[%swap3A_336, %swap3A_337, %swap3A_338] {strides = array<i32>} : memref<2x64x128xf32, #tpu.memory_space<vmem>>, vector<16xf32>,
            tpu.vector_store %arg16[%swap3A_336, %swap3A_337, %swap3A_338], %mul3A_334 {strides = array<i32>} : memref<2x64x128xf32, #tpu.memory_space<vmem>>, vector<16xf32>,
            %get3A_340 = arith.constant 0 : i32
            %get3A_341 = arith.index_cast %get3A_340 : i32 to index
            %get3A_342 = arith.index_cast %scan3A_275 : i32 to index
            %get3A_343 = arith.constant 64 : index
            %get3A_344 = tpu.vector_load %arg15[%get3A_341, %get3A_342, %get3A_343] {strides = array<i32>} : memref<2x16x768xf32, #tpu.memory_space<vmem>>, vector<16xf32>,
            %get3A_345 = arith.constant 0 : i32
            %get3A_346 = arith.index_cast %get3A_345 : i32 to index
            %get3A_347 = arith.index_cast %scan3A_275 : i32 to index
            %get3A_348 = arith.constant 64 : index
            %get3A_349 = tpu.vector_load %arg14[%get3A_346, %get3A_347, %get3A_348] {strides = array<i32>} : memref<2x16x512xf32, #tpu.memory_space<vmem>>, vector<16xf32>,
            %mul3A_350 = arith.mulf %get3A_344, %get3A_349 : vector<16xf32>
            %swap3A_351 = arith.constant 0 : i32
            %swap3A_352 = arith.index_cast %swap3A_351 : i32 to index
            %swap3A_353 = arith.index_cast %scan3A_275 : i32 to index
            %swap3A_354 = arith.constant 64 : index
            %swap3A_355 = tpu.vector_load %arg16[%swap3A_352, %swap3A_353, %swap3A_354] {strides = array<i32>} : memref<2x64x128xf32, #tpu.memory_space<vmem>>, vector<16xf32>,
            tpu.vector_store %arg16[%swap3A_352, %swap3A_353, %swap3A_354], %mul3A_350 {strides = array<i32>} : memref<2x64x128xf32, #tpu.memory_space<vmem>>, vector<16xf32>,
            %get3A_356 = arith.constant 0 : i32
            %get3A_357 = arith.index_cast %get3A_356 : i32 to index
            %get3A_358 = arith.index_cast %scan3A_275 : i32 to index
            %get3A_359 = arith.constant 80 : index
            %get3A_360 = tpu.vector_load %arg15[%get3A_357, %get3A_358, %get3A_359] {strides = array<i32>} : memref<2x16x768xf32, #tpu.memory_space<vmem>>, vector<16xf32>,
            %get3A_361 = arith.constant 0 : i32
            %get3A_362 = arith.index_cast %get3A_361 : i32 to index
            %get3A_363 = arith.index_cast %scan3A_275 : i32 to index
            %get3A_364 = arith.constant 80 : index
            %get3A_365 = tpu.vector_load %arg14[%get3A_362, %get3A_363, %get3A_364] {strides = array<i32>} : memref<2x16x512xf32, #tpu.memory_space<vmem>>, vector<16xf32>,
            %mul3A_366 = arith.mulf %get3A_360, %get3A_365 : vector<16xf32>
            %swap3A_367 = arith.constant 0 : i32
            %swap3A_368 = arith.index_cast %swap3A_367 : i32 to index
            %swap3A_369 = arith.index_cast %scan3A_275 : i32 to index
            %swap3A_370 = arith.constant 80 : index
            %swap3A_371 = tpu.vector_load %arg16[%swap3A_368, %swap3A_369, %swap3A_370] {strides = array<i32>} : memref<2x64x128xf32, #tpu.memory_space<vmem>>, vector<16xf32>,
            tpu.vector_store %arg16[%swap3A_368, %swap3A_369, %swap3A_370], %mul3A_366 {strides = array<i32>} : memref<2x64x128xf32, #tpu.memory_space<vmem>>, vector<16xf32>,
            %get3A_372 = arith.constant 0 : i32
            %get3A_373 = arith.index_cast %get3A_372 : i32 to index
            %get3A_374 = arith.index_cast %scan3A_275 : i32 to index
            %get3A_375 = arith.constant 96 : index
            %get3A_376 = tpu.vector_load %arg15[%get3A_373, %get3A_374, %get3A_375] {strides = array<i32>} : memref<2x16x768xf32, #tpu.memory_space<vmem>>, vector<16xf32>,
            %get3A_377 = arith.constant 0 : i32
            %get3A_378 = arith.index_cast %get3A_377 : i32 to index
            %get3A_379 = arith.index_cast %scan3A_275 : i32 to index
            %get3A_380 = arith.constant 96 : index
            %get3A_381 = tpu.vector_load %arg14[%get3A_378, %get3A_379, %get3A_380] {strides = array<i32>} : memref<2x16x512xf32, #tpu.memory_space<vmem>>, vector<16xf32>,
            %mul3A_382 = arith.mulf %get3A_376, %get3A_381 : vector<16xf32>
            %swap3A_383 = arith.constant 0 : i32
            %swap3A_384 = arith.index_cast %swap3A_383 : i32 to index
            %swap3A_385 = arith.index_cast %scan3A_275 : i32 to index
            %swap3A_386 = arith.constant 96 : index
            %swap3A_387 = tpu.vector_load %arg16[%swap3A_384, %swap3A_385, %swap3A_386] {strides = array<i32>} : memref<2x64x128xf32, #tpu.memory_space<vmem>>, vector<16xf32>,
            tpu.vector_store %arg16[%swap3A_384, %swap3A_385, %swap3A_386], %mul3A_382 {strides = array<i32>} : memref<2x64x128xf32, #tpu.memory_space<vmem>>, vector<16xf32>,
            %get3A_388 = arith.constant 0 : i32
            %get3A_389 = arith.index_cast %get3A_388 : i32 to index
            %get3A_390 = arith.index_cast %scan3A_275 : i32 to index
            %get3A_391 = arith.constant 112 : index
            %get3A_392 = tpu.vector_load %arg15[%get3A_389, %get3A_390, %get3A_391] {strides = array<i32>} : memref<2x16x768xf32, #tpu.memory_space<vmem>>, vector<16xf32>,
            %get3A_393 = arith.constant 0 : i32
            %get3A_394 = arith.index_cast %get3A_393 : i32 to index
            %get3A_395 = arith.index_cast %scan3A_275 : i32 to index
            %get3A_396 = arith.constant 112 : index
            %get3A_397 = tpu.vector_load %arg14[%get3A_394, %get3A_395, %get3A_396] {strides = array<i32>} : memref<2x16x512xf32, #tpu.memory_space<vmem>>, vector<16xf32>,
            %mul3A_398 = arith.mulf %get3A_392, %get3A_397 : vector<16xf32>
            %swap3A_399 = arith.constant 0 : i32
            %swap3A_400 = arith.index_cast %swap3A_399 : i32 to index
            %swap3A_401 = arith.index_cast %scan3A_275 : i32 to index
            %swap3A_402 = arith.constant 112 : index
            %swap3A_403 = tpu.vector_load %arg16[%swap3A_400, %swap3A_401, %swap3A_402] {strides = array<i32>} : memref<2x64x128xf32, #tpu.memory_space<vmem>>, vector<16xf32>,
            tpu.vector_store %arg16[%swap3A_400, %swap3A_401, %swap3A_402], %mul3A_398 {strides = array<i32>} : memref<2x64x128xf32, #tpu.memory_space<vmem>>, vector<16xf32>,
            %get3A_404 = arith.constant 0 : i32
            %get3A_405 = arith.index_cast %get3A_404 : i32 to index
            %get3A_406 = arith.index_cast %scan3A_275 : i32 to index
            %get3A_407 = arith.constant 384 : index
            %get3A_408 = tpu.vector_load %arg14[%get3A_405, %get3A_406, %get3A_407] {strides = array<i32>} : memref<2x16x512xf32, #tpu.memory_space<vmem>>, vector<16xf32>,
            %get3A_409 = arith.constant 0 : i32
            %get3A_410 = arith.index_cast %get3A_409 : i32 to index
            %get3A_411 = arith.index_cast %scan3A_275 : i32 to index
            %get3A_412 = arith.constant 400 : index
            %get3A_413 = tpu.vector_load %arg14[%get3A_410, %get3A_411, %get3A_412] {strides = array<i32>} : memref<2x16x512xf32, #tpu.memory_space<vmem>>, vector<16xf32>,
            %get3A_414 = arith.constant 0 : i32
            %get3A_415 = arith.index_cast %get3A_414 : i32 to index
            %get3A_416 = arith.index_cast %scan3A_275 : i32 to index
            %get3A_417 = arith.constant 416 : index
            %get3A_418 = tpu.vector_load %arg14[%get3A_415, %get3A_416, %get3A_417] {strides = array<i32>} : memref<2x16x512xf32, #tpu.memory_space<vmem>>, vector<16xf32>,
            %get3A_419 = arith.constant 0 : i32
            %get3A_420 = arith.index_cast %get3A_419 : i32 to index
            %get3A_421 = arith.index_cast %scan3A_275 : i32 to index
            %get3A_422 = arith.constant 128 : index
            %get3A_423 = tpu.vector_load %arg15[%get3A_420, %get3A_421, %get3A_422] {strides = array<i32>} : memref<2x16x768xf32, #tpu.memory_space<vmem>>, vector<16xf32>,
            %get3A_424 = arith.constant 0 : i32
            %get3A_425 = arith.index_cast %get3A_424 : i32 to index
            %get3A_426 = arith.index_cast %scan3A_275 : i32 to index
            %get3A_427 = arith.constant 256 : index
            %get3A_428 = tpu.vector_load %arg15[%get3A_425, %get3A_426, %get3A_427] {strides = array<i32>} : memref<2x16x768xf32, #tpu.memory_space<vmem>>, vector<16xf32>,
            %get3A_429 = arith.constant 0 : i32
            %get3A_430 = arith.index_cast %get3A_429 : i32 to index
            %get3A_431 = arith.index_cast %scan3A_275 : i32 to index
            %get3A_432 = arith.constant 128 : index
            %get3A_433 = tpu.vector_load %arg14[%get3A_430, %get3A_431, %get3A_432] {strides = array<i32>} : memref<2x16x512xf32, #tpu.memory_space<vmem>>, vector<16xf32>,
            %get3A_434 = arith.constant 0 : i32
            %get3A_435 = arith.index_cast %get3A_434 : i32 to index
            %get3A_436 = arith.index_cast %scan3A_275 : i32 to index
            %get3A_437 = arith.constant 256 : index
            %get3A_438 = tpu.vector_load %arg14[%get3A_435, %get3A_436, %get3A_437] {strides = array<i32>} : memref<2x16x512xf32, #tpu.memory_space<vmem>>, vector<16xf32>,
            %mul3A_439 = arith.mulf %get3A_428, %get3A_438 : vector<16xf32>
            %mul3A_440 = arith.mulf %get3A_423, %get3A_433 : vector<16xf32>
            %get3A_441 = arith.constant 0 : i32
            %get3A_442 = arith.index_cast %get3A_441 : i32 to index
            %get3A_443 = arith.index_cast %scan3A_275 : i32 to index
            %get3A_444 = arith.constant 384 : index
            %get3A_445 = tpu.vector_load %arg15[%get3A_442, %get3A_443, %get3A_444] {strides = array<i32>} : memref<2x16x768xf32, #tpu.memory_space<vmem>>, vector<16xf32>,
            %mul3A_446 = arith.mulf %mul3A_440, %get3A_408 : vector<16xf32>
            %mul3A_447 = arith.mulf %mul3A_439, %get3A_445 : vector<16xf32>
            %add3A_448 = arith.addf %mul3A_446, %mul3A_447 : vector<16xf32>
            %add3A_449 = arith.constant 16 : i32
            %add3A_450 = arith.addi %add3A_449, %scan3A_275 : i32
            %swap3A_451 = arith.constant 0 : i32
            %swap3A_452 = arith.index_cast %swap3A_451 : i32 to index
            %swap3A_453 = arith.index_cast %add3A_450 : i32 to index
            %swap3A_454 = arith.constant 0 : index
            %swap3A_455 = tpu.vector_load %arg16[%swap3A_452, %swap3A_453, %swap3A_454] {strides = array<i32>} : memref<2x64x128xf32, #tpu.memory_space<vmem>>, vector<16xf32>,
            tpu.vector_store %arg16[%swap3A_452, %swap3A_453, %swap3A_454], %add3A_448 {strides = array<i32>} : memref<2x64x128xf32, #tpu.memory_space<vmem>>, vector<16xf32>,
            %get3A_456 = arith.constant 0 : i32
            %get3A_457 = arith.index_cast %get3A_456 : i32 to index
            %get3A_458 = arith.index_cast %scan3A_275 : i32 to index
            %get3A_459 = arith.constant 512 : index
            %get3A_460 = tpu.vector_load %arg15[%get3A_457, %get3A_458, %get3A_459] {strides = array<i32>} : memref<2x16x768xf32, #tpu.memory_space<vmem>>, vector<16xf32>,
            %mul3A_461 = arith.mulf %mul3A_440, %get3A_413 : vector<16xf32>
            %mul3A_462 = arith.mulf %mul3A_439, %get3A_460 : vector<16xf32>
            %add3A_463 = arith.addf %mul3A_461, %mul3A_462 : vector<16xf32>
            %add3A_464 = arith.constant 32 : i32
            %add3A_465 = arith.addi %add3A_464, %scan3A_275 : i32
            %swap3A_466 = arith.constant 0 : i32
            %swap3A_467 = arith.index_cast %swap3A_466 : i32 to index
            %swap3A_468 = arith.index_cast %add3A_465 : i32 to index
            %swap3A_469 = arith.constant 0 : index
            %swap3A_470 = tpu.vector_load %arg16[%swap3A_467, %swap3A_468, %swap3A_469] {strides = array<i32>} : memref<2x64x128xf32, #tpu.memory_space<vmem>>, vector<16xf32>,
            tpu.vector_store %arg16[%swap3A_467, %swap3A_468, %swap3A_469], %add3A_463 {strides = array<i32>} : memref<2x64x128xf32, #tpu.memory_space<vmem>>, vector<16xf32>,
            %get3A_471 = arith.constant 0 : i32
            %get3A_472 = arith.index_cast %get3A_471 : i32 to index
            %get3A_473 = arith.index_cast %scan3A_275 : i32 to index
            %get3A_474 = arith.constant 640 : index
            %get3A_475 = tpu.vector_load %arg15[%get3A_472, %get3A_473, %get3A_474] {strides = array<i32>} : memref<2x16x768xf32, #tpu.memory_space<vmem>>, vector<16xf32>,
            %mul3A_476 = arith.mulf %mul3A_440, %get3A_418 : vector<16xf32>
            %mul3A_477 = arith.mulf %mul3A_439, %get3A_475 : vector<16xf32>
            %add3A_478 = arith.addf %mul3A_476, %mul3A_477 : vector<16xf32>
            %add3A_479 = arith.constant 48 : i32
            %add3A_480 = arith.addi %add3A_479, %scan3A_275 : i32
            %swap3A_481 = arith.constant 0 : i32
            %swap3A_482 = arith.index_cast %swap3A_481 : i32 to index
            %swap3A_483 = arith.index_cast %add3A_480 : i32 to index
            %swap3A_484 = arith.constant 0 : index
            %swap3A_485 = tpu.vector_load %arg16[%swap3A_482, %swap3A_483, %swap3A_484] {strides = array<i32>} : memref<2x64x128xf32, #tpu.memory_space<vmem>>, vector<16xf32>,
            tpu.vector_store %arg16[%swap3A_482, %swap3A_483, %swap3A_484], %add3A_478 {strides = array<i32>} : memref<2x64x128xf32, #tpu.memory_space<vmem>>, vector<16xf32>,
            %get3A_486 = arith.constant 0 : i32
            %get3A_487 = arith.index_cast %get3A_486 : i32 to index
            %get3A_488 = arith.index_cast %scan3A_275 : i32 to index
            %get3A_489 = arith.constant 144 : index
            %get3A_490 = tpu.vector_load %arg15[%get3A_487, %get3A_488, %get3A_489] {strides = array<i32>} : memref<2x16x768xf32, #tpu.memory_space<vmem>>, vector<16xf32>,
            %get3A_491 = arith.constant 0 : i32
            %get3A_492 = arith.index_cast %get3A_491 : i32 to index
            %get3A_493 = arith.index_cast %scan3A_275 : i32 to index
            %get3A_494 = arith.constant 272 : index
            %get3A_495 = tpu.vector_load %arg15[%get3A_492, %get3A_493, %get3A_494] {strides = array<i32>} : memref<2x16x768xf32, #tpu.memory_space<vmem>>, vector<16xf32>,
            %get3A_496 = arith.constant 0 : i32
            %get3A_497 = arith.index_cast %get3A_496 : i32 to index
            %get3A_498 = arith.index_cast %scan3A_275 : i32 to index
            %get3A_499 = arith.constant 144 : index
            %get3A_500 = tpu.vector_load %arg14[%get3A_497, %get3A_498, %get3A_499] {strides = array<i32>} : memref<2x16x512xf32, #tpu.memory_space<vmem>>, vector<16xf32>,
            %get3A_501 = arith.constant 0 : i32
            %get3A_502 = arith.index_cast %get3A_501 : i32 to index
            %get3A_503 = arith.index_cast %scan3A_275 : i32 to index
            %get3A_504 = arith.constant 272 : index
            %get3A_505 = tpu.vector_load %arg14[%get3A_502, %get3A_503, %get3A_504] {strides = array<i32>} : memref<2x16x512xf32, #tpu.memory_space<vmem>>, vector<16xf32>,
            %mul3A_506 = arith.mulf %get3A_495, %get3A_505 : vector<16xf32>
            %mul3A_507 = arith.mulf %get3A_490, %get3A_500 : vector<16xf32>
            %get3A_508 = arith.constant 0 : i32
            %get3A_509 = arith.index_cast %get3A_508 : i32 to index
            %get3A_510 = arith.index_cast %scan3A_275 : i32 to index
            %get3A_511 = arith.constant 400 : index
            %get3A_512 = tpu.vector_load %arg15[%get3A_509, %get3A_510, %get3A_511] {strides = array<i32>} : memref<2x16x768xf32, #tpu.memory_space<vmem>>, vector<16xf32>,
            %mul3A_513 = arith.mulf %mul3A_507, %get3A_408 : vector<16xf32>
            %mul3A_514 = arith.mulf %mul3A_506, %get3A_512 : vector<16xf32>
            %add3A_515 = arith.addf %mul3A_513, %mul3A_514 : vector<16xf32>
            %add3A_516 = arith.constant 16 : i32
            %add3A_517 = arith.addi %add3A_516, %scan3A_275 : i32
            %swap3A_518 = arith.constant 0 : i32
            %swap3A_519 = arith.index_cast %swap3A_518 : i32 to index
            %swap3A_520 = arith.index_cast %add3A_517 : i32 to index
            %swap3A_521 = arith.constant 16 : index
            %swap3A_522 = tpu.vector_load %arg16[%swap3A_519, %swap3A_520, %swap3A_521] {strides = array<i32>} : memref<2x64x128xf32, #tpu.memory_space<vmem>>, vector<16xf32>,
            tpu.vector_store %arg16[%swap3A_519, %swap3A_520, %swap3A_521], %add3A_515 {strides = array<i32>} : memref<2x64x128xf32, #tpu.memory_space<vmem>>, vector<16xf32>,
            %get3A_523 = arith.constant 0 : i32
            %get3A_524 = arith.index_cast %get3A_523 : i32 to index
            %get3A_525 = arith.index_cast %scan3A_275 : i32 to index
            %get3A_526 = arith.constant 528 : index
            %get3A_527 = tpu.vector_load %arg15[%get3A_524, %get3A_525, %get3A_526] {strides = array<i32>} : memref<2x16x768xf32, #tpu.memory_space<vmem>>, vector<16xf32>,
            %mul3A_528 = arith.mulf %mul3A_507, %get3A_413 : vector<16xf32>
            %mul3A_529 = arith.mulf %mul3A_506, %get3A_527 : vector<16xf32>
            %add3A_530 = arith.addf %mul3A_528, %mul3A_529 : vector<16xf32>
            %add3A_531 = arith.constant 32 : i32
            %add3A_532 = arith.addi %add3A_531, %scan3A_275 : i32
            %swap3A_533 = arith.constant 0 : i32
            %swap3A_534 = arith.index_cast %swap3A_533 : i32 to index
            %swap3A_535 = arith.index_cast %add3A_532 : i32 to index
            %swap3A_536 = arith.constant 16 : index
            %swap3A_537 = tpu.vector_load %arg16[%swap3A_534, %swap3A_535, %swap3A_536] {strides = array<i32>} : memref<2x64x128xf32, #tpu.memory_space<vmem>>, vector<16xf32>,
            tpu.vector_store %arg16[%swap3A_534, %swap3A_535, %swap3A_536], %add3A_530 {strides = array<i32>} : memref<2x64x128xf32, #tpu.memory_space<vmem>>, vector<16xf32>,
            %get3A_538 = arith.constant 0 : i32
            %get3A_539 = arith.index_cast %get3A_538 : i32 to index
            %get3A_540 = arith.index_cast %scan3A_275 : i32 to index
            %get3A_541 = arith.constant 656 : index
            %get3A_542 = tpu.vector_load %arg15[%get3A_539, %get3A_540, %get3A_541] {strides = array<i32>} : memref<2x16x768xf32, #tpu.memory_space<vmem>>, vector<16xf32>,
            %mul3A_543 = arith.mulf %mul3A_507, %get3A_418 : vector<16xf32>
            %mul3A_544 = arith.mulf %mul3A_506, %get3A_542 : vector<16xf32>
            %add3A_545 = arith.addf %mul3A_543, %mul3A_544 : vector<16xf32>
            %add3A_546 = arith.constant 48 : i32
            %add3A_547 = arith.addi %add3A_546, %scan3A_275 : i32
            %swap3A_548 = arith.constant 0 : i32
            %swap3A_549 = arith.index_cast %swap3A_548 : i32 to index
            %swap3A_550 = arith.index_cast %add3A_547 : i32 to index
            %swap3A_551 = arith.constant 16 : index
            %swap3A_552 = tpu.vector_load %arg16[%swap3A_549, %swap3A_550, %swap3A_551] {strides = array<i32>} : memref<2x64x128xf32, #tpu.memory_space<vmem>>, vector<16xf32>,
            tpu.vector_store %arg16[%swap3A_549, %swap3A_550, %swap3A_551], %add3A_545 {strides = array<i32>} : memref<2x64x128xf32, #tpu.memory_space<vmem>>, vector<16xf32>,
            %get3A_553 = arith.constant 0 : i32
            %get3A_554 = arith.index_cast %get3A_553 : i32 to index
            %get3A_555 = arith.index_cast %scan3A_275 : i32 to index
            %get3A_556 = arith.constant 160 : index
            %get3A_557 = tpu.vector_load %arg15[%get3A_554, %get3A_555, %get3A_556] {strides = array<i32>} : memref<2x16x768xf32, #tpu.memory_space<vmem>>, vector<16xf32>,
            %get3A_558 = arith.constant 0 : i32
            %get3A_559 = arith.index_cast %get3A_558 : i32 to index
            %get3A_560 = arith.index_cast %scan3A_275 : i32 to index
            %get3A_561 = arith.constant 288 : index
            %get3A_562 = tpu.vector_load %arg15[%get3A_559, %get3A_560, %get3A_561] {strides = array<i32>} : memref<2x16x768xf32, #tpu.memory_space<vmem>>, vector<16xf32>,
            %get3A_563 = arith.constant 0 : i32
            %get3A_564 = arith.index_cast %get3A_563 : i32 to index
            %get3A_565 = arith.index_cast %scan3A_275 : i32 to index
            %get3A_566 = arith.constant 160 : index
            %get3A_567 = tpu.vector_load %arg14[%get3A_564, %get3A_565, %get3A_566] {strides = array<i32>} : memref<2x16x512xf32, #tpu.memory_space<vmem>>, vector<16xf32>,
            %get3A_568 = arith.constant 0 : i32
            %get3A_569 = arith.index_cast %get3A_568 : i32 to index
            %get3A_570 = arith.index_cast %scan3A_275 : i32 to index
            %get3A_571 = arith.constant 288 : index
            %get3A_572 = tpu.vector_load %arg14[%get3A_569, %get3A_570, %get3A_571] {strides = array<i32>} : memref<2x16x512xf32, #tpu.memory_space<vmem>>, vector<16xf32>,
            %mul3A_573 = arith.mulf %get3A_562, %get3A_572 : vector<16xf32>
            %mul3A_574 = arith.mulf %get3A_557, %get3A_567 : vector<16xf32>
            %get3A_575 = arith.constant 0 : i32
            %get3A_576 = arith.index_cast %get3A_575 : i32 to index
            %get3A_577 = arith.index_cast %scan3A_275 : i32 to index
            %get3A_578 = arith.constant 416 : index
            %get3A_579 = tpu.vector_load %arg15[%get3A_576, %get3A_577, %get3A_578] {strides = array<i32>} : memref<2x16x768xf32, #tpu.memory_space<vmem>>, vector<16xf32>,
            %mul3A_580 = arith.mulf %mul3A_574, %get3A_408 : vector<16xf32>
            %mul3A_581 = arith.mulf %mul3A_573, %get3A_579 : vector<16xf32>
            %add3A_582 = arith.addf %mul3A_580, %mul3A_581 : vector<16xf32>
            %add3A_583 = arith.constant 16 : i32
            %add3A_584 = arith.addi %add3A_583, %scan3A_275 : i32
            %swap3A_585 = arith.constant 0 : i32
            %swap3A_586 = arith.index_cast %swap3A_585 : i32 to index
            %swap3A_587 = arith.index_cast %add3A_584 : i32 to index
            %swap3A_588 = arith.constant 32 : index
            %swap3A_589 = tpu.vector_load %arg16[%swap3A_586, %swap3A_587, %swap3A_588] {strides = array<i32>} : memref<2x64x128xf32, #tpu.memory_space<vmem>>, vector<16xf32>,
            tpu.vector_store %arg16[%swap3A_586, %swap3A_587, %swap3A_588], %add3A_582 {strides = array<i32>} : memref<2x64x128xf32, #tpu.memory_space<vmem>>, vector<16xf32>,
            %get3A_590 = arith.constant 0 : i32
            %get3A_591 = arith.index_cast %get3A_590 : i32 to index
            %get3A_592 = arith.index_cast %scan3A_275 : i32 to index
            %get3A_593 = arith.constant 544 : index
            %get3A_594 = tpu.vector_load %arg15[%get3A_591, %get3A_592, %get3A_593] {strides = array<i32>} : memref<2x16x768xf32, #tpu.memory_space<vmem>>, vector<16xf32>,
            %mul3A_595 = arith.mulf %mul3A_574, %get3A_413 : vector<16xf32>
            %mul3A_596 = arith.mulf %mul3A_573, %get3A_594 : vector<16xf32>
            %add3A_597 = arith.addf %mul3A_595, %mul3A_596 : vector<16xf32>
            %add3A_598 = arith.constant 32 : i32
            %add3A_599 = arith.addi %add3A_598, %scan3A_275 : i32
            %swap3A_600 = arith.constant 0 : i32
            %swap3A_601 = arith.index_cast %swap3A_600 : i32 to index
            %swap3A_602 = arith.index_cast %add3A_599 : i32 to index
            %swap3A_603 = arith.constant 32 : index
            %swap3A_604 = tpu.vector_load %arg16[%swap3A_601, %swap3A_602, %swap3A_603] {strides = array<i32>} : memref<2x64x128xf32, #tpu.memory_space<vmem>>, vector<16xf32>,
            tpu.vector_store %arg16[%swap3A_601, %swap3A_602, %swap3A_603], %add3A_597 {strides = array<i32>} : memref<2x64x128xf32, #tpu.memory_space<vmem>>, vector<16xf32>,
            %get3A_605 = arith.constant 0 : i32
            %get3A_606 = arith.index_cast %get3A_605 : i32 to index
            %get3A_607 = arith.index_cast %scan3A_275 : i32 to index
            %get3A_608 = arith.constant 672 : index
            %get3A_609 = tpu.vector_load %arg15[%get3A_606, %get3A_607, %get3A_608] {strides = array<i32>} : memref<2x16x768xf32, #tpu.memory_space<vmem>>, vector<16xf32>,
            %mul3A_610 = arith.mulf %mul3A_574, %get3A_418 : vector<16xf32>
            %mul3A_611 = arith.mulf %mul3A_573, %get3A_609 : vector<16xf32>
            %add3A_612 = arith.addf %mul3A_610, %mul3A_611 : vector<16xf32>
            %add3A_613 = arith.constant 48 : i32
            %add3A_614 = arith.addi %add3A_613, %scan3A_275 : i32
            %swap3A_615 = arith.constant 0 : i32
            %swap3A_616 = arith.index_cast %swap3A_615 : i32 to index
            %swap3A_617 = arith.index_cast %add3A_614 : i32 to index
            %swap3A_618 = arith.constant 32 : index
            %swap3A_619 = tpu.vector_load %arg16[%swap3A_616, %swap3A_617, %swap3A_618] {strides = array<i32>} : memref<2x64x128xf32, #tpu.memory_space<vmem>>, vector<16xf32>,
            tpu.vector_store %arg16[%swap3A_616, %swap3A_617, %swap3A_618], %add3A_612 {strides = array<i32>} : memref<2x64x128xf32, #tpu.memory_space<vmem>>, vector<16xf32>,
            %get3A_620 = arith.constant 0 : i32
            %get3A_621 = arith.index_cast %get3A_620 : i32 to index
            %get3A_622 = arith.index_cast %scan3A_275 : i32 to index
            %get3A_623 = arith.constant 176 : index
            %get3A_624 = tpu.vector_load %arg15[%get3A_621, %get3A_622, %get3A_623] {strides = array<i32>} : memref<2x16x768xf32, #tpu.memory_space<vmem>>, vector<16xf32>,
            %get3A_625 = arith.constant 0 : i32
            %get3A_626 = arith.index_cast %get3A_625 : i32 to index
            %get3A_627 = arith.index_cast %scan3A_275 : i32 to index
            %get3A_628 = arith.constant 304 : index
            %get3A_629 = tpu.vector_load %arg15[%get3A_626, %get3A_627, %get3A_628] {strides = array<i32>} : memref<2x16x768xf32, #tpu.memory_space<vmem>>, vector<16xf32>,
            %get3A_630 = arith.constant 0 : i32
            %get3A_631 = arith.index_cast %get3A_630 : i32 to index
            %get3A_632 = arith.index_cast %scan3A_275 : i32 to index
            %get3A_633 = arith.constant 176 : index
            %get3A_634 = tpu.vector_load %arg14[%get3A_631, %get3A_632, %get3A_633] {strides = array<i32>} : memref<2x16x512xf32, #tpu.memory_space<vmem>>, vector<16xf32>,
            %get3A_635 = arith.constant 0 : i32
            %get3A_636 = arith.index_cast %get3A_635 : i32 to index
            %get3A_637 = arith.index_cast %scan3A_275 : i32 to index
            %get3A_638 = arith.constant 304 : index
            %get3A_639 = tpu.vector_load %arg14[%get3A_636, %get3A_637, %get3A_638] {strides = array<i32>} : memref<2x16x512xf32, #tpu.memory_space<vmem>>, vector<16xf32>,
            %mul3A_640 = arith.mulf %get3A_629, %get3A_639 : vector<16xf32>
            %mul3A_641 = arith.mulf %get3A_624, %get3A_634 : vector<16xf32>
            %get3A_642 = arith.constant 0 : i32
            %get3A_643 = arith.index_cast %get3A_642 : i32 to index
            %get3A_644 = arith.index_cast %scan3A_275 : i32 to index
            %get3A_645 = arith.constant 432 : index
            %get3A_646 = tpu.vector_load %arg15[%get3A_643, %get3A_644, %get3A_645] {strides = array<i32>} : memref<2x16x768xf32, #tpu.memory_space<vmem>>, vector<16xf32>,
            %mul3A_647 = arith.mulf %mul3A_641, %get3A_408 : vector<16xf32>
            %mul3A_648 = arith.mulf %mul3A_640, %get3A_646 : vector<16xf32>
            %add3A_649 = arith.addf %mul3A_647, %mul3A_648 : vector<16xf32>
            %add3A_650 = arith.constant 16 : i32
            %add3A_651 = arith.addi %add3A_650, %scan3A_275 : i32
            %swap3A_652 = arith.constant 0 : i32
            %swap3A_653 = arith.index_cast %swap3A_652 : i32 to index
            %swap3A_654 = arith.index_cast %add3A_651 : i32 to index
            %swap3A_655 = arith.constant 48 : index
            %swap3A_656 = tpu.vector_load %arg16[%swap3A_653, %swap3A_654, %swap3A_655] {strides = array<i32>} : memref<2x64x128xf32, #tpu.memory_space<vmem>>, vector<16xf32>,
            tpu.vector_store %arg16[%swap3A_653, %swap3A_654, %swap3A_655], %add3A_649 {strides = array<i32>} : memref<2x64x128xf32, #tpu.memory_space<vmem>>, vector<16xf32>,
            %get3A_657 = arith.constant 0 : i32
            %get3A_658 = arith.index_cast %get3A_657 : i32 to index
            %get3A_659 = arith.index_cast %scan3A_275 : i32 to index
            %get3A_660 = arith.constant 560 : index
            %get3A_661 = tpu.vector_load %arg15[%get3A_658, %get3A_659, %get3A_660] {strides = array<i32>} : memref<2x16x768xf32, #tpu.memory_space<vmem>>, vector<16xf32>,
            %mul3A_662 = arith.mulf %mul3A_641, %get3A_413 : vector<16xf32>
            %mul3A_663 = arith.mulf %mul3A_640, %get3A_661 : vector<16xf32>
            %add3A_664 = arith.addf %mul3A_662, %mul3A_663 : vector<16xf32>
            %add3A_665 = arith.constant 32 : i32
            %add3A_666 = arith.addi %add3A_665, %scan3A_275 : i32
            %swap3A_667 = arith.constant 0 : i32
            %swap3A_668 = arith.index_cast %swap3A_667 : i32 to index
            %swap3A_669 = arith.index_cast %add3A_666 : i32 to index
            %swap3A_670 = arith.constant 48 : index
            %swap3A_671 = tpu.vector_load %arg16[%swap3A_668, %swap3A_669, %swap3A_670] {strides = array<i32>} : memref<2x64x128xf32, #tpu.memory_space<vmem>>, vector<16xf32>,
            tpu.vector_store %arg16[%swap3A_668, %swap3A_669, %swap3A_670], %add3A_664 {strides = array<i32>} : memref<2x64x128xf32, #tpu.memory_space<vmem>>, vector<16xf32>,
            %get3A_672 = arith.constant 0 : i32
            %get3A_673 = arith.index_cast %get3A_672 : i32 to index
            %get3A_674 = arith.index_cast %scan3A_275 : i32 to index
            %get3A_675 = arith.constant 688 : index
            %get3A_676 = tpu.vector_load %arg15[%get3A_673, %get3A_674, %get3A_675] {strides = array<i32>} : memref<2x16x768xf32, #tpu.memory_space<vmem>>, vector<16xf32>,
            %mul3A_677 = arith.mulf %mul3A_641, %get3A_418 : vector<16xf32>
            %mul3A_678 = arith.mulf %mul3A_640, %get3A_676 : vector<16xf32>
            %add3A_679 = arith.addf %mul3A_677, %mul3A_678 : vector<16xf32>
            %add3A_680 = arith.constant 48 : i32
            %add3A_681 = arith.addi %add3A_680, %scan3A_275 : i32
            %swap3A_682 = arith.constant 0 : i32
            %swap3A_683 = arith.index_cast %swap3A_682 : i32 to index
            %swap3A_684 = arith.index_cast %add3A_681 : i32 to index
            %swap3A_685 = arith.constant 48 : index
            %swap3A_686 = tpu.vector_load %arg16[%swap3A_683, %swap3A_684, %swap3A_685] {strides = array<i32>} : memref<2x64x128xf32, #tpu.memory_space<vmem>>, vector<16xf32>,
            tpu.vector_store %arg16[%swap3A_683, %swap3A_684, %swap3A_685], %add3A_679 {strides = array<i32>} : memref<2x64x128xf32, #tpu.memory_space<vmem>>, vector<16xf32>,
            %get3A_687 = arith.constant 0 : i32
            %get3A_688 = arith.index_cast %get3A_687 : i32 to index
            %get3A_689 = arith.index_cast %scan3A_275 : i32 to index
            %get3A_690 = arith.constant 192 : index
            %get3A_691 = tpu.vector_load %arg15[%get3A_688, %get3A_689, %get3A_690] {strides = array<i32>} : memref<2x16x768xf32, #tpu.memory_space<vmem>>, vector<16xf32>,
            %get3A_692 = arith.constant 0 : i32
            %get3A_693 = arith.index_cast %get3A_692 : i32 to index
            %get3A_694 = arith.index_cast %scan3A_275 : i32 to index
            %get3A_695 = arith.constant 320 : index
            %get3A_696 = tpu.vector_load %arg15[%get3A_693, %get3A_694, %get3A_695] {strides = array<i32>} : memref<2x16x768xf32, #tpu.memory_space<vmem>>, vector<16xf32>,
            %get3A_697 = arith.constant 0 : i32
            %get3A_698 = arith.index_cast %get3A_697 : i32 to index
            %get3A_699 = arith.index_cast %scan3A_275 : i32 to index
            %get3A_700 = arith.constant 192 : index
            %get3A_701 = tpu.vector_load %arg14[%get3A_698, %get3A_699, %get3A_700] {strides = array<i32>} : memref<2x16x512xf32, #tpu.memory_space<vmem>>, vector<16xf32>,
            %get3A_702 = arith.constant 0 : i32
            %get3A_703 = arith.index_cast %get3A_702 : i32 to index
            %get3A_704 = arith.index_cast %scan3A_275 : i32 to index
            %get3A_705 = arith.constant 320 : index
            %get3A_706 = tpu.vector_load %arg14[%get3A_703, %get3A_704, %get3A_705] {strides = array<i32>} : memref<2x16x512xf32, #tpu.memory_space<vmem>>, vector<16xf32>,
            %mul3A_707 = arith.mulf %get3A_696, %get3A_706 : vector<16xf32>
            %mul3A_708 = arith.mulf %get3A_691, %get3A_701 : vector<16xf32>
            %get3A_709 = arith.constant 0 : i32
            %get3A_710 = arith.index_cast %get3A_709 : i32 to index
            %get3A_711 = arith.index_cast %scan3A_275 : i32 to index
            %get3A_712 = arith.constant 448 : index
            %get3A_713 = tpu.vector_load %arg15[%get3A_710, %get3A_711, %get3A_712] {strides = array<i32>} : memref<2x16x768xf32, #tpu.memory_space<vmem>>, vector<16xf32>,
            %mul3A_714 = arith.mulf %mul3A_708, %get3A_408 : vector<16xf32>
            %mul3A_715 = arith.mulf %mul3A_707, %get3A_713 : vector<16xf32>
            %add3A_716 = arith.addf %mul3A_714, %mul3A_715 : vector<16xf32>
            %add3A_717 = arith.constant 16 : i32
            %add3A_718 = arith.addi %add3A_717, %scan3A_275 : i32
            %swap3A_719 = arith.constant 0 : i32
            %swap3A_720 = arith.index_cast %swap3A_719 : i32 to index
            %swap3A_721 = arith.index_cast %add3A_718 : i32 to index
            %swap3A_722 = arith.constant 64 : index
            %swap3A_723 = tpu.vector_load %arg16[%swap3A_720, %swap3A_721, %swap3A_722] {strides = array<i32>} : memref<2x64x128xf32, #tpu.memory_space<vmem>>, vector<16xf32>,
            tpu.vector_store %arg16[%swap3A_720, %swap3A_721, %swap3A_722], %add3A_716 {strides = array<i32>} : memref<2x64x128xf32, #tpu.memory_space<vmem>>, vector<16xf32>,
            %get3A_724 = arith.constant 0 : i32
            %get3A_725 = arith.index_cast %get3A_724 : i32 to index
            %get3A_726 = arith.index_cast %scan3A_275 : i32 to index
            %get3A_727 = arith.constant 576 : index
            %get3A_728 = tpu.vector_load %arg15[%get3A_725, %get3A_726, %get3A_727] {strides = array<i32>} : memref<2x16x768xf32, #tpu.memory_space<vmem>>, vector<16xf32>,
            %mul3A_729 = arith.mulf %mul3A_708, %get3A_413 : vector<16xf32>
            %mul3A_730 = arith.mulf %mul3A_707, %get3A_728 : vector<16xf32>
            %add3A_731 = arith.addf %mul3A_729, %mul3A_730 : vector<16xf32>
            %add3A_732 = arith.constant 32 : i32
            %add3A_733 = arith.addi %add3A_732, %scan3A_275 : i32
            %swap3A_734 = arith.constant 0 : i32
            %swap3A_735 = arith.index_cast %swap3A_734 : i32 to index
            %swap3A_736 = arith.index_cast %add3A_733 : i32 to index
            %swap3A_737 = arith.constant 64 : index
            %swap3A_738 = tpu.vector_load %arg16[%swap3A_735, %swap3A_736, %swap3A_737] {strides = array<i32>} : memref<2x64x128xf32, #tpu.memory_space<vmem>>, vector<16xf32>,
            tpu.vector_store %arg16[%swap3A_735, %swap3A_736, %swap3A_737], %add3A_731 {strides = array<i32>} : memref<2x64x128xf32, #tpu.memory_space<vmem>>, vector<16xf32>,
            %get3A_739 = arith.constant 0 : i32
            %get3A_740 = arith.index_cast %get3A_739 : i32 to index
            %get3A_741 = arith.index_cast %scan3A_275 : i32 to index
            %get3A_742 = arith.constant 704 : index
            %get3A_743 = tpu.vector_load %arg15[%get3A_740, %get3A_741, %get3A_742] {strides = array<i32>} : memref<2x16x768xf32, #tpu.memory_space<vmem>>, vector<16xf32>,
            %mul3A_744 = arith.mulf %mul3A_708, %get3A_418 : vector<16xf32>
            %mul3A_745 = arith.mulf %mul3A_707, %get3A_743 : vector<16xf32>
            %add3A_746 = arith.addf %mul3A_744, %mul3A_745 : vector<16xf32>
            %add3A_747 = arith.constant 48 : i32
            %add3A_748 = arith.addi %add3A_747, %scan3A_275 : i32
            %swap3A_749 = arith.constant 0 : i32
            %swap3A_750 = arith.index_cast %swap3A_749 : i32 to index
            %swap3A_751 = arith.index_cast %add3A_748 : i32 to index
            %swap3A_752 = arith.constant 64 : index
            %swap3A_753 = tpu.vector_load %arg16[%swap3A_750, %swap3A_751, %swap3A_752] {strides = array<i32>} : memref<2x64x128xf32, #tpu.memory_space<vmem>>, vector<16xf32>,
            tpu.vector_store %arg16[%swap3A_750, %swap3A_751, %swap3A_752], %add3A_746 {strides = array<i32>} : memref<2x64x128xf32, #tpu.memory_space<vmem>>, vector<16xf32>,
            %get3A_754 = arith.constant 0 : i32
            %get3A_755 = arith.index_cast %get3A_754 : i32 to index
            %get3A_756 = arith.index_cast %scan3A_275 : i32 to index
            %get3A_757 = arith.constant 208 : index
            %get3A_758 = tpu.vector_load %arg15[%get3A_755, %get3A_756, %get3A_757] {strides = array<i32>} : memref<2x16x768xf32, #tpu.memory_space<vmem>>, vector<16xf32>,
            %get3A_759 = arith.constant 0 : i32
            %get3A_760 = arith.index_cast %get3A_759 : i32 to index
            %get3A_761 = arith.index_cast %scan3A_275 : i32 to index
            %get3A_762 = arith.constant 336 : index
            %get3A_763 = tpu.vector_load %arg15[%get3A_760, %get3A_761, %get3A_762] {strides = array<i32>} : memref<2x16x768xf32, #tpu.memory_space<vmem>>, vector<16xf32>,
            %get3A_764 = arith.constant 0 : i32
            %get3A_765 = arith.index_cast %get3A_764 : i32 to index
            %get3A_766 = arith.index_cast %scan3A_275 : i32 to index
            %get3A_767 = arith.constant 208 : index
            %get3A_768 = tpu.vector_load %arg14[%get3A_765, %get3A_766, %get3A_767] {strides = array<i32>} : memref<2x16x512xf32, #tpu.memory_space<vmem>>, vector<16xf32>,
            %get3A_769 = arith.constant 0 : i32
            %get3A_770 = arith.index_cast %get3A_769 : i32 to index
            %get3A_771 = arith.index_cast %scan3A_275 : i32 to index
            %get3A_772 = arith.constant 336 : index
            %get3A_773 = tpu.vector_load %arg14[%get3A_770, %get3A_771, %get3A_772] {strides = array<i32>} : memref<2x16x512xf32, #tpu.memory_space<vmem>>, vector<16xf32>,
            %mul3A_774 = arith.mulf %get3A_763, %get3A_773 : vector<16xf32>
            %mul3A_775 = arith.mulf %get3A_758, %get3A_768 : vector<16xf32>
            %get3A_776 = arith.constant 0 : i32
            %get3A_777 = arith.index_cast %get3A_776 : i32 to index
            %get3A_778 = arith.index_cast %scan3A_275 : i32 to index
            %get3A_779 = arith.constant 464 : index
            %get3A_780 = tpu.vector_load %arg15[%get3A_777, %get3A_778, %get3A_779] {strides = array<i32>} : memref<2x16x768xf32, #tpu.memory_space<vmem>>, vector<16xf32>,
            %mul3A_781 = arith.mulf %mul3A_775, %get3A_408 : vector<16xf32>
            %mul3A_782 = arith.mulf %mul3A_774, %get3A_780 : vector<16xf32>
            %add3A_783 = arith.addf %mul3A_781, %mul3A_782 : vector<16xf32>
            %add3A_784 = arith.constant 16 : i32
            %add3A_785 = arith.addi %add3A_784, %scan3A_275 : i32
            %swap3A_786 = arith.constant 0 : i32
            %swap3A_787 = arith.index_cast %swap3A_786 : i32 to index
            %swap3A_788 = arith.index_cast %add3A_785 : i32 to index
            %swap3A_789 = arith.constant 80 : index
            %swap3A_790 = tpu.vector_load %arg16[%swap3A_787, %swap3A_788, %swap3A_789] {strides = array<i32>} : memref<2x64x128xf32, #tpu.memory_space<vmem>>, vector<16xf32>,
            tpu.vector_store %arg16[%swap3A_787, %swap3A_788, %swap3A_789], %add3A_783 {strides = array<i32>} : memref<2x64x128xf32, #tpu.memory_space<vmem>>, vector<16xf32>,
            %get3A_791 = arith.constant 0 : i32
            %get3A_792 = arith.index_cast %get3A_791 : i32 to index
            %get3A_793 = arith.index_cast %scan3A_275 : i32 to index
            %get3A_794 = arith.constant 592 : index
            %get3A_795 = tpu.vector_load %arg15[%get3A_792, %get3A_793, %get3A_794] {strides = array<i32>} : memref<2x16x768xf32, #tpu.memory_space<vmem>>, vector<16xf32>,
            %mul3A_796 = arith.mulf %mul3A_775, %get3A_413 : vector<16xf32>
            %mul3A_797 = arith.mulf %mul3A_774, %get3A_795 : vector<16xf32>
            %add3A_798 = arith.addf %mul3A_796, %mul3A_797 : vector<16xf32>
            %add3A_799 = arith.constant 32 : i32
            %add3A_800 = arith.addi %add3A_799, %scan3A_275 : i32
            %swap3A_801 = arith.constant 0 : i32
            %swap3A_802 = arith.index_cast %swap3A_801 : i32 to index
            %swap3A_803 = arith.index_cast %add3A_800 : i32 to index
            %swap3A_804 = arith.constant 80 : index
            %swap3A_805 = tpu.vector_load %arg16[%swap3A_802, %swap3A_803, %swap3A_804] {strides = array<i32>} : memref<2x64x128xf32, #tpu.memory_space<vmem>>, vector<16xf32>,
            tpu.vector_store %arg16[%swap3A_802, %swap3A_803, %swap3A_804], %add3A_798 {strides = array<i32>} : memref<2x64x128xf32, #tpu.memory_space<vmem>>, vector<16xf32>,
            %get3A_806 = arith.constant 0 : i32
            %get3A_807 = arith.index_cast %get3A_806 : i32 to index
            %get3A_808 = arith.index_cast %scan3A_275 : i32 to index
            %get3A_809 = arith.constant 720 : index
            %get3A_810 = tpu.vector_load %arg15[%get3A_807, %get3A_808, %get3A_809] {strides = array<i32>} : memref<2x16x768xf32, #tpu.memory_space<vmem>>, vector<16xf32>,
            %mul3A_811 = arith.mulf %mul3A_775, %get3A_418 : vector<16xf32>
            %mul3A_812 = arith.mulf %mul3A_774, %get3A_810 : vector<16xf32>
            %add3A_813 = arith.addf %mul3A_811, %mul3A_812 : vector<16xf32>
            %add3A_814 = arith.constant 48 : i32
            %add3A_815 = arith.addi %add3A_814, %scan3A_275 : i32
            %swap3A_816 = arith.constant 0 : i32
            %swap3A_817 = arith.index_cast %swap3A_816 : i32 to index
            %swap3A_818 = arith.index_cast %add3A_815 : i32 to index
            %swap3A_819 = arith.constant 80 : index
            %swap3A_820 = tpu.vector_load %arg16[%swap3A_817, %swap3A_818, %swap3A_819] {strides = array<i32>} : memref<2x64x128xf32, #tpu.memory_space<vmem>>, vector<16xf32>,
            tpu.vector_store %arg16[%swap3A_817, %swap3A_818, %swap3A_819], %add3A_813 {strides = array<i32>} : memref<2x64x128xf32, #tpu.memory_space<vmem>>, vector<16xf32>,
            %get3A_821 = arith.constant 0 : i32
            %get3A_822 = arith.index_cast %get3A_821 : i32 to index
            %get3A_823 = arith.index_cast %scan3A_275 : i32 to index
            %get3A_824 = arith.constant 224 : index
            %get3A_825 = tpu.vector_load %arg15[%get3A_822, %get3A_823, %get3A_824] {strides = array<i32>} : memref<2x16x768xf32, #tpu.memory_space<vmem>>, vector<16xf32>,
            %get3A_826 = arith.constant 0 : i32
            %get3A_827 = arith.index_cast %get3A_826 : i32 to index
            %get3A_828 = arith.index_cast %scan3A_275 : i32 to index
            %get3A_829 = arith.constant 352 : index
            %get3A_830 = tpu.vector_load %arg15[%get3A_827, %get3A_828, %get3A_829] {strides = array<i32>} : memref<2x16x768xf32, #tpu.memory_space<vmem>>, vector<16xf32>,
            %get3A_831 = arith.constant 0 : i32
            %get3A_832 = arith.index_cast %get3A_831 : i32 to index
            %get3A_833 = arith.index_cast %scan3A_275 : i32 to index
            %get3A_834 = arith.constant 224 : index
            %get3A_835 = tpu.vector_load %arg14[%get3A_832, %get3A_833, %get3A_834] {strides = array<i32>} : memref<2x16x512xf32, #tpu.memory_space<vmem>>, vector<16xf32>,
            %get3A_836 = arith.constant 0 : i32
            %get3A_837 = arith.index_cast %get3A_836 : i32 to index
            %get3A_838 = arith.index_cast %scan3A_275 : i32 to index
            %get3A_839 = arith.constant 352 : index
            %get3A_840 = tpu.vector_load %arg14[%get3A_837, %get3A_838, %get3A_839] {strides = array<i32>} : memref<2x16x512xf32, #tpu.memory_space<vmem>>, vector<16xf32>,
            %mul3A_841 = arith.mulf %get3A_830, %get3A_840 : vector<16xf32>
            %mul3A_842 = arith.mulf %get3A_825, %get3A_835 : vector<16xf32>
            %get3A_843 = arith.constant 0 : i32
            %get3A_844 = arith.index_cast %get3A_843 : i32 to index
            %get3A_845 = arith.index_cast %scan3A_275 : i32 to index
            %get3A_846 = arith.constant 480 : index
            %get3A_847 = tpu.vector_load %arg15[%get3A_844, %get3A_845, %get3A_846] {strides = array<i32>} : memref<2x16x768xf32, #tpu.memory_space<vmem>>, vector<16xf32>,
            %mul3A_848 = arith.mulf %mul3A_842, %get3A_408 : vector<16xf32>
            %mul3A_849 = arith.mulf %mul3A_841, %get3A_847 : vector<16xf32>
            %add3A_850 = arith.addf %mul3A_848, %mul3A_849 : vector<16xf32>
            %add3A_851 = arith.constant 16 : i32
            %add3A_852 = arith.addi %add3A_851, %scan3A_275 : i32
            %swap3A_853 = arith.constant 0 : i32
            %swap3A_854 = arith.index_cast %swap3A_853 : i32 to index
            %swap3A_855 = arith.index_cast %add3A_852 : i32 to index
            %swap3A_856 = arith.constant 96 : index
            %swap3A_857 = tpu.vector_load %arg16[%swap3A_854, %swap3A_855, %swap3A_856] {strides = array<i32>} : memref<2x64x128xf32, #tpu.memory_space<vmem>>, vector<16xf32>,
            tpu.vector_store %arg16[%swap3A_854, %swap3A_855, %swap3A_856], %add3A_850 {strides = array<i32>} : memref<2x64x128xf32, #tpu.memory_space<vmem>>, vector<16xf32>,
            %get3A_858 = arith.constant 0 : i32
            %get3A_859 = arith.index_cast %get3A_858 : i32 to index
            %get3A_860 = arith.index_cast %scan3A_275 : i32 to index
            %get3A_861 = arith.constant 608 : index
            %get3A_862 = tpu.vector_load %arg15[%get3A_859, %get3A_860, %get3A_861] {strides = array<i32>} : memref<2x16x768xf32, #tpu.memory_space<vmem>>, vector<16xf32>,
            %mul3A_863 = arith.mulf %mul3A_842, %get3A_413 : vector<16xf32>
            %mul3A_864 = arith.mulf %mul3A_841, %get3A_862 : vector<16xf32>
            %add3A_865 = arith.addf %mul3A_863, %mul3A_864 : vector<16xf32>
            %add3A_866 = arith.constant 32 : i32
            %add3A_867 = arith.addi %add3A_866, %scan3A_275 : i32
            %swap3A_868 = arith.constant 0 : i32
            %swap3A_869 = arith.index_cast %swap3A_868 : i32 to index
            %swap3A_870 = arith.index_cast %add3A_867 : i32 to index
            %swap3A_871 = arith.constant 96 : index
            %swap3A_872 = tpu.vector_load %arg16[%swap3A_869, %swap3A_870, %swap3A_871] {strides = array<i32>} : memref<2x64x128xf32, #tpu.memory_space<vmem>>, vector<16xf32>,
            tpu.vector_store %arg16[%swap3A_869, %swap3A_870, %swap3A_871], %add3A_865 {strides = array<i32>} : memref<2x64x128xf32, #tpu.memory_space<vmem>>, vector<16xf32>,
            %get3A_873 = arith.constant 0 : i32
            %get3A_874 = arith.index_cast %get3A_873 : i32 to index
            %get3A_875 = arith.index_cast %scan3A_275 : i32 to index
            %get3A_876 = arith.constant 736 : index
            %get3A_877 = tpu.vector_load %arg15[%get3A_874, %get3A_875, %get3A_876] {strides = array<i32>} : memref<2x16x768xf32, #tpu.memory_space<vmem>>, vector<16xf32>,
            %mul3A_878 = arith.mulf %mul3A_842, %get3A_418 : vector<16xf32>
            %mul3A_879 = arith.mulf %mul3A_841, %get3A_877 : vector<16xf32>
            %add3A_880 = arith.addf %mul3A_878, %mul3A_879 : vector<16xf32>
            %add3A_881 = arith.constant 48 : i32
            %add3A_882 = arith.addi %add3A_881, %scan3A_275 : i32
            %swap3A_883 = arith.constant 0 : i32
            %swap3A_884 = arith.index_cast %swap3A_883 : i32 to index
            %swap3A_885 = arith.index_cast %add3A_882 : i32 to index
            %swap3A_886 = arith.constant 96 : index
            %swap3A_887 = tpu.vector_load %arg16[%swap3A_884, %swap3A_885, %swap3A_886] {strides = array<i32>} : memref<2x64x128xf32, #tpu.memory_space<vmem>>, vector<16xf32>,
            tpu.vector_store %arg16[%swap3A_884, %swap3A_885, %swap3A_886], %add3A_880 {strides = array<i32>} : memref<2x64x128xf32, #tpu.memory_space<vmem>>, vector<16xf32>,
            %get3A_888 = arith.constant 0 : i32
            %get3A_889 = arith.index_cast %get3A_888 : i32 to index
            %get3A_890 = arith.index_cast %scan3A_275 : i32 to index
            %get3A_891 = arith.constant 240 : index
            %get3A_892 = tpu.vector_load %arg15[%get3A_889, %get3A_890, %get3A_891] {strides = array<i32>} : memref<2x16x768xf32, #tpu.memory_space<vmem>>, vector<16xf32>,
            %get3A_893 = arith.constant 0 : i32
            %get3A_894 = arith.index_cast %get3A_893 : i32 to index
            %get3A_895 = arith.index_cast %scan3A_275 : i32 to index
            %get3A_896 = arith.constant 368 : index
            %get3A_897 = tpu.vector_load %arg15[%get3A_894, %get3A_895, %get3A_896] {strides = array<i32>} : memref<2x16x768xf32, #tpu.memory_space<vmem>>, vector<16xf32>,
            %get3A_898 = arith.constant 0 : i32
            %get3A_899 = arith.index_cast %get3A_898 : i32 to index
            %get3A_900 = arith.index_cast %scan3A_275 : i32 to index
            %get3A_901 = arith.constant 240 : index
            %get3A_902 = tpu.vector_load %arg14[%get3A_899, %get3A_900, %get3A_901] {strides = array<i32>} : memref<2x16x512xf32, #tpu.memory_space<vmem>>, vector<16xf32>,
            %get3A_903 = arith.constant 0 : i32
            %get3A_904 = arith.index_cast %get3A_903 : i32 to index
            %get3A_905 = arith.index_cast %scan3A_275 : i32 to index
            %get3A_906 = arith.constant 368 : index
            %get3A_907 = tpu.vector_load %arg14[%get3A_904, %get3A_905, %get3A_906] {strides = array<i32>} : memref<2x16x512xf32, #tpu.memory_space<vmem>>, vector<16xf32>,
            %mul3A_908 = arith.mulf %get3A_897, %get3A_907 : vector<16xf32>
            %mul3A_909 = arith.mulf %get3A_892, %get3A_902 : vector<16xf32>
            %get3A_910 = arith.constant 0 : i32
            %get3A_911 = arith.index_cast %get3A_910 : i32 to index
            %get3A_912 = arith.index_cast %scan3A_275 : i32 to index
            %get3A_913 = arith.constant 496 : index
            %get3A_914 = tpu.vector_load %arg15[%get3A_911, %get3A_912, %get3A_913] {strides = array<i32>} : memref<2x16x768xf32, #tpu.memory_space<vmem>>, vector<16xf32>,
            %mul3A_915 = arith.mulf %mul3A_909, %get3A_408 : vector<16xf32>
            %mul3A_916 = arith.mulf %mul3A_908, %get3A_914 : vector<16xf32>
            %add3A_917 = arith.addf %mul3A_915, %mul3A_916 : vector<16xf32>
            %add3A_918 = arith.constant 16 : i32
            %add3A_919 = arith.addi %add3A_918, %scan3A_275 : i32
            %swap3A_920 = arith.constant 0 : i32
            %swap3A_921 = arith.index_cast %swap3A_920 : i32 to index
            %swap3A_922 = arith.index_cast %add3A_919 : i32 to index
            %swap3A_923 = arith.constant 112 : index
            %swap3A_924 = tpu.vector_load %arg16[%swap3A_921, %swap3A_922, %swap3A_923] {strides = array<i32>} : memref<2x64x128xf32, #tpu.memory_space<vmem>>, vector<16xf32>,
            tpu.vector_store %arg16[%swap3A_921, %swap3A_922, %swap3A_923], %add3A_917 {strides = array<i32>} : memref<2x64x128xf32, #tpu.memory_space<vmem>>, vector<16xf32>,
            %get3A_925 = arith.constant 0 : i32
            %get3A_926 = arith.index_cast %get3A_925 : i32 to index
            %get3A_927 = arith.index_cast %scan3A_275 : i32 to index
            %get3A_928 = arith.constant 624 : index
            %get3A_929 = tpu.vector_load %arg15[%get3A_926, %get3A_927, %get3A_928] {strides = array<i32>} : memref<2x16x768xf32, #tpu.memory_space<vmem>>, vector<16xf32>,
            %mul3A_930 = arith.mulf %mul3A_909, %get3A_413 : vector<16xf32>
            %mul3A_931 = arith.mulf %mul3A_908, %get3A_929 : vector<16xf32>
            %add3A_932 = arith.addf %mul3A_930, %mul3A_931 : vector<16xf32>
            %add3A_933 = arith.constant 32 : i32
            %add3A_934 = arith.addi %add3A_933, %scan3A_275 : i32
            %swap3A_935 = arith.constant 0 : i32
            %swap3A_936 = arith.index_cast %swap3A_935 : i32 to index
            %swap3A_937 = arith.index_cast %add3A_934 : i32 to index
            %swap3A_938 = arith.constant 112 : index
            %swap3A_939 = tpu.vector_load %arg16[%swap3A_936, %swap3A_937, %swap3A_938] {strides = array<i32>} : memref<2x64x128xf32, #tpu.memory_space<vmem>>, vector<16xf32>,
            tpu.vector_store %arg16[%swap3A_936, %swap3A_937, %swap3A_938], %add3A_932 {strides = array<i32>} : memref<2x64x128xf32, #tpu.memory_space<vmem>>, vector<16xf32>,
            %get3A_940 = arith.constant 0 : i32
            %get3A_941 = arith.index_cast %get3A_940 : i32 to index
            %get3A_942 = arith.index_cast %scan3A_275 : i32 to index
            %get3A_943 = arith.constant 752 : index
            %get3A_944 = tpu.vector_load %arg15[%get3A_941, %get3A_942, %get3A_943] {strides = array<i32>} : memref<2x16x768xf32, #tpu.memory_space<vmem>>, vector<16xf32>,
            %mul3A_945 = arith.mulf %mul3A_909, %get3A_418 : vector<16xf32>
            %mul3A_946 = arith.mulf %mul3A_908, %get3A_944 : vector<16xf32>
            %add3A_947 = arith.addf %mul3A_945, %mul3A_946 : vector<16xf32>
            %add3A_948 = arith.constant 48 : i32
            %add3A_949 = arith.addi %add3A_948, %scan3A_275 : i32
            %swap3A_950 = arith.constant 0 : i32
            %swap3A_951 = arith.index_cast %swap3A_950 : i32 to index
            %swap3A_952 = arith.index_cast %add3A_949 : i32 to index
            %swap3A_953 = arith.constant 112 : index
            %swap3A_954 = tpu.vector_load %arg16[%swap3A_951, %swap3A_952, %swap3A_953] {strides = array<i32>} : memref<2x64x128xf32, #tpu.memory_space<vmem>>, vector<16xf32>,
            tpu.vector_store %arg16[%swap3A_951, %swap3A_952, %swap3A_953], %add3A_947 {strides = array<i32>} : memref<2x64x128xf32, #tpu.memory_space<vmem>>, vector<16xf32>,
          }
          %scan3A_242 = arith.constant 16 : i32
          %dma_start3A = arith.constant 0 : i32
          %dma_start3A_243 = arith.constant 0 : i32
          %dma_start3A_244 = arith.constant 0 : i32
          %dma_start3A_245 = arith.constant 0 : i32
          %dma_start3A_246 = tpu.memref_slice %arg16[%dma_start3A, %dma_start3A_244, %dma_start3A_245] : memref<2x64x128xf32, #tpu.memory_space<vmem>> -> memref<1x64x128xf32, #tpu.memory_space<vmem>>
          %dma_start3A_247 = tpu.memref_squeeze %dma_start3A_246 : memref<1x64x128xf32, #tpu.memory_space<vmem>> -> memref<64x128xf32, #tpu.memory_space<vmem>>
          %dma_start3A_248 = arith.constant 0 : i32
          %dma_start3A_249 = tpu.memref_slice %arg13[%dma_start3A_243, %dma_start3A_248] : memref<2x64xi32, #tpu.memory_space<vmem>> -> memref<1x64xi32, #tpu.memory_space<vmem>>
          %dma_start3A_250 = tpu.memref_squeeze %dma_start3A_249 : memref<1x64xi32, #tpu.memory_space<vmem>> -> memref<64xi32, #tpu.memory_space<vmem>>
          %dma_start3A_251 = arith.constant 0 : i32
          %dma_start3A_252 = arith.constant 0 : i32
          %dma_start3A_253 = tpu.memref_slice %arg17[%dma_start3A_251, %dma_start3A_252] : memref<5124x128xf32, #tpu.memory_space<vmem_shared>> -> memref<5124x128xf32, #tpu.memory_space<vmem_shared>>
          tpu.enqueue_indirect_dma source(%dma_start3A_247 : memref<64x128xf32, #tpu.memory_space<vmem>>) target(%dma_start3A_253 : memref<5124x128xf32, #tpu.memory_space<vmem_shared>>) offsets(%dma_start3A_250 : memref<64xi32, #tpu.memory_space<vmem>>) semaphore(%arg20 : memref<!tpu.dma_semaphore, #tpu.memory_space<semaphore_mem>>) {add = true}
          %add3A_254 = arith.constant 1 : i32
          %add3A_255 = arith.addi %add3A_154, %add3A_254 : i32
          %lt3A_256 = arith.cmpi slt, %add3A_255, %select_n3A : i32
          %convert_element_type3A_257 = arith.extui %lt3A_256 : i1 to i32
          %cond3A_258 = arith.constant 0 : i32
          %cond3A_259 = arith.cmpi ne, %convert_element_type3A_257, %cond3A_258 : i32
          scf.if %cond3A_259 {
            %add3A_275 = arith.constant 1 : i32
            %add3A_276 = arith.addi %add3A_154, %add3A_275 : i32
            %mul3A_277 = arith.constant 16 : i32
            %mul3A_278 = arith.muli %add3A_276, %mul3A_277 : i32
            %add3A_279 = arith.constant 0 : i32
            %add3A_280 = arith.addi %mul3A_278, %add3A_279 : i32
            %add3A_281 = vector.broadcast %add3A_280 : i32 to vector<16xi32>
            %add3A_282 = arith.addi %add3A_281, %iota3A : vector<16xi32>
            %lt3A_283 = vector.broadcast %squeeze3A : i32 to vector<16xi32>
            %lt3A_284 = arith.cmpi slt, %add3A_282, %lt3A_283 : vector<16xi32>
            %get3A_285 = arith.index_cast %add3A_280 : i32 to index
            %get3A_286 = tpu.vector_load %arg9[%get3A_285] {strides = array<i32>} : memref<2032xi32, #tpu.memory_space<vmem>>, vector<16xi32>,
            %jit3A_287 = arith.constant 0 : i32
            %broadcast_in_dim3A_288 = vector.broadcast %jit3A_287 : i32 to vector<16xi32>
            %select_n3A_289 = arith.select %lt3A_284, %get3A_286, %broadcast_in_dim3A_288 : vector<16xi1>, vector<16xi32>
            %gather3A_290 = tpu.vector_load_idx %arg8[%select_n3A_289] : memref<2000xi32, #tpu.memory_space<vmem>>[vector<16xi32>], vector<16xi32>,
            %jit3A_291 = arith.constant 0 : i32
            %broadcast_in_dim3A_292 = vector.broadcast %jit3A_291 : i32 to vector<16xi32>
            %select_n3A_293 = arith.select %lt3A_284, %gather3A_290, %broadcast_in_dim3A_292 : vector<16xi1>, vector<16xi32>
            %swap3A_294 = arith.constant 0 : i32
            %swap3A_295 = arith.index_cast %swap3A_294 : i32 to index
            %swap3A_296 = arith.constant 0 : index
            %swap3A_297 = tpu.vector_load %arg11[%swap3A_295, %swap3A_296] {strides = array<i32>} : memref<2x16xi32, #tpu.memory_space<vmem>>, vector<16xi32>,
            tpu.vector_store %arg11[%swap3A_295, %swap3A_296], %select_n3A_293 {strides = array<i32>} : memref<2x16xi32, #tpu.memory_space<vmem>>, vector<16xi32>,
            %add3A_298 = vector.broadcast %add3A_80 : i32 to vector<16xi32>
            %add3A_299 = arith.addi %select_n3A_289, %add3A_298 : vector<16xi32>
            %jit3A_300 = arith.constant 0 : i32
            %broadcast_in_dim3A_301 = vector.broadcast %jit3A_300 : i32 to vector<16xi32>
            %select_n3A_302 = arith.select %lt3A_284, %add3A_299, %broadcast_in_dim3A_301 : vector<16xi1>, vector<16xi32>
            %swap3A_303 = arith.constant 0 : i32
            %swap3A_304 = arith.index_cast %swap3A_303 : i32 to index
            %swap3A_305 = arith.constant 0 : index
            %swap3A_306 = tpu.vector_load %arg12[%swap3A_304, %swap3A_305] {strides = array<i32>} : memref<2x16xi32, #tpu.memory_space<vmem>>, vector<16xi32>,
            tpu.vector_store %arg12[%swap3A_304, %swap3A_305], %select_n3A_302 {strides = array<i32>} : memref<2x16xi32, #tpu.memory_space<vmem>>, vector<16xi32>,
            %dma_start3A_307 = arith.constant 0 : i32
            %dma_start3A_308 = arith.constant 0 : i32
            %dma_start3A_309 = arith.constant 0 : i32
            %dma_start3A_310 = arith.constant 0 : i32
            %dma_start3A_311 = tpu.memref_slice %arg14[%dma_start3A_308, %dma_start3A_309, %dma_start3A_310] : memref<2x16x512xf32, #tpu.memory_space<vmem>> -> memref<1x16x512xf32, #tpu.memory_space<vmem>>
            %dma_start3A_312 = tpu.memref_squeeze %dma_start3A_311 : memref<1x16x512xf32, #tpu.memory_space<vmem>> -> memref<16x512xf32, #tpu.memory_space<vmem>>
            %dma_start3A_313 = arith.constant 0 : i32
            %dma_start3A_314 = tpu.memref_slice %arg12[%dma_start3A_307, %dma_start3A_313] : memref<2x16xi32, #tpu.memory_space<vmem>> -> memref<1x16xi32, #tpu.memory_space<vmem>>
            %dma_start3A_315 = tpu.memref_squeeze %dma_start3A_314 : memref<1x16xi32, #tpu.memory_space<vmem>> -> memref<16xi32, #tpu.memory_space<vmem>>
            %dma_start3A_316 = arith.constant 0 : i32
            %dma_start3A_317 = arith.constant 0 : i32
            %dma_start3A_318 = tpu.memref_slice %arg2[%dma_start3A_316, %dma_start3A_317] : memref<160000x512xf32, #tpu.memory_space<hbm>> -> memref<160000x512xf32, #tpu.memory_space<hbm>>
            tpu.enqueue_indirect_dma source(%dma_start3A_318 : memref<160000x512xf32, #tpu.memory_space<hbm>>) target(%dma_start3A_312 : memref<16x512xf32, #tpu.memory_space<vmem>>) offsets(%dma_start3A_315 : memref<16xi32, #tpu.memory_space<vmem>>) semaphore(%arg18 : memref<!tpu.dma_semaphore, #tpu.memory_space<semaphore_mem>>)
            %dma_start3A_319 = arith.constant 0 : i32
            %dma_start3A_320 = arith.constant 0 : i32
            %dma_start3A_321 = arith.constant 0 : i32
            %dma_start3A_322 = arith.constant 0 : i32
            %dma_start3A_323 = tpu.memref_slice %arg15[%dma_start3A_320, %dma_start3A_321, %dma_start3A_322] : memref<2x16x768xf32, #tpu.memory_space<vmem>> -> memref<1x16x768xf32, #tpu.memory_space<vmem>>
            %dma_start3A_324 = tpu.memref_squeeze %dma_start3A_323 : memref<1x16x768xf32, #tpu.memory_space<vmem>> -> memref<16x768xf32, #tpu.memory_space<vmem>>
            %dma_start3A_325 = arith.constant 0 : i32
            %dma_start3A_326 = tpu.memref_slice %arg11[%dma_start3A_319, %dma_start3A_325] : memref<2x16xi32, #tpu.memory_space<vmem>> -> memref<1x16xi32, #tpu.memory_space<vmem>>
            %dma_start3A_327 = tpu.memref_squeeze %dma_start3A_326 : memref<1x16xi32, #tpu.memory_space<vmem>> -> memref<16xi32, #tpu.memory_space<vmem>>
            %dma_start3A_328 = arith.constant 0 : i32
            %dma_start3A_329 = arith.constant 0 : i32
            %dma_start3A_330 = tpu.memref_slice %arg3[%dma_start3A_328, %dma_start3A_329] : memref<10000x768xf32, #tpu.memory_space<hbm>> -> memref<10000x768xf32, #tpu.memory_space<hbm>>
            tpu.enqueue_indirect_dma source(%dma_start3A_330 : memref<10000x768xf32, #tpu.memory_space<hbm>>) target(%dma_start3A_324 : memref<16x768xf32, #tpu.memory_space<vmem>>) offsets(%dma_start3A_327 : memref<16xi32, #tpu.memory_space<vmem>>) semaphore(%arg18 : memref<!tpu.dma_semaphore, #tpu.memory_space<semaphore_mem>>)
          } else {
          }
          %lt3A_260 = arith.cmpi slt, %add3A_154, %select_n3A : i32
          %gt3A_261 = arith.constant 0 : i32
          %gt3A_262 = arith.cmpi sgt, %while3A_150, %gt3A_261 : i32
          %and3A_263 = arith.andi %lt3A_260, %gt3A_262 : i1
          %convert_element_type3A_264 = arith.extui %and3A_263 : i1 to i32
          %cond3A_265 = arith.constant 0 : i32
          %cond3A_266 = arith.cmpi ne, %convert_element_type3A_264, %cond3A_265 : i32
          scf.if %cond3A_266 {
            %dma_wait3A_275 = arith.constant 1 : i32
            %dma_wait3A_276 = arith.constant 0 : i32
            %dma_wait3A_277 = arith.constant 0 : i32
            %dma_wait3A_278 = tpu.memref_slice %arg16[%dma_wait3A_275, %dma_wait3A_276, %dma_wait3A_277] : memref<2x64x128xf32, #tpu.memory_space<vmem>> -> memref<1x64x128xf32, #tpu.memory_space<vmem>>
            %dma_wait3A_279 = tpu.memref_squeeze %dma_wait3A_278 : memref<1x64x128xf32, #tpu.memory_space<vmem>> -> memref<64x128xf32, #tpu.memory_space<vmem>>
            %dma_wait3A_280 = arith.constant 0 : i32
            %dma_wait3A_281 = arith.constant 0 : i32
            %dma_wait3A_282 = tpu.memref_slice %arg17[%dma_wait3A_280, %dma_wait3A_281] : memref<5124x128xf32, #tpu.memory_space<vmem_shared>> -> memref<64x128xf32, #tpu.memory_space<vmem_shared>>
            %dma_wait3A_283 = arith.constant 0 : i32
            %dma_wait3A_284 = arith.constant 0 : i32
            %dma_wait3A_285 = tpu.memref_slice %arg17[%dma_wait3A_283, %dma_wait3A_284] : memref<5124x128xf32, #tpu.memory_space<vmem_shared>> -> memref<64x128xf32, #tpu.memory_space<vmem_shared>>
            %dma_wait3A_286 = arith.constant 0 : i32
            %dma_wait3A_287 = arith.constant 0 : i32
            %dma_wait3A_288 = tpu.memref_slice %arg16[%dma_wait3A_275, %dma_wait3A_286, %dma_wait3A_287] : memref<2x64x128xf32, #tpu.memory_space<vmem>> -> memref<1x64x128xf32, #tpu.memory_space<vmem>>
            %dma_wait3A_289 = tpu.memref_squeeze %dma_wait3A_288 : memref<1x64x128xf32, #tpu.memory_space<vmem>> -> memref<64x128xf32, #tpu.memory_space<vmem>>
            tpu.wait_dma2 semaphore(%arg21 : memref<!tpu.dma_semaphore, #tpu.memory_space<semaphore_mem>>) src(%dma_wait3A_289 : memref<64x128xf32, #tpu.memory_space<vmem>>) dst(%dma_wait3A_285 : memref<64x128xf32, #tpu.memory_space<vmem_shared>>)
          } else {
          }
          %lt3A_267 = arith.cmpi slt, %add3A_154, %select_n3A : i32
          %convert_element_type3A_268 = arith.extui %lt3A_267 : i1 to i32
          %cond3A_269 = arith.constant 0 : i32
          %cond3A_270 = arith.cmpi ne, %convert_element_type3A_268, %cond3A_269 : i32
          scf.if %cond3A_270 {
            %mul3A_275 = arith.constant 16 : i32
            %mul3A_276 = arith.muli %add3A_154, %mul3A_275 : i32
            %add3A_277 = arith.constant 0 : i32
            %add3A_278 = arith.addi %mul3A_276, %add3A_277 : i32
            %add3A_279 = vector.broadcast %add3A_278 : i32 to vector<16xi32>
            %add3A_280 = arith.addi %add3A_279, %iota3A : vector<16xi32>
            %lt3A_281 = vector.broadcast %squeeze3A : i32 to vector<16xi32>
            %lt3A_282 = arith.cmpi slt, %add3A_280, %lt3A_281 : vector<16xi32>
            %get3A_283 = arith.index_cast %add3A_278 : i32 to index
            %get3A_284 = tpu.vector_load %arg9[%get3A_283] {strides = array<i32>} : memref<2032xi32, #tpu.memory_space<vmem>>, vector<16xi32>,
            %jit3A_285 = arith.constant 0 : i32
            %broadcast_in_dim3A_286 = vector.broadcast %jit3A_285 : i32 to vector<16xi32>
            %select_n3A_287 = arith.select %lt3A_282, %get3A_284, %broadcast_in_dim3A_286 : vector<16xi1>, vector<16xi32>
            %gather3A_288 = tpu.vector_load_idx %arg7[%select_n3A_287] : memref<2000xi32, #tpu.memory_space<vmem>>[vector<16xi32>], vector<16xi32>,
            %sub3A_289 = vector.broadcast %mul3A_11 : i32 to vector<16xi32>
            %sub3A_290 = arith.subi %gather3A_288, %sub3A_289 : vector<16xi32>
            %jit3A_291 = arith.constant 1280 : i32
            %broadcast_in_dim3A_292 = vector.broadcast %jit3A_291 : i32 to vector<16xi32>
            %select_n3A_293 = arith.select %lt3A_282, %sub3A_290, %broadcast_in_dim3A_292 : vector<16xi1>, vector<16xi32>
            %mul3A_294 = arith.constant 4 : i32
            %mul3A_295 = vector.broadcast %mul3A_294 : i32 to vector<16xi32>
            %mul3A_296 = arith.muli %mul3A_295, %select_n3A_293 : vector<16xi32>
            %swap3A_297 = arith.constant 1 : i32
            %swap3A_298 = arith.index_cast %swap3A_297 : i32 to index
            %swap3A_299 = arith.constant 0 : index
            %swap3A_300 = tpu.vector_load %arg13[%swap3A_298, %swap3A_299] {strides = array<i32>} : memref<2x64xi32, #tpu.memory_space<vmem>>, vector<16xi32>,
            tpu.vector_store %arg13[%swap3A_298, %swap3A_299], %mul3A_296 {strides = array<i32>} : memref<2x64xi32, #tpu.memory_space<vmem>>, vector<16xi32>,
            %add3A_301 = arith.constant 1 : i32
            %add3A_302 = vector.broadcast %add3A_301 : i32 to vector<16xi32>
            %add3A_303 = arith.addi %mul3A_296, %add3A_302 : vector<16xi32>
            %swap3A_304 = arith.constant 1 : i32
            %swap3A_305 = arith.index_cast %swap3A_304 : i32 to index
            %swap3A_306 = arith.constant 16 : index
            %swap3A_307 = tpu.vector_load %arg13[%swap3A_305, %swap3A_306] {strides = array<i32>} : memref<2x64xi32, #tpu.memory_space<vmem>>, vector<16xi32>,
            tpu.vector_store %arg13[%swap3A_305, %swap3A_306], %add3A_303 {strides = array<i32>} : memref<2x64xi32, #tpu.memory_space<vmem>>, vector<16xi32>,
            %add3A_308 = arith.constant 2 : i32
            %add3A_309 = vector.broadcast %add3A_308 : i32 to vector<16xi32>
            %add3A_310 = arith.addi %mul3A_296, %add3A_309 : vector<16xi32>
            %swap3A_311 = arith.constant 1 : i32
            %swap3A_312 = arith.index_cast %swap3A_311 : i32 to index
            %swap3A_313 = arith.constant 32 : index
            %swap3A_314 = tpu.vector_load %arg13[%swap3A_312, %swap3A_313] {strides = array<i32>} : memref<2x64xi32, #tpu.memory_space<vmem>>, vector<16xi32>,
            tpu.vector_store %arg13[%swap3A_312, %swap3A_313], %add3A_310 {strides = array<i32>} : memref<2x64xi32, #tpu.memory_space<vmem>>, vector<16xi32>,
            %add3A_315 = arith.constant 3 : i32
            %add3A_316 = vector.broadcast %add3A_315 : i32 to vector<16xi32>
            %add3A_317 = arith.addi %mul3A_296, %add3A_316 : vector<16xi32>
            %swap3A_318 = arith.constant 1 : i32
            %swap3A_319 = arith.index_cast %swap3A_318 : i32 to index
            %swap3A_320 = arith.constant 48 : index
            %swap3A_321 = tpu.vector_load %arg13[%swap3A_319, %swap3A_320] {strides = array<i32>} : memref<2x64xi32, #tpu.memory_space<vmem>>, vector<16xi32>,
            tpu.vector_store %arg13[%swap3A_319, %swap3A_320], %add3A_317 {strides = array<i32>} : memref<2x64xi32, #tpu.memory_space<vmem>>, vector<16xi32>,
            %dma_wait3A_322 = arith.constant 1 : i32
            %dma_wait3A_323 = arith.constant 0 : i32
            %dma_wait3A_324 = arith.constant 0 : i32
            %dma_wait3A_325 = tpu.memref_slice %arg14[%dma_wait3A_322, %dma_wait3A_323, %dma_wait3A_324] : memref<2x16x512xf32, #tpu.memory_space<vmem>> -> memref<1x16x512xf32, #tpu.memory_space<vmem>>
            %dma_wait3A_326 = tpu.memref_squeeze %dma_wait3A_325 : memref<1x16x512xf32, #tpu.memory_space<vmem>> -> memref<16x512xf32, #tpu.memory_space<vmem>>
            %dma_wait3A_327 = arith.constant 0 : i32
            %dma_wait3A_328 = arith.constant 0 : i32
            %dma_wait3A_329 = tpu.memref_slice %arg2[%dma_wait3A_327, %dma_wait3A_328] : memref<160000x512xf32, #tpu.memory_space<hbm>> -> memref<16x512xf32, #tpu.memory_space<hbm>>
            %dma_wait3A_330 = arith.constant 0 : i32
            %dma_wait3A_331 = arith.constant 0 : i32
            %dma_wait3A_332 = tpu.memref_slice %arg14[%dma_wait3A_322, %dma_wait3A_330, %dma_wait3A_331] : memref<2x16x512xf32, #tpu.memory_space<vmem>> -> memref<1x16x512xf32, #tpu.memory_space<vmem>>
            %dma_wait3A_333 = tpu.memref_squeeze %dma_wait3A_332 : memref<1x16x512xf32, #tpu.memory_space<vmem>> -> memref<16x512xf32, #tpu.memory_space<vmem>>
            %dma_wait3A_334 = arith.constant 0 : i32
            %dma_wait3A_335 = arith.constant 0 : i32
            %dma_wait3A_336 = tpu.memref_slice %arg2[%dma_wait3A_334, %dma_wait3A_335] : memref<160000x512xf32, #tpu.memory_space<hbm>> -> memref<16x512xf32, #tpu.memory_space<hbm>>
            tpu.wait_dma2 semaphore(%arg19 : memref<!tpu.dma_semaphore, #tpu.memory_space<semaphore_mem>>) src(%dma_wait3A_336 : memref<16x512xf32, #tpu.memory_space<hbm>>) dst(%dma_wait3A_333 : memref<16x512xf32, #tpu.memory_space<vmem>>)
            %dma_wait3A_337 = arith.constant 1 : i32
            %dma_wait3A_338 = arith.constant 0 : i32
            %dma_wait3A_339 = arith.constant 0 : i32
            %dma_wait3A_340 = tpu.memref_slice %arg15[%dma_wait3A_337, %dma_wait3A_338, %dma_wait3A_339] : memref<2x16x768xf32, #tpu.memory_space<vmem>> -> memref<1x16x768xf32, #tpu.memory_space<vmem>>
            %dma_wait3A_341 = tpu.memref_squeeze %dma_wait3A_340 : memref<1x16x768xf32, #tpu.memory_space<vmem>> -> memref<16x768xf32, #tpu.memory_space<vmem>>
            %dma_wait3A_342 = arith.constant 0 : i32
            %dma_wait3A_343 = arith.constant 0 : i32
            %dma_wait3A_344 = tpu.memref_slice %arg3[%dma_wait3A_342, %dma_wait3A_343] : memref<10000x768xf32, #tpu.memory_space<hbm>> -> memref<16x768xf32, #tpu.memory_space<hbm>>
            %dma_wait3A_345 = arith.constant 0 : i32
            %dma_wait3A_346 = arith.constant 0 : i32
            %dma_wait3A_347 = tpu.memref_slice %arg15[%dma_wait3A_337, %dma_wait3A_345, %dma_wait3A_346] : memref<2x16x768xf32, #tpu.memory_space<vmem>> -> memref<1x16x768xf32, #tpu.memory_space<vmem>>
            %dma_wait3A_348 = tpu.memref_squeeze %dma_wait3A_347 : memref<1x16x768xf32, #tpu.memory_space<vmem>> -> memref<16x768xf32, #tpu.memory_space<vmem>>
            %dma_wait3A_349 = arith.constant 0 : i32
            %dma_wait3A_350 = arith.constant 0 : i32
            %dma_wait3A_351 = tpu.memref_slice %arg3[%dma_wait3A_349, %dma_wait3A_350] : memref<10000x768xf32, #tpu.memory_space<hbm>> -> memref<16x768xf32, #tpu.memory_space<hbm>>
            tpu.wait_dma2 semaphore(%arg19 : memref<!tpu.dma_semaphore, #tpu.memory_space<semaphore_mem>>) src(%dma_wait3A_351 : memref<16x768xf32, #tpu.memory_space<hbm>>) dst(%dma_wait3A_348 : memref<16x768xf32, #tpu.memory_space<vmem>>)
            %scan3A_352 = arith.constant 0 : i32
            %scan3A_353 = arith.constant 0 : i32
            %scan3A_354 = arith.constant 16 : i32
            %scan3A_355 = arith.addi %scan3A_353, %scan3A_354 : i32
            %scan3A_356 = arith.constant 1 : i32
            scf.for %scan3A_370 = %scan3A_353 to %scan3A_355 step %scan3A_356  : i32 {
              %get3A_371 = arith.constant 1 : i32
              %get3A_372 = arith.index_cast %get3A_371 : i32 to index
              %get3A_373 = arith.index_cast %scan3A_370 : i32 to index
              %get3A_374 = arith.constant 0 : index
              %get3A_375 = tpu.vector_load %arg15[%get3A_372, %get3A_373, %get3A_374] {strides = array<i32>} : memref<2x16x768xf32, #tpu.memory_space<vmem>>, vector<16xf32>,
              %get3A_376 = arith.constant 1 : i32
              %get3A_377 = arith.index_cast %get3A_376 : i32 to index
              %get3A_378 = arith.index_cast %scan3A_370 : i32 to index
              %get3A_379 = arith.constant 0 : index
              %get3A_380 = tpu.vector_load %arg14[%get3A_377, %get3A_378, %get3A_379] {strides = array<i32>} : memref<2x16x512xf32, #tpu.memory_space<vmem>>, vector<16xf32>,
              %mul3A_381 = arith.mulf %get3A_375, %get3A_380 : vector<16xf32>
              %swap3A_382 = arith.constant 1 : i32
              %swap3A_383 = arith.index_cast %swap3A_382 : i32 to index
              %swap3A_384 = arith.index_cast %scan3A_370 : i32 to index
              %swap3A_385 = arith.constant 0 : index
              %swap3A_386 = tpu.vector_load %arg16[%swap3A_383, %swap3A_384, %swap3A_385] {strides = array<i32>} : memref<2x64x128xf32, #tpu.memory_space<vmem>>, vector<16xf32>,
              tpu.vector_store %arg16[%swap3A_383, %swap3A_384, %swap3A_385], %mul3A_381 {strides = array<i32>} : memref<2x64x128xf32, #tpu.memory_space<vmem>>, vector<16xf32>,
              %get3A_387 = arith.constant 1 : i32
              %get3A_388 = arith.index_cast %get3A_387 : i32 to index
              %get3A_389 = arith.index_cast %scan3A_370 : i32 to index
              %get3A_390 = arith.constant 16 : index
              %get3A_391 = tpu.vector_load %arg15[%get3A_388, %get3A_389, %get3A_390] {strides = array<i32>} : memref<2x16x768xf32, #tpu.memory_space<vmem>>, vector<16xf32>,
              %get3A_392 = arith.constant 1 : i32
              %get3A_393 = arith.index_cast %get3A_392 : i32 to index
              %get3A_394 = arith.index_cast %scan3A_370 : i32 to index
              %get3A_395 = arith.constant 16 : index
              %get3A_396 = tpu.vector_load %arg14[%get3A_393, %get3A_394, %get3A_395] {strides = array<i32>} : memref<2x16x512xf32, #tpu.memory_space<vmem>>, vector<16xf32>,
              %mul3A_397 = arith.mulf %get3A_391, %get3A_396 : vector<16xf32>
              %swap3A_398 = arith.constant 1 : i32
              %swap3A_399 = arith.index_cast %swap3A_398 : i32 to index
              %swap3A_400 = arith.index_cast %scan3A_370 : i32 to index
              %swap3A_401 = arith.constant 16 : index
              %swap3A_402 = tpu.vector_load %arg16[%swap3A_399, %swap3A_400, %swap3A_401] {strides = array<i32>} : memref<2x64x128xf32, #tpu.memory_space<vmem>>, vector<16xf32>,
              tpu.vector_store %arg16[%swap3A_399, %swap3A_400, %swap3A_401], %mul3A_397 {strides = array<i32>} : memref<2x64x128xf32, #tpu.memory_space<vmem>>, vector<16xf32>,
              %get3A_403 = arith.constant 1 : i32
              %get3A_404 = arith.index_cast %get3A_403 : i32 to index
              %get3A_405 = arith.index_cast %scan3A_370 : i32 to index
              %get3A_406 = arith.constant 32 : index
              %get3A_407 = tpu.vector_load %arg15[%get3A_404, %get3A_405, %get3A_406] {strides = array<i32>} : memref<2x16x768xf32, #tpu.memory_space<vmem>>, vector<16xf32>,
              %get3A_408 = arith.constant 1 : i32
              %get3A_409 = arith.index_cast %get3A_408 : i32 to index
              %get3A_410 = arith.index_cast %scan3A_370 : i32 to index
              %get3A_411 = arith.constant 32 : index
              %get3A_412 = tpu.vector_load %arg14[%get3A_409, %get3A_410, %get3A_411] {strides = array<i32>} : memref<2x16x512xf32, #tpu.memory_space<vmem>>, vector<16xf32>,
              %mul3A_413 = arith.mulf %get3A_407, %get3A_412 : vector<16xf32>
              %swap3A_414 = arith.constant 1 : i32
              %swap3A_415 = arith.index_cast %swap3A_414 : i32 to index
              %swap3A_416 = arith.index_cast %scan3A_370 : i32 to index
              %swap3A_417 = arith.constant 32 : index
              %swap3A_418 = tpu.vector_load %arg16[%swap3A_415, %swap3A_416, %swap3A_417] {strides = array<i32>} : memref<2x64x128xf32, #tpu.memory_space<vmem>>, vector<16xf32>,
              tpu.vector_store %arg16[%swap3A_415, %swap3A_416, %swap3A_417], %mul3A_413 {strides = array<i32>} : memref<2x64x128xf32, #tpu.memory_space<vmem>>, vector<16xf32>,
              %get3A_419 = arith.constant 1 : i32
              %get3A_420 = arith.index_cast %get3A_419 : i32 to index
              %get3A_421 = arith.index_cast %scan3A_370 : i32 to index
              %get3A_422 = arith.constant 48 : index
              %get3A_423 = tpu.vector_load %arg15[%get3A_420, %get3A_421, %get3A_422] {strides = array<i32>} : memref<2x16x768xf32, #tpu.memory_space<vmem>>, vector<16xf32>,
              %get3A_424 = arith.constant 1 : i32
              %get3A_425 = arith.index_cast %get3A_424 : i32 to index
              %get3A_426 = arith.index_cast %scan3A_370 : i32 to index
              %get3A_427 = arith.constant 48 : index
              %get3A_428 = tpu.vector_load %arg14[%get3A_425, %get3A_426, %get3A_427] {strides = array<i32>} : memref<2x16x512xf32, #tpu.memory_space<vmem>>, vector<16xf32>,
              %mul3A_429 = arith.mulf %get3A_423, %get3A_428 : vector<16xf32>
              %swap3A_430 = arith.constant 1 : i32
              %swap3A_431 = arith.index_cast %swap3A_430 : i32 to index
              %swap3A_432 = arith.index_cast %scan3A_370 : i32 to index
              %swap3A_433 = arith.constant 48 : index
              %swap3A_434 = tpu.vector_load %arg16[%swap3A_431, %swap3A_432, %swap3A_433] {strides = array<i32>} : memref<2x64x128xf32, #tpu.memory_space<vmem>>, vector<16xf32>,
              tpu.vector_store %arg16[%swap3A_431, %swap3A_432, %swap3A_433], %mul3A_429 {strides = array<i32>} : memref<2x64x128xf32, #tpu.memory_space<vmem>>, vector<16xf32>,
              %get3A_435 = arith.constant 1 : i32
              %get3A_436 = arith.index_cast %get3A_435 : i32 to index
              %get3A_437 = arith.index_cast %scan3A_370 : i32 to index
              %get3A_438 = arith.constant 64 : index
              %get3A_439 = tpu.vector_load %arg15[%get3A_436, %get3A_437, %get3A_438] {strides = array<i32>} : memref<2x16x768xf32, #tpu.memory_space<vmem>>, vector<16xf32>,
              %get3A_440 = arith.constant 1 : i32
              %get3A_441 = arith.index_cast %get3A_440 : i32 to index
              %get3A_442 = arith.index_cast %scan3A_370 : i32 to index
              %get3A_443 = arith.constant 64 : index
              %get3A_444 = tpu.vector_load %arg14[%get3A_441, %get3A_442, %get3A_443] {strides = array<i32>} : memref<2x16x512xf32, #tpu.memory_space<vmem>>, vector<16xf32>,
              %mul3A_445 = arith.mulf %get3A_439, %get3A_444 : vector<16xf32>
              %swap3A_446 = arith.constant 1 : i32
              %swap3A_447 = arith.index_cast %swap3A_446 : i32 to index
              %swap3A_448 = arith.index_cast %scan3A_370 : i32 to index
              %swap3A_449 = arith.constant 64 : index
              %swap3A_450 = tpu.vector_load %arg16[%swap3A_447, %swap3A_448, %swap3A_449] {strides = array<i32>} : memref<2x64x128xf32, #tpu.memory_space<vmem>>, vector<16xf32>,
              tpu.vector_store %arg16[%swap3A_447, %swap3A_448, %swap3A_449], %mul3A_445 {strides = array<i32>} : memref<2x64x128xf32, #tpu.memory_space<vmem>>, vector<16xf32>,
              %get3A_451 = arith.constant 1 : i32
              %get3A_452 = arith.index_cast %get3A_451 : i32 to index
              %get3A_453 = arith.index_cast %scan3A_370 : i32 to index
              %get3A_454 = arith.constant 80 : index
              %get3A_455 = tpu.vector_load %arg15[%get3A_452, %get3A_453, %get3A_454] {strides = array<i32>} : memref<2x16x768xf32, #tpu.memory_space<vmem>>, vector<16xf32>,
              %get3A_456 = arith.constant 1 : i32
              %get3A_457 = arith.index_cast %get3A_456 : i32 to index
              %get3A_458 = arith.index_cast %scan3A_370 : i32 to index
              %get3A_459 = arith.constant 80 : index
              %get3A_460 = tpu.vector_load %arg14[%get3A_457, %get3A_458, %get3A_459] {strides = array<i32>} : memref<2x16x512xf32, #tpu.memory_space<vmem>>, vector<16xf32>,
              %mul3A_461 = arith.mulf %get3A_455, %get3A_460 : vector<16xf32>
              %swap3A_462 = arith.constant 1 : i32
              %swap3A_463 = arith.index_cast %swap3A_462 : i32 to index
              %swap3A_464 = arith.index_cast %scan3A_370 : i32 to index
              %swap3A_465 = arith.constant 80 : index
              %swap3A_466 = tpu.vector_load %arg16[%swap3A_463, %swap3A_464, %swap3A_465] {strides = array<i32>} : memref<2x64x128xf32, #tpu.memory_space<vmem>>, vector<16xf32>,
              tpu.vector_store %arg16[%swap3A_463, %swap3A_464, %swap3A_465], %mul3A_461 {strides = array<i32>} : memref<2x64x128xf32, #tpu.memory_space<vmem>>, vector<16xf32>,
              %get3A_467 = arith.constant 1 : i32
              %get3A_468 = arith.index_cast %get3A_467 : i32 to index
              %get3A_469 = arith.index_cast %scan3A_370 : i32 to index
              %get3A_470 = arith.constant 96 : index
              %get3A_471 = tpu.vector_load %arg15[%get3A_468, %get3A_469, %get3A_470] {strides = array<i32>} : memref<2x16x768xf32, #tpu.memory_space<vmem>>, vector<16xf32>,
              %get3A_472 = arith.constant 1 : i32
              %get3A_473 = arith.index_cast %get3A_472 : i32 to index
              %get3A_474 = arith.index_cast %scan3A_370 : i32 to index
              %get3A_475 = arith.constant 96 : index
              %get3A_476 = tpu.vector_load %arg14[%get3A_473, %get3A_474, %get3A_475] {strides = array<i32>} : memref<2x16x512xf32, #tpu.memory_space<vmem>>, vector<16xf32>,
              %mul3A_477 = arith.mulf %get3A_471, %get3A_476 : vector<16xf32>
              %swap3A_478 = arith.constant 1 : i32
              %swap3A_479 = arith.index_cast %swap3A_478 : i32 to index
              %swap3A_480 = arith.index_cast %scan3A_370 : i32 to index
              %swap3A_481 = arith.constant 96 : index
              %swap3A_482 = tpu.vector_load %arg16[%swap3A_479, %swap3A_480, %swap3A_481] {strides = array<i32>} : memref<2x64x128xf32, #tpu.memory_space<vmem>>, vector<16xf32>,
              tpu.vector_store %arg16[%swap3A_479, %swap3A_480, %swap3A_481], %mul3A_477 {strides = array<i32>} : memref<2x64x128xf32, #tpu.memory_space<vmem>>, vector<16xf32>,
              %get3A_483 = arith.constant 1 : i32
              %get3A_484 = arith.index_cast %get3A_483 : i32 to index
              %get3A_485 = arith.index_cast %scan3A_370 : i32 to index
              %get3A_486 = arith.constant 112 : index
              %get3A_487 = tpu.vector_load %arg15[%get3A_484, %get3A_485, %get3A_486] {strides = array<i32>} : memref<2x16x768xf32, #tpu.memory_space<vmem>>, vector<16xf32>,
              %get3A_488 = arith.constant 1 : i32
              %get3A_489 = arith.index_cast %get3A_488 : i32 to index
              %get3A_490 = arith.index_cast %scan3A_370 : i32 to index
              %get3A_491 = arith.constant 112 : index
              %get3A_492 = tpu.vector_load %arg14[%get3A_489, %get3A_490, %get3A_491] {strides = array<i32>} : memref<2x16x512xf32, #tpu.memory_space<vmem>>, vector<16xf32>,
              %mul3A_493 = arith.mulf %get3A_487, %get3A_492 : vector<16xf32>
              %swap3A_494 = arith.constant 1 : i32
              %swap3A_495 = arith.index_cast %swap3A_494 : i32 to index
              %swap3A_496 = arith.index_cast %scan3A_370 : i32 to index
              %swap3A_497 = arith.constant 112 : index
              %swap3A_498 = tpu.vector_load %arg16[%swap3A_495, %swap3A_496, %swap3A_497] {strides = array<i32>} : memref<2x64x128xf32, #tpu.memory_space<vmem>>, vector<16xf32>,
              tpu.vector_store %arg16[%swap3A_495, %swap3A_496, %swap3A_497], %mul3A_493 {strides = array<i32>} : memref<2x64x128xf32, #tpu.memory_space<vmem>>, vector<16xf32>,
              %get3A_499 = arith.constant 1 : i32
              %get3A_500 = arith.index_cast %get3A_499 : i32 to index
              %get3A_501 = arith.index_cast %scan3A_370 : i32 to index
              %get3A_502 = arith.constant 384 : index
              %get3A_503 = tpu.vector_load %arg14[%get3A_500, %get3A_501, %get3A_502] {strides = array<i32>} : memref<2x16x512xf32, #tpu.memory_space<vmem>>, vector<16xf32>,
              %get3A_504 = arith.constant 1 : i32
              %get3A_505 = arith.index_cast %get3A_504 : i32 to index
              %get3A_506 = arith.index_cast %scan3A_370 : i32 to index
              %get3A_507 = arith.constant 400 : index
              %get3A_508 = tpu.vector_load %arg14[%get3A_505, %get3A_506, %get3A_507] {strides = array<i32>} : memref<2x16x512xf32, #tpu.memory_space<vmem>>, vector<16xf32>,
              %get3A_509 = arith.constant 1 : i32
              %get3A_510 = arith.index_cast %get3A_509 : i32 to index
              %get3A_511 = arith.index_cast %scan3A_370 : i32 to index
              %get3A_512 = arith.constant 416 : index
              %get3A_513 = tpu.vector_load %arg14[%get3A_510, %get3A_511, %get3A_512] {strides = array<i32>} : memref<2x16x512xf32, #tpu.memory_space<vmem>>, vector<16xf32>,
              %get3A_514 = arith.constant 1 : i32
              %get3A_515 = arith.index_cast %get3A_514 : i32 to index
              %get3A_516 = arith.index_cast %scan3A_370 : i32 to index
              %get3A_517 = arith.constant 128 : index
              %get3A_518 = tpu.vector_load %arg15[%get3A_515, %get3A_516, %get3A_517] {strides = array<i32>} : memref<2x16x768xf32, #tpu.memory_space<vmem>>, vector<16xf32>,
              %get3A_519 = arith.constant 1 : i32
              %get3A_520 = arith.index_cast %get3A_519 : i32 to index
              %get3A_521 = arith.index_cast %scan3A_370 : i32 to index
              %get3A_522 = arith.constant 256 : index
              %get3A_523 = tpu.vector_load %arg15[%get3A_520, %get3A_521, %get3A_522] {strides = array<i32>} : memref<2x16x768xf32, #tpu.memory_space<vmem>>, vector<16xf32>,
              %get3A_524 = arith.constant 1 : i32
              %get3A_525 = arith.index_cast %get3A_524 : i32 to index
              %get3A_526 = arith.index_cast %scan3A_370 : i32 to index
              %get3A_527 = arith.constant 128 : index
              %get3A_528 = tpu.vector_load %arg14[%get3A_525, %get3A_526, %get3A_527] {strides = array<i32>} : memref<2x16x512xf32, #tpu.memory_space<vmem>>, vector<16xf32>,
              %get3A_529 = arith.constant 1 : i32
              %get3A_530 = arith.index_cast %get3A_529 : i32 to index
              %get3A_531 = arith.index_cast %scan3A_370 : i32 to index
              %get3A_532 = arith.constant 256 : index
              %get3A_533 = tpu.vector_load %arg14[%get3A_530, %get3A_531, %get3A_532] {strides = array<i32>} : memref<2x16x512xf32, #tpu.memory_space<vmem>>, vector<16xf32>,
              %mul3A_534 = arith.mulf %get3A_523, %get3A_533 : vector<16xf32>
              %mul3A_535 = arith.mulf %get3A_518, %get3A_528 : vector<16xf32>
              %get3A_536 = arith.constant 1 : i32
              %get3A_537 = arith.index_cast %get3A_536 : i32 to index
              %get3A_538 = arith.index_cast %scan3A_370 : i32 to index
              %get3A_539 = arith.constant 384 : index
              %get3A_540 = tpu.vector_load %arg15[%get3A_537, %get3A_538, %get3A_539] {strides = array<i32>} : memref<2x16x768xf32, #tpu.memory_space<vmem>>, vector<16xf32>,
              %mul3A_541 = arith.mulf %mul3A_535, %get3A_503 : vector<16xf32>
              %mul3A_542 = arith.mulf %mul3A_534, %get3A_540 : vector<16xf32>
              %add3A_543 = arith.addf %mul3A_541, %mul3A_542 : vector<16xf32>
              %add3A_544 = arith.constant 16 : i32
              %add3A_545 = arith.addi %add3A_544, %scan3A_370 : i32
              %swap3A_546 = arith.constant 1 : i32
              %swap3A_547 = arith.index_cast %swap3A_546 : i32 to index
              %swap3A_548 = arith.index_cast %add3A_545 : i32 to index
              %swap3A_549 = arith.constant 0 : index
              %swap3A_550 = tpu.vector_load %arg16[%swap3A_547, %swap3A_548, %swap3A_549] {strides = array<i32>} : memref<2x64x128xf32, #tpu.memory_space<vmem>>, vector<16xf32>,
              tpu.vector_store %arg16[%swap3A_547, %swap3A_548, %swap3A_549], %add3A_543 {strides = array<i32>} : memref<2x64x128xf32, #tpu.memory_space<vmem>>, vector<16xf32>,
              %get3A_551 = arith.constant 1 : i32
              %get3A_552 = arith.index_cast %get3A_551 : i32 to index
              %get3A_553 = arith.index_cast %scan3A_370 : i32 to index
              %get3A_554 = arith.constant 512 : index
              %get3A_555 = tpu.vector_load %arg15[%get3A_552, %get3A_553, %get3A_554] {strides = array<i32>} : memref<2x16x768xf32, #tpu.memory_space<vmem>>, vector<16xf32>,
              %mul3A_556 = arith.mulf %mul3A_535, %get3A_508 : vector<16xf32>
              %mul3A_557 = arith.mulf %mul3A_534, %get3A_555 : vector<16xf32>
              %add3A_558 = arith.addf %mul3A_556, %mul3A_557 : vector<16xf32>
              %add3A_559 = arith.constant 32 : i32
              %add3A_560 = arith.addi %add3A_559, %scan3A_370 : i32
              %swap3A_561 = arith.constant 1 : i32
              %swap3A_562 = arith.index_cast %swap3A_561 : i32 to index
              %swap3A_563 = arith.index_cast %add3A_560 : i32 to index
              %swap3A_564 = arith.constant 0 : index
              %swap3A_565 = tpu.vector_load %arg16[%swap3A_562, %swap3A_563, %swap3A_564] {strides = array<i32>} : memref<2x64x128xf32, #tpu.memory_space<vmem>>, vector<16xf32>,
              tpu.vector_store %arg16[%swap3A_562, %swap3A_563, %swap3A_564], %add3A_558 {strides = array<i32>} : memref<2x64x128xf32, #tpu.memory_space<vmem>>, vector<16xf32>,
              %get3A_566 = arith.constant 1 : i32
              %get3A_567 = arith.index_cast %get3A_566 : i32 to index
              %get3A_568 = arith.index_cast %scan3A_370 : i32 to index
              %get3A_569 = arith.constant 640 : index
              %get3A_570 = tpu.vector_load %arg15[%get3A_567, %get3A_568, %get3A_569] {strides = array<i32>} : memref<2x16x768xf32, #tpu.memory_space<vmem>>, vector<16xf32>,
              %mul3A_571 = arith.mulf %mul3A_535, %get3A_513 : vector<16xf32>
              %mul3A_572 = arith.mulf %mul3A_534, %get3A_570 : vector<16xf32>
              %add3A_573 = arith.addf %mul3A_571, %mul3A_572 : vector<16xf32>
              %add3A_574 = arith.constant 48 : i32
              %add3A_575 = arith.addi %add3A_574, %scan3A_370 : i32
              %swap3A_576 = arith.constant 1 : i32
              %swap3A_577 = arith.index_cast %swap3A_576 : i32 to index
              %swap3A_578 = arith.index_cast %add3A_575 : i32 to index
              %swap3A_579 = arith.constant 0 : index
              %swap3A_580 = tpu.vector_load %arg16[%swap3A_577, %swap3A_578, %swap3A_579] {strides = array<i32>} : memref<2x64x128xf32, #tpu.memory_space<vmem>>, vector<16xf32>,
              tpu.vector_store %arg16[%swap3A_577, %swap3A_578, %swap3A_579], %add3A_573 {strides = array<i32>} : memref<2x64x128xf32, #tpu.memory_space<vmem>>, vector<16xf32>,
              %get3A_581 = arith.constant 1 : i32
              %get3A_582 = arith.index_cast %get3A_581 : i32 to index
              %get3A_583 = arith.index_cast %scan3A_370 : i32 to index
              %get3A_584 = arith.constant 144 : index
              %get3A_585 = tpu.vector_load %arg15[%get3A_582, %get3A_583, %get3A_584] {strides = array<i32>} : memref<2x16x768xf32, #tpu.memory_space<vmem>>, vector<16xf32>,
              %get3A_586 = arith.constant 1 : i32
              %get3A_587 = arith.index_cast %get3A_586 : i32 to index
              %get3A_588 = arith.index_cast %scan3A_370 : i32 to index
              %get3A_589 = arith.constant 272 : index
              %get3A_590 = tpu.vector_load %arg15[%get3A_587, %get3A_588, %get3A_589] {strides = array<i32>} : memref<2x16x768xf32, #tpu.memory_space<vmem>>, vector<16xf32>,
              %get3A_591 = arith.constant 1 : i32
              %get3A_592 = arith.index_cast %get3A_591 : i32 to index
              %get3A_593 = arith.index_cast %scan3A_370 : i32 to index
              %get3A_594 = arith.constant 144 : index
              %get3A_595 = tpu.vector_load %arg14[%get3A_592, %get3A_593, %get3A_594] {strides = array<i32>} : memref<2x16x512xf32, #tpu.memory_space<vmem>>, vector<16xf32>,
              %get3A_596 = arith.constant 1 : i32
              %get3A_597 = arith.index_cast %get3A_596 : i32 to index
              %get3A_598 = arith.index_cast %scan3A_370 : i32 to index
              %get3A_599 = arith.constant 272 : index
              %get3A_600 = tpu.vector_load %arg14[%get3A_597, %get3A_598, %get3A_599] {strides = array<i32>} : memref<2x16x512xf32, #tpu.memory_space<vmem>>, vector<16xf32>,
              %mul3A_601 = arith.mulf %get3A_590, %get3A_600 : vector<16xf32>
              %mul3A_602 = arith.mulf %get3A_585, %get3A_595 : vector<16xf32>
              %get3A_603 = arith.constant 1 : i32
              %get3A_604 = arith.index_cast %get3A_603 : i32 to index
              %get3A_605 = arith.index_cast %scan3A_370 : i32 to index
              %get3A_606 = arith.constant 400 : index
              %get3A_607 = tpu.vector_load %arg15[%get3A_604, %get3A_605, %get3A_606] {strides = array<i32>} : memref<2x16x768xf32, #tpu.memory_space<vmem>>, vector<16xf32>,
              %mul3A_608 = arith.mulf %mul3A_602, %get3A_503 : vector<16xf32>
              %mul3A_609 = arith.mulf %mul3A_601, %get3A_607 : vector<16xf32>
              %add3A_610 = arith.addf %mul3A_608, %mul3A_609 : vector<16xf32>
              %add3A_611 = arith.constant 16 : i32
              %add3A_612 = arith.addi %add3A_611, %scan3A_370 : i32
              %swap3A_613 = arith.constant 1 : i32
              %swap3A_614 = arith.index_cast %swap3A_613 : i32 to index
              %swap3A_615 = arith.index_cast %add3A_612 : i32 to index
              %swap3A_616 = arith.constant 16 : index
              %swap3A_617 = tpu.vector_load %arg16[%swap3A_614, %swap3A_615, %swap3A_616] {strides = array<i32>} : memref<2x64x128xf32, #tpu.memory_space<vmem>>, vector<16xf32>,
              tpu.vector_store %arg16[%swap3A_614, %swap3A_615, %swap3A_616], %add3A_610 {strides = array<i32>} : memref<2x64x128xf32, #tpu.memory_space<vmem>>, vector<16xf32>,
              %get3A_618 = arith.constant 1 : i32
              %get3A_619 = arith.index_cast %get3A_618 : i32 to index
              %get3A_620 = arith.index_cast %scan3A_370 : i32 to index
              %get3A_621 = arith.constant 528 : index
              %get3A_622 = tpu.vector_load %arg15[%get3A_619, %get3A_620, %get3A_621] {strides = array<i32>} : memref<2x16x768xf32, #tpu.memory_space<vmem>>, vector<16xf32>,
              %mul3A_623 = arith.mulf %mul3A_602, %get3A_508 : vector<16xf32>
              %mul3A_624 = arith.mulf %mul3A_601, %get3A_622 : vector<16xf32>
              %add3A_625 = arith.addf %mul3A_623, %mul3A_624 : vector<16xf32>
              %add3A_626 = arith.constant 32 : i32
              %add3A_627 = arith.addi %add3A_626, %scan3A_370 : i32
              %swap3A_628 = arith.constant 1 : i32
              %swap3A_629 = arith.index_cast %swap3A_628 : i32 to index
              %swap3A_630 = arith.index_cast %add3A_627 : i32 to index
              %swap3A_631 = arith.constant 16 : index
              %swap3A_632 = tpu.vector_load %arg16[%swap3A_629, %swap3A_630, %swap3A_631] {strides = array<i32>} : memref<2x64x128xf32, #tpu.memory_space<vmem>>, vector<16xf32>,
              tpu.vector_store %arg16[%swap3A_629, %swap3A_630, %swap3A_631], %add3A_625 {strides = array<i32>} : memref<2x64x128xf32, #tpu.memory_space<vmem>>, vector<16xf32>,
              %get3A_633 = arith.constant 1 : i32
              %get3A_634 = arith.index_cast %get3A_633 : i32 to index
              %get3A_635 = arith.index_cast %scan3A_370 : i32 to index
              %get3A_636 = arith.constant 656 : index
              %get3A_637 = tpu.vector_load %arg15[%get3A_634, %get3A_635, %get3A_636] {strides = array<i32>} : memref<2x16x768xf32, #tpu.memory_space<vmem>>, vector<16xf32>,
              %mul3A_638 = arith.mulf %mul3A_602, %get3A_513 : vector<16xf32>
              %mul3A_639 = arith.mulf %mul3A_601, %get3A_637 : vector<16xf32>
              %add3A_640 = arith.addf %mul3A_638, %mul3A_639 : vector<16xf32>
              %add3A_641 = arith.constant 48 : i32
              %add3A_642 = arith.addi %add3A_641, %scan3A_370 : i32
              %swap3A_643 = arith.constant 1 : i32
              %swap3A_644 = arith.index_cast %swap3A_643 : i32 to index
              %swap3A_645 = arith.index_cast %add3A_642 : i32 to index
              %swap3A_646 = arith.constant 16 : index
              %swap3A_647 = tpu.vector_load %arg16[%swap3A_644, %swap3A_645, %swap3A_646] {strides = array<i32>} : memref<2x64x128xf32, #tpu.memory_space<vmem>>, vector<16xf32>,
              tpu.vector_store %arg16[%swap3A_644, %swap3A_645, %swap3A_646], %add3A_640 {strides = array<i32>} : memref<2x64x128xf32, #tpu.memory_space<vmem>>, vector<16xf32>,
              %get3A_648 = arith.constant 1 : i32
              %get3A_649 = arith.index_cast %get3A_648 : i32 to index
              %get3A_650 = arith.index_cast %scan3A_370 : i32 to index
              %get3A_651 = arith.constant 160 : index
              %get3A_652 = tpu.vector_load %arg15[%get3A_649, %get3A_650, %get3A_651] {strides = array<i32>} : memref<2x16x768xf32, #tpu.memory_space<vmem>>, vector<16xf32>,
              %get3A_653 = arith.constant 1 : i32
              %get3A_654 = arith.index_cast %get3A_653 : i32 to index
              %get3A_655 = arith.index_cast %scan3A_370 : i32 to index
              %get3A_656 = arith.constant 288 : index
              %get3A_657 = tpu.vector_load %arg15[%get3A_654, %get3A_655, %get3A_656] {strides = array<i32>} : memref<2x16x768xf32, #tpu.memory_space<vmem>>, vector<16xf32>,
              %get3A_658 = arith.constant 1 : i32
              %get3A_659 = arith.index_cast %get3A_658 : i32 to index
              %get3A_660 = arith.index_cast %scan3A_370 : i32 to index
              %get3A_661 = arith.constant 160 : index
              %get3A_662 = tpu.vector_load %arg14[%get3A_659, %get3A_660, %get3A_661] {strides = array<i32>} : memref<2x16x512xf32, #tpu.memory_space<vmem>>, vector<16xf32>,
              %get3A_663 = arith.constant 1 : i32
              %get3A_664 = arith.index_cast %get3A_663 : i32 to index
              %get3A_665 = arith.index_cast %scan3A_370 : i32 to index
              %get3A_666 = arith.constant 288 : index
              %get3A_667 = tpu.vector_load %arg14[%get3A_664, %get3A_665, %get3A_666] {strides = array<i32>} : memref<2x16x512xf32, #tpu.memory_space<vmem>>, vector<16xf32>,
              %mul3A_668 = arith.mulf %get3A_657, %get3A_667 : vector<16xf32>
              %mul3A_669 = arith.mulf %get3A_652, %get3A_662 : vector<16xf32>
              %get3A_670 = arith.constant 1 : i32
              %get3A_671 = arith.index_cast %get3A_670 : i32 to index
              %get3A_672 = arith.index_cast %scan3A_370 : i32 to index
              %get3A_673 = arith.constant 416 : index
              %get3A_674 = tpu.vector_load %arg15[%get3A_671, %get3A_672, %get3A_673] {strides = array<i32>} : memref<2x16x768xf32, #tpu.memory_space<vmem>>, vector<16xf32>,
              %mul3A_675 = arith.mulf %mul3A_669, %get3A_503 : vector<16xf32>
              %mul3A_676 = arith.mulf %mul3A_668, %get3A_674 : vector<16xf32>
              %add3A_677 = arith.addf %mul3A_675, %mul3A_676 : vector<16xf32>
              %add3A_678 = arith.constant 16 : i32
              %add3A_679 = arith.addi %add3A_678, %scan3A_370 : i32
              %swap3A_680 = arith.constant 1 : i32
              %swap3A_681 = arith.index_cast %swap3A_680 : i32 to index
              %swap3A_682 = arith.index_cast %add3A_679 : i32 to index
              %swap3A_683 = arith.constant 32 : index
              %swap3A_684 = tpu.vector_load %arg16[%swap3A_681, %swap3A_682, %swap3A_683] {strides = array<i32>} : memref<2x64x128xf32, #tpu.memory_space<vmem>>, vector<16xf32>,
              tpu.vector_store %arg16[%swap3A_681, %swap3A_682, %swap3A_683], %add3A_677 {strides = array<i32>} : memref<2x64x128xf32, #tpu.memory_space<vmem>>, vector<16xf32>,
              %get3A_685 = arith.constant 1 : i32
              %get3A_686 = arith.index_cast %get3A_685 : i32 to index
              %get3A_687 = arith.index_cast %scan3A_370 : i32 to index
              %get3A_688 = arith.constant 544 : index
              %get3A_689 = tpu.vector_load %arg15[%get3A_686, %get3A_687, %get3A_688] {strides = array<i32>} : memref<2x16x768xf32, #tpu.memory_space<vmem>>, vector<16xf32>,
              %mul3A_690 = arith.mulf %mul3A_669, %get3A_508 : vector<16xf32>
              %mul3A_691 = arith.mulf %mul3A_668, %get3A_689 : vector<16xf32>
              %add3A_692 = arith.addf %mul3A_690, %mul3A_691 : vector<16xf32>
              %add3A_693 = arith.constant 32 : i32
              %add3A_694 = arith.addi %add3A_693, %scan3A_370 : i32
              %swap3A_695 = arith.constant 1 : i32
              %swap3A_696 = arith.index_cast %swap3A_695 : i32 to index
              %swap3A_697 = arith.index_cast %add3A_694 : i32 to index
              %swap3A_698 = arith.constant 32 : index
              %swap3A_699 = tpu.vector_load %arg16[%swap3A_696, %swap3A_697, %swap3A_698] {strides = array<i32>} : memref<2x64x128xf32, #tpu.memory_space<vmem>>, vector<16xf32>,
              tpu.vector_store %arg16[%swap3A_696, %swap3A_697, %swap3A_698], %add3A_692 {strides = array<i32>} : memref<2x64x128xf32, #tpu.memory_space<vmem>>, vector<16xf32>,
              %get3A_700 = arith.constant 1 : i32
              %get3A_701 = arith.index_cast %get3A_700 : i32 to index
              %get3A_702 = arith.index_cast %scan3A_370 : i32 to index
              %get3A_703 = arith.constant 672 : index
              %get3A_704 = tpu.vector_load %arg15[%get3A_701, %get3A_702, %get3A_703] {strides = array<i32>} : memref<2x16x768xf32, #tpu.memory_space<vmem>>, vector<16xf32>,
              %mul3A_705 = arith.mulf %mul3A_669, %get3A_513 : vector<16xf32>
              %mul3A_706 = arith.mulf %mul3A_668, %get3A_704 : vector<16xf32>
              %add3A_707 = arith.addf %mul3A_705, %mul3A_706 : vector<16xf32>
              %add3A_708 = arith.constant 48 : i32
              %add3A_709 = arith.addi %add3A_708, %scan3A_370 : i32
              %swap3A_710 = arith.constant 1 : i32
              %swap3A_711 = arith.index_cast %swap3A_710 : i32 to index
              %swap3A_712 = arith.index_cast %add3A_709 : i32 to index
              %swap3A_713 = arith.constant 32 : index
              %swap3A_714 = tpu.vector_load %arg16[%swap3A_711, %swap3A_712, %swap3A_713] {strides = array<i32>} : memref<2x64x128xf32, #tpu.memory_space<vmem>>, vector<16xf32>,
              tpu.vector_store %arg16[%swap3A_711, %swap3A_712, %swap3A_713], %add3A_707 {strides = array<i32>} : memref<2x64x128xf32, #tpu.memory_space<vmem>>, vector<16xf32>,
              %get3A_715 = arith.constant 1 : i32
              %get3A_716 = arith.index_cast %get3A_715 : i32 to index
              %get3A_717 = arith.index_cast %scan3A_370 : i32 to index
              %get3A_718 = arith.constant 176 : index
              %get3A_719 = tpu.vector_load %arg15[%get3A_716, %get3A_717, %get3A_718] {strides = array<i32>} : memref<2x16x768xf32, #tpu.memory_space<vmem>>, vector<16xf32>,
              %get3A_720 = arith.constant 1 : i32
              %get3A_721 = arith.index_cast %get3A_720 : i32 to index
              %get3A_722 = arith.index_cast %scan3A_370 : i32 to index
              %get3A_723 = arith.constant 304 : index
              %get3A_724 = tpu.vector_load %arg15[%get3A_721, %get3A_722, %get3A_723] {strides = array<i32>} : memref<2x16x768xf32, #tpu.memory_space<vmem>>, vector<16xf32>,
              %get3A_725 = arith.constant 1 : i32
              %get3A_726 = arith.index_cast %get3A_725 : i32 to index
              %get3A_727 = arith.index_cast %scan3A_370 : i32 to index
              %get3A_728 = arith.constant 176 : index
              %get3A_729 = tpu.vector_load %arg14[%get3A_726, %get3A_727, %get3A_728] {strides = array<i32>} : memref<2x16x512xf32, #tpu.memory_space<vmem>>, vector<16xf32>,
              %get3A_730 = arith.constant 1 : i32
              %get3A_731 = arith.index_cast %get3A_730 : i32 to index
              %get3A_732 = arith.index_cast %scan3A_370 : i32 to index
              %get3A_733 = arith.constant 304 : index
              %get3A_734 = tpu.vector_load %arg14[%get3A_731, %get3A_732, %get3A_733] {strides = array<i32>} : memref<2x16x512xf32, #tpu.memory_space<vmem>>, vector<16xf32>,
              %mul3A_735 = arith.mulf %get3A_724, %get3A_734 : vector<16xf32>
              %mul3A_736 = arith.mulf %get3A_719, %get3A_729 : vector<16xf32>
              %get3A_737 = arith.constant 1 : i32
              %get3A_738 = arith.index_cast %get3A_737 : i32 to index
              %get3A_739 = arith.index_cast %scan3A_370 : i32 to index
              %get3A_740 = arith.constant 432 : index
              %get3A_741 = tpu.vector_load %arg15[%get3A_738, %get3A_739, %get3A_740] {strides = array<i32>} : memref<2x16x768xf32, #tpu.memory_space<vmem>>, vector<16xf32>,
              %mul3A_742 = arith.mulf %mul3A_736, %get3A_503 : vector<16xf32>
              %mul3A_743 = arith.mulf %mul3A_735, %get3A_741 : vector<16xf32>
              %add3A_744 = arith.addf %mul3A_742, %mul3A_743 : vector<16xf32>
              %add3A_745 = arith.constant 16 : i32
              %add3A_746 = arith.addi %add3A_745, %scan3A_370 : i32
              %swap3A_747 = arith.constant 1 : i32
              %swap3A_748 = arith.index_cast %swap3A_747 : i32 to index
              %swap3A_749 = arith.index_cast %add3A_746 : i32 to index
              %swap3A_750 = arith.constant 48 : index
              %swap3A_751 = tpu.vector_load %arg16[%swap3A_748, %swap3A_749, %swap3A_750] {strides = array<i32>} : memref<2x64x128xf32, #tpu.memory_space<vmem>>, vector<16xf32>,
              tpu.vector_store %arg16[%swap3A_748, %swap3A_749, %swap3A_750], %add3A_744 {strides = array<i32>} : memref<2x64x128xf32, #tpu.memory_space<vmem>>, vector<16xf32>,
              %get3A_752 = arith.constant 1 : i32
              %get3A_753 = arith.index_cast %get3A_752 : i32 to index
              %get3A_754 = arith.index_cast %scan3A_370 : i32 to index
              %get3A_755 = arith.constant 560 : index
              %get3A_756 = tpu.vector_load %arg15[%get3A_753, %get3A_754, %get3A_755] {strides = array<i32>} : memref<2x16x768xf32, #tpu.memory_space<vmem>>, vector<16xf32>,
              %mul3A_757 = arith.mulf %mul3A_736, %get3A_508 : vector<16xf32>
              %mul3A_758 = arith.mulf %mul3A_735, %get3A_756 : vector<16xf32>
              %add3A_759 = arith.addf %mul3A_757, %mul3A_758 : vector<16xf32>
              %add3A_760 = arith.constant 32 : i32
              %add3A_761 = arith.addi %add3A_760, %scan3A_370 : i32
              %swap3A_762 = arith.constant 1 : i32
              %swap3A_763 = arith.index_cast %swap3A_762 : i32 to index
              %swap3A_764 = arith.index_cast %add3A_761 : i32 to index
              %swap3A_765 = arith.constant 48 : index
              %swap3A_766 = tpu.vector_load %arg16[%swap3A_763, %swap3A_764, %swap3A_765] {strides = array<i32>} : memref<2x64x128xf32, #tpu.memory_space<vmem>>, vector<16xf32>,
              tpu.vector_store %arg16[%swap3A_763, %swap3A_764, %swap3A_765], %add3A_759 {strides = array<i32>} : memref<2x64x128xf32, #tpu.memory_space<vmem>>, vector<16xf32>,
              %get3A_767 = arith.constant 1 : i32
              %get3A_768 = arith.index_cast %get3A_767 : i32 to index
              %get3A_769 = arith.index_cast %scan3A_370 : i32 to index
              %get3A_770 = arith.constant 688 : index
              %get3A_771 = tpu.vector_load %arg15[%get3A_768, %get3A_769, %get3A_770] {strides = array<i32>} : memref<2x16x768xf32, #tpu.memory_space<vmem>>, vector<16xf32>,
              %mul3A_772 = arith.mulf %mul3A_736, %get3A_513 : vector<16xf32>
              %mul3A_773 = arith.mulf %mul3A_735, %get3A_771 : vector<16xf32>
              %add3A_774 = arith.addf %mul3A_772, %mul3A_773 : vector<16xf32>
              %add3A_775 = arith.constant 48 : i32
              %add3A_776 = arith.addi %add3A_775, %scan3A_370 : i32
              %swap3A_777 = arith.constant 1 : i32
              %swap3A_778 = arith.index_cast %swap3A_777 : i32 to index
              %swap3A_779 = arith.index_cast %add3A_776 : i32 to index
              %swap3A_780 = arith.constant 48 : index
              %swap3A_781 = tpu.vector_load %arg16[%swap3A_778, %swap3A_779, %swap3A_780] {strides = array<i32>} : memref<2x64x128xf32, #tpu.memory_space<vmem>>, vector<16xf32>,
              tpu.vector_store %arg16[%swap3A_778, %swap3A_779, %swap3A_780], %add3A_774 {strides = array<i32>} : memref<2x64x128xf32, #tpu.memory_space<vmem>>, vector<16xf32>,
              %get3A_782 = arith.constant 1 : i32
              %get3A_783 = arith.index_cast %get3A_782 : i32 to index
              %get3A_784 = arith.index_cast %scan3A_370 : i32 to index
              %get3A_785 = arith.constant 192 : index
              %get3A_786 = tpu.vector_load %arg15[%get3A_783, %get3A_784, %get3A_785] {strides = array<i32>} : memref<2x16x768xf32, #tpu.memory_space<vmem>>, vector<16xf32>,
              %get3A_787 = arith.constant 1 : i32
              %get3A_788 = arith.index_cast %get3A_787 : i32 to index
              %get3A_789 = arith.index_cast %scan3A_370 : i32 to index
              %get3A_790 = arith.constant 320 : index
              %get3A_791 = tpu.vector_load %arg15[%get3A_788, %get3A_789, %get3A_790] {strides = array<i32>} : memref<2x16x768xf32, #tpu.memory_space<vmem>>, vector<16xf32>,
              %get3A_792 = arith.constant 1 : i32
              %get3A_793 = arith.index_cast %get3A_792 : i32 to index
              %get3A_794 = arith.index_cast %scan3A_370 : i32 to index
              %get3A_795 = arith.constant 192 : index
              %get3A_796 = tpu.vector_load %arg14[%get3A_793, %get3A_794, %get3A_795] {strides = array<i32>} : memref<2x16x512xf32, #tpu.memory_space<vmem>>, vector<16xf32>,
              %get3A_797 = arith.constant 1 : i32
              %get3A_798 = arith.index_cast %get3A_797 : i32 to index
              %get3A_799 = arith.index_cast %scan3A_370 : i32 to index
              %get3A_800 = arith.constant 320 : index
              %get3A_801 = tpu.vector_load %arg14[%get3A_798, %get3A_799, %get3A_800] {strides = array<i32>} : memref<2x16x512xf32, #tpu.memory_space<vmem>>, vector<16xf32>,
              %mul3A_802 = arith.mulf %get3A_791, %get3A_801 : vector<16xf32>
              %mul3A_803 = arith.mulf %get3A_786, %get3A_796 : vector<16xf32>
              %get3A_804 = arith.constant 1 : i32
              %get3A_805 = arith.index_cast %get3A_804 : i32 to index
              %get3A_806 = arith.index_cast %scan3A_370 : i32 to index
              %get3A_807 = arith.constant 448 : index
              %get3A_808 = tpu.vector_load %arg15[%get3A_805, %get3A_806, %get3A_807] {strides = array<i32>} : memref<2x16x768xf32, #tpu.memory_space<vmem>>, vector<16xf32>,
              %mul3A_809 = arith.mulf %mul3A_803, %get3A_503 : vector<16xf32>
              %mul3A_810 = arith.mulf %mul3A_802, %get3A_808 : vector<16xf32>
              %add3A_811 = arith.addf %mul3A_809, %mul3A_810 : vector<16xf32>
              %add3A_812 = arith.constant 16 : i32
              %add3A_813 = arith.addi %add3A_812, %scan3A_370 : i32
              %swap3A_814 = arith.constant 1 : i32
              %swap3A_815 = arith.index_cast %swap3A_814 : i32 to index
              %swap3A_816 = arith.index_cast %add3A_813 : i32 to index
              %swap3A_817 = arith.constant 64 : index
              %swap3A_818 = tpu.vector_load %arg16[%swap3A_815, %swap3A_816, %swap3A_817] {strides = array<i32>} : memref<2x64x128xf32, #tpu.memory_space<vmem>>, vector<16xf32>,
              tpu.vector_store %arg16[%swap3A_815, %swap3A_816, %swap3A_817], %add3A_811 {strides = array<i32>} : memref<2x64x128xf32, #tpu.memory_space<vmem>>, vector<16xf32>,
              %get3A_819 = arith.constant 1 : i32
              %get3A_820 = arith.index_cast %get3A_819 : i32 to index
              %get3A_821 = arith.index_cast %scan3A_370 : i32 to index
              %get3A_822 = arith.constant 576 : index
              %get3A_823 = tpu.vector_load %arg15[%get3A_820, %get3A_821, %get3A_822] {strides = array<i32>} : memref<2x16x768xf32, #tpu.memory_space<vmem>>, vector<16xf32>,
              %mul3A_824 = arith.mulf %mul3A_803, %get3A_508 : vector<16xf32>
              %mul3A_825 = arith.mulf %mul3A_802, %get3A_823 : vector<16xf32>
              %add3A_826 = arith.addf %mul3A_824, %mul3A_825 : vector<16xf32>
              %add3A_827 = arith.constant 32 : i32
              %add3A_828 = arith.addi %add3A_827, %scan3A_370 : i32
              %swap3A_829 = arith.constant 1 : i32
              %swap3A_830 = arith.index_cast %swap3A_829 : i32 to index
              %swap3A_831 = arith.index_cast %add3A_828 : i32 to index
              %swap3A_832 = arith.constant 64 : index
              %swap3A_833 = tpu.vector_load %arg16[%swap3A_830, %swap3A_831, %swap3A_832] {strides = array<i32>} : memref<2x64x128xf32, #tpu.memory_space<vmem>>, vector<16xf32>,
              tpu.vector_store %arg16[%swap3A_830, %swap3A_831, %swap3A_832], %add3A_826 {strides = array<i32>} : memref<2x64x128xf32, #tpu.memory_space<vmem>>, vector<16xf32>,
              %get3A_834 = arith.constant 1 : i32
              %get3A_835 = arith.index_cast %get3A_834 : i32 to index
              %get3A_836 = arith.index_cast %scan3A_370 : i32 to index
              %get3A_837 = arith.constant 704 : index
              %get3A_838 = tpu.vector_load %arg15[%get3A_835, %get3A_836, %get3A_837] {strides = array<i32>} : memref<2x16x768xf32, #tpu.memory_space<vmem>>, vector<16xf32>,
              %mul3A_839 = arith.mulf %mul3A_803, %get3A_513 : vector<16xf32>
              %mul3A_840 = arith.mulf %mul3A_802, %get3A_838 : vector<16xf32>
              %add3A_841 = arith.addf %mul3A_839, %mul3A_840 : vector<16xf32>
              %add3A_842 = arith.constant 48 : i32
              %add3A_843 = arith.addi %add3A_842, %scan3A_370 : i32
              %swap3A_844 = arith.constant 1 : i32
              %swap3A_845 = arith.index_cast %swap3A_844 : i32 to index
              %swap3A_846 = arith.index_cast %add3A_843 : i32 to index
              %swap3A_847 = arith.constant 64 : index
              %swap3A_848 = tpu.vector_load %arg16[%swap3A_845, %swap3A_846, %swap3A_847] {strides = array<i32>} : memref<2x64x128xf32, #tpu.memory_space<vmem>>, vector<16xf32>,
              tpu.vector_store %arg16[%swap3A_845, %swap3A_846, %swap3A_847], %add3A_841 {strides = array<i32>} : memref<2x64x128xf32, #tpu.memory_space<vmem>>, vector<16xf32>,
              %get3A_849 = arith.constant 1 : i32
              %get3A_850 = arith.index_cast %get3A_849 : i32 to index
              %get3A_851 = arith.index_cast %scan3A_370 : i32 to index
              %get3A_852 = arith.constant 208 : index
              %get3A_853 = tpu.vector_load %arg15[%get3A_850, %get3A_851, %get3A_852] {strides = array<i32>} : memref<2x16x768xf32, #tpu.memory_space<vmem>>, vector<16xf32>,
              %get3A_854 = arith.constant 1 : i32
              %get3A_855 = arith.index_cast %get3A_854 : i32 to index
              %get3A_856 = arith.index_cast %scan3A_370 : i32 to index
              %get3A_857 = arith.constant 336 : index
              %get3A_858 = tpu.vector_load %arg15[%get3A_855, %get3A_856, %get3A_857] {strides = array<i32>} : memref<2x16x768xf32, #tpu.memory_space<vmem>>, vector<16xf32>,
              %get3A_859 = arith.constant 1 : i32
              %get3A_860 = arith.index_cast %get3A_859 : i32 to index
              %get3A_861 = arith.index_cast %scan3A_370 : i32 to index
              %get3A_862 = arith.constant 208 : index
              %get3A_863 = tpu.vector_load %arg14[%get3A_860, %get3A_861, %get3A_862] {strides = array<i32>} : memref<2x16x512xf32, #tpu.memory_space<vmem>>, vector<16xf32>,
              %get3A_864 = arith.constant 1 : i32
              %get3A_865 = arith.index_cast %get3A_864 : i32 to index
              %get3A_866 = arith.index_cast %scan3A_370 : i32 to index
              %get3A_867 = arith.constant 336 : index
              %get3A_868 = tpu.vector_load %arg14[%get3A_865, %get3A_866, %get3A_867] {strides = array<i32>} : memref<2x16x512xf32, #tpu.memory_space<vmem>>, vector<16xf32>,
              %mul3A_869 = arith.mulf %get3A_858, %get3A_868 : vector<16xf32>
              %mul3A_870 = arith.mulf %get3A_853, %get3A_863 : vector<16xf32>
              %get3A_871 = arith.constant 1 : i32
              %get3A_872 = arith.index_cast %get3A_871 : i32 to index
              %get3A_873 = arith.index_cast %scan3A_370 : i32 to index
              %get3A_874 = arith.constant 464 : index
              %get3A_875 = tpu.vector_load %arg15[%get3A_872, %get3A_873, %get3A_874] {strides = array<i32>} : memref<2x16x768xf32, #tpu.memory_space<vmem>>, vector<16xf32>,
              %mul3A_876 = arith.mulf %mul3A_870, %get3A_503 : vector<16xf32>
              %mul3A_877 = arith.mulf %mul3A_869, %get3A_875 : vector<16xf32>
              %add3A_878 = arith.addf %mul3A_876, %mul3A_877 : vector<16xf32>
              %add3A_879 = arith.constant 16 : i32
              %add3A_880 = arith.addi %add3A_879, %scan3A_370 : i32
              %swap3A_881 = arith.constant 1 : i32
              %swap3A_882 = arith.index_cast %swap3A_881 : i32 to index
              %swap3A_883 = arith.index_cast %add3A_880 : i32 to index
              %swap3A_884 = arith.constant 80 : index
              %swap3A_885 = tpu.vector_load %arg16[%swap3A_882, %swap3A_883, %swap3A_884] {strides = array<i32>} : memref<2x64x128xf32, #tpu.memory_space<vmem>>, vector<16xf32>,
              tpu.vector_store %arg16[%swap3A_882, %swap3A_883, %swap3A_884], %add3A_878 {strides = array<i32>} : memref<2x64x128xf32, #tpu.memory_space<vmem>>, vector<16xf32>,
              %get3A_886 = arith.constant 1 : i32
              %get3A_887 = arith.index_cast %get3A_886 : i32 to index
              %get3A_888 = arith.index_cast %scan3A_370 : i32 to index
              %get3A_889 = arith.constant 592 : index
              %get3A_890 = tpu.vector_load %arg15[%get3A_887, %get3A_888, %get3A_889] {strides = array<i32>} : memref<2x16x768xf32, #tpu.memory_space<vmem>>, vector<16xf32>,
              %mul3A_891 = arith.mulf %mul3A_870, %get3A_508 : vector<16xf32>
              %mul3A_892 = arith.mulf %mul3A_869, %get3A_890 : vector<16xf32>
              %add3A_893 = arith.addf %mul3A_891, %mul3A_892 : vector<16xf32>
              %add3A_894 = arith.constant 32 : i32
              %add3A_895 = arith.addi %add3A_894, %scan3A_370 : i32
              %swap3A_896 = arith.constant 1 : i32
              %swap3A_897 = arith.index_cast %swap3A_896 : i32 to index
              %swap3A_898 = arith.index_cast %add3A_895 : i32 to index
              %swap3A_899 = arith.constant 80 : index
              %swap3A_900 = tpu.vector_load %arg16[%swap3A_897, %swap3A_898, %swap3A_899] {strides = array<i32>} : memref<2x64x128xf32, #tpu.memory_space<vmem>>, vector<16xf32>,
              tpu.vector_store %arg16[%swap3A_897, %swap3A_898, %swap3A_899], %add3A_893 {strides = array<i32>} : memref<2x64x128xf32, #tpu.memory_space<vmem>>, vector<16xf32>,
              %get3A_901 = arith.constant 1 : i32
              %get3A_902 = arith.index_cast %get3A_901 : i32 to index
              %get3A_903 = arith.index_cast %scan3A_370 : i32 to index
              %get3A_904 = arith.constant 720 : index
              %get3A_905 = tpu.vector_load %arg15[%get3A_902, %get3A_903, %get3A_904] {strides = array<i32>} : memref<2x16x768xf32, #tpu.memory_space<vmem>>, vector<16xf32>,
              %mul3A_906 = arith.mulf %mul3A_870, %get3A_513 : vector<16xf32>
              %mul3A_907 = arith.mulf %mul3A_869, %get3A_905 : vector<16xf32>
              %add3A_908 = arith.addf %mul3A_906, %mul3A_907 : vector<16xf32>
              %add3A_909 = arith.constant 48 : i32
              %add3A_910 = arith.addi %add3A_909, %scan3A_370 : i32
              %swap3A_911 = arith.constant 1 : i32
              %swap3A_912 = arith.index_cast %swap3A_911 : i32 to index
              %swap3A_913 = arith.index_cast %add3A_910 : i32 to index
              %swap3A_914 = arith.constant 80 : index
              %swap3A_915 = tpu.vector_load %arg16[%swap3A_912, %swap3A_913, %swap3A_914] {strides = array<i32>} : memref<2x64x128xf32, #tpu.memory_space<vmem>>, vector<16xf32>,
              tpu.vector_store %arg16[%swap3A_912, %swap3A_913, %swap3A_914], %add3A_908 {strides = array<i32>} : memref<2x64x128xf32, #tpu.memory_space<vmem>>, vector<16xf32>,
              %get3A_916 = arith.constant 1 : i32
              %get3A_917 = arith.index_cast %get3A_916 : i32 to index
              %get3A_918 = arith.index_cast %scan3A_370 : i32 to index
              %get3A_919 = arith.constant 224 : index
              %get3A_920 = tpu.vector_load %arg15[%get3A_917, %get3A_918, %get3A_919] {strides = array<i32>} : memref<2x16x768xf32, #tpu.memory_space<vmem>>, vector<16xf32>,
              %get3A_921 = arith.constant 1 : i32
              %get3A_922 = arith.index_cast %get3A_921 : i32 to index
              %get3A_923 = arith.index_cast %scan3A_370 : i32 to index
              %get3A_924 = arith.constant 352 : index
              %get3A_925 = tpu.vector_load %arg15[%get3A_922, %get3A_923, %get3A_924] {strides = array<i32>} : memref<2x16x768xf32, #tpu.memory_space<vmem>>, vector<16xf32>,
              %get3A_926 = arith.constant 1 : i32
              %get3A_927 = arith.index_cast %get3A_926 : i32 to index
              %get3A_928 = arith.index_cast %scan3A_370 : i32 to index
              %get3A_929 = arith.constant 224 : index
              %get3A_930 = tpu.vector_load %arg14[%get3A_927, %get3A_928, %get3A_929] {strides = array<i32>} : memref<2x16x512xf32, #tpu.memory_space<vmem>>, vector<16xf32>,
              %get3A_931 = arith.constant 1 : i32
              %get3A_932 = arith.index_cast %get3A_931 : i32 to index
              %get3A_933 = arith.index_cast %scan3A_370 : i32 to index
              %get3A_934 = arith.constant 352 : index
              %get3A_935 = tpu.vector_load %arg14[%get3A_932, %get3A_933, %get3A_934] {strides = array<i32>} : memref<2x16x512xf32, #tpu.memory_space<vmem>>, vector<16xf32>,
              %mul3A_936 = arith.mulf %get3A_925, %get3A_935 : vector<16xf32>
              %mul3A_937 = arith.mulf %get3A_920, %get3A_930 : vector<16xf32>
              %get3A_938 = arith.constant 1 : i32
              %get3A_939 = arith.index_cast %get3A_938 : i32 to index
              %get3A_940 = arith.index_cast %scan3A_370 : i32 to index
              %get3A_941 = arith.constant 480 : index
              %get3A_942 = tpu.vector_load %arg15[%get3A_939, %get3A_940, %get3A_941] {strides = array<i32>} : memref<2x16x768xf32, #tpu.memory_space<vmem>>, vector<16xf32>,
              %mul3A_943 = arith.mulf %mul3A_937, %get3A_503 : vector<16xf32>
              %mul3A_944 = arith.mulf %mul3A_936, %get3A_942 : vector<16xf32>
              %add3A_945 = arith.addf %mul3A_943, %mul3A_944 : vector<16xf32>
              %add3A_946 = arith.constant 16 : i32
              %add3A_947 = arith.addi %add3A_946, %scan3A_370 : i32
              %swap3A_948 = arith.constant 1 : i32
              %swap3A_949 = arith.index_cast %swap3A_948 : i32 to index
              %swap3A_950 = arith.index_cast %add3A_947 : i32 to index
              %swap3A_951 = arith.constant 96 : index
              %swap3A_952 = tpu.vector_load %arg16[%swap3A_949, %swap3A_950, %swap3A_951] {strides = array<i32>} : memref<2x64x128xf32, #tpu.memory_space<vmem>>, vector<16xf32>,
              tpu.vector_store %arg16[%swap3A_949, %swap3A_950, %swap3A_951], %add3A_945 {strides = array<i32>} : memref<2x64x128xf32, #tpu.memory_space<vmem>>, vector<16xf32>,
              %get3A_953 = arith.constant 1 : i32
              %get3A_954 = arith.index_cast %get3A_953 : i32 to index
              %get3A_955 = arith.index_cast %scan3A_370 : i32 to index
              %get3A_956 = arith.constant 608 : index
              %get3A_957 = tpu.vector_load %arg15[%get3A_954, %get3A_955, %get3A_956] {strides = array<i32>} : memref<2x16x768xf32, #tpu.memory_space<vmem>>, vector<16xf32>,
              %mul3A_958 = arith.mulf %mul3A_937, %get3A_508 : vector<16xf32>
              %mul3A_959 = arith.mulf %mul3A_936, %get3A_957 : vector<16xf32>
              %add3A_960 = arith.addf %mul3A_958, %mul3A_959 : vector<16xf32>
              %add3A_961 = arith.constant 32 : i32
              %add3A_962 = arith.addi %add3A_961, %scan3A_370 : i32
              %swap3A_963 = arith.constant 1 : i32
              %swap3A_964 = arith.index_cast %swap3A_963 : i32 to index
              %swap3A_965 = arith.index_cast %add3A_962 : i32 to index
              %swap3A_966 = arith.constant 96 : index
              %swap3A_967 = tpu.vector_load %arg16[%swap3A_964, %swap3A_965, %swap3A_966] {strides = array<i32>} : memref<2x64x128xf32, #tpu.memory_space<vmem>>, vector<16xf32>,
              tpu.vector_store %arg16[%swap3A_964, %swap3A_965, %swap3A_966], %add3A_960 {strides = array<i32>} : memref<2x64x128xf32, #tpu.memory_space<vmem>>, vector<16xf32>,
              %get3A_968 = arith.constant 1 : i32
              %get3A_969 = arith.index_cast %get3A_968 : i32 to index
              %get3A_970 = arith.index_cast %scan3A_370 : i32 to index
              %get3A_971 = arith.constant 736 : index
              %get3A_972 = tpu.vector_load %arg15[%get3A_969, %get3A_970, %get3A_971] {strides = array<i32>} : memref<2x16x768xf32, #tpu.memory_space<vmem>>, vector<16xf32>,
              %mul3A_973 = arith.mulf %mul3A_937, %get3A_513 : vector<16xf32>
              %mul3A_974 = arith.mulf %mul3A_936, %get3A_972 : vector<16xf32>
              %add3A_975 = arith.addf %mul3A_973, %mul3A_974 : vector<16xf32>
              %add3A_976 = arith.constant 48 : i32
              %add3A_977 = arith.addi %add3A_976, %scan3A_370 : i32
              %swap3A_978 = arith.constant 1 : i32
              %swap3A_979 = arith.index_cast %swap3A_978 : i32 to index
              %swap3A_980 = arith.index_cast %add3A_977 : i32 to index
              %swap3A_981 = arith.constant 96 : index
              %swap3A_982 = tpu.vector_load %arg16[%swap3A_979, %swap3A_980, %swap3A_981] {strides = array<i32>} : memref<2x64x128xf32, #tpu.memory_space<vmem>>, vector<16xf32>,
              tpu.vector_store %arg16[%swap3A_979, %swap3A_980, %swap3A_981], %add3A_975 {strides = array<i32>} : memref<2x64x128xf32, #tpu.memory_space<vmem>>, vector<16xf32>,
              %get3A_983 = arith.constant 1 : i32
              %get3A_984 = arith.index_cast %get3A_983 : i32 to index
              %get3A_985 = arith.index_cast %scan3A_370 : i32 to index
              %get3A_986 = arith.constant 240 : index
              %get3A_987 = tpu.vector_load %arg15[%get3A_984, %get3A_985, %get3A_986] {strides = array<i32>} : memref<2x16x768xf32, #tpu.memory_space<vmem>>, vector<16xf32>,
              %get3A_988 = arith.constant 1 : i32
              %get3A_989 = arith.index_cast %get3A_988 : i32 to index
              %get3A_990 = arith.index_cast %scan3A_370 : i32 to index
              %get3A_991 = arith.constant 368 : index
              %get3A_992 = tpu.vector_load %arg15[%get3A_989, %get3A_990, %get3A_991] {strides = array<i32>} : memref<2x16x768xf32, #tpu.memory_space<vmem>>, vector<16xf32>,
              %get3A_993 = arith.constant 1 : i32
              %get3A_994 = arith.index_cast %get3A_993 : i32 to index
              %get3A_995 = arith.index_cast %scan3A_370 : i32 to index
              %get3A_996 = arith.constant 240 : index
              %get3A_997 = tpu.vector_load %arg14[%get3A_994, %get3A_995, %get3A_996] {strides = array<i32>} : memref<2x16x512xf32, #tpu.memory_space<vmem>>, vector<16xf32>,
              %get3A_998 = arith.constant 1 : i32
              %get3A_999 = arith.index_cast %get3A_998 : i32 to index
              %get3A_1000 = arith.index_cast %scan3A_370 : i32 to index
              %get3A_1001 = arith.constant 368 : index
              %get3A_1002 = tpu.vector_load %arg14[%get3A_999, %get3A_1000, %get3A_1001] {strides = array<i32>} : memref<2x16x512xf32, #tpu.memory_space<vmem>>, vector<16xf32>,
              %mul3A_1003 = arith.mulf %get3A_992, %get3A_1002 : vector<16xf32>
              %mul3A_1004 = arith.mulf %get3A_987, %get3A_997 : vector<16xf32>
              %get3A_1005 = arith.constant 1 : i32
              %get3A_1006 = arith.index_cast %get3A_1005 : i32 to index
              %get3A_1007 = arith.index_cast %scan3A_370 : i32 to index
              %get3A_1008 = arith.constant 496 : index
              %get3A_1009 = tpu.vector_load %arg15[%get3A_1006, %get3A_1007, %get3A_1008] {strides = array<i32>} : memref<2x16x768xf32, #tpu.memory_space<vmem>>, vector<16xf32>,
              %mul3A_1010 = arith.mulf %mul3A_1004, %get3A_503 : vector<16xf32>
              %mul3A_1011 = arith.mulf %mul3A_1003, %get3A_1009 : vector<16xf32>
              %add3A_1012 = arith.addf %mul3A_1010, %mul3A_1011 : vector<16xf32>
              %add3A_1013 = arith.constant 16 : i32
              %add3A_1014 = arith.addi %add3A_1013, %scan3A_370 : i32
              %swap3A_1015 = arith.constant 1 : i32
              %swap3A_1016 = arith.index_cast %swap3A_1015 : i32 to index
              %swap3A_1017 = arith.index_cast %add3A_1014 : i32 to index
              %swap3A_1018 = arith.constant 112 : index
              %swap3A_1019 = tpu.vector_load %arg16[%swap3A_1016, %swap3A_1017, %swap3A_1018] {strides = array<i32>} : memref<2x64x128xf32, #tpu.memory_space<vmem>>, vector<16xf32>,
              tpu.vector_store %arg16[%swap3A_1016, %swap3A_1017, %swap3A_1018], %add3A_1012 {strides = array<i32>} : memref<2x64x128xf32, #tpu.memory_space<vmem>>, vector<16xf32>,
              %get3A_1020 = arith.constant 1 : i32
              %get3A_1021 = arith.index_cast %get3A_1020 : i32 to index
              %get3A_1022 = arith.index_cast %scan3A_370 : i32 to index
              %get3A_1023 = arith.constant 624 : index
              %get3A_1024 = tpu.vector_load %arg15[%get3A_1021, %get3A_1022, %get3A_1023] {strides = array<i32>} : memref<2x16x768xf32, #tpu.memory_space<vmem>>, vector<16xf32>,
              %mul3A_1025 = arith.mulf %mul3A_1004, %get3A_508 : vector<16xf32>
              %mul3A_1026 = arith.mulf %mul3A_1003, %get3A_1024 : vector<16xf32>
              %add3A_1027 = arith.addf %mul3A_1025, %mul3A_1026 : vector<16xf32>
              %add3A_1028 = arith.constant 32 : i32
              %add3A_1029 = arith.addi %add3A_1028, %scan3A_370 : i32
              %swap3A_1030 = arith.constant 1 : i32
              %swap3A_1031 = arith.index_cast %swap3A_1030 : i32 to index
              %swap3A_1032 = arith.index_cast %add3A_1029 : i32 to index
              %swap3A_1033 = arith.constant 112 : index
              %swap3A_1034 = tpu.vector_load %arg16[%swap3A_1031, %swap3A_1032, %swap3A_1033] {strides = array<i32>} : memref<2x64x128xf32, #tpu.memory_space<vmem>>, vector<16xf32>,
              tpu.vector_store %arg16[%swap3A_1031, %swap3A_1032, %swap3A_1033], %add3A_1027 {strides = array<i32>} : memref<2x64x128xf32, #tpu.memory_space<vmem>>, vector<16xf32>,
              %get3A_1035 = arith.constant 1 : i32
              %get3A_1036 = arith.index_cast %get3A_1035 : i32 to index
              %get3A_1037 = arith.index_cast %scan3A_370 : i32 to index
              %get3A_1038 = arith.constant 752 : index
              %get3A_1039 = tpu.vector_load %arg15[%get3A_1036, %get3A_1037, %get3A_1038] {strides = array<i32>} : memref<2x16x768xf32, #tpu.memory_space<vmem>>, vector<16xf32>,
              %mul3A_1040 = arith.mulf %mul3A_1004, %get3A_513 : vector<16xf32>
              %mul3A_1041 = arith.mulf %mul3A_1003, %get3A_1039 : vector<16xf32>
              %add3A_1042 = arith.addf %mul3A_1040, %mul3A_1041 : vector<16xf32>
              %add3A_1043 = arith.constant 48 : i32
              %add3A_1044 = arith.addi %add3A_1043, %scan3A_370 : i32
              %swap3A_1045 = arith.constant 1 : i32
              %swap3A_1046 = arith.index_cast %swap3A_1045 : i32 to index
              %swap3A_1047 = arith.index_cast %add3A_1044 : i32 to index
              %swap3A_1048 = arith.constant 112 : index
              %swap3A_1049 = tpu.vector_load %arg16[%swap3A_1046, %swap3A_1047, %swap3A_1048] {strides = array<i32>} : memref<2x64x128xf32, #tpu.memory_space<vmem>>, vector<16xf32>,
              tpu.vector_store %arg16[%swap3A_1046, %swap3A_1047, %swap3A_1048], %add3A_1042 {strides = array<i32>} : memref<2x64x128xf32, #tpu.memory_space<vmem>>, vector<16xf32>,
            }
            %scan3A_357 = arith.constant 16 : i32
            %dma_start3A_358 = arith.constant 1 : i32
            %dma_start3A_359 = arith.constant 1 : i32
            %dma_start3A_360 = arith.constant 0 : i32
            %dma_start3A_361 = arith.constant 0 : i32
            %dma_start3A_362 = tpu.memref_slice %arg16[%dma_start3A_358, %dma_start3A_360, %dma_start3A_361] : memref<2x64x128xf32, #tpu.memory_space<vmem>> -> memref<1x64x128xf32, #tpu.memory_space<vmem>>
            %dma_start3A_363 = tpu.memref_squeeze %dma_start3A_362 : memref<1x64x128xf32, #tpu.memory_space<vmem>> -> memref<64x128xf32, #tpu.memory_space<vmem>>
            %dma_start3A_364 = arith.constant 0 : i32
            %dma_start3A_365 = tpu.memref_slice %arg13[%dma_start3A_359, %dma_start3A_364] : memref<2x64xi32, #tpu.memory_space<vmem>> -> memref<1x64xi32, #tpu.memory_space<vmem>>
            %dma_start3A_366 = tpu.memref_squeeze %dma_start3A_365 : memref<1x64xi32, #tpu.memory_space<vmem>> -> memref<64xi32, #tpu.memory_space<vmem>>
            %dma_start3A_367 = arith.constant 0 : i32
            %dma_start3A_368 = arith.constant 0 : i32
            %dma_start3A_369 = tpu.memref_slice %arg17[%dma_start3A_367, %dma_start3A_368] : memref<5124x128xf32, #tpu.memory_space<vmem_shared>> -> memref<5124x128xf32, #tpu.memory_space<vmem_shared>>
            tpu.enqueue_indirect_dma source(%dma_start3A_363 : memref<64x128xf32, #tpu.memory_space<vmem>>) target(%dma_start3A_369 : memref<5124x128xf32, #tpu.memory_space<vmem_shared>>) offsets(%dma_start3A_366 : memref<64xi32, #tpu.memory_space<vmem>>) semaphore(%arg21 : memref<!tpu.dma_semaphore, #tpu.memory_space<semaphore_mem>>) {add = true}
          } else {
          }
          %lt3A_271 = arith.cmpi slt, %add3A_154, %select_n3A : i32
          %jit3A_272 = arith.constant 1 : i32
          %select_n3A_273 = arith.select %lt3A_271, %jit3A_272, %while3A_150 : i32
          %while3A_274 = arith.constant 1 : i32
          scf.yield %while3A_274, %select_n3A_273 : i32, i32
        }
        scf.yield %while3A_147#0, %while3A_147#1 : i32, i32
      }
      %scan3A_55 = arith.constant 5 : i32
      %gt3A = arith.constant 0 : i32
      %gt3A_56 = arith.cmpi sgt, %scan3A_54#0, %gt3A : i32
      %convert_element_type3A_57 = arith.extui %gt3A_56 : i1 to i32
      %cond3A_58 = arith.constant 0 : i32
      %cond3A_59 = arith.cmpi ne, %convert_element_type3A_57, %cond3A_58 : i32
      scf.if %cond3A_59 {
        %dma_wait3A = arith.constant 0 : i32
        %dma_wait3A_75 = arith.constant 0 : i32
        %dma_wait3A_76 = arith.constant 0 : i32
        %dma_wait3A_77 = tpu.memref_slice %arg16[%dma_wait3A, %dma_wait3A_75, %dma_wait3A_76] : memref<2x64x128xf32, #tpu.memory_space<vmem>> -> memref<1x64x128xf32, #tpu.memory_space<vmem>>
        %dma_wait3A_78 = tpu.memref_squeeze %dma_wait3A_77 : memref<1x64x128xf32, #tpu.memory_space<vmem>> -> memref<64x128xf32, #tpu.memory_space<vmem>>
        %dma_wait3A_79 = arith.constant 0 : i32
        %dma_wait3A_80 = arith.constant 0 : i32
        %dma_wait3A_81 = tpu.memref_slice %arg17[%dma_wait3A_79, %dma_wait3A_80] : memref<5124x128xf32, #tpu.memory_space<vmem_shared>> -> memref<64x128xf32, #tpu.memory_space<vmem_shared>>
        %dma_wait3A_82 = arith.constant 0 : i32
        %dma_wait3A_83 = arith.constant 0 : i32
        %dma_wait3A_84 = tpu.memref_slice %arg17[%dma_wait3A_82, %dma_wait3A_83] : memref<5124x128xf32, #tpu.memory_space<vmem_shared>> -> memref<64x128xf32, #tpu.memory_space<vmem_shared>>
        %dma_wait3A_85 = arith.constant 0 : i32
        %dma_wait3A_86 = arith.constant 0 : i32
        %dma_wait3A_87 = tpu.memref_slice %arg16[%dma_wait3A, %dma_wait3A_85, %dma_wait3A_86] : memref<2x64x128xf32, #tpu.memory_space<vmem>> -> memref<1x64x128xf32, #tpu.memory_space<vmem>>
        %dma_wait3A_88 = tpu.memref_squeeze %dma_wait3A_87 : memref<1x64x128xf32, #tpu.memory_space<vmem>> -> memref<64x128xf32, #tpu.memory_space<vmem>>
        tpu.wait_dma2 semaphore(%arg20 : memref<!tpu.dma_semaphore, #tpu.memory_space<semaphore_mem>>) src(%dma_wait3A_88 : memref<64x128xf32, #tpu.memory_space<vmem>>) dst(%dma_wait3A_84 : memref<64x128xf32, #tpu.memory_space<vmem_shared>>)
      } else {
      }
      %gt3A_60 = arith.constant 0 : i32
      %gt3A_61 = arith.cmpi sgt, %scan3A_54#1, %gt3A_60 : i32
      %convert_element_type3A_62 = arith.extui %gt3A_61 : i1 to i32
      %cond3A_63 = arith.constant 0 : i32
      %cond3A_64 = arith.cmpi ne, %convert_element_type3A_62, %cond3A_63 : i32
      scf.if %cond3A_64 {
        %dma_wait3A = arith.constant 1 : i32
        %dma_wait3A_75 = arith.constant 0 : i32
        %dma_wait3A_76 = arith.constant 0 : i32
        %dma_wait3A_77 = tpu.memref_slice %arg16[%dma_wait3A, %dma_wait3A_75, %dma_wait3A_76] : memref<2x64x128xf32, #tpu.memory_space<vmem>> -> memref<1x64x128xf32, #tpu.memory_space<vmem>>
        %dma_wait3A_78 = tpu.memref_squeeze %dma_wait3A_77 : memref<1x64x128xf32, #tpu.memory_space<vmem>> -> memref<64x128xf32, #tpu.memory_space<vmem>>
        %dma_wait3A_79 = arith.constant 0 : i32
        %dma_wait3A_80 = arith.constant 0 : i32
        %dma_wait3A_81 = tpu.memref_slice %arg17[%dma_wait3A_79, %dma_wait3A_80] : memref<5124x128xf32, #tpu.memory_space<vmem_shared>> -> memref<64x128xf32, #tpu.memory_space<vmem_shared>>
        %dma_wait3A_82 = arith.constant 0 : i32
        %dma_wait3A_83 = arith.constant 0 : i32
        %dma_wait3A_84 = tpu.memref_slice %arg17[%dma_wait3A_82, %dma_wait3A_83] : memref<5124x128xf32, #tpu.memory_space<vmem_shared>> -> memref<64x128xf32, #tpu.memory_space<vmem_shared>>
        %dma_wait3A_85 = arith.constant 0 : i32
        %dma_wait3A_86 = arith.constant 0 : i32
        %dma_wait3A_87 = tpu.memref_slice %arg16[%dma_wait3A, %dma_wait3A_85, %dma_wait3A_86] : memref<2x64x128xf32, #tpu.memory_space<vmem>> -> memref<1x64x128xf32, #tpu.memory_space<vmem>>
        %dma_wait3A_88 = tpu.memref_squeeze %dma_wait3A_87 : memref<1x64x128xf32, #tpu.memory_space<vmem>> -> memref<64x128xf32, #tpu.memory_space<vmem>>
        tpu.wait_dma2 semaphore(%arg21 : memref<!tpu.dma_semaphore, #tpu.memory_space<semaphore_mem>>) src(%dma_wait3A_88 : memref<64x128xf32, #tpu.memory_space<vmem>>) dst(%dma_wait3A_84 : memref<64x128xf32, #tpu.memory_space<vmem_shared>>)
      } else {
      }
      %barrier3A_65 = arith.constant 0 : index
      tpu.barrier barrier_id(%barrier3A_65)
      %lt3A = arith.constant 7 : i32
      %lt3A_66 = arith.cmpi slt, %add3A, %lt3A : i32
      %add3A_67 = arith.addi %mul3A_11, %mul3A_13 : i32
      %add3A_68 = arith.constant 80 : i32
      %add3A_69 = arith.addi %add3A_67, %add3A_68 : i32
      %le3A = arith.constant 10000 : i32
      %le3A_70 = arith.cmpi sle, %add3A_69, %le3A : i32
      %or3A = arith.ori %lt3A_66, %le3A_70 : i1
      %convert_element_type3A_71 = arith.extui %or3A : i1 to i32
      %cond3A_72 = arith.constant 0 : i32
      %cond3A_73 = arith.cmpi ne, %convert_element_type3A_71, %cond3A_72 : i32
      scf.if %cond3A_73 {
        %mul3A_75 = arith.constant 4 : i32
        %mul3A_76 = arith.muli %mul3A_75, %mul3A_13 : i32
        %add3A_77 = arith.addi %mul3A_11, %mul3A_13 : i32
        %mul3A_78 = arith.constant 4 : i32
        %mul3A_79 = arith.muli %mul3A_78, %add3A_77 : i32
        "tpu.region"() ({
          %run_scoped3A_80 = tpu.sem_alloc : memref<!tpu.dma_semaphore, #tpu.memory_space<semaphore_mem>>
          %dma_start3A = arith.constant 0 : i32
          %dma_start3A_81 = tpu.memref_slice %arg6[%mul3A_79, %dma_start3A] : memref<40000x128xf32, #tpu.memory_space<hbm>> -> memref<320x128xf32, #tpu.memory_space<hbm>>
          %dma_start3A_82 = arith.constant 0 : i32
          %dma_start3A_83 = tpu.memref_slice %arg17[%mul3A_76, %dma_start3A_82] : memref<5124x128xf32, #tpu.memory_space<vmem_shared>> -> memref<320x128xf32, #tpu.memory_space<vmem_shared>>
          tpu.enqueue_dma source(%dma_start3A_83 : memref<320x128xf32, #tpu.memory_space<vmem_shared>>) target(%dma_start3A_81 : memref<320x128xf32, #tpu.memory_space<hbm>>) target_semaphore(%run_scoped3A_80 : memref<!tpu.dma_semaphore, #tpu.memory_space<semaphore_mem>>)
          %dma_wait3A = arith.constant 0 : i32
          %dma_wait3A_84 = tpu.memref_slice %arg6[%mul3A_79, %dma_wait3A] : memref<40000x128xf32, #tpu.memory_space<hbm>> -> memref<320x128xf32, #tpu.memory_space<hbm>>
          %dma_wait3A_85 = arith.constant 0 : i32
          %dma_wait3A_86 = tpu.memref_slice %arg17[%mul3A_76, %dma_wait3A_85] : memref<5124x128xf32, #tpu.memory_space<vmem_shared>> -> memref<320x128xf32, #tpu.memory_space<vmem_shared>>
          tpu.wait_dma2 semaphore(%run_scoped3A_80 : memref<!tpu.dma_semaphore, #tpu.memory_space<semaphore_mem>>) src(%dma_wait3A_86 : memref<320x128xf32, #tpu.memory_space<vmem_shared>>) dst(%dma_wait3A_84 : memref<320x128xf32, #tpu.memory_space<hbm>>)
          tpu.yield
        }) : () -> ()
      } else {
      }
      %barrier3A_74 = arith.constant 0 : index
      tpu.barrier barrier_id(%barrier3A_74)
    }
    %scan3A_6 = arith.constant 4 : i32
    return
  }
}

module attributes {stable_mosaic.version = 14 : i64} {
  func.func @_ctx_body(%arg0: i32, %arg1: memref<1x1xf32, #tpu.memory_space<smem>>, %arg2: memref<1x128xf32, #tpu.memory_space<vmem>>, %arg3: memref<1x128xf32, #tpu.memory_space<vmem>>, %arg4: memref<128x128xf32, #tpu.memory_space<vmem>>, %arg5: memref<1x128xf32, #tpu.memory_space<vmem>>, %arg6: memref<128x384xf32, #tpu.memory_space<vmem>>, %arg7: memref<1x384xf32, #tpu.memory_space<vmem>>, %arg8: memref<400x128xf32, #tpu.memory_space<vmem>>, %arg9: memref<400x384xf32, #tpu.memory_space<vmem>>) attributes {dimension_semantics = [#tpu.dimension_semantics<arbitrary>], iteration_bounds = array<i64: 25>, scalar_prefetch = 0 : i64, scratch_operands = 0 : i64, tpu.core_type = #tpu.core_type<tc>, window_params = [{transform_indices = @transform_0, window_bounds = array<i64: 1, 1>}, {pipeline_mode = #tpu.pipeline_mode<synchronous>, transform_indices = @transform_1, window_bounds = array<i64: 1, 128>}, {pipeline_mode = #tpu.pipeline_mode<synchronous>, transform_indices = @transform_2, window_bounds = array<i64: 1, 128>}, {pipeline_mode = #tpu.pipeline_mode<synchronous>, transform_indices = @transform_3, window_bounds = array<i64: 128, 128>}, {pipeline_mode = #tpu.pipeline_mode<synchronous>, transform_indices = @transform_4, window_bounds = array<i64: 1, 128>}, {pipeline_mode = #tpu.pipeline_mode<synchronous>, transform_indices = @transform_5, window_bounds = array<i64: 128, 384>}, {pipeline_mode = #tpu.pipeline_mode<synchronous>, transform_indices = @transform_6, window_bounds = array<i64: 1, 384>}, {transform_indices = @transform_7, window_bounds = array<i64: 400, 128>}, {transform_indices = @transform_8, window_bounds = array<i64: 400, 384>}]} {
    %get3A = arith.constant 0 : index
    %get3A_0 = arith.constant 0 : index
    %get3A_1 = vector.load %arg8[%get3A, %get3A_0] : memref<400x128xf32, #tpu.memory_space<vmem>>, vector<400x128xf32>
    %reduce_sum3A = arith.constant dense<0.000000e+00> : vector<400xf32>
    %reduce_sum3A_2 = vector.multi_reduction <add>, %get3A_1, %reduce_sum3A [1] : vector<400x128xf32> to vector<400xf32>
    %broadcast_in_dim3A = vector.shape_cast %reduce_sum3A_2 : vector<400xf32> to vector<400x1xf32>
    %div3A = arith.constant 1.280000e+02 : f32
    %div3A_3 = vector.broadcast %div3A : f32 to vector<400x1xf32>
    %div3A_4 = arith.divf %broadcast_in_dim3A, %div3A_3 : vector<400x1xf32>
    %sub3A = vector.broadcast %div3A_4 : vector<400x1xf32> to vector<400x128xf32>
    %sub3A_5 = arith.subf %get3A_1, %sub3A : vector<400x128xf32>
    %mul3A = arith.mulf %sub3A_5, %sub3A_5 : vector<400x128xf32>
    %reduce_sum3A_6 = arith.constant dense<0.000000e+00> : vector<400xf32>
    %reduce_sum3A_7 = vector.multi_reduction <add>, %mul3A, %reduce_sum3A_6 [1] : vector<400x128xf32> to vector<400xf32>
    %broadcast_in_dim3A_8 = vector.shape_cast %reduce_sum3A_7 : vector<400xf32> to vector<400x1xf32>
    %div3A_9 = arith.constant 1.280000e+02 : f32
    %div3A_10 = vector.broadcast %div3A_9 : f32 to vector<400x1xf32>
    %div3A_11 = arith.divf %broadcast_in_dim3A_8, %div3A_10 : vector<400x1xf32>
    %add3A = arith.constant 9.99999974E-6 : f32
    %add3A_12 = vector.broadcast %add3A : f32 to vector<400x1xf32>
    %add3A_13 = arith.addf %div3A_11, %add3A_12 : vector<400x1xf32>
    %rsqrt3A = math.rsqrt %add3A_13 : vector<400x1xf32>
    %mul3A_14 = vector.broadcast %rsqrt3A : vector<400x1xf32> to vector<400x128xf32>
    %mul3A_15 = arith.mulf %sub3A_5, %mul3A_14 : vector<400x128xf32>
    %get3A_16 = arith.constant 0 : index
    %get3A_17 = arith.constant 0 : index
    %get3A_18 = vector.load %arg2[%get3A_16, %get3A_17] : memref<1x128xf32, #tpu.memory_space<vmem>>, vector<1x128xf32>
    %mul3A_19 = vector.broadcast %get3A_18 : vector<1x128xf32> to vector<400x128xf32>
    %mul3A_20 = arith.mulf %mul3A_15, %mul3A_19 : vector<400x128xf32>
    %get3A_21 = arith.constant 0 : index
    %get3A_22 = arith.constant 0 : index
    %get3A_23 = vector.load %arg3[%get3A_21, %get3A_22] : memref<1x128xf32, #tpu.memory_space<vmem>>, vector<1x128xf32>
    %add3A_24 = vector.broadcast %get3A_23 : vector<1x128xf32> to vector<400x128xf32>
    %add3A_25 = arith.addf %mul3A_20, %add3A_24 : vector<400x128xf32>
    %get3A_26 = arith.constant 0 : index
    %get3A_27 = arith.constant 0 : index
    %get3A_28 = vector.load %arg4[%get3A_26, %get3A_27] : memref<128x128xf32, #tpu.memory_space<vmem>>, vector<128x128xf32>
    %dot_general3A = arith.constant dense<0.000000e+00> : vector<400x128xf32>
    %dot_general3A_29 = tpu.matmul %add3A_25, %get3A_28, %dot_general3A {dimension_numbers = #tpu.dot_dimension_numbers<[1], [0], [0], [1], [0, 0, 1, 1], [], []>, transpose_lhs_hint = false} : vector<400x128xf32>, vector<128x128xf32>, vector<400x128xf32> -> vector<400x128xf32>
    %get3A_30 = arith.constant 0 : index
    %get3A_31 = arith.constant 0 : index
    %get3A_32 = vector.load %arg5[%get3A_30, %get3A_31] : memref<1x128xf32, #tpu.memory_space<vmem>>, vector<1x128xf32>
    %add3A_33 = vector.broadcast %get3A_32 : vector<1x128xf32> to vector<400x128xf32>
    %add3A_34 = arith.addf %dot_general3A_29, %add3A_33 : vector<400x128xf32>
    %neg3A = arith.constant 0.000000e+00 : f32
    %neg3A_35 = vector.broadcast %neg3A : f32 to vector<400x128xf32>
    %neg3A_36 = arith.subf %neg3A_35, %add3A_34 : vector<400x128xf32>
    %exp3A = math.exp %neg3A_36 : vector<400x128xf32>
    %add3A_37 = arith.constant 1.000000e+00 : f32
    %add3A_38 = vector.broadcast %add3A_37 : f32 to vector<400x128xf32>
    %add3A_39 = arith.addf %add3A_38, %exp3A : vector<400x128xf32>
    %div3A_40 = arith.constant 1.000000e+00 : f32
    %div3A_41 = vector.broadcast %div3A_40 : f32 to vector<400x128xf32>
    %div3A_42 = arith.divf %div3A_41, %add3A_39 : vector<400x128xf32>
    %mul3A_43 = arith.mulf %add3A_34, %div3A_42 : vector<400x128xf32>
    %get3A_44 = arith.constant 0 : index
    %get3A_45 = arith.constant 0 : index
    %get3A_46 = vector.load %arg6[%get3A_44, %get3A_45] : memref<128x384xf32, #tpu.memory_space<vmem>>, vector<128x384xf32>
    %dot_general3A_47 = arith.constant dense<0.000000e+00> : vector<400x384xf32>
    %dot_general3A_48 = tpu.matmul %mul3A_43, %get3A_46, %dot_general3A_47 {dimension_numbers = #tpu.dot_dimension_numbers<[1], [0], [0], [1], [0, 0, 1, 1], [], []>, transpose_lhs_hint = false} : vector<400x128xf32>, vector<128x384xf32>, vector<400x384xf32> -> vector<400x384xf32>
    %get3A_49 = arith.constant 0 : index
    %get3A_50 = arith.constant 0 : index
    %get3A_51 = vector.load %arg7[%get3A_49, %get3A_50] : memref<1x384xf32, #tpu.memory_space<vmem>>, vector<1x384xf32>
    %add3A_52 = vector.broadcast %get3A_51 : vector<1x384xf32> to vector<400x384xf32>
    %add3A_53 = arith.addf %dot_general3A_48, %add3A_52 : vector<400x384xf32>
    %get3A_54 = arith.constant 0 : index
    %get3A_55 = arith.constant 0 : index
    %get3A_56 = memref.load %arg1[%get3A_54, %get3A_55] : memref<1x1xf32, #tpu.memory_space<smem>>
    %mul3A_57 = vector.broadcast %get3A_56 : f32 to vector<400x384xf32>
    %mul3A_58 = arith.mulf %add3A_53, %mul3A_57 : vector<400x384xf32>
    %swap3A = arith.constant 0 : index
    %swap3A_59 = arith.constant 0 : index
    %swap3A_60 = vector.load %arg9[%swap3A, %swap3A_59] : memref<400x384xf32, #tpu.memory_space<vmem>>, vector<400x384xf32>
    tpu.vector_store %arg9[%swap3A, %swap3A_59], %mul3A_58 {strides = array<i32>} : memref<400x384xf32, #tpu.memory_space<vmem>>, vector<400x384xf32>,
    return
  }
  func.func @transform_0(%arg0: i32) -> (i32, i32) {
    %c0_i32 = arith.constant 0 : i32
    %c0_i32_0 = arith.constant 0 : i32
    %c0_i32_1 = arith.constant 0 : i32
    return %c0_i32, %c0_i32_0 : i32, i32
  }
  func.func @transform_1(%arg0: i32) -> (i32, i32) {
    %c0_i32 = arith.constant 0 : i32
    %c0_i32_0 = arith.constant 0 : i32
    %c0_i32_1 = arith.constant 0 : i32
    return %c0_i32, %c0_i32_0 : i32, i32
  }
  func.func @transform_2(%arg0: i32) -> (i32, i32) {
    %c0_i32 = arith.constant 0 : i32
    %c0_i32_0 = arith.constant 0 : i32
    %c0_i32_1 = arith.constant 0 : i32
    return %c0_i32, %c0_i32_0 : i32, i32
  }
  func.func @transform_3(%arg0: i32) -> (i32, i32) {
    %c0_i32 = arith.constant 0 : i32
    %c0_i32_0 = arith.constant 0 : i32
    %c0_i32_1 = arith.constant 0 : i32
    return %c0_i32, %c0_i32_0 : i32, i32
  }
  func.func @transform_4(%arg0: i32) -> (i32, i32) {
    %c0_i32 = arith.constant 0 : i32
    %c0_i32_0 = arith.constant 0 : i32
    %c0_i32_1 = arith.constant 0 : i32
    return %c0_i32, %c0_i32_0 : i32, i32
  }
  func.func @transform_5(%arg0: i32) -> (i32, i32) {
    %c0_i32 = arith.constant 0 : i32
    %c0_i32_0 = arith.constant 0 : i32
    %c0_i32_1 = arith.constant 0 : i32
    return %c0_i32, %c0_i32_0 : i32, i32
  }
  func.func @transform_6(%arg0: i32) -> (i32, i32) {
    %c0_i32 = arith.constant 0 : i32
    %c0_i32_0 = arith.constant 0 : i32
    %c0_i32_1 = arith.constant 0 : i32
    return %c0_i32, %c0_i32_0 : i32, i32
  }
  func.func @transform_7(%arg0: i32) -> (i32, i32) {
    %c0_i32 = arith.constant 0 : i32
    %c0_i32_0 = arith.constant 0 : i32
    return %arg0, %c0_i32 : i32, i32
  }
  func.func @transform_8(%arg0: i32) -> (i32, i32) {
    %c0_i32 = arith.constant 0 : i32
    %c0_i32_0 = arith.constant 0 : i32
    return %arg0, %c0_i32 : i32, i32
  }
}

module attributes {stable_mosaic.version = 14 : i64} {
  func.func @_w640_body(%arg0: i32, %arg1: memref<16x128xf32, #tpu.memory_space<vmem>>, %arg2: memref<1x128xf32, #tpu.memory_space<vmem>>, %arg3: memref<128x384xf32, #tpu.memory_space<vmem>>, %arg4: memref<1x384xf32, #tpu.memory_space<vmem>>, %arg5: memref<1000x16xf32, #tpu.memory_space<vmem>>, %arg6: memref<1000x1xf32, #tpu.memory_space<vmem>>, %arg7: memref<1000x3xf32, #tpu.memory_space<vmem>>, %arg8: memref<1000x512xf32, #tpu.memory_space<vmem>>) attributes {dimension_semantics = [#tpu.dimension_semantics<arbitrary>], iteration_bounds = array<i64: 160>, scalar_prefetch = 0 : i64, scratch_operands = 0 : i64, tpu.core_type = #tpu.core_type<tc>, window_params = [{pipeline_mode = #tpu.pipeline_mode<synchronous>, transform_indices = @transform_0, window_bounds = array<i64: 16, 128>}, {pipeline_mode = #tpu.pipeline_mode<synchronous>, transform_indices = @transform_1, window_bounds = array<i64: 1, 128>}, {pipeline_mode = #tpu.pipeline_mode<synchronous>, transform_indices = @transform_2, window_bounds = array<i64: 128, 384>}, {pipeline_mode = #tpu.pipeline_mode<synchronous>, transform_indices = @transform_3, window_bounds = array<i64: 1, 384>}, {transform_indices = @transform_4, window_bounds = array<i64: 1000, 16>}, {transform_indices = @transform_5, window_bounds = array<i64: 1000, 1>}, {transform_indices = @transform_6, window_bounds = array<i64: 1000, 3>}, {transform_indices = @transform_7, window_bounds = array<i64: 1000, 512>}]} {
    %get3A = arith.constant 0 : index
    %get3A_0 = arith.constant 0 : index
    %get3A_1 = vector.load %arg5[%get3A, %get3A_0] : memref<1000x16xf32, #tpu.memory_space<vmem>>, vector<1000x16xf32>
    %get3A_2 = arith.constant 0 : index
    %get3A_3 = arith.constant 0 : index
    %get3A_4 = vector.load %arg1[%get3A_2, %get3A_3] : memref<16x128xf32, #tpu.memory_space<vmem>>, vector<16x128xf32>
    %dot_general3A = arith.constant dense<0.000000e+00> : vector<1000x128xf32>
    %dot_general3A_5 = tpu.matmul %get3A_1, %get3A_4, %dot_general3A {dimension_numbers = #tpu.dot_dimension_numbers<[1], [0], [0], [1], [0, 0, 1, 1], [], []>, transpose_lhs_hint = false} : vector<1000x16xf32>, vector<16x128xf32>, vector<1000x128xf32> -> vector<1000x128xf32>
    %get3A_6 = arith.constant 0 : index
    %get3A_7 = arith.constant 0 : index
    %get3A_8 = vector.load %arg2[%get3A_6, %get3A_7] : memref<1x128xf32, #tpu.memory_space<vmem>>, vector<1x128xf32>
    %add3A = vector.broadcast %get3A_8 : vector<1x128xf32> to vector<1000x128xf32>
    %add3A_9 = arith.addf %dot_general3A_5, %add3A : vector<1000x128xf32>
    %neg3A = arith.constant 0.000000e+00 : f32
    %neg3A_10 = vector.broadcast %neg3A : f32 to vector<1000x128xf32>
    %neg3A_11 = arith.subf %neg3A_10, %add3A_9 : vector<1000x128xf32>
    %exp3A = math.exp %neg3A_11 : vector<1000x128xf32>
    %add3A_12 = arith.constant 1.000000e+00 : f32
    %add3A_13 = vector.broadcast %add3A_12 : f32 to vector<1000x128xf32>
    %add3A_14 = arith.addf %add3A_13, %exp3A : vector<1000x128xf32>
    %div3A = arith.constant 1.000000e+00 : f32
    %div3A_15 = vector.broadcast %div3A : f32 to vector<1000x128xf32>
    %div3A_16 = arith.divf %div3A_15, %add3A_14 : vector<1000x128xf32>
    %mul3A = arith.mulf %add3A_9, %div3A_16 : vector<1000x128xf32>
    %get3A_17 = arith.constant 0 : index
    %get3A_18 = arith.constant 0 : index
    %get3A_19 = vector.load %arg3[%get3A_17, %get3A_18] : memref<128x384xf32, #tpu.memory_space<vmem>>, vector<128x384xf32>
    %dot_general3A_20 = arith.constant dense<0.000000e+00> : vector<1000x384xf32>
    %dot_general3A_21 = tpu.matmul %mul3A, %get3A_19, %dot_general3A_20 {dimension_numbers = #tpu.dot_dimension_numbers<[1], [0], [0], [1], [0, 0, 1, 1], [], []>, transpose_lhs_hint = false} : vector<1000x128xf32>, vector<128x384xf32>, vector<1000x384xf32> -> vector<1000x384xf32>
    %get3A_22 = arith.constant 0 : index
    %get3A_23 = arith.constant 0 : index
    %get3A_24 = vector.load %arg4[%get3A_22, %get3A_23] : memref<1x384xf32, #tpu.memory_space<vmem>>, vector<1x384xf32>
    %add3A_25 = vector.broadcast %get3A_24 : vector<1x384xf32> to vector<1000x384xf32>
    %add3A_26 = arith.addf %dot_general3A_21, %add3A_25 : vector<1000x384xf32>
    %get3A_27 = arith.constant 0 : index
    %get3A_28 = arith.constant 0 : index
    %get3A_29 = vector.load %arg6[%get3A_27, %get3A_28] : memref<1000x1xf32, #tpu.memory_space<vmem>>, vector<1000x1xf32>
    %slice3A = vector.extract_strided_slice %add3A_26 {offsets = [0, 0], sizes = [1000, 128], strides = [1, 1]} : vector<1000x384xf32> to vector<1000x128xf32>
    %mul3A_30 = vector.broadcast %get3A_29 : vector<1000x1xf32> to vector<1000x128xf32>
    %mul3A_31 = arith.mulf %slice3A, %mul3A_30 : vector<1000x128xf32>
    %slice3A_32 = vector.extract_strided_slice %add3A_26 {offsets = [0, 128], sizes = [1000, 128], strides = [1, 1]} : vector<1000x384xf32> to vector<1000x128xf32>
    %mul3A_33 = vector.broadcast %get3A_29 : vector<1000x1xf32> to vector<1000x128xf32>
    %mul3A_34 = arith.mulf %slice3A_32, %mul3A_33 : vector<1000x128xf32>
    %slice3A_35 = vector.extract_strided_slice %add3A_26 {offsets = [0, 256], sizes = [1000, 128], strides = [1, 1]} : vector<1000x384xf32> to vector<1000x128xf32>
    %mul3A_36 = vector.broadcast %get3A_29 : vector<1000x1xf32> to vector<1000x128xf32>
    %mul3A_37 = arith.mulf %slice3A_35, %mul3A_36 : vector<1000x128xf32>
    %get3A_38 = arith.constant 0 : index
    %get3A_39 = arith.constant 0 : index
    %get3A_40 = vector.load %arg7[%get3A_38, %get3A_39] : memref<1000x3xf32, #tpu.memory_space<vmem>>, vector<1000x1xf32>
    %broadcast_in_dim3A = vector.shape_cast %get3A_40 : vector<1000x1xf32> to vector<1000x1xf32>
    %broadcast_in_dim3A_41 = vector.broadcast %broadcast_in_dim3A : vector<1000x1xf32> to vector<1000x16xf32>
    %get3A_42 = arith.constant 0 : index
    %get3A_43 = arith.constant 1 : index
    %get3A_44 = vector.load %arg7[%get3A_42, %get3A_43] : memref<1000x3xf32, #tpu.memory_space<vmem>>, vector<1000x1xf32>
    %broadcast_in_dim3A_45 = vector.shape_cast %get3A_44 : vector<1000x1xf32> to vector<1000x1xf32>
    %broadcast_in_dim3A_46 = vector.broadcast %broadcast_in_dim3A_45 : vector<1000x1xf32> to vector<1000x16xf32>
    %get3A_47 = arith.constant 0 : index
    %get3A_48 = arith.constant 2 : index
    %get3A_49 = vector.load %arg7[%get3A_47, %get3A_48] : memref<1000x3xf32, #tpu.memory_space<vmem>>, vector<1000x1xf32>
    %broadcast_in_dim3A_50 = vector.shape_cast %get3A_49 : vector<1000x1xf32> to vector<1000x1xf32>
    %broadcast_in_dim3A_51 = vector.broadcast %broadcast_in_dim3A_50 : vector<1000x1xf32> to vector<1000x16xf32>
    %broadcast_in_dim3A_52 = arith.constant 0.000000e+00 : f32
    %broadcast_in_dim3A_53 = vector.broadcast %broadcast_in_dim3A_52 : f32 to vector<1000x80xf32>
    %concatenate3A = tpu.concatenate %mul3A_31, %mul3A_34, %mul3A_37, %broadcast_in_dim3A_41, %broadcast_in_dim3A_46, %broadcast_in_dim3A_51, %broadcast_in_dim3A_53 in 1 : vector<1000x128xf32>, vector<1000x128xf32>, vector<1000x128xf32>, vector<1000x16xf32>, vector<1000x16xf32>, vector<1000x16xf32>, vector<1000x80xf32> -> vector<1000x512xf32>
    %swap3A = arith.constant 0 : index
    %swap3A_54 = arith.constant 0 : index
    %swap3A_55 = vector.load %arg8[%swap3A, %swap3A_54] : memref<1000x512xf32, #tpu.memory_space<vmem>>, vector<1000x512xf32>
    tpu.vector_store %arg8[%swap3A, %swap3A_54], %concatenate3A {strides = array<i32>} : memref<1000x512xf32, #tpu.memory_space<vmem>>, vector<1000x512xf32>,
    return
  }
  func.func @transform_0(%arg0: i32) -> (i32, i32) {
    %c0_i32 = arith.constant 0 : i32
    %c0_i32_0 = arith.constant 0 : i32
    %c0_i32_1 = arith.constant 0 : i32
    return %c0_i32, %c0_i32_0 : i32, i32
  }
  func.func @transform_1(%arg0: i32) -> (i32, i32) {
    %c0_i32 = arith.constant 0 : i32
    %c0_i32_0 = arith.constant 0 : i32
    %c0_i32_1 = arith.constant 0 : i32
    return %c0_i32, %c0_i32_0 : i32, i32
  }
  func.func @transform_2(%arg0: i32) -> (i32, i32) {
    %c0_i32 = arith.constant 0 : i32
    %c0_i32_0 = arith.constant 0 : i32
    %c0_i32_1 = arith.constant 0 : i32
    return %c0_i32, %c0_i32_0 : i32, i32
  }
  func.func @transform_3(%arg0: i32) -> (i32, i32) {
    %c0_i32 = arith.constant 0 : i32
    %c0_i32_0 = arith.constant 0 : i32
    %c0_i32_1 = arith.constant 0 : i32
    return %c0_i32, %c0_i32_0 : i32, i32
  }
  func.func @transform_4(%arg0: i32) -> (i32, i32) {
    %c0_i32 = arith.constant 0 : i32
    %c0_i32_0 = arith.constant 0 : i32
    return %arg0, %c0_i32 : i32, i32
  }
  func.func @transform_5(%arg0: i32) -> (i32, i32) {
    %c0_i32 = arith.constant 0 : i32
    %c0_i32_0 = arith.constant 0 : i32
    return %arg0, %c0_i32 : i32, i32
  }
  func.func @transform_6(%arg0: i32) -> (i32, i32) {
    %c0_i32 = arith.constant 0 : i32
    %c0_i32_0 = arith.constant 0 : i32
    return %arg0, %c0_i32 : i32, i32
  }
  func.func @transform_7(%arg0: i32) -> (i32, i32) {
    %c0_i32 = arith.constant 0 : i32
    %c0_i32_0 = arith.constant 0 : i32
    return %arg0, %c0_i32 : i32, i32
  }
}

</mosaic_0001>

<sc_bundles>
// kernel: kernel.5.cloned.1.call-start
scs
__scs_entry_jumppad:
0x0: {  	(pc) =	sbr.rel $0x88, $3  }
0x1: {  	(tag) =	ssettag $0x0;
	lr =	simm.s32 $0x1  }
0x2: {  	[smem:$0x3F8F] =	sst lr;
	_ =	strace $0xD0000000  }
0x3: {  	_ = 	snop  }
0x4: {  	_ = 	snop  }
0x5: {  	_ = 	snop  }
0x6: {  	_ = 	snop  }
0x7: {  	_ = 	snop  }
__scs_overlays_trampoline_lowered:
0x8: {  	[smem:$0x3F9E] =	sst s0  }
0x9: {  	[smem:$0x3F9F] =	sst s1  }
0xa: {  	[smem:$0x3FA0] =	sst s2  }
0xb: {  	[smem:$0x3FA1] =	sst s3  }
0xc: {  	[smem:$0x3FA2] =	sst s4  }
0xd: {  	[smem:$0x3FA3] =	sst s5  }
0xe: {  	[smem:$0x3FA4] =	sst s6  }
0xf: {  	[smem:$0x3FA5] =	sst s7  }
0x10: {  	[smem:$0x3FA6] =	sst s8  }
0x11: {  	[smem:$0x3FA7] =	sst s9;
	s0 =	simm.s32 @!p0 $0x0  }
0x12: {  	s1 =	sld [smem:$0x3F8D];
	s0 =	simm.s32 @p0 $0x1  }
0x13: {  	[smem:$0x3FA8] =	sst s0;
	s0 =	simm.s32 @!p1 $0x0  }
0x14: {  	s2 =	sld [smem:$0x3F8C];
	s0 =	simm.s32 @p1 $0x1  }
0x15: {  	[smem:$0x3FA9] =	sst s0;
	s0 =	simm.s32 @!p2 $0x0  }
0x16: {  	s3 =	sld [smem:$0x3FDB];
	s0 =	simm.s32 @p2 $0x1  }
0x17: {  	s4 =	simm.s32 $0x1BF5;
	[smem:$0x3FAB] =	sst s0  }
0x18: {  	s0 =	sld [smem:$0x3F8E];
	_ =	swait.ge [sflag:s4], $0x0  }
0x19: {  	s7 =	sld [smem:$0x3F8F]  }
0x1a: {  	s8 =	sadd.s32 $0xFFFFE003, lr  }
0x1b: {  	s9 =	sadd.s32 $0xFFFFFEF7, lr;
	s5 =	simm.s32 $0xFFFFFFFF;
	p2 =	slt.u32 s8, $0xFFFFF086  }
0x1c: {  	p1 =	slt.u32 s9, $0xF7A;
	s5 =	simm.s32 @!p2 $0x0  }
0x1d: {  	s5 =	simm.s32 @p1 $0x1;
	p0 =	seq.s32 s7, s2  }
0x1e: {  	s7 =	smul.u32 @!p0 $0xF7A, s2;
	p2 =	seq.s32 @!p0 s5, $0x0  }
0x1f: {  	s9 =	smul.u32 $0xF7A, s1;
	s8 =	simm.s32 @!p0 $0x1BF5;
	p2 =	por !p2, p0  }
0x20: {  	[sflag:s8] =	ssyncset.s32 @!p0 $0xFFFFF086;
	s6 =	sadd.s32 @!p0 s3, s7;
	s7 =	simm.s32 @!p0 $0x108  }
0x21: {  	s3 =	sadd.s32 s3, s9;
	s6 =	sadd.s32 @!p0 $0x88, s6;
	s7 =	simm.s32 @p2 $0x1082  }
0x22: {  	[simem:s7], [sflag:s8] =	dma.local @!p0 [hbm:s6], $0xF7A  }
0x23: {  	s9 =	sor.u32 $0xD0000000, s2;
	s6 =	simm.s32 $0x108;
	_ =	swait.ge @!p0 [sflag:s8], $0x0  }
0x24: {  	s3 =	sadd.s32 $0x88, s3;
	s6 =	simm.s32 @!p1 $0x1082;
	[sflag:s4] =	ssyncset.s32 $0xFFFFF086  }
0x25: {  	[simem:s6], [sflag:s4] =	dma.local [hbm:s3], $0xF7A  }
0x26: {  	[smem:$0x3F8F] =	sst s1;
	(tag) =	ssettag s2;
	_ =	strace s9  }
0x27: {  	s1 =	sld [smem:$0x3F9F]  }
0x28: {  	s2 =	sld [smem:$0x3FA0]  }
0x29: {  	s4 =	sld [smem:$0x3FA2]  }
0x2a: {  	p0 =	seq.s32 s5, $0x0;
	s5 =	sld [smem:$0x3FA3]  }
0x2b: {  	s6 =	sld [smem:$0x3FA4]  }
0x2c: {  	s7 =	sld [smem:$0x3FA5]  }
0x2d: {  	s3 =	simm.s32 $0x108;
	s8 =	sld [smem:$0x3FA6]  }
0x2e: {  	s3 =	simm.s32 @!p0 $0x1082;
	s9 =	sld [smem:$0x3FA7]  }
0x2f: {  	lr =	sadd.s32 s0, s3;
	s0 =	sld [smem:$0x3F9E]  }
0x30: {  	s3 =	sld [smem:$0x3FA1]  }
0x31: {  	[smem:$0x3FAA] =	sst s10  }
0x32: {  	s10 =	sld [smem:$0x3FA8];
	_ =	sdelay $0x3  }
0x33: {  	p0 =	seq.s32 s10, $0x1;
	s10 =	sld [smem:$0x3FAA];
	_ =	sdelay $0x3  }
0x34: {  	[smem:$0x3FAA] =	sst s10  }
0x35: {  	s10 =	sld [smem:$0x3FA9];
	_ =	sdelay $0x3  }
0x36: {  	p1 =	seq.s32 s10, $0x1;
	s10 =	sld [smem:$0x3FAA];
	_ =	sdelay $0x3  }
0x37: {  	[smem:$0x3FAA] =	sst s10  }
0x38: {  	s10 =	sld [smem:$0x3FAB]  }
0x39: {  	_ = 	snop;
	(pc) =	sbr.ind lr, $3  }
0x3a: {  	_ = 	snop  }
0x3b: {  	_ = 	snop  }
0x3c: {  	p2 =	seq.s32 s10, $0x1;
	s10 =	sld [smem:$0x3FAA]  }
0x3d: {  	_ =	shalt  }
0x3e: {  	_ =	shalt  }
0x3f: {  	_ =	shalt  }
0x40: {  	_ =	shalt  }
0x41: {  	_ =	shalt  }
0x42: {  	_ =	shalt  }
0x43: {  	_ =	shalt  }
0x44: {  	_ =	shalt  }
0x45: {  	_ =	shalt  }
0x46: {  	_ =	shalt  }
0x47: {  	_ =	shalt  }
0x48: {  	_ =	shalt  }
0x49: {  	_ =	shalt  }
0x4a: {  	_ =	shalt  }
0x4b: {  	_ =	shalt  }
0x4c: {  	_ =	shalt  }
0x4d: {  	_ =	shalt  }
0x4e: {  	_ =	shalt  }
0x4f: {  	_ =	shalt  }
0x50: {  	_ =	shalt  }
0x51: {  	_ =	shalt  }
0x52: {  	_ =	shalt  }
0x53: {  	_ =	shalt  }
0x54: {  	_ =	shalt  }
0x55: {  	_ =	shalt  }
0x56: {  	_ =	shalt  }
0x57: {  	_ =	shalt  }
0x58: {  	_ =	shalt  }
0x59: {  	_ =	shalt  }
0x5a: {  	_ =	shalt  }
0x5b: {  	_ =	shalt  }
0x5c: {  	_ =	shalt  }
0x5d: {  	_ =	shalt  }
0x5e: {  	_ =	shalt  }
0x5f: {  	_ =	shalt  }
0x60: {  	_ =	shalt  }
0x61: {  	_ =	shalt  }
0x62: {  	_ =	shalt  }
0x63: {  	_ =	shalt  }
0x64: {  	_ =	shalt  }
0x65: {  	_ =	shalt  }
0x66: {  	_ =	shalt  }
0x67: {  	_ =	shalt  }
0x68: {  	_ =	shalt  }
0x69: {  	_ =	shalt  }
0x6a: {  	_ =	shalt  }
0x6b: {  	_ =	shalt  }
0x6c: {  	_ =	shalt  }
0x6d: {  	_ =	shalt  }
0x6e: {  	_ =	shalt  }
0x6f: {  	_ =	shalt  }
0x70: {  	_ =	shalt  }
0x71: {  	_ =	shalt  }
0x72: {  	_ =	shalt  }
0x73: {  	_ =	shalt  }
0x74: {  	_ =	shalt  }
0x75: {  	_ =	shalt  }
0x76: {  	_ =	shalt  }
0x77: {  	_ =	shalt  }
0x78: {  	_ =	shalt  }
0x79: {  	_ =	shalt  }
0x7a: {  	_ =	shalt  }
0x7b: {  	_ =	shalt  }
0x7c: {  	_ =	shalt  }
0x7d: {  	_ =	shalt  }
0x7e: {  	_ =	shalt  }
0x7f: {  	_ =	shalt  }
0x80: {  	_ =	shalt  }
0x81: {  	_ =	shalt  }
0x82: {  	_ =	shalt  }
0x83: {  	_ =	shalt  }
0x84: {  	_ =	shalt  }
0x85: {  	_ =	shalt  }
0x86: {  	_ =	shalt  }
0x87: {  	_ =	shalt  }
.Lfunc_end0:
.L_simem_size_0:
called_computation_lowered:
.L_overlay_start_0:
0x88: {  	s2 =	sld [smem:$0x3FD9]  }
0x89: {  	s3 =	sld [smem:$0x3FFE];
	_ =	sdelay $0x1  }
0x8a: {  	s1 =	srdreg.scid  }
0x8b: {  	s0 =	sand.u32 $0x1, s1  }
0x8c: {  	s17 =	sshll.u32 s0, $0xA;
	s2 =	sadd.s32 s3, s2  }
0x8d: {  	s2 =	sadd.s32 s2, s17  }
0x8e: {  	[smem:$0x3FB6] =	sst s2  }
0x8f: {  	_ = 	snop  }
0x90: {  	s2 =	sld [smem:$0x3FC7]  }
0x91: {  	s18 =	sld [smem:$0x3FC6];
	(tm) =	ssettm $0x1  }
0x92: {  	s4 =	sld [smem:$0x3FFB];
	_ =	sdelay $0x3  }
0x93: {  	_ =	strace s4  }
0x94: {  	s4 =	sld [smem:$0x3FFC];
	_ =	sdelay $0x3  }
0x95: {  	_ =	strace s4  }
0x96: {  	s4 =	sld [smem:$0x3FFD];
	_ =	sdelay $0x3  }
0x97: {  	_ =	strace s4  }
0x98: {  	_ =	strace $0x8FFFFFFF  }
0x99: {  	s19 =	sld [smem:$0x3FDB];
	_ =	sdelay $0x1  }
0x9a: {  	s5 =	simm.s32 $_scs_section_size  }
0x9b: {  	s6 =	simm.s32 $_size__tile_overlayer_lowered;
	s7 =	simm.s32 $_tile_overlayer_lowered  }
0x9c: {  	s22 =	simm.s32 $0x1BFF;
	s21 =	sshll.u32 s7, $0x1;
	s4 =	sadd.s32 s5, s19  }
0x9d: {  	s8 =	simm.s32 $0x0;
	s20 =	sshll.u32 s6, $0x1;
	s6 =	sadd.s32 s21, s4  }
0x9e: {  	[timem:s8], [sflag:s22] =	dma.local [hbm:s6], s20  }
0x9f: {  	_ =	swait.ge [sflag:s22], s20  }
0xa0: {  	s5 =	ssub.s32 $0x0, s20;
	[sflag:s22] =	ssyncset.done $0x0  }
0xa1: {  	[sflag:s22] =	ssyncadd.s32 s5;
	_ =	sdelay $0x1  }
0xa2: {  	s23 =	simm.s32 $0x1B8B  }
0xa3: {  	_ =	swait.ge [sflag:s23], $0x1  }
0xa4: {  	[sflag:s23] =	ssyncset.done $0x0  }
0xa5: {  	s25 =	simm.s32 $0x1B8E;
	s24 =	sld [smem:$0x3FFE];
	[sflag:s23] =	ssyncadd.s32 $0xFFFFFFFF  }
0xa6: {  	s26 =	simm.s32 $execute0_lowered;
	[smem:$0x3FD2] =	sst s25  }
0xa7: {  	s6 =	sshll.u32 s26, $0x1;
	_ =	strace $0x80000046;
	[dreg:$0x1] =	wrdreg $0xFFFFFFFF  }
0xa8: {  	s28 =	simm.s32 $_size_execute0_lowered;
	s4 =	sadd.s32 s4, s6;
	[dreg:$0x0] =	wrdreg $0x0  }
0xa9: {  	s6 =	sshll.u32 s28, $0x1;
	[dreg:$0x2] =	wrdreg s4  }
0xaa: {  	[dreg:$0x3] =	wrdreg s6  }
0xab: {  	[dreg:$0x4] =	wrdreg $0xC0  }
0xac: {  	_ =	task [dreg:s8], $0x5FFFF  }
0xad: {  	[dreg:$0x1] =	wrdreg $0xFFFFFFFF  }
0xae: {  	[dreg:$0x0] =	wrdreg $0x60  }
0xaf: {  	[dreg:$0x2] =	wrdreg s24  }
0xb0: {  	[dreg:$0x3] =	wrdreg s2  }
0xb1: {  	[dreg:$0x4] =	wrdreg s18  }
0xb2: {  	[dreg:$0x5] =	wrdreg $0xFB800  }
0xb3: {  	[dreg:$0x6] =	wrdreg $0x9  }
0xb4: {  	_ =	task.clear_ibuf [dreg:s8], $0x7FFFF;
	_ =	strace $0x90000046  }
0xb5: {  	s29 =	simm.s32 $0x9;
	_ =	strace $0x80000048  }
0xb6: {  	_ =	swait.ge [sflag:s29], $0x1  }
0xb7: {  	[sflag:s29] =	ssyncadd.s32 $0xFFFFFFFF  }
0xb8: {  	_ =	strace $0x90000048  }
0xb9: {  	_ =	sfence  }
0xba: {  	s30 =	sld [smem:$0x0];
	_ =	sdelay $0x2  }
0xbb: {  	s31 =	sshll.u32 s1, $0xD;
	s1 =	sshrl.u32 s1, $0x2  }
0xbc: {  	s3 =	sand.u32 $0x4000, s31;
	s1 =	sadd.s32 s1, s30  }
0xbd: {  	s0 =	sor.u32 s3, s0;
	s1 =	sshll.u32 s1, $0x11  }
0xbe: {  	s0 =	sor.u32 s1, s0  }
0xbf: {  	s0 =	sadd.s32 $0x8F2B, s0  }
0xc0: {  	[sflag:s0] =	ssyncadd.remote.s32 $0x1  }
0xc1: {  	_ =	sfence.sel $0xFFFF  }
0xc2: {  	[dreg:$0x0] =	wrdreg $0xFFFFFFFF;
	(pc) =	sbr.abs _section_cstart, $3  }
0xc3: {  	[dreg:$0x1] =	wrdreg $0xFFFFFFFF  }
0xc4: {  	_ =	task.clear_ibuf [dreg:s8], $0x2FFFF;
	_ =	strace $0x9FFFFFFF  }
0xc5: {  	(tm) =	ssettm $0x7FFFFFFF  }
tec
execute0_lowered:
.L_overlay_start_1:
0x0: {  	(tag) =	ssettag $0x1  }
0x1: {  	s0 =	rddreg [dreg:$0x0]  }
0x2: {  	s10 =	rddreg [dreg:$0x1]  }
0x3: {  	s16 =	rddreg [dreg:$0x2]  }
0x4: {  	s3 =	rddreg [dreg:$0x3];
	s2 =	simm.s32 $0x0;
	s1 =	simm.s32 $0x0  }
0x5: {  	s4 =	srdreg.scid;
	s17 =	stileid.u32;
	s28 =	simm.s32 $0x1  }
0x6: {  	v0 =	vimm.s32 $0xEDCBA987;
	v1 =	vimm.s32 $0x65432100;
	s29 =	simm.s32 $0x40;
	s30 =	simm.s32 $0x1A80;
	[dreg:$0x5] =	wrdreg s1  }
0x7: {  	v4 =	vimm.s32 $0xDCBA9876;
	s31 =	simm.s32 $0x2;
	[smem:$0x7FF] =	sst s2;
	s6 =	sadd.s32 $0x840200, s0  }
0x8: {  	v5 =	vimm.s32 $0xBA987654;
	s4 =	sand.u32 $0x1, s4;
	s5 =	smul.u32 $0x28000, s17;
	s7 =	sadd.s32 $0x755C00, s0  }
0x9: {  	v3 =	vimm.s32 $0x54321000;
	v6 =	vimm.s32 $0x32100000;
	v7 =	vimm.s32 $0xE40000;
	s18 =	sadd.s32 $0x2C00, s0;
	s20 =	smul.u32 $0x50, s17;
	s24 =	sadd.s32 $0xA0000, s3  }
0xa: {  	vm0 =	vmmov $0x3;
	vm1 =	vmmov $0xf;
	vm2 =	vcmask $0x3F30;
	p0 =	sne.s32 s17, $0x0;
	_ =	strace $0x80000047;
	[dreg:$0x6] =	wrdreg s18  }
0xb: {  	v0 =	vunpack.c.l.s4.s8 v0;
	v1 =	vunpack.c.l.s4.s8 v1;
	v4 =	vunpack.c.l.s4.s8 v4;
	s8 =	ssub.s32 $0x2, s4;
	[dreg:$0xd] =	wrdreg s24;
	s25 =	sshll.u32 s4, $0x2  }
0xc: {  	v3 =	vunpack.c.l.s4.s8 v3;
	v5 =	vunpack.c.l.s4.s8 v5;
	v6 =	vunpack.c.l.s4.s8 v6;
	s18 =	sadd.s32 $0x840300, s0;
	s5 =	sshrl.u32 s5, $0x2;
	[dreg:$0x8] =	wrdreg s20  }
0xd: {  	v7 =	vunpack.c.l.s2.s4 v7;
	s24 =	simm.s32 $0x800;
	v2 =	vunpack.c.0.s8.s32 v0;
	v4 =	vunpack.c.0.s8.s32 v4;
	[dreg:$0xe] =	wrdreg s25;
	s19 =	sadd.s32 s5, s3  }
0xe: {  	v1 =	vunpack.c.0.s8.s32 v1;
	s9 =	sshrl.u32 s8, $0x1;
	v3 =	vunpack.c.0.s8.s32 v3;
	v5 =	vunpack.c.0.s8.s32 v5;
	s21 =	sadd.s32 $0x2000, s19;
	[dreg:$0x7] =	wrdreg s19  }
0xf: {  	v6 =	vunpack.c.0.s8.s32 v6;
	v7 =	vunpack.c.l.s4.s8 v7;
	s20 =	sadd.s32 $0x755E00, s0;
	s22 =	sadd.s32 $0x4000, s19;
	v4 =	vand.u32 $0xF, v4;
	[dreg:$0x9] =	wrdreg s21  }
.Ltmp0:
0x10: {  	v2 =	vand.u32 $0xF, v2;
	s23 =	sadd.s32 $0x6000, s19;
	[dreg:$0xa] =	wrdreg s22;
	v3 =	vcombine.low v3, v4;
	v4 =	vand.u32 $0xF, v5;
	(pc) =	sbr.rel .LBB2_1-.Ltmp0, $4  }
0x11: {  	s8 =	ssub.s32 s8, s9;
	s2 =	sadd.s32 $0x8000, s19;
	v7 =	vunpack.c.0.s8.s32 v7;
	[dreg:$0xb] =	wrdreg s23;
	v4 =	vcombine.low v6, v4;
	v6 =	vimm.s32 $0x7060504  }
0x12: {  	v0 =	vimm.f32 $0.0e+00;
	s25 =	simm.s32 $0x1800;
	s26 =	smax.u32 s8, $0x1;
	[dreg:$0xc] =	wrdreg s2;
	v1 =	vcombine.low v1, v2;
	v6 =	vunpack.c.0.s8.s32 v6  }
0x13: {  	s9 =	smul.u32 $0x2710, s17;
	s19 =	sadd.s32 $0x755D00, s0;
	[dreg:$0xf] =	wrdreg s26;
	v2 =	vimm.s32 $0x0;
	v5 =	vlaneseq.u32;
	v7 =	vand.u32 $0x3, v7  }
0x14: {  	s22 =	simm.s32 $0xBB80;
	s23 =	simm.s32 $0x5;
	s26 =	simm.s32 $0x1000;
	v6 =	vsel vm2, v6, v7;
	vm2 =	vmmov $0xff;
	v7 =	vimm.s32 $0xF  }
.LBB2_21:
0x15: {  	s0 =	rddreg [dreg:$0x5]  }
0x16: {  	s1 =	rddreg [dreg:$0xf];
	s0 =	sadd.s32 $0x1, s0  }
0x17: {  	p1 =	sne.s32 s0, s1  }
.Ltmp1:
0x18: {  	_ = 	snop;
	(pc) =	sbr.rel @!p1 .LBB2_22-.Ltmp1, $2  }
0x19: {  	_ =	sdelay $0x2  }
0x1a: {  	[dreg:$0x5] =	wrdreg s0  }
.LBB2_1:
.Ltmp2:
0x1b: {  	(pc) =	sbr.rel .LBB2_2-.Ltmp2, $2  }
0x1c: {  	_ =	sdelay $0x2  }
0x1d: {  	s17 =	simm.s32 $0x0  }
.LBB2_19:
0x1e: {  	s0 =	simm.s32 $0x3  }
0x1f: {  	_ =	swait.ge [sflag:s0], $0x2000  }
0x20: {  	[sflag:s0] =	ssyncset.done $0x0  }
0x21: {  	[sflag:s0] =	ssyncadd.s32 $0xFFFFE000  }
.LBB2_20:
0x22: {  	p1 =	slt.s32 s13, $0x1  }
0x23: {  	s1 =	simm.s32 @!p1 $0x4  }
0x24: {  	_ =	swait.ge @!p1 [sflag:s1], $0x2000  }
0x25: {  	s0 =	rddreg [dreg:$0x8]  }
0x26: {  	s21 =	rddreg [dreg:$0x12]  }
0x27: {  	p2 =	slt.u32 s2, $0x7;
	[sflag:s1] =	ssyncset.done @!p1 $0x0;
	s0 =	sadd.s32 s0, s21  }
0x28: {  	[sflag:s1] =	ssyncadd.s32 @!p1 $0xFFFFE000;
	p3 =	sgt.u32 @!p2 s0, $0x26C0  }
0x29: {  	[bflag:$0x0] =	sbarrier.arrive $0xFFFF;
	p1 =	por p2, !p3  }
0x2a: {  	s0 =	sshll.u32 @p1 s0, $0x6;
	s1 =	stileid.u32 @p1;
	s2 =	rddreg @p1 [dreg:$0x6]  }
0x2b: {  	s1 =	sshll.u32 @p1 s1, $0x6;
	s0 =	sadd.s32 @p1 s2, s0;
	s2 =	rddreg @p1 [dreg:$0x7]  }
0x2c: {  	s1 =	sor.u32 @p1 $0x1C05, s1;
	s2 =	sshrl.u32 @p1 s2, $0x3  }
0x2d: {  	[hbm:s0], [sflag:s1] =	dma.local @p1 [spmem:s2], $0x1400  }
0x2e: {  	_ =	swait.ge @p1 [sflag:s23], $0x1400  }
0x2f: {  	s17 =	sadd.s32 $0x1, s17;
	[sflag:s23] =	ssyncset.done @p1 $0x0  }
0x30: {  	[sflag:s23] =	ssyncadd.s32 @p1 $0xFFFFEC00;
	p1 =	sne.s32 s17, $0x4  }
.Ltmp3:
0x31: {  	_ = 	snop;
	(pc) =	sbr.rel @!p1 .LBB2_21-.Ltmp3, $2  }
0x32: {  	_ =	sdelay $0x1  }
0x33: {  	[bflag:$0x0] =	sbarrier.arrive $0xFFFF;
	_ =	sdelay $0x1  }
.LBB2_2:
0x34: {  	s0 =	simm.s32 $0x0;
	s4 =	simm.s32 $0x200  }
.LBB2_3:
0x35: {  	p1 =	sne.s32 s4, $0x7E00;
	[tilespmem:s0+$0xBBF0] =	vst v0  }
0x36: {  	[tilespmem:s0+$0xBB80] =	vst v0  }
0x37: {  	[tilespmem:s0+$0xBB90] =	vst v0  }
.Ltmp4:
0x38: {  	[tilespmem:s0+$0xBBA0] =	vst v0;
	(pc) =	sbr.rel @p1 .LBB2_3-.Ltmp4, $4  }
0x39: {  	[tilespmem:s0+$0xBBB0] =	vst v0  }
0x3a: {  	[tilespmem:s0+$0xBBC0] =	vst v0  }
0x3b: {  	[tilespmem:s0+$0xBBD0] =	vst v0  }
0x3c: {  	[tilespmem:s0+$0xBBE0] =	vst v0;
	s0 =	sshra.s32 s4, $0x2;
	s4 =	sadd.s32 $0x200, s4  }
0x3d: {  	[tilespmem:s0+$0xBBF0] =	vst v0  }
0x3e: {  	[tilespmem:s0+$0xBB80] =	vst v0  }
0x3f: {  	[tilespmem:s0+$0xBB90] =	vst v0  }
0x40: {  	[tilespmem:s0+$0xBBA0] =	vst v0  }
0x41: {  	[tilespmem:s0+$0xBBB0] =	vst v0  }
0x42: {  	[tilespmem:s0+$0xBBC0] =	vst v0  }
0x43: {  	[tilespmem:s0+$0xBBD0] =	vst v0  }
0x44: {  	[tilespmem:s0+$0xBBE0] =	vst v0;
	s8 =	rddreg [dreg:$0x7]  }
0x45: {  	[spmem:s8] =	stream.linear.scatter [tilespmem:s22], [sflag:$0x5], $0x2000, $0x38;
	[tilespmem:$0x19BA0] =	vst v63  }
0x46: {  	_ =	swait.ge [sflag:s23], $0x2000  }
0x47: {  	[sflag:s23] =	ssyncset.done $0x0  }
0x48: {  	s11 =	rddreg [dreg:$0x9];
	[sflag:s23] =	ssyncadd.s32 $0xFFFFE000  }
0x49: {  	[spmem:s11] =	stream.linear.scatter [tilespmem:s22], [sflag:$0x5], $0x2000, $0x38;
	[tilespmem:$0x19BA0] =	vst v63  }
0x4a: {  	_ =	swait.ge [sflag:s23], $0x2000  }
0x4b: {  	[sflag:s23] =	ssyncset.done $0x0  }
0x4c: {  	s12 =	rddreg [dreg:$0xa];
	[sflag:s23] =	ssyncadd.s32 $0xFFFFE000  }
0x4d: {  	[spmem:s12] =	stream.linear.scatter [tilespmem:s22], [sflag:$0x5], $0x2000, $0x38;
	[tilespmem:$0x19BA0] =	vst v63  }
0x4e: {  	_ =	swait.ge [sflag:s23], $0x2000  }
0x4f: {  	[sflag:s23] =	ssyncset.done $0x0  }
0x50: {  	s13 =	rddreg [dreg:$0xb];
	[sflag:s23] =	ssyncadd.s32 $0xFFFFE000  }
0x51: {  	[spmem:s13] =	stream.linear.scatter [tilespmem:s22], [sflag:$0x5], $0x2000, $0x38;
	[tilespmem:$0x19BA0] =	vst v63  }
0x52: {  	_ =	swait.ge [sflag:s23], $0x2000  }
0x53: {  	[sflag:s23] =	ssyncset.done $0x0  }
0x54: {  	s14 =	rddreg [dreg:$0xc];
	[sflag:s23] =	ssyncadd.s32 $0xFFFFE000  }
0x55: {  	[spmem:s14] =	stream.linear.scatter [tilespmem:s22], [sflag:$0x5], $0x2000, $0x38;
	[tilespmem:$0x19BA0] =	vst v63  }
0x56: {  	_ =	swait.ge [sflag:s23], $0x2000  }
0x57: {  	[sflag:s23] =	ssyncset.done $0x0  }
0x58: {  	s0 =	simm.s32 @!p0 $0xBB80;
	s1 =	rddreg [dreg:$0xd];
	[sflag:s23] =	ssyncadd.s32 $0xFFFFE000  }
0x59: {  	[spmem:s1] =	stream.linear.scatter @!p0 [tilespmem:s0], [sflag:$0x5], $0x200, $0x38;
	[tilespmem:$0x19BA0] =	vst v63  }
0x5a: {  	s15 =	rddreg [dreg:$0xe];
	s0 =	simm.s32 @!p0 $0x5  }
0x5b: {  	s2 =	sadd.s32 s15, s17;
	_ =	swait.ge @!p0 [sflag:s0], $0x200  }
0x5c: {  	s1 =	smul.u32 $0x500, s2;
	[sflag:s0] =	ssyncset.done @!p0 $0x0  }
0x5d: {  	[sflag:s0] =	ssyncadd.s32 @!p0 $0xFFFFFE00  }
0x5e: {  	p2 =	por $0x1, $0x1;
	s21 =	sadd.s32 $0x500, s1;
	[bflag:$0x0] =	sbarrier.arrive $0xFFFF  }
0x5f: {  	s11 =	simm.s32 $0x0;
	s13 =	simm.s32 $0x0;
	v8 =	vmov s1;
	v9 =	vmov s21;
	[dreg:$0x12] =	wrdreg s1  }
.LBB2_5:
0x60: {  	s0 =	smul.u32 $0x7D0, s11;
	_ =	sdelay $0x1  }
0x61: {  	s15 =	sadd.s32 s9, s0  }
0x62: {  	s0 =	sshrl.u32 s15, $0x3  }
0x63: {  	s5 =	simm.s32 $0x0;
	s4 =	sadd.s32 s10, s0  }
0x64: {  	[tilespmem:s5], [sflag:$0x5] =	stream.linear.gather [hbm4b:s4+s5], $0x7D0, $0x38;
	[tilespmem:$0x19BA0] =	vst v63  }
0x65: {  	_ =	swait.ge [sflag:s23], $0x7D0  }
0x66: {  	[sflag:s23] =	ssyncset.done $0x0  }
0x67: {  	s0 =	sadd.s32 s16, s0;
	[sflag:s23] =	ssyncadd.s32 $0xFFFFF830  }
0x68: {  	[tilespmem:s24], [sflag:$0x5] =	stream.linear.gather [hbm4b:s0+s5], $0x7D0, $0x38;
	[tilespmem:$0x19BA0] =	vst v63  }
0x69: {  	_ =	swait.ge [sflag:s23], $0x7D0  }
0x6a: {  	[sflag:s23] =	ssyncset.done $0x0  }
0x6b: {  	[sflag:s23] =	ssyncadd.s32 $0xFFFFF830  }
0x6c: {  	v10 =	vld [tilespmem:s5+$0x0];
	_ =	sdelay $0x4  }
0x6d: {  	vm3 =	vge.s32 v10, v8;
	vm4 =	vlt.s32 v10, v9  }
0x6e: {  	vm4 =	vmand vm3, vm4  }
0x6f: {  	v10 =	vsel vm4, $0x1, v2  }
0x70: {  	[tilespmem:$0x1800] =	vst v10  }
0x71: {  	v11 =	vld.idx.msk [tilespmem:v1+s25+$0x0], $0xffff;
	_ =	sdelay $0x3  }
0x72: {  	vm3 =	veq.s32 v5, $0x0  }
0x73: {  	v11 =	vsel vm3, $0x0, v11  }
0x74: {  	v10 =	vadd.s32 v10, v11  }
0x75: {  	[tilespmem:$0x1800] =	vst v10  }
0x76: {  	v11 =	vld.idx.msk [tilespmem:v3+s25+$0x0], $0xffff;
	_ =	sdelay $0x4  }
0x77: {  	v11 =	vsel vm0, $0x0, v11  }
0x78: {  	v10 =	vadd.s32 v10, v11  }
0x79: {  	[tilespmem:$0x1800] =	vst v10  }
0x7a: {  	v11 =	vld.idx.msk [tilespmem:v4+s25+$0x0], $0xffff;
	_ =	sdelay $0x4  }
0x7b: {  	v11 =	vsel vm1, $0x0, v11  }
0x7c: {  	v11 =	vadd.s32 v10, v11  }
0x7d: {  	[tilespmem:$0x1800] =	vst v11  }
0x7e: {  	v12 =	vld.idx.msk [tilespmem:v6+s25+$0x0], $0xffff;
	_ =	sdelay $0x4  }
0x7f: {  	v13 =	vsel vm4, $0xFFFFFFFF, v2;
	v10 =	vimm.s32 $0x0;
	v12 =	vsel vm2, $0x0, v12  }
0x80: {  	v62 =	vadd.s32 v13, v10;
	v11 =	vadd.s32 v11, v12  }
0x81: {  	v12 =	vadd.s32 v11, v62  }
0x82: {  	[tilespmem:$0x1800] =	vst v11;
	v12 =	vnsel vm4, $0x7E0, v12  }
0x83: {  	v11 =	vld.idx.msk [tilespmem:v7+s25+$0x0], $0xffff;
	_ =	sdelay $0x2  }
0x84: {  	v63 =	vor.u32 s5, v5  }
0x85: {  	s4 =	simm.s32 $0x10;
	s0 =	simm.s32 $0x10;
	s5 =	simm.s32 $0x20;
	[tilespmem:v12+s26+$0x0] =	vst.idx.msk $0xffff, v63  }
.LBB2_6:
0x86: {  	p1 =	sne.s32 s5, $0x7C0;
	v12 =	vld [tilespmem:s4+$0x0];
	v10 =	vadd.s32 v10, v11;
	s8 =	smov.u32 s5;
	s5 =	sadd.s32 $0x10, s5  }
0x87: {  	_ =	sdelay $0x3  }
0x88: {  	vm4 =	vge.s32 v12, v8;
	vm5 =	vlt.s32 v12, v9  }
0x89: {  	vm4 =	vmand vm4, vm5  }
0x8a: {  	v11 =	vsel vm4, $0xFFFFFFFF, v2;
	v12 =	vsel vm4, $0x1, v2  }
0x8b: {  	[tilespmem:$0x1800] =	vst v12  }
0x8c: {  	v13 =	vld.idx.msk [tilespmem:v1+s25+$0x0], $0xffff;
	_ =	sdelay $0x5  }
0x8d: {  	v13 =	vsel vm3, $0x0, v13  }
0x8e: {  	v12 =	vadd.s32 v12, v13  }
0x8f: {  	[tilespmem:$0x1800] =	vst v12  }
0x90: {  	v13 =	vld.idx.msk [tilespmem:v3+s25+$0x0], $0xffff;
	_ =	sdelay $0x5  }
0x91: {  	v13 =	vsel vm0, $0x0, v13  }
0x92: {  	v12 =	vadd.s32 v12, v13  }
0x93: {  	[tilespmem:$0x1800] =	vst v12  }
0x94: {  	v13 =	vld.idx.msk [tilespmem:v4+s25+$0x0], $0xffff;
	_ =	sdelay $0x5  }
0x95: {  	v13 =	vsel vm1, $0x0, v13  }
0x96: {  	v12 =	vadd.s32 v12, v13  }
0x97: {  	[tilespmem:$0x1800] =	vst v12  }
0x98: {  	v13 =	vld.idx.msk [tilespmem:v6+s25+$0x0], $0xffff;
	_ =	sdelay $0x5  }
0x99: {  	v13 =	vsel vm2, $0x0, v13  }
0x9a: {  	v11 =	vadd.s32 v11, v10;
	v12 =	vadd.s32 v12, v13  }
0x9b: {  	[tilespmem:$0x1800] =	vst v12;
	v12 =	vadd.s32 v12, v11  }
0x9c: {  	v11 =	vld.idx.msk [tilespmem:v7+s25+$0x0], $0xffff;
	v12 =	vnsel vm4, $0x7E0, v12  }
.Ltmp5:
0x9d: {  	(pc) =	sbr.rel @p1 .LBB2_6-.Ltmp5, $3  }
0x9e: {  	_ =	sdelay $0x1  }
0x9f: {  	v13 =	vor.u32 s0, v5;
	s0 =	smov.u32 s8  }
0xa0: {  	s4 =	sadd.s32 $0x10, s4;
	[tilespmem:v12+s26+$0x0] =	vst.idx.msk $0xffff, v13  }
0xa1: {  	v12 =	vld [tilespmem:s4+$0x0];
	_ =	sdelay $0x4  }
0xa2: {  	vm3 =	vge.s32 v12, v8;
	vm4 =	vlt.s32 v12, v9  }
0xa3: {  	vm3 =	vmand vm3, vm4  }
0xa4: {  	v57 =	vsel vm3, $0x1, v2  }
0xa5: {  	[tilespmem:$0x1800] =	vst v57  }
0xa6: {  	v13 =	vld.idx.msk [tilespmem:v1+s25+$0x0], $0xffff;
	_ =	sdelay $0x3  }
0xa7: {  	vm15 =	veq.s32 v5, $0x0  }
0xa8: {  	v13 =	vsel vm15, $0x0, v13  }
0xa9: {  	v12 =	vadd.s32 v57, v13  }
0xaa: {  	[tilespmem:$0x1800] =	vst v12  }
0xab: {  	v58 =	vld.idx.msk [tilespmem:v3+s25+$0x0], $0xffff;
	_ =	sdelay $0x4  }
0xac: {  	v13 =	vsel vm0, $0x0, v58  }
0xad: {  	v12 =	vadd.s32 v12, v13  }
0xae: {  	[tilespmem:$0x1800] =	vst v12  }
0xaf: {  	v59 =	vld.idx.msk [tilespmem:v4+s25+$0x0], $0xffff;
	_ =	sdelay $0x4  }
0xb0: {  	v13 =	vsel vm1, $0x0, v59  }
0xb1: {  	v12 =	vadd.s32 v12, v13  }
0xb2: {  	[tilespmem:$0x1800] =	vst v12  }
0xb3: {  	v60 =	vld.idx.msk [tilespmem:v6+s25+$0x0], $0xffff;
	_ =	sdelay $0x4  }
0xb4: {  	v13 =	vsel vm2, $0x0, v60  }
0xb5: {  	v12 =	vadd.s32 v12, v13  }
0xb6: {  	[tilespmem:$0x1800] =	vst v12  }
0xb7: {  	v61 =	vld.idx.msk [tilespmem:v7+s25+$0x0], $0xffff;
	_ =	sdelay $0x3  }
0xb8: {  	v11 =	vadd.s32 v10, v11  }
0xb9: {  	v10 =	vadd.s32 v11, v61  }
0xba: {  	(v2sf) =	vpush v10, $0x0;
	_ =	sdelay $0xe  }
0xbb: {  	v62 =	vsel vm3, $0xFFFFFFFF, v2;
	s21 =	spop (v2sf)  }
0xbc: {  	v11 =	vadd.s32 v62, v11;
	s4 =	sadd.s32 $0xF, s21  }
0xbd: {  	v11 =	vadd.s32 v12, v11;
	s5 =	sand.u32 $0xF, s4  }
0xbe: {  	v11 =	vnsel vm3, $0x7E0, v11;
	s1 =	sshra.s32 s4, $0x1F;
	p3 =	slt.s32 s4, $0x1;
	p1 =	sne.s32 s5, $0x0  }
0xbf: {  	s5 =	sshrl.u32 s1, $0x1C;
	p1 =	por !p3, !p1  }
0xc0: {  	s4 =	sadd.s32 s5, s4;
	s5 =	simm.s32 $0x1;
	p1 =	por !p1, !p1  }
0xc1: {  	s4 =	sshra.s32 s4, $0x4;
	s5 =	simm.s32 @!p1 $0x0  }
0xc2: {  	v63 =	vor.u32 s0, v5;
	s12 =	ssub.s32 s4, s5  }
0xc3: {  	[tilespmem:v11+s26+$0x0] =	vst.idx.msk $0xffff, v63;
	p1 =	slt.s32 s12, $0x1  }
0xc4: {  	v11 =	vld @!p1 [tilespmem:$0x1000];
	_ =	sdelay $0x1  }
0xc5: {  	v12 =	vbroadcast @!p1 v10, $0x0  }
0xc6: {  	v13 =	vlaneseq.u32 @!p1  }
0xc7: {  	vm3 =	vgt.s32 @!p1 v12, v13  }
0xc8: {  	v12 =	vnsel @!p1 vm3, $0x0, v11;
	v11 =	vadd.s32 @!p1 s15, v11  }
0xc9: {  	v11 =	vnsel @!p1 vm3, $0x0, v11  }
0xca: {  	v14 =	vshll.u32 @!p1 v11, $0x2  }
0xcb: {  	v15 =	vand.u32 @!p1 $0x7, v11;
	v14 =	vand.u32 @!p1 $0xFFFFFFE0, v14  }
0xcc: {  	s0 =	simm.s32 @!p1 $0x800;
	v16 =	vshrl.u32 @!p1 v13, $0x3;
	v14 =	vor.u32 @!p1 v15, v14;
	v15 =	vand.u32 @!p1 $0x7, v13  }
0xcd: {  	v16 =	vmul.u32 @!p1 $0x8, v16;
	v12 =	vld.idx.msk @!p1 [tilespmem:v12+s0+$0x0], $0xffff;
	v17 =	vperm.xlane @!p1 v14, v15;
	_ =	sdelay $0x1  }
0xce: {  	v17 =	vadd.s32 @!p1 v16, v17  }
0xcf: {  	v13 =	vor.u32 @!p1 $0x8, v13  }
0xd0: {  	v14 =	vperm.xlane @!p1 v14, v13  }
0xd1: {  	[tilespmem:$0x1980] =	vst @!p1 v11;
	v12 =	vnsel @!p1 vm3, $0x0, v12  }
0xd2: {  	s4 =	simm.s32 @!p1 $0x1B80;
	s0 =	simm.s32 @!p1 $0x0;
	v11 =	vadd.s32 @!p1 v16, v14;
	vm3 =	vmmov @!p1 $0xffff;
	[tilespmem:$0x1880] =	vst @!p1 v12  }
0xd3: {  	[tilespmem:s4], [sflag:$0x1] =	stream.indirect_vreg.gather @!p1 [hbm4b:s6+s0], $0x80, v17, vm3, $0xb8;
	[tilespmem:$0x19BA0] =	vst v63  }
0xd4: {  	s4 =	simm.s32 @!p1 $0x2380  }
0xd5: {  	[tilespmem:s4], [sflag:$0x1] =	stream.indirect_vreg.gather @!p1 [hbm4b:s18+s0], $0x80, v17, vm3, $0xb8;
	[tilespmem:$0x19BA0] =	vst v63  }
0xd6: {  	s4 =	simm.s32 @!p1 $0x2B80  }
0xd7: {  	[tilespmem:s4], [sflag:$0x1] =	stream.indirect_vreg.gather @!p1 [hbm4b:s6+s0], $0x80, v11, vm3, $0xb8;
	[tilespmem:$0x19BA0] =	vst v63  }
0xd8: {  	s4 =	simm.s32 @!p1 $0x3380  }
0xd9: {  	[tilespmem:s4], [sflag:$0x1] =	stream.indirect_vreg.gather @!p1 [hbm4b:s18+s0], $0x80, v11, vm3, $0xb8;
	[tilespmem:$0x19BA0] =	vst v63  }
0xda: {  	v11 =	vld @!p1 [tilespmem:$0x1880];
	_ =	sdelay $0x4  }
0xdb: {  	v12 =	vshrl.u32 @!p1 v11, $0x3  }
0xdc: {  	v12 =	vmul.u32 @!p1 $0x30, v12  }
0xdd: {  	v11 =	vand.u32 @!p1 $0x7, v11  }
0xde: {  	v11 =	vor.u32 @!p1 v11, v12  }
0xdf: {  	v12 =	vperm.xlane @!p1 v11, v15;
	_ =	sdelay $0x1  }
0xe0: {  	v12 =	vadd.s32 @!p1 v16, v12;
	_ =	sdelay $0x3  }
0xe1: {  	s4 =	simm.s32 @!p1 $0x5B80;
	v11 =	vperm.xlane @!p1 v11, v13  }
0xe2: {  	[tilespmem:s4], [sflag:$0x1] =	stream.indirect_vreg.gather @!p1 [hbm4b:s7+s0], $0x80, v12, vm3, $0xb8;
	[tilespmem:$0x19BA0] =	vst v63  }
0xe3: {  	v11 =	vadd.s32 @!p1 v16, v11;
	s4 =	simm.s32 @!p1 $0x6380  }
0xe4: {  	[tilespmem:s4], [sflag:$0x1] =	stream.indirect_vreg.gather @!p1 [hbm4b:s19+s0], $0x80, v12, vm3, $0xb8;
	[tilespmem:$0x19BA0] =	vst v63  }
0xe5: {  	s4 =	simm.s32 @!p1 $0x6B80  }
0xe6: {  	[tilespmem:s4], [sflag:$0x1] =	stream.indirect_vreg.gather @!p1 [hbm4b:s20+s0], $0x80, v12, vm3, $0xb8;
	[tilespmem:$0x19BA0] =	vst v63  }
0xe7: {  	s8 =	sadd.s32 $0x1, s12;
	s4 =	simm.s32 @!p1 $0x7380  }
0xe8: {  	[tilespmem:s4], [sflag:$0x1] =	stream.indirect_vreg.gather @!p1 [hbm4b:s7+s0], $0x80, v11, vm3, $0xb8;
	[tilespmem:$0x19BA0] =	vst v63  }
0xe9: {  	s14 =	sand.u32 $0x1, s8;
	s4 =	simm.s32 @!p1 $0x7B80  }
0xea: {  	[tilespmem:s4], [sflag:$0x1] =	stream.indirect_vreg.gather @!p1 [hbm4b:s19+s0], $0x80, v11, vm3, $0xb8;
	[tilespmem:$0x19BA0] =	vst v63  }
0xeb: {  	p5 =	slt.s32 s12, $0x0;
	p6 =	seq.s32 s14, $0x1;
	s4 =	simm.s32 @!p1 $0x8380  }
0xec: {  	[tilespmem:s4], [sflag:$0x1] =	stream.indirect_vreg.gather @!p1 [hbm4b:s20+s0], $0x80, v11, vm3, $0xb8;
	[tilespmem:$0x19BA0] =	vst v63  }
0xed: {  	s21 =	sshrl.u32 s8, $0x1F;
	p1 =	por !p5, !p6  }
0xee: {  	s0 =	sadd.s32 s21, s8;
	s4 =	simm.s32 $0x1;
	p1 =	por !p1, !p1  }
0xef: {  	s0 =	sshra.s32 s0, $0x1;
	s4 =	simm.s32 @!p1 $0x0  }
0xf0: {  	s14 =	ssub.s32 s0, s4  }
0xf1: {  	p1 =	slt.s32 s14, $0x1  }
.Ltmp6:
0xf2: {  	_ = 	snop;
	(pc) =	sbr.rel @!p1 .LBB2_8-.Ltmp6, $1  }
0xf3: {  	_ =	sdelay $0x3  }
0xf4: {  	s11 =	sadd.s32 $0x1, s11  }
0xf5: {  	p1 =	seq.s32 s11, $0x5  }
.Ltmp7:
0xf6: {  	_ = 	snop;
	(pc) =	sbr.rel @!p1 .LBB2_5-.Ltmp7, $4  }
.Ltmp8:
0xf7: {  	_ = 	snop;
	(pc) =	sbr.rel @p1 .LBB2_18-.Ltmp8, $4  }
0xf8: {  	_ = 	snop  }
0xf9: {  	_ = 	snop  }
0xfa: {  	_ = 	snop  }
0xfb: {  	_ = 	snop  }
.LBB2_8:
.Ltmp9:
0xfc: {  	(pc) =	sbr.rel .LBB2_9-.Ltmp9, $3  }
0xfd: {  	_ =	sdelay $0x1  }
0xfe: {  	[dreg:$0x11] =	wrdreg s2  }
0xff: {  	[dreg:$0x10] =	wrdreg s17;
	v10 =	vbroadcast v10, $0x0;
	v11 =	vmov s15;
	s15 =	simm.s32 $0x0;
	s16 =	simm.s32 $0x0  }
.LBB2_15:
0x100: {  	s16 =	sadd.s32 $0x1, s16  }
0x101: {  	p1 =	seq.s32 s16, s14  }
.Ltmp10:
0x102: {  	_ = 	snop;
	(pc) =	sbr.rel @p1 .LBB2_16-.Ltmp10, $2  }
0x103: {  	_ =	sdelay $0x2  }
0x104: {  	p2 =	por $0x0, $0x0  }
.LBB2_9:
0x105: {  	s17 =	sshllo.u32 s16, $0x1  }
0x106: {  	p1 =	sge.s32 s17, s12  }
0x107: {  	s0 =	sshll.u32 @!p1 s17, $0x4  }
0x108: {  	v12 =	vld @!p1 [tilespmem:s0+$0x1000];
	_ =	sdelay $0x1  }
0x109: {  	v13 =	vlaneseq.u32 @!p1  }
0x10a: {  	v14 =	vor.u32 @!p1 s0, v13  }
0x10b: {  	vm3 =	vlt.s32 @!p1 v14, v10  }
0x10c: {  	v14 =	vnsel @!p1 vm3, $0x0, v12;
	v12 =	vadd.s32 @!p1 v11, v12  }
0x10d: {  	v12 =	vnsel @!p1 vm3, $0x0, v12  }
0x10e: {  	v15 =	vshll.u32 @!p1 v12, $0x2  }
0x10f: {  	v16 =	vand.u32 @!p1 $0x7, v12;
	v15 =	vand.u32 @!p1 $0xFFFFFFE0, v15  }
0x110: {  	s0 =	simm.s32 @!p1 $0x800;
	v17 =	vshrl.u32 @!p1 v13, $0x3;
	v15 =	vor.u32 @!p1 v16, v15;
	v16 =	vand.u32 @!p1 $0x7, v13  }
0x111: {  	v17 =	vmul.u32 @!p1 $0x8, v17;
	v14 =	vld.idx.msk @!p1 [tilespmem:v14+s0+$0x0], $0xffff;
	v18 =	vperm.xlane @!p1 v15, v16;
	_ =	sdelay $0x1  }
0x112: {  	v18 =	vadd.s32 @!p1 v17, v18  }
0x113: {  	v13 =	vor.u32 @!p1 $0x8, v13  }
0x114: {  	v15 =	vperm.xlane @!p1 v15, v13  }
0x115: {  	[tilespmem:$0x1A00] =	vst @!p1 v12;
	v14 =	vnsel @!p1 vm3, $0x0, v14  }
0x116: {  	s4 =	simm.s32 @!p1 $0x3B80;
	s0 =	simm.s32 @!p1 $0x0;
	v12 =	vadd.s32 @!p1 v17, v15;
	vm3 =	vmmov @!p1 $0xffff;
	[tilespmem:$0x1900] =	vst @!p1 v14  }
0x117: {  	[tilespmem:s4], [sflag:$0x2] =	stream.indirect_vreg.gather @!p1 [hbm4b:s6+s0], $0x80, v18, vm3, $0xb8;
	[tilespmem:$0x19BA0] =	vst v63  }
0x118: {  	s4 =	simm.s32 @!p1 $0x4380  }
0x119: {  	[tilespmem:s4], [sflag:$0x2] =	stream.indirect_vreg.gather @!p1 [hbm4b:s18+s0], $0x80, v18, vm3, $0xb8;
	[tilespmem:$0x19BA0] =	vst v63  }
0x11a: {  	s4 =	simm.s32 @!p1 $0x4B80  }
0x11b: {  	[tilespmem:s4], [sflag:$0x2] =	stream.indirect_vreg.gather @!p1 [hbm4b:s6+s0], $0x80, v12, vm3, $0xb8;
	[tilespmem:$0x19BA0] =	vst v63  }
0x11c: {  	s4 =	simm.s32 @!p1 $0x5380  }
0x11d: {  	[tilespmem:s4], [sflag:$0x2] =	stream.indirect_vreg.gather @!p1 [hbm4b:s18+s0], $0x80, v12, vm3, $0xb8;
	[tilespmem:$0x19BA0] =	vst v63  }
0x11e: {  	v12 =	vld @!p1 [tilespmem:$0x1900];
	_ =	sdelay $0x4  }
0x11f: {  	v14 =	vshrl.u32 @!p1 v12, $0x3  }
0x120: {  	v14 =	vmul.u32 @!p1 $0x30, v14  }
0x121: {  	v12 =	vand.u32 @!p1 $0x7, v12  }
0x122: {  	v12 =	vor.u32 @!p1 v12, v14  }
0x123: {  	v14 =	vperm.xlane @!p1 v12, v16;
	_ =	sdelay $0x1  }
0x124: {  	v14 =	vadd.s32 @!p1 v17, v14;
	_ =	sdelay $0x3  }
0x125: {  	s4 =	simm.s32 @!p1 $0x8B80;
	v12 =	vperm.xlane @!p1 v12, v13  }
0x126: {  	[tilespmem:s4], [sflag:$0x2] =	stream.indirect_vreg.gather @!p1 [hbm4b:s7+s0], $0x80, v14, vm3, $0xb8;
	[tilespmem:$0x19BA0] =	vst v63  }
0x127: {  	v12 =	vadd.s32 @!p1 v17, v12;
	s4 =	simm.s32 @!p1 $0x9380  }
0x128: {  	[tilespmem:s4], [sflag:$0x2] =	stream.indirect_vreg.gather @!p1 [hbm4b:s19+s0], $0x80, v14, vm3, $0xb8;
	[tilespmem:$0x19BA0] =	vst v63  }
0x129: {  	s4 =	simm.s32 @!p1 $0x9B80  }
0x12a: {  	[tilespmem:s4], [sflag:$0x2] =	stream.indirect_vreg.gather @!p1 [hbm4b:s20+s0], $0x80, v14, vm3, $0xb8;
	[tilespmem:$0x19BA0] =	vst v63  }
0x12b: {  	s4 =	simm.s32 @!p1 $0xA380  }
0x12c: {  	[tilespmem:s4], [sflag:$0x2] =	stream.indirect_vreg.gather @!p1 [hbm4b:s7+s0], $0x80, v12, vm3, $0xb8;
	[tilespmem:$0x19BA0] =	vst v63  }
0x12d: {  	s4 =	simm.s32 @!p1 $0xAB80  }
0x12e: {  	[tilespmem:s4], [sflag:$0x2] =	stream.indirect_vreg.gather @!p1 [hbm4b:s19+s0], $0x80, v12, vm3, $0xb8;
	[tilespmem:$0x19BA0] =	vst v63  }
0x12f: {  	s4 =	simm.s32 @!p1 $0xB380  }
0x130: {  	[tilespmem:s4], [sflag:$0x2] =	stream.indirect_vreg.gather @!p1 [hbm4b:s20+s0], $0x80, v12, vm3, $0xb8;
	[tilespmem:$0x19BA0] =	vst v63  }
0x131: {  	s0 =	simm.s32 @!p2 $0x3  }
0x132: {  	_ =	swait.ge @!p2 [sflag:s0], $0x2000  }
0x133: {  	[sflag:s0] =	ssyncset.done @!p2 $0x0  }
0x134: {  	s21 =	sshll.u32 s16, $0x5;
	[sflag:s0] =	ssyncadd.s32 @!p2 $0xFFFFE000  }
0x135: {  	v60 =	vld [tilespmem:s21+$0x1000];
	_ =	sdelay $0x2  }
0x136: {  	v61 =	vor.u32 s21, v5  }
0x137: {  	vm3 =	vlt.s32 v61, v10  }
0x138: {  	v12 =	vnsel vm3, $0x0, v60;
	_ =	sdelay $0x4  }
0x139: {  	v12 =	vld.idx.msk [tilespmem:v12+s15+$0x0], $0xffff;
	_ =	sdelay $0x4  }
0x13a: {  	v12 =	vsub.s32 v12, v8  }
0x13b: {  	v12 =	vshll.u32 v12, $0x2  }
0x13c: {  	v12 =	vnsel vm3, $0x1400, v12  }
0x13d: {  	[tilespmem:$0x1A80] =	vst v12;
	v62 =	vor.u32 $0x1, v12  }
0x13e: {  	v63 =	vor.u32 $0x2, v12;
	[tilespmem:$0x1A90] =	vst v62  }
0x13f: {  	v12 =	vor.u32 $0x3, v12;
	[tilespmem:$0x1AA0] =	vst v63  }
0x140: {  	[tilespmem:$0x1AB0] =	vst v12  }
0x141: {  	_ =	swait.ge [sflag:s28], $0x2000  }
0x142: {  	[sflag:s28] =	ssyncset.done $0x0  }
0x143: {  	[sflag:s28] =	ssyncadd.s32 $0xFFFFE000  }
0x144: {  	_ =	swait.ge [sflag:s28], $0x3000  }
0x145: {  	s10 =	sshll.u32 s16, $0x1;
	s8 =	simm.s32 $0xCB80;
	[sflag:s28] =	ssyncset.done $0x0  }
0x146: {  	s5 =	simm.s32 $0x0;
	s0 =	simm.s32 $0x0;
	[sflag:s28] =	ssyncadd.s32 $0xFFFFD000  }
.LBB2_10:
0x147: {  	s4 =	sshrl.u32 s0, $0x3  }
0x148: {  	s2 =	sshll.u32 s0, $0x9;
	s4 =	smul.u32 $0x6000, s4  }
0x149: {  	s1 =	sand.u32 $0x380, s5;
	s2 =	sand.u32 $0x3FFFF000, s2  }
0x14a: {  	s2 =	sor.u32 s1, s2;
	s4 =	sshra.s32 s4, $0x2  }
0x14b: {  	v13 =	vld [tilespmem:s2+$0x1B80];
	s21 =	sor.u32 s1, s4  }
0x14c: {  	v12 =	vld [tilespmem:s21+$0x5B80];
	_ =	sdelay $0x4  }
0x14d: {  	v12 =	vmul.f32 v13, v12;
	_ =	sdelay $0x1  }
0x14e: {  	[tilespmem:s8+$0xFFFFF000] =	vst v12  }
0x14f: {  	v12 =	vld [tilespmem:s21+$0x5B90]  }
0x150: {  	v20 =	vld [tilespmem:s2+$0x1B90];
	_ =	sdelay $0x4  }
0x151: {  	v12 =	vmul.f32 v20, v12;
	_ =	sdelay $0x1  }
0x152: {  	[tilespmem:s8+$0xFFFFF010] =	vst v12  }
0x153: {  	v12 =	vld [tilespmem:s21+$0x5BA0]  }
0x154: {  	v21 =	vld [tilespmem:s2+$0x1BA0];
	_ =	sdelay $0x4  }
0x155: {  	v12 =	vmul.f32 v21, v12;
	_ =	sdelay $0x1  }
0x156: {  	[tilespmem:s8+$0xFFFFF020] =	vst v12  }
0x157: {  	v12 =	vld [tilespmem:s21+$0x5BB0]  }
0x158: {  	v22 =	vld [tilespmem:s2+$0x1BB0];
	_ =	sdelay $0x4  }
0x159: {  	v12 =	vmul.f32 v22, v12;
	_ =	sdelay $0x1  }
0x15a: {  	[tilespmem:s8+$0xFFFFF030] =	vst v12  }
0x15b: {  	v12 =	vld [tilespmem:s21+$0x5BC0]  }
0x15c: {  	v23 =	vld [tilespmem:s2+$0x1BC0];
	_ =	sdelay $0x4  }
0x15d: {  	v12 =	vmul.f32 v23, v12;
	_ =	sdelay $0x1  }
0x15e: {  	[tilespmem:s8+$0xFFFFF040] =	vst v12  }
0x15f: {  	v12 =	vld [tilespmem:s21+$0x5BD0]  }
0x160: {  	v24 =	vld [tilespmem:s2+$0x1BD0];
	_ =	sdelay $0x4  }
0x161: {  	v12 =	vmul.f32 v24, v12;
	_ =	sdelay $0x1  }
0x162: {  	[tilespmem:s8+$0xFFFFF050] =	vst v12  }
0x163: {  	v12 =	vld [tilespmem:s21+$0x5BE0]  }
0x164: {  	v25 =	vld [tilespmem:s2+$0x1BE0];
	_ =	sdelay $0x4  }
0x165: {  	v12 =	vmul.f32 v25, v12;
	_ =	sdelay $0x1  }
0x166: {  	[tilespmem:s8+$0xFFFFF060] =	vst v12  }
0x167: {  	v12 =	vld [tilespmem:s21+$0x5BF0]  }
0x168: {  	v26 =	vld [tilespmem:s2+$0x1BF0];
	_ =	sdelay $0x4  }
0x169: {  	v12 =	vmul.f32 v26, v12;
	_ =	sdelay $0x1  }
0x16a: {  	[tilespmem:s8+$0xFFFFF070] =	vst v12  }
0x16b: {  	v12 =	vld [tilespmem:s21+$0x5F80]  }
0x16c: {  	v14 =	vld [tilespmem:s21+$0x6380]  }
0x16d: {  	v15 =	vld [tilespmem:s2+$0x1F80]  }
0x16e: {  	v16 =	vld [tilespmem:s2+$0x2380]  }
0x16f: {  	v27 =	vld [tilespmem:s2+$0x2780]  }
0x170: {  	v17 =	vld [tilespmem:s21+$0x6780];
	_ =	sdelay $0x2  }
0x171: {  	v16 =	vmul.f32 v16, v14;
	v15 =	vmul.f32 v15, v12;
	_ =	sdelay $0x1  }
0x172: {  	v12 =	vmul.f32 v15, v27;
	v17 =	vmul.f32 v17, v16;
	_ =	sdelay $0x1  }
0x173: {  	v17 =	vadd.f32 v17, v12  }
0x174: {  	v28 =	vld [tilespmem:s2+$0x2790]  }
0x175: {  	v29 =	vld [tilespmem:s2+$0x27A0];
	[tilespmem:s8+$0xFFFFF800] =	vst v17  }
0x176: {  	v17 =	vld [tilespmem:s21+$0x6B80];
	_ =	sdelay $0x4  }
0x177: {  	v18 =	vmul.f32 v15, v28;
	v17 =	vmul.f32 v17, v16;
	_ =	sdelay $0x1  }
0x178: {  	v17 =	vadd.f32 v17, v18;
	_ =	sdelay $0x1  }
0x179: {  	[tilespmem:s8+$0x0] =	vst v17  }
0x17a: {  	v17 =	vld [tilespmem:s21+$0x6F80];
	_ =	sdelay $0x4  }
0x17b: {  	v15 =	vmul.f32 v15, v29;
	v16 =	vmul.f32 v17, v16;
	_ =	sdelay $0x1  }
0x17c: {  	v15 =	vadd.f32 v16, v15;
	_ =	sdelay $0x1  }
0x17d: {  	[tilespmem:s8+$0x800] =	vst v15  }
0x17e: {  	v15 =	vld [tilespmem:s21+$0x5F90]  }
0x17f: {  	v30 =	vld [tilespmem:s21+$0x6390]  }
0x180: {  	v31 =	vld [tilespmem:s2+$0x1F90]  }
0x181: {  	v32 =	vld [tilespmem:s2+$0x2390];
	_ =	sdelay $0x1  }
0x182: {  	v19 =	vld [tilespmem:s21+$0x6790];
	_ =	sdelay $0x2  }
0x183: {  	v16 =	vmul.f32 v32, v30;
	v15 =	vmul.f32 v31, v15;
	_ =	sdelay $0x1  }
0x184: {  	v17 =	vmul.f32 v15, v27;
	v18 =	vmul.f32 v19, v16;
	_ =	sdelay $0x1  }
0x185: {  	v17 =	vadd.f32 v18, v17;
	_ =	sdelay $0x1  }
0x186: {  	[tilespmem:s8+$0xFFFFF810] =	vst v17  }
0x187: {  	v17 =	vld [tilespmem:s21+$0x6B90];
	_ =	sdelay $0x4  }
0x188: {  	v33 =	vmul.f32 v15, v28;
	v17 =	vmul.f32 v17, v16;
	_ =	sdelay $0x1  }
0x189: {  	v17 =	vadd.f32 v17, v33;
	_ =	sdelay $0x1  }
0x18a: {  	[tilespmem:s8+$0x10] =	vst v17  }
0x18b: {  	v17 =	vld [tilespmem:s21+$0x6F90];
	_ =	sdelay $0x4  }
0x18c: {  	v15 =	vmul.f32 v15, v29;
	v16 =	vmul.f32 v17, v16;
	_ =	sdelay $0x1  }
0x18d: {  	v15 =	vadd.f32 v16, v15;
	_ =	sdelay $0x1  }
0x18e: {  	[tilespmem:s8+$0x810] =	vst v15  }
0x18f: {  	v15 =	vld [tilespmem:s21+$0x5FA0]  }
0x190: {  	v34 =	vld [tilespmem:s21+$0x63A0]  }
0x191: {  	v35 =	vld [tilespmem:s2+$0x1FA0]  }
0x192: {  	v36 =	vld [tilespmem:s2+$0x23A0];
	_ =	sdelay $0x1  }
0x193: {  	v37 =	vld [tilespmem:s21+$0x67A0];
	_ =	sdelay $0x2  }
0x194: {  	v16 =	vmul.f32 v36, v34;
	v15 =	vmul.f32 v35, v15;
	_ =	sdelay $0x1  }
0x195: {  	v17 =	vmul.f32 v15, v27;
	v18 =	vmul.f32 v37, v16;
	_ =	sdelay $0x1  }
0x196: {  	v17 =	vadd.f32 v18, v17;
	_ =	sdelay $0x1  }
0x197: {  	[tilespmem:s8+$0xFFFFF820] =	vst v17  }
0x198: {  	v17 =	vld [tilespmem:s21+$0x6BA0];
	_ =	sdelay $0x4  }
0x199: {  	v38 =	vmul.f32 v15, v28;
	v17 =	vmul.f32 v17, v16;
	_ =	sdelay $0x1  }
0x19a: {  	v17 =	vadd.f32 v17, v38;
	_ =	sdelay $0x1  }
0x19b: {  	[tilespmem:s8+$0x20] =	vst v17  }
0x19c: {  	v17 =	vld [tilespmem:s21+$0x6FA0];
	_ =	sdelay $0x4  }
0x19d: {  	v15 =	vmul.f32 v15, v29;
	v16 =	vmul.f32 v17, v16;
	_ =	sdelay $0x1  }
0x19e: {  	v15 =	vadd.f32 v16, v15;
	_ =	sdelay $0x1  }
0x19f: {  	[tilespmem:s8+$0x820] =	vst v15  }
0x1a0: {  	v15 =	vld [tilespmem:s21+$0x5FB0]  }
0x1a1: {  	v39 =	vld [tilespmem:s21+$0x63B0]  }
0x1a2: {  	v40 =	vld [tilespmem:s2+$0x1FB0]  }
0x1a3: {  	v41 =	vld [tilespmem:s2+$0x23B0];
	_ =	sdelay $0x1  }
0x1a4: {  	v42 =	vld [tilespmem:s21+$0x67B0];
	_ =	sdelay $0x2  }
0x1a5: {  	v16 =	vmul.f32 v41, v39;
	v15 =	vmul.f32 v40, v15;
	_ =	sdelay $0x1  }
0x1a6: {  	v17 =	vmul.f32 v15, v27;
	v18 =	vmul.f32 v42, v16;
	_ =	sdelay $0x1  }
0x1a7: {  	v17 =	vadd.f32 v18, v17;
	_ =	sdelay $0x1  }
0x1a8: {  	[tilespmem:s8+$0xFFFFF830] =	vst v17  }
0x1a9: {  	v17 =	vld [tilespmem:s21+$0x6BB0];
	_ =	sdelay $0x4  }
0x1aa: {  	v43 =	vmul.f32 v15, v28;
	v17 =	vmul.f32 v17, v16;
	_ =	sdelay $0x1  }
0x1ab: {  	v17 =	vadd.f32 v17, v43;
	_ =	sdelay $0x1  }
0x1ac: {  	[tilespmem:s8+$0x30] =	vst v17  }
0x1ad: {  	v17 =	vld [tilespmem:s21+$0x6FB0];
	_ =	sdelay $0x4  }
0x1ae: {  	v15 =	vmul.f32 v15, v29;
	v16 =	vmul.f32 v17, v16;
	_ =	sdelay $0x1  }
0x1af: {  	v15 =	vadd.f32 v16, v15;
	_ =	sdelay $0x1  }
0x1b0: {  	[tilespmem:s8+$0x830] =	vst v15  }
0x1b1: {  	v15 =	vld [tilespmem:s21+$0x5FC0]  }
0x1b2: {  	v44 =	vld [tilespmem:s21+$0x63C0]  }
0x1b3: {  	v45 =	vld [tilespmem:s2+$0x1FC0]  }
0x1b4: {  	v46 =	vld [tilespmem:s2+$0x23C0];
	_ =	sdelay $0x1  }
0x1b5: {  	v47 =	vld [tilespmem:s21+$0x67C0];
	_ =	sdelay $0x2  }
0x1b6: {  	v16 =	vmul.f32 v46, v44;
	v15 =	vmul.f32 v45, v15;
	_ =	sdelay $0x1  }
0x1b7: {  	v17 =	vmul.f32 v15, v27;
	v18 =	vmul.f32 v47, v16;
	_ =	sdelay $0x1  }
0x1b8: {  	v17 =	vadd.f32 v18, v17;
	_ =	sdelay $0x1  }
0x1b9: {  	[tilespmem:s8+$0xFFFFF840] =	vst v17  }
0x1ba: {  	v17 =	vld [tilespmem:s21+$0x6BC0];
	_ =	sdelay $0x4  }
0x1bb: {  	v48 =	vmul.f32 v15, v28;
	v17 =	vmul.f32 v17, v16;
	_ =	sdelay $0x1  }
0x1bc: {  	v17 =	vadd.f32 v17, v48;
	_ =	sdelay $0x1  }
0x1bd: {  	[tilespmem:s8+$0x40] =	vst v17  }
0x1be: {  	v17 =	vld [tilespmem:s21+$0x6FC0];
	_ =	sdelay $0x4  }
0x1bf: {  	v15 =	vmul.f32 v15, v29;
	v16 =	vmul.f32 v17, v16;
	_ =	sdelay $0x1  }
0x1c0: {  	v15 =	vadd.f32 v16, v15;
	_ =	sdelay $0x1  }
0x1c1: {  	[tilespmem:s8+$0x840] =	vst v15  }
0x1c2: {  	v15 =	vld [tilespmem:s21+$0x5FD0]  }
0x1c3: {  	v49 =	vld [tilespmem:s21+$0x63D0]  }
0x1c4: {  	v50 =	vld [tilespmem:s2+$0x1FD0]  }
0x1c5: {  	v51 =	vld [tilespmem:s2+$0x23D0];
	_ =	sdelay $0x1  }
0x1c6: {  	v52 =	vld [tilespmem:s21+$0x67D0];
	_ =	sdelay $0x2  }
0x1c7: {  	v16 =	vmul.f32 v51, v49;
	v15 =	vmul.f32 v50, v15;
	_ =	sdelay $0x1  }
0x1c8: {  	v17 =	vmul.f32 v15, v27;
	v18 =	vmul.f32 v52, v16;
	_ =	sdelay $0x1  }
0x1c9: {  	v17 =	vadd.f32 v18, v17;
	_ =	sdelay $0x1  }
0x1ca: {  	[tilespmem:s8+$0xFFFFF850] =	vst v17  }
0x1cb: {  	v17 =	vld [tilespmem:s21+$0x6BD0];
	_ =	sdelay $0x4  }
0x1cc: {  	v53 =	vmul.f32 v15, v28;
	v17 =	vmul.f32 v17, v16;
	_ =	sdelay $0x1  }
0x1cd: {  	v17 =	vadd.f32 v17, v53;
	_ =	sdelay $0x1  }
0x1ce: {  	[tilespmem:s8+$0x50] =	vst v17  }
0x1cf: {  	v17 =	vld [tilespmem:s21+$0x6FD0];
	_ =	sdelay $0x4  }
0x1d0: {  	v15 =	vmul.f32 v15, v29;
	v16 =	vmul.f32 v17, v16;
	_ =	sdelay $0x1  }
0x1d1: {  	v15 =	vadd.f32 v16, v15;
	_ =	sdelay $0x1  }
0x1d2: {  	[tilespmem:s8+$0x850] =	vst v15  }
0x1d3: {  	v15 =	vld [tilespmem:s21+$0x5FE0]  }
0x1d4: {  	v54 =	vld [tilespmem:s21+$0x63E0]  }
0x1d5: {  	v55 =	vld [tilespmem:s2+$0x1FE0]  }
0x1d6: {  	v56 =	vld [tilespmem:s2+$0x23E0];
	_ =	sdelay $0x1  }
0x1d7: {  	v57 =	vld [tilespmem:s21+$0x67E0];
	_ =	sdelay $0x2  }
0x1d8: {  	v16 =	vmul.f32 v56, v54;
	v15 =	vmul.f32 v55, v15;
	_ =	sdelay $0x1  }
0x1d9: {  	v17 =	vmul.f32 v15, v27;
	v18 =	vmul.f32 v57, v16;
	_ =	sdelay $0x1  }
0x1da: {  	v17 =	vadd.f32 v18, v17;
	_ =	sdelay $0x1  }
0x1db: {  	[tilespmem:s8+$0xFFFFF860] =	vst v17  }
0x1dc: {  	v17 =	vld [tilespmem:s21+$0x6BE0];
	_ =	sdelay $0x4  }
0x1dd: {  	v58 =	vmul.f32 v15, v28;
	v17 =	vmul.f32 v17, v16;
	_ =	sdelay $0x1  }
0x1de: {  	v17 =	vadd.f32 v17, v58;
	_ =	sdelay $0x1  }
0x1df: {  	[tilespmem:s8+$0x60] =	vst v17  }
0x1e0: {  	v17 =	vld [tilespmem:s21+$0x6FE0];
	_ =	sdelay $0x4  }
0x1e1: {  	v15 =	vmul.f32 v15, v29;
	v16 =	vmul.f32 v17, v16;
	_ =	sdelay $0x1  }
0x1e2: {  	v15 =	vadd.f32 v16, v15;
	_ =	sdelay $0x1  }
0x1e3: {  	[tilespmem:s8+$0x860] =	vst v15  }
0x1e4: {  	v15 =	vld [tilespmem:s21+$0x5FF0]  }
0x1e5: {  	v59 =	vld [tilespmem:s21+$0x63F0]  }
0x1e6: {  	v60 =	vld [tilespmem:s2+$0x1FF0]  }
0x1e7: {  	v61 =	vld [tilespmem:s2+$0x23F0];
	_ =	sdelay $0x1  }
0x1e8: {  	v62 =	vld [tilespmem:s21+$0x67F0];
	_ =	sdelay $0x2  }
0x1e9: {  	v16 =	vmul.f32 v61, v59;
	v15 =	vmul.f32 v60, v15;
	_ =	sdelay $0x1  }
0x1ea: {  	v13 =	vmul.f32 v15, v27;
	v63 =	vmul.f32 v62, v16;
	_ =	sdelay $0x1  }
0x1eb: {  	v13 =	vadd.f32 v63, v13;
	_ =	sdelay $0x1  }
0x1ec: {  	[tilespmem:s8+$0xFFFFF870] =	vst v13  }
0x1ed: {  	v13 =	vld [tilespmem:s21+$0x6BF0];
	_ =	sdelay $0x4  }
0x1ee: {  	v14 =	vmul.f32 v15, v28;
	v13 =	vmul.f32 v13, v16;
	_ =	sdelay $0x1  }
0x1ef: {  	v13 =	vadd.f32 v13, v14;
	_ =	sdelay $0x1  }
0x1f0: {  	[tilespmem:s8+$0x70] =	vst v13  }
0x1f1: {  	v13 =	vld [tilespmem:s21+$0x6FF0];
	_ =	sdelay $0x3  }
0x1f2: {  	p2 =	sne.s32 s0, $0xF  }
.Ltmp11:
0x1f3: {  	v12 =	vmul.f32 v15, v29;
	v13 =	vmul.f32 v13, v16;
	(pc) =	sbr.rel @p2 .LBB2_10-.Ltmp11, $3  }
0x1f4: {  	_ = 	snop  }
0x1f5: {  	v12 =	vadd.f32 v13, v12;
	_ =	sdelay $0x1  }
0x1f6: {  	s5 =	sadd.s32 $0x80, s5;
	s0 =	sadd.s32 $0x1, s0;
	[tilespmem:s8+$0x870] =	vst v12;
	s8 =	sadd.s32 $0x80, s8  }
0x1f7: {  	[spmem:s3] =	stream.indirect.scatter.add.f32 [tilespmem:s22], [sflag:$0x3], $0x80, s30, s29, $0xb8;
	[tilespmem:$0x19BA0] =	vst v63  }
0x1f8: {  	s0 =	sadd.s32 $0x2, s10  }
0x1f9: {  	p2 =	sge.s32 s0, s12  }
0x1fa: {  	s0 =	sshll.u32 @!p2 s0, $0x4  }
0x1fb: {  	v12 =	vld @!p2 [tilespmem:s0+$0x1000];
	_ =	sdelay $0x1  }
0x1fc: {  	v13 =	vlaneseq.u32 @!p2  }
0x1fd: {  	v14 =	vor.u32 @!p2 s0, v13  }
0x1fe: {  	vm3 =	vlt.s32 @!p2 v14, v10  }
0x1ff: {  	v14 =	vnsel @!p2 vm3, $0x0, v12;
	v12 =	vadd.s32 @!p2 v11, v12  }
0x200: {  	v12 =	vnsel @!p2 vm3, $0x0, v12  }
0x201: {  	v15 =	vshll.u32 @!p2 v12, $0x2  }
0x202: {  	v16 =	vand.u32 @!p2 $0x7, v12;
	v15 =	vand.u32 @!p2 $0xFFFFFFE0, v15  }
0x203: {  	s0 =	simm.s32 @!p2 $0x800;
	v17 =	vshrl.u32 @!p2 v13, $0x3;
	v15 =	vor.u32 @!p2 v16, v15;
	v16 =	vand.u32 @!p2 $0x7, v13  }
0x204: {  	v17 =	vmul.u32 @!p2 $0x8, v17;
	v14 =	vld.idx.msk @!p2 [tilespmem:v14+s0+$0x0], $0xffff;
	v18 =	vperm.xlane @!p2 v15, v16;
	_ =	sdelay $0x1  }
0x205: {  	v18 =	vadd.s32 @!p2 v17, v18  }
0x206: {  	v13 =	vor.u32 @!p2 $0x8, v13  }
0x207: {  	v15 =	vperm.xlane @!p2 v15, v13  }
0x208: {  	[tilespmem:$0x1980] =	vst @!p2 v12;
	v14 =	vnsel @!p2 vm3, $0x0, v14  }
0x209: {  	s1 =	simm.s32 @!p2 $0x1B80;
	s0 =	simm.s32 @!p2 $0x0;
	v12 =	vadd.s32 @!p2 v17, v15;
	vm3 =	vmmov @!p2 $0xffff;
	[tilespmem:$0x1880] =	vst @!p2 v14  }
0x20a: {  	[tilespmem:s1], [sflag:$0x1] =	stream.indirect_vreg.gather @!p2 [hbm4b:s6+s0], $0x80, v18, vm3, $0xb8;
	[tilespmem:$0x19BA0] =	vst v63  }
0x20b: {  	s1 =	simm.s32 @!p2 $0x2380  }
0x20c: {  	[tilespmem:s1], [sflag:$0x1] =	stream.indirect_vreg.gather @!p2 [hbm4b:s18+s0], $0x80, v18, vm3, $0xb8;
	[tilespmem:$0x19BA0] =	vst v63  }
0x20d: {  	s1 =	simm.s32 @!p2 $0x2B80  }
0x20e: {  	[tilespmem:s1], [sflag:$0x1] =	stream.indirect_vreg.gather @!p2 [hbm4b:s6+s0], $0x80, v12, vm3, $0xb8;
	[tilespmem:$0x19BA0] =	vst v63  }
0x20f: {  	s1 =	simm.s32 @!p2 $0x3380  }
0x210: {  	[tilespmem:s1], [sflag:$0x1] =	stream.indirect_vreg.gather @!p2 [hbm4b:s18+s0], $0x80, v12, vm3, $0xb8;
	[tilespmem:$0x19BA0] =	vst v63  }
0x211: {  	v12 =	vld @!p2 [tilespmem:$0x1880];
	_ =	sdelay $0x4  }
0x212: {  	v14 =	vshrl.u32 @!p2 v12, $0x3  }
0x213: {  	v14 =	vmul.u32 @!p2 $0x30, v14  }
0x214: {  	v12 =	vand.u32 @!p2 $0x7, v12  }
0x215: {  	v12 =	vor.u32 @!p2 v12, v14  }
0x216: {  	v14 =	vperm.xlane @!p2 v12, v16;
	_ =	sdelay $0x1  }
0x217: {  	v14 =	vadd.s32 @!p2 v17, v14;
	_ =	sdelay $0x3  }
0x218: {  	s1 =	simm.s32 @!p2 $0x5B80;
	v12 =	vperm.xlane @!p2 v12, v13  }
0x219: {  	[tilespmem:s1], [sflag:$0x1] =	stream.indirect_vreg.gather @!p2 [hbm4b:s7+s0], $0x80, v14, vm3, $0xb8;
	[tilespmem:$0x19BA0] =	vst v63  }
0x21a: {  	v12 =	vadd.s32 @!p2 v17, v12;
	s1 =	simm.s32 @!p2 $0x6380  }
0x21b: {  	[tilespmem:s1], [sflag:$0x1] =	stream.indirect_vreg.gather @!p2 [hbm4b:s19+s0], $0x80, v14, vm3, $0xb8;
	[tilespmem:$0x19BA0] =	vst v63  }
0x21c: {  	s1 =	simm.s32 @!p2 $0x6B80  }
0x21d: {  	[tilespmem:s1], [sflag:$0x1] =	stream.indirect_vreg.gather @!p2 [hbm4b:s20+s0], $0x80, v14, vm3, $0xb8;
	[tilespmem:$0x19BA0] =	vst v63  }
0x21e: {  	s1 =	simm.s32 @!p2 $0x7380  }
0x21f: {  	[tilespmem:s1], [sflag:$0x1] =	stream.indirect_vreg.gather @!p2 [hbm4b:s7+s0], $0x80, v12, vm3, $0xb8;
	[tilespmem:$0x19BA0] =	vst v63  }
0x220: {  	s1 =	simm.s32 @!p2 $0x7B80  }
0x221: {  	[tilespmem:s1], [sflag:$0x1] =	stream.indirect_vreg.gather @!p2 [hbm4b:s19+s0], $0x80, v12, vm3, $0xb8;
	[tilespmem:$0x19BA0] =	vst v63  }
0x222: {  	s1 =	simm.s32 @!p2 $0x8380  }
0x223: {  	[tilespmem:s1], [sflag:$0x1] =	stream.indirect_vreg.gather @!p2 [hbm4b:s20+s0], $0x80, v12, vm3, $0xb8;
	[tilespmem:$0x19BA0] =	vst v63  }
0x224: {  	p2 =	seq.s32 @!p1 s13, $0x0  }
.Ltmp12:
0x225: {  	p2 =	por p2, p1;
	(pc) =	sbr.rel @p1 .LBB2_15-.Ltmp12, $4  }
0x226: {  	s0 =	simm.s32 @!p2 $0x4  }
0x227: {  	_ =	swait.ge @!p2 [sflag:s0], $0x2000  }
0x228: {  	[sflag:s0] =	ssyncset.done @!p2 $0x0  }
0x229: {  	[sflag:s0] =	ssyncadd.s32 @!p2 $0xFFFFE000  }
0x22a: {  	s0 =	sshll.u32 s17, $0x4  }
0x22b: {  	v12 =	vld [tilespmem:s0+$0x1000];
	_ =	sdelay $0x2  }
0x22c: {  	v13 =	vor.u32 s0, v5  }
0x22d: {  	vm3 =	vlt.s32 v13, v10  }
0x22e: {  	v12 =	vnsel vm3, $0x0, v12;
	_ =	sdelay $0x3  }
0x22f: {  	s13 =	simm.s32 $0x0  }
0x230: {  	v12 =	vld.idx.msk [tilespmem:v12+s13+$0x0], $0xffff;
	_ =	sdelay $0x4  }
0x231: {  	v12 =	vsub.s32 v12, v8  }
0x232: {  	v12 =	vshll.u32 v12, $0x2  }
0x233: {  	v12 =	vnsel vm3, $0x1400, v12  }
0x234: {  	[tilespmem:$0x1B00] =	vst v12;
	v62 =	vor.u32 $0x1, v12  }
0x235: {  	v63 =	vor.u32 $0x2, v12;
	[tilespmem:$0x1B10] =	vst v62  }
0x236: {  	v12 =	vor.u32 $0x3, v12;
	[tilespmem:$0x1B20] =	vst v63  }
0x237: {  	[tilespmem:$0x1B30] =	vst v12  }
0x238: {  	_ =	swait.ge [sflag:s31], $0x2000  }
0x239: {  	[sflag:s31] =	ssyncset.done $0x0  }
0x23a: {  	[sflag:s31] =	ssyncadd.s32 $0xFFFFE000  }
0x23b: {  	_ =	swait.ge [sflag:s31], $0x3000  }
0x23c: {  	[sflag:s31] =	ssyncset.done $0x0  }
0x23d: {  	s10 =	simm.s32 $0xF3F0;
	s17 =	simm.s32 $0x0;
	[sflag:s31] =	ssyncadd.s32 $0xFFFFD000  }
.LBB2_13:
0x23e: {  	s0 =	sshrl.u32 s17, $0x3  }
0x23f: {  	s2 =	sand.u32 $0x380, s13;
	s1 =	smul.u32 $0x1800, s0;
	s4 =	sshll.u32 s0, $0xC  }
0x240: {  	s5 =	sor.u32 s2, s4  }
0x241: {  	s0 =	sor.u32 s2, s1;
	v13 =	vld [tilespmem:s5+$0x3B80]  }
0x242: {  	v12 =	vld [tilespmem:s0+$0x8B80];
	_ =	sdelay $0x4  }
0x243: {  	v12 =	vmul.f32 v13, v12;
	_ =	sdelay $0x1  }
0x244: {  	[tilespmem:s10+$0xFFFFE790] =	vst v12  }
0x245: {  	v12 =	vld [tilespmem:s0+$0x8B90]  }
0x246: {  	v20 =	vld [tilespmem:s5+$0x3B90];
	_ =	sdelay $0x4  }
0x247: {  	v12 =	vmul.f32 v20, v12;
	_ =	sdelay $0x1  }
0x248: {  	[tilespmem:s10+$0xFFFFE7A0] =	vst v12  }
0x249: {  	v12 =	vld [tilespmem:s0+$0x8BA0]  }
0x24a: {  	v21 =	vld [tilespmem:s5+$0x3BA0];
	_ =	sdelay $0x4  }
0x24b: {  	v12 =	vmul.f32 v21, v12;
	_ =	sdelay $0x1  }
0x24c: {  	[tilespmem:s10+$0xFFFFE7B0] =	vst v12  }
0x24d: {  	v12 =	vld [tilespmem:s0+$0x8BB0]  }
0x24e: {  	v22 =	vld [tilespmem:s5+$0x3BB0];
	_ =	sdelay $0x4  }
0x24f: {  	v12 =	vmul.f32 v22, v12;
	_ =	sdelay $0x1  }
0x250: {  	[tilespmem:s10+$0xFFFFE7C0] =	vst v12  }
0x251: {  	v12 =	vld [tilespmem:s0+$0x8BC0]  }
0x252: {  	v23 =	vld [tilespmem:s5+$0x3BC0];
	_ =	sdelay $0x4  }
0x253: {  	v12 =	vmul.f32 v23, v12;
	_ =	sdelay $0x1  }
0x254: {  	[tilespmem:s10+$0xFFFFE7D0] =	vst v12  }
0x255: {  	v12 =	vld [tilespmem:s0+$0x8BD0]  }
0x256: {  	v24 =	vld [tilespmem:s5+$0x3BD0];
	_ =	sdelay $0x4  }
0x257: {  	v12 =	vmul.f32 v24, v12;
	_ =	sdelay $0x1  }
0x258: {  	[tilespmem:s10+$0xFFFFE7E0] =	vst v12  }
0x259: {  	v12 =	vld [tilespmem:s0+$0x8BE0]  }
0x25a: {  	v25 =	vld [tilespmem:s5+$0x3BE0];
	_ =	sdelay $0x4  }
0x25b: {  	v12 =	vmul.f32 v25, v12;
	_ =	sdelay $0x1  }
0x25c: {  	[tilespmem:s10+$0xFFFFE7F0] =	vst v12  }
0x25d: {  	v12 =	vld [tilespmem:s0+$0x8BF0]  }
0x25e: {  	v26 =	vld [tilespmem:s5+$0x3BF0];
	_ =	sdelay $0x4  }
0x25f: {  	v12 =	vmul.f32 v26, v12;
	_ =	sdelay $0x1  }
0x260: {  	[tilespmem:s10+$0xFFFFE800] =	vst v12  }
0x261: {  	s21 =	sadd.s32 s4, s13;
	v12 =	vld [tilespmem:s0+$0x8F80]  }
0x262: {  	s4 =	sor.u32 $0x2400, s21;
	v14 =	vld [tilespmem:s0+$0x9380]  }
0x263: {  	v15 =	vld [tilespmem:s4+$0x1B80]  }
0x264: {  	s2 =	sor.u32 $0x2C00, s21;
	v16 =	vld [tilespmem:s5+$0x4380]  }
0x265: {  	v27 =	vld [tilespmem:s2+$0x1B80]  }
0x266: {  	v17 =	vld [tilespmem:s0+$0x9780];
	_ =	sdelay $0x2  }
0x267: {  	v16 =	vmul.f32 v16, v14;
	v15 =	vmul.f32 v15, v12;
	_ =	sdelay $0x1  }
0x268: {  	v12 =	vmul.f32 v15, v27;
	v17 =	vmul.f32 v17, v16;
	_ =	sdelay $0x1  }
0x269: {  	v17 =	vadd.f32 v17, v12  }
0x26a: {  	v28 =	vld [tilespmem:s2+$0x1B90]  }
0x26b: {  	v29 =	vld [tilespmem:s2+$0x1BA0];
	[tilespmem:s10+$0xFFFFEF90] =	vst v17  }
0x26c: {  	v17 =	vld [tilespmem:s0+$0x9B80];
	_ =	sdelay $0x4  }
0x26d: {  	v18 =	vmul.f32 v15, v28;
	v17 =	vmul.f32 v17, v16;
	_ =	sdelay $0x1  }
0x26e: {  	v17 =	vadd.f32 v17, v18  }
0x26f: {  	s1 =	sor.u32 s1, s13  }
0x270: {  	s8 =	sor.u32 $0x4400, s1;
	[tilespmem:s10+$0xFFFFF790] =	vst v17  }
0x271: {  	v17 =	vld [tilespmem:s8+$0x5B80];
	_ =	sdelay $0x4  }
0x272: {  	v15 =	vmul.f32 v15, v29;
	v16 =	vmul.f32 v17, v16;
	_ =	sdelay $0x1  }
0x273: {  	v15 =	vadd.f32 v16, v15;
	_ =	sdelay $0x1  }
0x274: {  	[tilespmem:s10+$0xFFFFFF90] =	vst v15  }
0x275: {  	v15 =	vld [tilespmem:s0+$0x8F90]  }
0x276: {  	v30 =	vld [tilespmem:s0+$0x9390]  }
0x277: {  	v31 =	vld [tilespmem:s4+$0x1B90]  }
0x278: {  	v32 =	vld [tilespmem:s5+$0x4390];
	_ =	sdelay $0x1  }
0x279: {  	v19 =	vld [tilespmem:s0+$0x9790];
	_ =	sdelay $0x2  }
0x27a: {  	v16 =	vmul.f32 v32, v30;
	v15 =	vmul.f32 v31, v15;
	_ =	sdelay $0x1  }
0x27b: {  	v17 =	vmul.f32 v15, v27;
	v18 =	vmul.f32 v19, v16;
	_ =	sdelay $0x1  }
0x27c: {  	v17 =	vadd.f32 v18, v17;
	_ =	sdelay $0x1  }
0x27d: {  	[tilespmem:s10+$0xFFFFEFA0] =	vst v17  }
0x27e: {  	v17 =	vld [tilespmem:s0+$0x9B90];
	_ =	sdelay $0x4  }
0x27f: {  	v33 =	vmul.f32 v15, v28;
	v17 =	vmul.f32 v17, v16;
	_ =	sdelay $0x1  }
0x280: {  	v17 =	vadd.f32 v17, v33;
	_ =	sdelay $0x1  }
0x281: {  	[tilespmem:s10+$0xFFFFF7A0] =	vst v17  }
0x282: {  	v17 =	vld [tilespmem:s8+$0x5B90];
	_ =	sdelay $0x4  }
0x283: {  	v15 =	vmul.f32 v15, v29;
	v16 =	vmul.f32 v17, v16;
	_ =	sdelay $0x1  }
0x284: {  	v15 =	vadd.f32 v16, v15;
	_ =	sdelay $0x1  }
0x285: {  	[tilespmem:s10+$0xFFFFFFA0] =	vst v15  }
0x286: {  	v15 =	vld [tilespmem:s0+$0x8FA0]  }
0x287: {  	v34 =	vld [tilespmem:s0+$0x93A0]  }
0x288: {  	v35 =	vld [tilespmem:s4+$0x1BA0]  }
0x289: {  	v36 =	vld [tilespmem:s5+$0x43A0];
	_ =	sdelay $0x1  }
0x28a: {  	v37 =	vld [tilespmem:s0+$0x97A0];
	_ =	sdelay $0x2  }
0x28b: {  	v16 =	vmul.f32 v36, v34;
	v15 =	vmul.f32 v35, v15;
	_ =	sdelay $0x1  }
0x28c: {  	v17 =	vmul.f32 v15, v27;
	v18 =	vmul.f32 v37, v16;
	_ =	sdelay $0x1  }
0x28d: {  	v17 =	vadd.f32 v18, v17;
	_ =	sdelay $0x1  }
0x28e: {  	[tilespmem:s10+$0xFFFFEFB0] =	vst v17  }
0x28f: {  	v17 =	vld [tilespmem:s0+$0x9BA0];
	_ =	sdelay $0x4  }
0x290: {  	v38 =	vmul.f32 v15, v28;
	v17 =	vmul.f32 v17, v16;
	_ =	sdelay $0x1  }
0x291: {  	v17 =	vadd.f32 v17, v38;
	_ =	sdelay $0x1  }
0x292: {  	[tilespmem:s10+$0xFFFFF7B0] =	vst v17  }
0x293: {  	v17 =	vld [tilespmem:s8+$0x5BA0];
	_ =	sdelay $0x4  }
0x294: {  	v15 =	vmul.f32 v15, v29;
	v16 =	vmul.f32 v17, v16;
	_ =	sdelay $0x1  }
0x295: {  	v15 =	vadd.f32 v16, v15;
	_ =	sdelay $0x1  }
0x296: {  	[tilespmem:s10+$0xFFFFFFB0] =	vst v15  }
0x297: {  	v15 =	vld [tilespmem:s0+$0x8FB0]  }
0x298: {  	v39 =	vld [tilespmem:s0+$0x93B0]  }
0x299: {  	v40 =	vld [tilespmem:s4+$0x1BB0]  }
0x29a: {  	v41 =	vld [tilespmem:s5+$0x43B0];
	_ =	sdelay $0x1  }
0x29b: {  	v42 =	vld [tilespmem:s0+$0x97B0];
	_ =	sdelay $0x2  }
0x29c: {  	v16 =	vmul.f32 v41, v39;
	v15 =	vmul.f32 v40, v15;
	_ =	sdelay $0x1  }
0x29d: {  	v17 =	vmul.f32 v15, v27;
	v18 =	vmul.f32 v42, v16;
	_ =	sdelay $0x1  }
0x29e: {  	v17 =	vadd.f32 v18, v17;
	_ =	sdelay $0x1  }
0x29f: {  	[tilespmem:s10+$0xFFFFEFC0] =	vst v17  }
0x2a0: {  	v17 =	vld [tilespmem:s0+$0x9BB0];
	_ =	sdelay $0x4  }
0x2a1: {  	v43 =	vmul.f32 v15, v28;
	v17 =	vmul.f32 v17, v16;
	_ =	sdelay $0x1  }
0x2a2: {  	v17 =	vadd.f32 v17, v43;
	_ =	sdelay $0x1  }
0x2a3: {  	[tilespmem:s10+$0xFFFFF7C0] =	vst v17  }
0x2a4: {  	v17 =	vld [tilespmem:s8+$0x5BB0];
	_ =	sdelay $0x4  }
0x2a5: {  	v15 =	vmul.f32 v15, v29;
	v16 =	vmul.f32 v17, v16;
	_ =	sdelay $0x1  }
0x2a6: {  	v15 =	vadd.f32 v16, v15;
	_ =	sdelay $0x1  }
0x2a7: {  	[tilespmem:s10+$0xFFFFFFC0] =	vst v15  }
0x2a8: {  	v15 =	vld [tilespmem:s0+$0x8FC0]  }
0x2a9: {  	v44 =	vld [tilespmem:s0+$0x93C0]  }
0x2aa: {  	v45 =	vld [tilespmem:s4+$0x1BC0]  }
0x2ab: {  	v46 =	vld [tilespmem:s5+$0x43C0];
	_ =	sdelay $0x1  }
0x2ac: {  	v47 =	vld [tilespmem:s0+$0x97C0];
	_ =	sdelay $0x2  }
0x2ad: {  	v16 =	vmul.f32 v46, v44;
	v15 =	vmul.f32 v45, v15;
	_ =	sdelay $0x1  }
0x2ae: {  	v17 =	vmul.f32 v15, v27;
	v18 =	vmul.f32 v47, v16;
	_ =	sdelay $0x1  }
0x2af: {  	v17 =	vadd.f32 v18, v17;
	_ =	sdelay $0x1  }
0x2b0: {  	[tilespmem:s10+$0xFFFFEFD0] =	vst v17  }
0x2b1: {  	v17 =	vld [tilespmem:s0+$0x9BC0];
	_ =	sdelay $0x4  }
0x2b2: {  	v48 =	vmul.f32 v15, v28;
	v17 =	vmul.f32 v17, v16;
	_ =	sdelay $0x1  }
0x2b3: {  	v17 =	vadd.f32 v17, v48;
	_ =	sdelay $0x1  }
0x2b4: {  	[tilespmem:s10+$0xFFFFF7D0] =	vst v17  }
0x2b5: {  	v17 =	vld [tilespmem:s8+$0x5BC0];
	_ =	sdelay $0x4  }
0x2b6: {  	v15 =	vmul.f32 v15, v29;
	v16 =	vmul.f32 v17, v16;
	_ =	sdelay $0x1  }
0x2b7: {  	v15 =	vadd.f32 v16, v15;
	_ =	sdelay $0x1  }
0x2b8: {  	[tilespmem:s10+$0xFFFFFFD0] =	vst v15  }
0x2b9: {  	v15 =	vld [tilespmem:s0+$0x8FD0]  }
0x2ba: {  	v49 =	vld [tilespmem:s0+$0x93D0]  }
0x2bb: {  	v50 =	vld [tilespmem:s4+$0x1BD0]  }
0x2bc: {  	v51 =	vld [tilespmem:s5+$0x43D0];
	_ =	sdelay $0x1  }
0x2bd: {  	v52 =	vld [tilespmem:s0+$0x97D0];
	_ =	sdelay $0x2  }
0x2be: {  	v16 =	vmul.f32 v51, v49;
	v15 =	vmul.f32 v50, v15;
	_ =	sdelay $0x1  }
0x2bf: {  	v17 =	vmul.f32 v15, v27;
	v18 =	vmul.f32 v52, v16;
	_ =	sdelay $0x1  }
0x2c0: {  	v17 =	vadd.f32 v18, v17;
	_ =	sdelay $0x1  }
0x2c1: {  	[tilespmem:s10+$0xFFFFEFE0] =	vst v17  }
0x2c2: {  	v17 =	vld [tilespmem:s0+$0x9BD0];
	_ =	sdelay $0x4  }
0x2c3: {  	v53 =	vmul.f32 v15, v28;
	v17 =	vmul.f32 v17, v16;
	_ =	sdelay $0x1  }
0x2c4: {  	v17 =	vadd.f32 v17, v53;
	_ =	sdelay $0x1  }
0x2c5: {  	[tilespmem:s10+$0xFFFFF7E0] =	vst v17  }
0x2c6: {  	v17 =	vld [tilespmem:s8+$0x5BD0];
	_ =	sdelay $0x4  }
0x2c7: {  	v15 =	vmul.f32 v15, v29;
	v16 =	vmul.f32 v17, v16;
	_ =	sdelay $0x1  }
0x2c8: {  	v15 =	vadd.f32 v16, v15;
	_ =	sdelay $0x1  }
0x2c9: {  	[tilespmem:s10+$0xFFFFFFE0] =	vst v15  }
0x2ca: {  	v15 =	vld [tilespmem:s0+$0x8FE0]  }
0x2cb: {  	v54 =	vld [tilespmem:s0+$0x93E0]  }
0x2cc: {  	v55 =	vld [tilespmem:s4+$0x1BE0]  }
0x2cd: {  	v56 =	vld [tilespmem:s5+$0x43E0];
	_ =	sdelay $0x1  }
0x2ce: {  	v57 =	vld [tilespmem:s0+$0x97E0];
	_ =	sdelay $0x2  }
0x2cf: {  	v16 =	vmul.f32 v56, v54;
	v15 =	vmul.f32 v55, v15;
	_ =	sdelay $0x1  }
0x2d0: {  	v17 =	vmul.f32 v15, v27;
	v18 =	vmul.f32 v57, v16;
	_ =	sdelay $0x1  }
0x2d1: {  	v17 =	vadd.f32 v18, v17;
	_ =	sdelay $0x1  }
0x2d2: {  	[tilespmem:s10+$0xFFFFEFF0] =	vst v17  }
0x2d3: {  	v17 =	vld [tilespmem:s0+$0x9BE0];
	_ =	sdelay $0x4  }
0x2d4: {  	v58 =	vmul.f32 v15, v28;
	v17 =	vmul.f32 v17, v16;
	_ =	sdelay $0x1  }
0x2d5: {  	v17 =	vadd.f32 v17, v58;
	_ =	sdelay $0x1  }
0x2d6: {  	[tilespmem:s10+$0xFFFFF7F0] =	vst v17  }
0x2d7: {  	v17 =	vld [tilespmem:s8+$0x5BE0];
	_ =	sdelay $0x4  }
0x2d8: {  	v15 =	vmul.f32 v15, v29;
	v16 =	vmul.f32 v17, v16;
	_ =	sdelay $0x1  }
0x2d9: {  	v15 =	vadd.f32 v16, v15;
	_ =	sdelay $0x1  }
0x2da: {  	[tilespmem:s10+$0xFFFFFFF0] =	vst v15  }
0x2db: {  	v15 =	vld [tilespmem:s0+$0x8FF0]  }
0x2dc: {  	v59 =	vld [tilespmem:s0+$0x93F0]  }
0x2dd: {  	v60 =	vld [tilespmem:s4+$0x1BF0]  }
0x2de: {  	v61 =	vld [tilespmem:s5+$0x43F0];
	_ =	sdelay $0x1  }
0x2df: {  	v62 =	vld [tilespmem:s0+$0x97F0];
	_ =	sdelay $0x2  }
0x2e0: {  	v16 =	vmul.f32 v61, v59;
	v15 =	vmul.f32 v60, v15;
	_ =	sdelay $0x1  }
0x2e1: {  	v13 =	vmul.f32 v15, v27;
	v63 =	vmul.f32 v62, v16;
	_ =	sdelay $0x1  }
0x2e2: {  	v13 =	vadd.f32 v63, v13;
	_ =	sdelay $0x1  }
0x2e3: {  	[tilespmem:s10+$0xFFFFF000] =	vst v13  }
0x2e4: {  	v13 =	vld [tilespmem:s0+$0x9BF0];
	_ =	sdelay $0x4  }
0x2e5: {  	v14 =	vmul.f32 v15, v28;
	v13 =	vmul.f32 v13, v16;
	_ =	sdelay $0x1  }
0x2e6: {  	v13 =	vadd.f32 v13, v14;
	_ =	sdelay $0x1  }
0x2e7: {  	[tilespmem:s10+$0xFFFFF800] =	vst v13  }
0x2e8: {  	v13 =	vld [tilespmem:s8+$0x5BF0];
	_ =	sdelay $0x3  }
0x2e9: {  	p1 =	sne.s32 s17, $0xF  }
.Ltmp13:
0x2ea: {  	v12 =	vmul.f32 v15, v29;
	v13 =	vmul.f32 v13, v16;
	(pc) =	sbr.rel @p1 .LBB2_13-.Ltmp13, $3  }
0x2eb: {  	_ = 	snop  }
0x2ec: {  	v12 =	vadd.f32 v13, v12;
	_ =	sdelay $0x1  }
0x2ed: {  	s17 =	sadd.s32 $0x1, s17;
	s13 =	sadd.s32 $0x80, s13;
	[tilespmem:s10+$0x0] =	vst v12;
	s10 =	sadd.s32 $0x80, s10  }
.Ltmp14:
0x2ee: {  	(pc) =	sbr.rel .LBB2_15-.Ltmp14, $3  }
0x2ef: {  	_ =	sdelay $0x1  }
0x2f0: {  	s0 =	simm.s32 $0x1B00;
	s1 =	simm.s32 $0xDB80;
	s13 =	simm.s32 $0x1  }
0x2f1: {  	[spmem:s3] =	stream.indirect.scatter.add.f32 [tilespmem:s1], [sflag:$0x4], $0x80, s0, s29, $0xb8;
	[tilespmem:$0x19BA0] =	vst v63  }
.LBB2_16:
0x2f2: {  	s11 =	sadd.s32 $0x1, s11  }
0x2f3: {  	p1 =	seq.s32 s11, $0x5  }
.Ltmp15:
0x2f4: {  	_ = 	snop;
	(pc) =	sbr.rel @!p1 .LBB2_5-.Ltmp15, $4  }
.Ltmp16:
0x2f5: {  	s10 =	rddreg [dreg:$0x1];
	(pc) =	sbr.rel @p1 .LBB2_19-.Ltmp16, $4  }
0x2f6: {  	s16 =	rddreg [dreg:$0x2]  }
0x2f7: {  	s17 =	rddreg [dreg:$0x10]  }
0x2f8: {  	p2 =	por $0x0, $0x0;
	s2 =	rddreg [dreg:$0x11]  }
0x2f9: {  	_ = 	snop  }
.LBB2_18:
.Ltmp17:
0x2fa: {  	(pc) =	sbr.rel @p2 .LBB2_20-.Ltmp17, $4  }
.Ltmp18:
0x2fb: {  	(pc) =	sbr.rel @!p2 .LBB2_19-.Ltmp18, $4  }
0x2fc: {  	_ = 	snop  }
0x2fd: {  	_ = 	snop  }
0x2fe: {  	_ = 	snop  }
0x2ff: {  	_ = 	snop  }
.LBB2_22:
0x300: {  	_ =	sfence.sel $0x180000  }
0x301: {  	[bflag:$0x0] =	sbarrier.arrive $0xFFFF  }
0x302: {  	_ =	strace $0x90000047  }
0x303: {  	[bflag:$0x2] =	sbarrier.arrive $0xFFFF  }
0x304: {  	s0 =	rddreg [dreg:$0x4]  }
0x305: {  	s0 =	sadd.s32 @!p0 $0x100000, s0  }
0x306: {  	[sflag:s0] =	ssyncadd.tile.s32 @!p0 $0x1;
	_ =	shalt  }
.Lfunc_end2:
_tile_overlayer_lowered:
.L_overlay_start_2:
0x307: {  	(tag) =	ssettag $0x2  }
0x308: {  	s0 =	rddreg [dreg:$0x0];
	s2 =	stileid.u32  }
0x309: {  	s1 =	rddreg [dreg:$0x1];
	p0 =	sne.s32 s2, $0x0  }
0x30a: {  	s3 =	rddreg [dreg:$0x2];
	[bflag:$0x3] =	sbarrier.arrive $0xFFFF;
	s2 =	simm.s32 @!p0 $0x1C05  }
0x30b: {  	[timem:s3], [sflag:s2] =	dma.local @!p0 [hbm:s0], s1  }
0x30c: {  	s0 =	simm.s32 @!p0 $0x5  }
0x30d: {  	_ =	swait.ge @!p0 [sflag:s0], s1  }
0x30e: {  	s1 =	ssub.s32 @!p0 $0x0, s1;
	[sflag:s0] =	ssyncset.done @!p0 $0x0  }
0x30f: {  	[sflag:s0] =	ssyncadd.s32 @!p0 s1  }
0x310: {  	[bflag:$0x3] =	sbarrier.arrive $0xFFFF  }
0x311: {  	_ =	shalt  }

</sc_bundles>
